<compile_context>
chip_gen: v7x
topology: tpu7x:2x2x1
jax: 0.10.2.dev20260603
libtpu: 0.0.44.dev20260713+nightly
codegen_flags: <defaults>
</compile_context>

<pallas_src>
import functools

import jax
import jax.numpy as jnp
from jax import lax
from jax.experimental import pallas as pl
from jax.experimental.pallas import tpu as pltpu
from jax.experimental.pallas import tpu_sc as plsc

D_MODEL = 1024
_NUM_CORES = 2
_NUM_SUBCORES = 16
_NUM_WORKERS = _NUM_CORES * _NUM_SUBCORES


@functools.lru_cache(maxsize=None)
def _build_mpmd_kernel(
    nb: int,
    seq: int,
    tec_cols: int,
    chunk: int,
    nbuf: int,
    lag: int,
    s_chunk: int,
):
    B = nb * seq
    scs_cols = seq - tec_cols
    workers_per_row = _NUM_WORKERS // nb
    rows_per_worker = tec_cols // workers_per_row
    n_chunks = rows_per_worker // chunk
    rows_per_scs = (nb // _NUM_CORES) * scs_cols
    n_s_chunks = rows_per_scs // s_chunk
    s_chunks_per_row = scs_cols // s_chunk

    vmesh = plsc.VectorSubcoreMesh(core_axis_name="c", subcore_axis_name="s")
    smesh = plsc.ScalarSubcoreMesh(axis_name="c", num_cores=_NUM_CORES)

    def tec_fn(toks_hbm, table_hbm, out_hbm, idx_v, buf_v, gsems, osems,
               idx_s, buf_s, s_gsem, s_osem):
        del idx_s, buf_s, s_gsem, s_osem
        wid = lax.axis_index("s") * _NUM_CORES + lax.axis_index("c")
        brow = wid % nb
        col = (wid // nb) * rows_per_worker
        base = brow * seq + col
        pltpu.sync_copy(toks_hbm.at[pl.ds(base, rows_per_worker)], idx_v)

        def gather_copy(ci, slot):
            return pltpu.make_async_copy(
                table_hbm.at[idx_v.at[pl.ds(ci * chunk, chunk)]],
                buf_v.at[slot],
                gsems[slot],
            )

        def out_copy(ci, slot):
            return pltpu.make_async_copy(
                buf_v.at[slot],
                out_hbm.at[pl.ds(base + ci * chunk, chunk)],
                osems[slot],
            )

        for i in range(n_chunks + lag):
            if i < n_chunks:
                s = i % nbuf
                if i >= nbuf:
                    out_copy(i - nbuf, s).wait()
                gather_copy(i, s).start()
            j = i - lag
            if j >= 0:
                gather_copy(j, j % nbuf).wait()
                out_copy(j, j % nbuf).start()
        for j in range(max(0, n_chunks - nbuf), n_chunks):
            out_copy(j, j % nbuf).wait()

    def scs_fn(toks_hbm, table_hbm, out_hbm, idx_v, buf_v, gsems, osems,
               idx_s, buf_s, s_gsem, s_osem):
        del idx_v, buf_v, gsems, osems
        cid = lax.axis_index("c")

        def chunk_pos(ci):
            brow = (nb // _NUM_CORES) * cid + ci // s_chunks_per_row
            col = tec_cols + (ci % s_chunks_per_row) * s_chunk
            return brow, col

        def out_copy(ci, slot):
            brow, col = chunk_pos(ci)
            return pltpu.make_async_copy(
                buf_s.at[slot],
                out_hbm.at[pl.ds(brow * seq + col, s_chunk)],
                s_osem,
            )

        for ci in range(n_s_chunks):
            slot = ci % 2
            brow, col = chunk_pos(ci)
            if ci >= 2:
                out_copy(ci - 2, slot).wait()
            pltpu.sync_copy(toks_hbm.at[pl.ds(brow * seq + col, s_chunk)], idx_s)

            def row_body(r, slot=slot):
                pltpu.make_async_copy(
                    table_hbm.at[pl.ds(idx_s[r], 1)],
                    buf_s.at[slot].at[pl.ds(r, 1)],
                    s_gsem,
                ).start()

            pl.loop(0, s_chunk)(row_body)
            pltpu.make_async_copy(
                table_hbm.at[pl.ds(0, s_chunk)], buf_s.at[slot], s_gsem
            ).wait()
            out_copy(ci, slot).start()
        for ci in range(max(0, n_s_chunks - 2), n_s_chunks):
            out_copy(ci, ci % 2).wait()

    return pl.kernel(
        body=[tec_fn, scs_fn],
        mesh=[vmesh, smesh],
        out_type=jax.ShapeDtypeStruct((B, D_MODEL), jnp.float32),
        scratch_types=[
            (pltpu.VMEM @ vmesh)((rows_per_worker,), jnp.int32),
            (pltpu.VMEM @ vmesh)((nbuf, chunk, D_MODEL), jnp.float32),
            tuple((pltpu.SemaphoreType.DMA @ vmesh) for _ in range(nbuf)),
            tuple((pltpu.SemaphoreType.DMA @ vmesh) for _ in range(nbuf)),
            (pltpu.SMEM @ smesh)((s_chunk,), jnp.int32),
            pltpu.VMEM_SHARED((2, s_chunk, D_MODEL), jnp.float32),
            pltpu.SemaphoreType.DMA @ smesh,
            pltpu.SemaphoreType.DMA @ smesh,
        ],
    )


def kernel(toks, W_E):
    n_batch, seq = toks.shape
    flat = toks.reshape(n_batch * seq).astype(jnp.int32)
    out = _build_mpmd_kernel(
        n_batch, seq, tec_cols=3 * seq // 4,
        chunk=16, nbuf=4, lag=2, s_chunk=256,
    )(flat, W_E)
    return out.reshape(n_batch, seq, D_MODEL)

# --- scband reference (transcript-rebuilt; emitter-appended) ---
"""Pipeline reference for scband-llama3-embedding-56212531970354 (READ-ONLY COPY).

The authoritative reference and input builder live on the scoring server;
editing this copy changes nothing except your own understanding.
"""

import jax, jax.numpy as jnp
import numpy as np

VOCAB_SIZE = 100000
D_MODEL = 1024

def setup_inputs(seed: int = 0) -> dict:
    key = jax.random.key(seed)
    k_toks, k_we = jax.random.split(key)
    toks = jax.random.randint(k_toks, (4, 4096), 0, VOCAB_SIZE, dtype=jnp.int64 if jax.config.jax_enable_x64 else jnp.int32)
    W_E = jax.random.normal(k_we, (VOCAB_SIZE, D_MODEL), dtype=jnp.float32)
    return {"toks": toks, "W_E": W_E}

def reference(toks, W_E):
    # nn.Embedding lookup: resid = W_E[toks]; HookPoint is identity
    resid = jnp.take(W_E, toks, axis=0)
    return resid

if __name__ == "__main__":
    import jax
    _d = setup_inputs()
    print(jax.jit(kernel)(*tuple(_d.values())))

</pallas_src>

<mosaic_0001>
#map = affine_map<(d0, d1) -> (0)>
#map1 = affine_map<(d0, d1) -> (0, 0)>
#map2 = affine_map<(d0) -> (0)>
#map3 = affine_map<(d0) -> (0, 0)>
module attributes {stable_mosaic.version = 14 : i64} {
  func.func @tec_fn(%arg0: i32, %arg1: i32, %arg2: memref<16384xi32, #tpu.memory_space<hbm>>, %arg3: memref<100000x1024xf32, #tpu.memory_space<hbm>>, %arg4: memref<16384x1024xf32, #tpu.memory_space<hbm>>, %arg5: memref<384xi32, #tpu.memory_space<vmem>>, %arg6: memref<4x16x1024xf32, #tpu.memory_space<vmem>>, %arg7: memref<!tpu.dma_semaphore, #tpu.memory_space<semaphore_mem>>, %arg8: memref<!tpu.dma_semaphore, #tpu.memory_space<semaphore_mem>>, %arg9: memref<!tpu.dma_semaphore, #tpu.memory_space<semaphore_mem>>, %arg10: memref<!tpu.dma_semaphore, #tpu.memory_space<semaphore_mem>>, %arg11: memref<!tpu.dma_semaphore, #tpu.memory_space<semaphore_mem>>, %arg12: memref<!tpu.dma_semaphore, #tpu.memory_space<semaphore_mem>>, %arg13: memref<!tpu.dma_semaphore, #tpu.memory_space<semaphore_mem>>, %arg14: memref<!tpu.dma_semaphore, #tpu.memory_space<semaphore_mem>>, %arg15: memref<256xi32, #tpu.memory_space<smem, sc_scalar_subcore>>, %arg16: memref<2x256x1024xf32, #tpu.memory_space<vmem_shared>>, %arg17: memref<!tpu.dma_semaphore, #tpu.memory_space<semaphore_mem, sc_scalar_subcore>>, %arg18: memref<!tpu.dma_semaphore, #tpu.memory_space<semaphore_mem, sc_scalar_subcore>>) attributes {dimension_semantics = [#tpu.dimension_semantics<core_parallel>, #tpu.dimension_semantics<subcore_parallel>], iteration_bounds = array<i64: 2, 16>, scalar_prefetch = 0 : i64, scratch_operands = 14 : i64, tpu.core_type = #tpu.core_type<sc_vector_subcore>, window_params = [{transform_indices = #map}, {transform_indices = #map1}, {transform_indices = #map1}]} {
    %mul3A = arith.constant 2 : i32
    %mul3A_0 = arith.muli %arg1, %mul3A : i32
    %add3A = arith.addi %mul3A_0, %arg0 : i32
    %jit3A = arith.constant 4 : i32
    %eq3A = arith.constant 0 : i32
    %eq3A_1 = arith.cmpi eq, %jit3A, %eq3A : i32
    %jit3A_2 = arith.constant 1 : i32
    %select_n3A = arith.select %eq3A_1, %jit3A_2, %jit3A : i32
    %rem3A = arith.remsi %add3A, %select_n3A : i32
    %ne3A = arith.constant 0 : i32
    %ne3A_3 = arith.cmpi ne, %rem3A, %ne3A : i32
    %lt3A = arith.constant 0 : i32
    %lt3A_4 = arith.cmpi slt, %rem3A, %lt3A : i32
    %lt3A_5 = arith.constant 0 : i32
    %lt3A_6 = arith.cmpi slt, %select_n3A, %lt3A_5 : i32
    %ne3A_7 = arith.xori %lt3A_4, %lt3A_6 : i1
    %and3A = arith.andi %ne3A_7, %ne3A_3 : i1
    %add3A_8 = arith.addi %rem3A, %select_n3A : i32
    %select_n3A_9 = arith.select %and3A, %add3A_8, %rem3A : i32
    %jit3A_10 = arith.constant 4 : i32
    %div3A = arith.divsi %add3A, %jit3A_10 : i32
    %sign3A = arith.constant 0 : i32
    %sign3A_11 = arith.cmpi sgt, %add3A, %sign3A : i32
    %sign3A_12 = arith.extui %sign3A_11 : i1 to i32
    %sign3A_13 = arith.constant 0 : i32
    %sign3A_14 = arith.cmpi slt, %add3A, %sign3A_13 : i32
    %sign3A_15 = arith.extui %sign3A_14 : i1 to i32
    %sign3A_16 = arith.subi %sign3A_12, %sign3A_15 : i32
    %sign3A_17 = arith.constant 0 : i32
    %sign3A_18 = arith.cmpi sgt, %jit3A_10, %sign3A_17 : i32
    %sign3A_19 = arith.extui %sign3A_18 : i1 to i32
    %sign3A_20 = arith.constant 0 : i32
    %sign3A_21 = arith.cmpi slt, %jit3A_10, %sign3A_20 : i32
    %sign3A_22 = arith.extui %sign3A_21 : i1 to i32
    %sign3A_23 = arith.subi %sign3A_19, %sign3A_22 : i32
    %ne3A_24 = arith.cmpi ne, %sign3A_16, %sign3A_23 : i32
    %rem3A_25 = arith.remsi %add3A, %jit3A_10 : i32
    %ne3A_26 = arith.constant 0 : i32
    %ne3A_27 = arith.cmpi ne, %rem3A_25, %ne3A_26 : i32
    %and3A_28 = arith.andi %ne3A_24, %ne3A_27 : i1
    %sub3A = arith.constant 1 : i32
    %sub3A_29 = arith.subi %div3A, %sub3A : i32
    %select_n3A_30 = arith.select %and3A_28, %sub3A_29, %div3A : i32
    %mul3A_31 = arith.constant 384 : i32
    %mul3A_32 = arith.muli %select_n3A_30, %mul3A_31 : i32
    %mul3A_33 = arith.constant 4096 : i32
    %mul3A_34 = arith.muli %select_n3A_9, %mul3A_33 : i32
    %add3A_35 = arith.addi %mul3A_34, %mul3A_32 : i32
    "tpu.region"() ({
      %run_scoped3A = tpu.sem_alloc : memref<!tpu.dma_semaphore, #tpu.memory_space<semaphore_mem>>
      %dma_start3A_1234 = tpu.memref_slice %arg2[%add3A_35] : memref<16384xi32, #tpu.memory_space<hbm>> -> memref<384xi32, #tpu.memory_space<hbm>>
      %dma_start3A_1235 = tpu.memref_slice %arg2[%add3A_35] : memref<16384xi32, #tpu.memory_space<hbm>> -> memref<384xi32, #tpu.memory_space<hbm>>
      tpu.enqueue_dma source(%dma_start3A_1235 : memref<384xi32, #tpu.memory_space<hbm>>) target(%arg5 : memref<384xi32, #tpu.memory_space<vmem>>) target_semaphore(%run_scoped3A : memref<!tpu.dma_semaphore, #tpu.memory_space<semaphore_mem>>)
      %dma_wait3A_1236 = tpu.memref_slice %arg2[%add3A_35] : memref<16384xi32, #tpu.memory_space<hbm>> -> memref<384xi32, #tpu.memory_space<hbm>>
      %dma_wait3A_1237 = tpu.memref_slice %arg2[%add3A_35] : memref<16384xi32, #tpu.memory_space<hbm>> -> memref<384xi32, #tpu.memory_space<hbm>>
      tpu.wait_dma2 semaphore(%run_scoped3A : memref<!tpu.dma_semaphore, #tpu.memory_space<semaphore_mem>>) src(%dma_wait3A_1237 : memref<384xi32, #tpu.memory_space<hbm>>) dst(%arg5 : memref<384xi32, #tpu.memory_space<vmem>>)
      tpu.yield
    }) : () -> ()
    %dma_start3A = arith.constant 0 : i32
    %dma_start3A_36 = arith.constant 0 : i32
    %dma_start3A_37 = arith.constant 0 : i32
    %dma_start3A_38 = tpu.memref_slice %arg6[%dma_start3A, %dma_start3A_36, %dma_start3A_37] : memref<4x16x1024xf32, #tpu.memory_space<vmem>> -> memref<1x16x1024xf32, #tpu.memory_space<vmem>>
    %dma_start3A_39 = tpu.memref_squeeze %dma_start3A_38 : memref<1x16x1024xf32, #tpu.memory_space<vmem>> -> memref<16x1024xf32, #tpu.memory_space<vmem>>
    %dma_start3A_40 = arith.constant 0 : i32
    %dma_start3A_41 = tpu.memref_slice %arg5[%dma_start3A_40] : memref<384xi32, #tpu.memory_space<vmem>> -> memref<16xi32, #tpu.memory_space<vmem>>
    %dma_start3A_42 = arith.constant 0 : i32
    %dma_start3A_43 = arith.constant 0 : i32
    %dma_start3A_44 = tpu.memref_slice %arg3[%dma_start3A_42, %dma_start3A_43] : memref<100000x1024xf32, #tpu.memory_space<hbm>> -> memref<100000x1024xf32, #tpu.memory_space<hbm>>
    tpu.enqueue_indirect_dma source(%dma_start3A_44 : memref<100000x1024xf32, #tpu.memory_space<hbm>>) target(%dma_start3A_39 : memref<16x1024xf32, #tpu.memory_space<vmem>>) offsets(%dma_start3A_41 : memref<16xi32, #tpu.memory_space<vmem>>) semaphore(%arg7 : memref<!tpu.dma_semaphore, #tpu.memory_space<semaphore_mem>>)
    %dma_start3A_45 = arith.constant 1 : i32
    %dma_start3A_46 = arith.constant 0 : i32
    %dma_start3A_47 = arith.constant 0 : i32
    %dma_start3A_48 = tpu.memref_slice %arg6[%dma_start3A_45, %dma_start3A_46, %dma_start3A_47] : memref<4x16x1024xf32, #tpu.memory_space<vmem>> -> memref<1x16x1024xf32, #tpu.memory_space<vmem>>
    %dma_start3A_49 = tpu.memref_squeeze %dma_start3A_48 : memref<1x16x1024xf32, #tpu.memory_space<vmem>> -> memref<16x1024xf32, #tpu.memory_space<vmem>>
    %dma_start3A_50 = arith.constant 16 : i32
    %dma_start3A_51 = tpu.memref_slice %arg5[%dma_start3A_50] : memref<384xi32, #tpu.memory_space<vmem>> -> memref<16xi32, #tpu.memory_space<vmem>>
    %dma_start3A_52 = arith.constant 0 : i32
    %dma_start3A_53 = arith.constant 0 : i32
    %dma_start3A_54 = tpu.memref_slice %arg3[%dma_start3A_52, %dma_start3A_53] : memref<100000x1024xf32, #tpu.memory_space<hbm>> -> memref<100000x1024xf32, #tpu.memory_space<hbm>>
    tpu.enqueue_indirect_dma source(%dma_start3A_54 : memref<100000x1024xf32, #tpu.memory_space<hbm>>) target(%dma_start3A_49 : memref<16x1024xf32, #tpu.memory_space<vmem>>) offsets(%dma_start3A_51 : memref<16xi32, #tpu.memory_space<vmem>>) semaphore(%arg8 : memref<!tpu.dma_semaphore, #tpu.memory_space<semaphore_mem>>)
    %dma_start3A_55 = arith.constant 2 : i32
    %dma_start3A_56 = arith.constant 0 : i32
    %dma_start3A_57 = arith.constant 0 : i32
    %dma_start3A_58 = tpu.memref_slice %arg6[%dma_start3A_55, %dma_start3A_56, %dma_start3A_57] : memref<4x16x1024xf32, #tpu.memory_space<vmem>> -> memref<1x16x1024xf32, #tpu.memory_space<vmem>>
    %dma_start3A_59 = tpu.memref_squeeze %dma_start3A_58 : memref<1x16x1024xf32, #tpu.memory_space<vmem>> -> memref<16x1024xf32, #tpu.memory_space<vmem>>
    %dma_start3A_60 = arith.constant 32 : i32
    %dma_start3A_61 = tpu.memref_slice %arg5[%dma_start3A_60] : memref<384xi32, #tpu.memory_space<vmem>> -> memref<16xi32, #tpu.memory_space<vmem>>
    %dma_start3A_62 = arith.constant 0 : i32
    %dma_start3A_63 = arith.constant 0 : i32
    %dma_start3A_64 = tpu.memref_slice %arg3[%dma_start3A_62, %dma_start3A_63] : memref<100000x1024xf32, #tpu.memory_space<hbm>> -> memref<100000x1024xf32, #tpu.memory_space<hbm>>
    tpu.enqueue_indirect_dma source(%dma_start3A_64 : memref<100000x1024xf32, #tpu.memory_space<hbm>>) target(%dma_start3A_59 : memref<16x1024xf32, #tpu.memory_space<vmem>>) offsets(%dma_start3A_61 : memref<16xi32, #tpu.memory_space<vmem>>) semaphore(%arg9 : memref<!tpu.dma_semaphore, #tpu.memory_space<semaphore_mem>>)
    %dma_wait3A = arith.constant 0 : i32
    %dma_wait3A_65 = arith.constant 0 : i32
    %dma_wait3A_66 = arith.constant 0 : i32
    %dma_wait3A_67 = tpu.memref_slice %arg6[%dma_wait3A, %dma_wait3A_65, %dma_wait3A_66] : memref<4x16x1024xf32, #tpu.memory_space<vmem>> -> memref<1x16x1024xf32, #tpu.memory_space<vmem>>
    %dma_wait3A_68 = tpu.memref_squeeze %dma_wait3A_67 : memref<1x16x1024xf32, #tpu.memory_space<vmem>> -> memref<16x1024xf32, #tpu.memory_space<vmem>>
    %dma_wait3A_69 = arith.constant 0 : i32
    %dma_wait3A_70 = tpu.memref_slice %arg5[%dma_wait3A_69] : memref<384xi32, #tpu.memory_space<vmem>> -> memref<16xi32, #tpu.memory_space<vmem>>
    %dma_wait3A_71 = arith.constant 0 : i32
    %dma_wait3A_72 = arith.constant 0 : i32
    %dma_wait3A_73 = tpu.memref_slice %arg3[%dma_wait3A_71, %dma_wait3A_72] : memref<100000x1024xf32, #tpu.memory_space<hbm>> -> memref<100000x1024xf32, #tpu.memory_space<hbm>>
    tpu.wait_indirect_dma semaphore(%arg7 : memref<!tpu.dma_semaphore, #tpu.memory_space<semaphore_mem>>) src(%dma_wait3A_73 : memref<100000x1024xf32, #tpu.memory_space<hbm>>) dst(%dma_wait3A_68 : memref<16x1024xf32, #tpu.memory_space<vmem>>)
    %add3A_74 = arith.constant 0 : i32
    %add3A_75 = arith.addi %add3A_35, %add3A_74 : i32
    %dma_start3A_76 = arith.constant 0 : i32
    %dma_start3A_77 = arith.constant 0 : i32
    %dma_start3A_78 = arith.constant 0 : i32
    %dma_start3A_79 = tpu.memref_slice %arg6[%dma_start3A_76, %dma_start3A_77, %dma_start3A_78] : memref<4x16x1024xf32, #tpu.memory_space<vmem>> -> memref<1x16x1024xf32, #tpu.memory_space<vmem>>
    %dma_start3A_80 = tpu.memref_squeeze %dma_start3A_79 : memref<1x16x1024xf32, #tpu.memory_space<vmem>> -> memref<16x1024xf32, #tpu.memory_space<vmem>>
    %dma_start3A_81 = arith.constant 0 : i32
    %dma_start3A_82 = tpu.memref_slice %arg4[%add3A_75, %dma_start3A_81] : memref<16384x1024xf32, #tpu.memory_space<hbm>> -> memref<16x1024xf32, #tpu.memory_space<hbm>>
    %dma_start3A_83 = arith.constant 0 : i32
    %dma_start3A_84 = tpu.memref_slice %arg4[%add3A_75, %dma_start3A_83] : memref<16384x1024xf32, #tpu.memory_space<hbm>> -> memref<16x1024xf32, #tpu.memory_space<hbm>>
    %dma_start3A_85 = arith.constant 0 : i32
    %dma_start3A_86 = arith.constant 0 : i32
    %dma_start3A_87 = tpu.memref_slice %arg6[%dma_start3A_76, %dma_start3A_85, %dma_start3A_86] : memref<4x16x1024xf32, #tpu.memory_space<vmem>> -> memref<1x16x1024xf32, #tpu.memory_space<vmem>>
    %dma_start3A_88 = tpu.memref_squeeze %dma_start3A_87 : memref<1x16x1024xf32, #tpu.memory_space<vmem>> -> memref<16x1024xf32, #tpu.memory_space<vmem>>
    tpu.enqueue_dma source(%dma_start3A_88 : memref<16x1024xf32, #tpu.memory_space<vmem>>) target(%dma_start3A_84 : memref<16x1024xf32, #tpu.memory_space<hbm>>) target_semaphore(%arg11 : memref<!tpu.dma_semaphore, #tpu.memory_space<semaphore_mem>>)
    %dma_start3A_89 = arith.constant 3 : i32
    %dma_start3A_90 = arith.constant 0 : i32
    %dma_start3A_91 = arith.constant 0 : i32
    %dma_start3A_92 = tpu.memref_slice %arg6[%dma_start3A_89, %dma_start3A_90, %dma_start3A_91] : memref<4x16x1024xf32, #tpu.memory_space<vmem>> -> memref<1x16x1024xf32, #tpu.memory_space<vmem>>
    %dma_start3A_93 = tpu.memref_squeeze %dma_start3A_92 : memref<1x16x1024xf32, #tpu.memory_space<vmem>> -> memref<16x1024xf32, #tpu.memory_space<vmem>>
    %dma_start3A_94 = arith.constant 48 : i32
    %dma_start3A_95 = tpu.memref_slice %arg5[%dma_start3A_94] : memref<384xi32, #tpu.memory_space<vmem>> -> memref<16xi32, #tpu.memory_space<vmem>>
    %dma_start3A_96 = arith.constant 0 : i32
    %dma_start3A_97 = arith.constant 0 : i32
    %dma_start3A_98 = tpu.memref_slice %arg3[%dma_start3A_96, %dma_start3A_97] : memref<100000x1024xf32, #tpu.memory_space<hbm>> -> memref<100000x1024xf32, #tpu.memory_space<hbm>>
    tpu.enqueue_indirect_dma source(%dma_start3A_98 : memref<100000x1024xf32, #tpu.memory_space<hbm>>) target(%dma_start3A_93 : memref<16x1024xf32, #tpu.memory_space<vmem>>) offsets(%dma_start3A_95 : memref<16xi32, #tpu.memory_space<vmem>>) semaphore(%arg10 : memref<!tpu.dma_semaphore, #tpu.memory_space<semaphore_mem>>)
    %dma_wait3A_99 = arith.constant 1 : i32
    %dma_wait3A_100 = arith.constant 0 : i32
    %dma_wait3A_101 = arith.constant 0 : i32
    %dma_wait3A_102 = tpu.memref_slice %arg6[%dma_wait3A_99, %dma_wait3A_100, %dma_wait3A_101] : memref<4x16x1024xf32, #tpu.memory_space<vmem>> -> memref<1x16x1024xf32, #tpu.memory_space<vmem>>
    %dma_wait3A_103 = tpu.memref_squeeze %dma_wait3A_102 : memref<1x16x1024xf32, #tpu.memory_space<vmem>> -> memref<16x1024xf32, #tpu.memory_space<vmem>>
    %dma_wait3A_104 = arith.constant 16 : i32
    %dma_wait3A_105 = tpu.memref_slice %arg5[%dma_wait3A_104] : memref<384xi32, #tpu.memory_space<vmem>> -> memref<16xi32, #tpu.memory_space<vmem>>
    %dma_wait3A_106 = arith.constant 0 : i32
    %dma_wait3A_107 = arith.constant 0 : i32
    %dma_wait3A_108 = tpu.memref_slice %arg3[%dma_wait3A_106, %dma_wait3A_107] : memref<100000x1024xf32, #tpu.memory_space<hbm>> -> memref<100000x1024xf32, #tpu.memory_space<hbm>>
    tpu.wait_indirect_dma semaphore(%arg8 : memref<!tpu.dma_semaphore, #tpu.memory_space<semaphore_mem>>) src(%dma_wait3A_108 : memref<100000x1024xf32, #tpu.memory_space<hbm>>) dst(%dma_wait3A_103 : memref<16x1024xf32, #tpu.memory_space<vmem>>)
    %add3A_109 = arith.constant 16 : i32
    %add3A_110 = arith.addi %add3A_35, %add3A_109 : i32
    %dma_start3A_111 = arith.constant 1 : i32
    %dma_start3A_112 = arith.constant 0 : i32
    %dma_start3A_113 = arith.constant 0 : i32
    %dma_start3A_114 = tpu.memref_slice %arg6[%dma_start3A_111, %dma_start3A_112, %dma_start3A_113] : memref<4x16x1024xf32, #tpu.memory_space<vmem>> -> memref<1x16x1024xf32, #tpu.memory_space<vmem>>
    %dma_start3A_115 = tpu.memref_squeeze %dma_start3A_114 : memref<1x16x1024xf32, #tpu.memory_space<vmem>> -> memref<16x1024xf32, #tpu.memory_space<vmem>>
    %dma_start3A_116 = arith.constant 0 : i32
    %dma_start3A_117 = tpu.memref_slice %arg4[%add3A_110, %dma_start3A_116] : memref<16384x1024xf32, #tpu.memory_space<hbm>> -> memref<16x1024xf32, #tpu.memory_space<hbm>>
    %dma_start3A_118 = arith.constant 0 : i32
    %dma_start3A_119 = tpu.memref_slice %arg4[%add3A_110, %dma_start3A_118] : memref<16384x1024xf32, #tpu.memory_space<hbm>> -> memref<16x1024xf32, #tpu.memory_space<hbm>>
    %dma_start3A_120 = arith.constant 0 : i32
    %dma_start3A_121 = arith.constant 0 : i32
    %dma_start3A_122 = tpu.memref_slice %arg6[%dma_start3A_111, %dma_start3A_120, %dma_start3A_121] : memref<4x16x1024xf32, #tpu.memory_space<vmem>> -> memref<1x16x1024xf32, #tpu.memory_space<vmem>>
    %dma_start3A_123 = tpu.memref_squeeze %dma_start3A_122 : memref<1x16x1024xf32, #tpu.memory_space<vmem>> -> memref<16x1024xf32, #tpu.memory_space<vmem>>
    tpu.enqueue_dma source(%dma_start3A_123 : memref<16x1024xf32, #tpu.memory_space<vmem>>) target(%dma_start3A_119 : memref<16x1024xf32, #tpu.memory_space<hbm>>) target_semaphore(%arg12 : memref<!tpu.dma_semaphore, #tpu.memory_space<semaphore_mem>>)
    %add3A_124 = arith.constant 0 : i32
    %add3A_125 = arith.addi %add3A_35, %add3A_124 : i32
    %dma_wait3A_126 = arith.constant 0 : i32
    %dma_wait3A_127 = arith.constant 0 : i32
    %dma_wait3A_128 = arith.constant 0 : i32
    %dma_wait3A_129 = tpu.memref_slice %arg6[%dma_wait3A_126, %dma_wait3A_127, %dma_wait3A_128] : memref<4x16x1024xf32, #tpu.memory_space<vmem>> -> memref<1x16x1024xf32, #tpu.memory_space<vmem>>
    %dma_wait3A_130 = tpu.memref_squeeze %dma_wait3A_129 : memref<1x16x1024xf32, #tpu.memory_space<vmem>> -> memref<16x1024xf32, #tpu.memory_space<vmem>>
    %dma_wait3A_131 = arith.constant 0 : i32
    %dma_wait3A_132 = tpu.memref_slice %arg4[%add3A_125, %dma_wait3A_131] : memref<16384x1024xf32, #tpu.memory_space<hbm>> -> memref<16x1024xf32, #tpu.memory_space<hbm>>
    %dma_wait3A_133 = arith.constant 0 : i32
    %dma_wait3A_134 = tpu.memref_slice %arg4[%add3A_125, %dma_wait3A_133] : memref<16384x1024xf32, #tpu.memory_space<hbm>> -> memref<16x1024xf32, #tpu.memory_space<hbm>>
    %dma_wait3A_135 = arith.constant 0 : i32
    %dma_wait3A_136 = arith.constant 0 : i32
    %dma_wait3A_137 = tpu.memref_slice %arg6[%dma_wait3A_126, %dma_wait3A_135, %dma_wait3A_136] : memref<4x16x1024xf32, #tpu.memory_space<vmem>> -> memref<1x16x1024xf32, #tpu.memory_space<vmem>>
    %dma_wait3A_138 = tpu.memref_squeeze %dma_wait3A_137 : memref<1x16x1024xf32, #tpu.memory_space<vmem>> -> memref<16x1024xf32, #tpu.memory_space<vmem>>
    tpu.wait_dma2 semaphore(%arg11 : memref<!tpu.dma_semaphore, #tpu.memory_space<semaphore_mem>>) src(%dma_wait3A_138 : memref<16x1024xf32, #tpu.memory_space<vmem>>) dst(%dma_wait3A_134 : memref<16x1024xf32, #tpu.memory_space<hbm>>)
    %dma_start3A_139 = arith.constant 0 : i32
    %dma_start3A_140 = arith.constant 0 : i32
    %dma_start3A_141 = arith.constant 0 : i32
    %dma_start3A_142 = tpu.memref_slice %arg6[%dma_start3A_139, %dma_start3A_140, %dma_start3A_141] : memref<4x16x1024xf32, #tpu.memory_space<vmem>> -> memref<1x16x1024xf32, #tpu.memory_space<vmem>>
    %dma_start3A_143 = tpu.memref_squeeze %dma_start3A_142 : memref<1x16x1024xf32, #tpu.memory_space<vmem>> -> memref<16x1024xf32, #tpu.memory_space<vmem>>
    %dma_start3A_144 = arith.constant 64 : i32
    %dma_start3A_145 = tpu.memref_slice %arg5[%dma_start3A_144] : memref<384xi32, #tpu.memory_space<vmem>> -> memref<16xi32, #tpu.memory_space<vmem>>
    %dma_start3A_146 = arith.constant 0 : i32
    %dma_start3A_147 = arith.constant 0 : i32
    %dma_start3A_148 = tpu.memref_slice %arg3[%dma_start3A_146, %dma_start3A_147] : memref<100000x1024xf32, #tpu.memory_space<hbm>> -> memref<100000x1024xf32, #tpu.memory_space<hbm>>
    tpu.enqueue_indirect_dma source(%dma_start3A_148 : memref<100000x1024xf32, #tpu.memory_space<hbm>>) target(%dma_start3A_143 : memref<16x1024xf32, #tpu.memory_space<vmem>>) offsets(%dma_start3A_145 : memref<16xi32, #tpu.memory_space<vmem>>) semaphore(%arg7 : memref<!tpu.dma_semaphore, #tpu.memory_space<semaphore_mem>>)
    %dma_wait3A_149 = arith.constant 2 : i32
    %dma_wait3A_150 = arith.constant 0 : i32
    %dma_wait3A_151 = arith.constant 0 : i32
    %dma_wait3A_152 = tpu.memref_slice %arg6[%dma_wait3A_149, %dma_wait3A_150, %dma_wait3A_151] : memref<4x16x1024xf32, #tpu.memory_space<vmem>> -> memref<1x16x1024xf32, #tpu.memory_space<vmem>>
    %dma_wait3A_153 = tpu.memref_squeeze %dma_wait3A_152 : memref<1x16x1024xf32, #tpu.memory_space<vmem>> -> memref<16x1024xf32, #tpu.memory_space<vmem>>
    %dma_wait3A_154 = arith.constant 32 : i32
    %dma_wait3A_155 = tpu.memref_slice %arg5[%dma_wait3A_154] : memref<384xi32, #tpu.memory_space<vmem>> -> memref<16xi32, #tpu.memory_space<vmem>>
    %dma_wait3A_156 = arith.constant 0 : i32
    %dma_wait3A_157 = arith.constant 0 : i32
    %dma_wait3A_158 = tpu.memref_slice %arg3[%dma_wait3A_156, %dma_wait3A_157] : memref<100000x1024xf32, #tpu.memory_space<hbm>> -> memref<100000x1024xf32, #tpu.memory_space<hbm>>
    tpu.wait_indirect_dma semaphore(%arg9 : memref<!tpu.dma_semaphore, #tpu.memory_space<semaphore_mem>>) src(%dma_wait3A_158 : memref<100000x1024xf32, #tpu.memory_space<hbm>>) dst(%dma_wait3A_153 : memref<16x1024xf32, #tpu.memory_space<vmem>>)
    %add3A_159 = arith.constant 32 : i32
    %add3A_160 = arith.addi %add3A_35, %add3A_159 : i32
    %dma_start3A_161 = arith.constant 2 : i32
    %dma_start3A_162 = arith.constant 0 : i32
    %dma_start3A_163 = arith.constant 0 : i32
    %dma_start3A_164 = tpu.memref_slice %arg6[%dma_start3A_161, %dma_start3A_162, %dma_start3A_163] : memref<4x16x1024xf32, #tpu.memory_space<vmem>> -> memref<1x16x1024xf32, #tpu.memory_space<vmem>>
    %dma_start3A_165 = tpu.memref_squeeze %dma_start3A_164 : memref<1x16x1024xf32, #tpu.memory_space<vmem>> -> memref<16x1024xf32, #tpu.memory_space<vmem>>
    %dma_start3A_166 = arith.constant 0 : i32
    %dma_start3A_167 = tpu.memref_slice %arg4[%add3A_160, %dma_start3A_166] : memref<16384x1024xf32, #tpu.memory_space<hbm>> -> memref<16x1024xf32, #tpu.memory_space<hbm>>
    %dma_start3A_168 = arith.constant 0 : i32
    %dma_start3A_169 = tpu.memref_slice %arg4[%add3A_160, %dma_start3A_168] : memref<16384x1024xf32, #tpu.memory_space<hbm>> -> memref<16x1024xf32, #tpu.memory_space<hbm>>
    %dma_start3A_170 = arith.constant 0 : i32
    %dma_start3A_171 = arith.constant 0 : i32
    %dma_start3A_172 = tpu.memref_slice %arg6[%dma_start3A_161, %dma_start3A_170, %dma_start3A_171] : memref<4x16x1024xf32, #tpu.memory_space<vmem>> -> memref<1x16x1024xf32, #tpu.memory_space<vmem>>
    %dma_start3A_173 = tpu.memref_squeeze %dma_start3A_172 : memref<1x16x1024xf32, #tpu.memory_space<vmem>> -> memref<16x1024xf32, #tpu.memory_space<vmem>>
    tpu.enqueue_dma source(%dma_start3A_173 : memref<16x1024xf32, #tpu.memory_space<vmem>>) target(%dma_start3A_169 : memref<16x1024xf32, #tpu.memory_space<hbm>>) target_semaphore(%arg13 : memref<!tpu.dma_semaphore, #tpu.memory_space<semaphore_mem>>)
    %add3A_174 = arith.constant 16 : i32
    %add3A_175 = arith.addi %add3A_35, %add3A_174 : i32
    %dma_wait3A_176 = arith.constant 1 : i32
    %dma_wait3A_177 = arith.constant 0 : i32
    %dma_wait3A_178 = arith.constant 0 : i32
    %dma_wait3A_179 = tpu.memref_slice %arg6[%dma_wait3A_176, %dma_wait3A_177, %dma_wait3A_178] : memref<4x16x1024xf32, #tpu.memory_space<vmem>> -> memref<1x16x1024xf32, #tpu.memory_space<vmem>>
    %dma_wait3A_180 = tpu.memref_squeeze %dma_wait3A_179 : memref<1x16x1024xf32, #tpu.memory_space<vmem>> -> memref<16x1024xf32, #tpu.memory_space<vmem>>
    %dma_wait3A_181 = arith.constant 0 : i32
    %dma_wait3A_182 = tpu.memref_slice %arg4[%add3A_175, %dma_wait3A_181] : memref<16384x1024xf32, #tpu.memory_space<hbm>> -> memref<16x1024xf32, #tpu.memory_space<hbm>>
    %dma_wait3A_183 = arith.constant 0 : i32
    %dma_wait3A_184 = tpu.memref_slice %arg4[%add3A_175, %dma_wait3A_183] : memref<16384x1024xf32, #tpu.memory_space<hbm>> -> memref<16x1024xf32, #tpu.memory_space<hbm>>
    %dma_wait3A_185 = arith.constant 0 : i32
    %dma_wait3A_186 = arith.constant 0 : i32
    %dma_wait3A_187 = tpu.memref_slice %arg6[%dma_wait3A_176, %dma_wait3A_185, %dma_wait3A_186] : memref<4x16x1024xf32, #tpu.memory_space<vmem>> -> memref<1x16x1024xf32, #tpu.memory_space<vmem>>
    %dma_wait3A_188 = tpu.memref_squeeze %dma_wait3A_187 : memref<1x16x1024xf32, #tpu.memory_space<vmem>> -> memref<16x1024xf32, #tpu.memory_space<vmem>>
    tpu.wait_dma2 semaphore(%arg12 : memref<!tpu.dma_semaphore, #tpu.memory_space<semaphore_mem>>) src(%dma_wait3A_188 : memref<16x1024xf32, #tpu.memory_space<vmem>>) dst(%dma_wait3A_184 : memref<16x1024xf32, #tpu.memory_space<hbm>>)
    %dma_start3A_189 = arith.constant 1 : i32
    %dma_start3A_190 = arith.constant 0 : i32
    %dma_start3A_191 = arith.constant 0 : i32
    %dma_start3A_192 = tpu.memref_slice %arg6[%dma_start3A_189, %dma_start3A_190, %dma_start3A_191] : memref<4x16x1024xf32, #tpu.memory_space<vmem>> -> memref<1x16x1024xf32, #tpu.memory_space<vmem>>
    %dma_start3A_193 = tpu.memref_squeeze %dma_start3A_192 : memref<1x16x1024xf32, #tpu.memory_space<vmem>> -> memref<16x1024xf32, #tpu.memory_space<vmem>>
    %dma_start3A_194 = arith.constant 80 : i32
    %dma_start3A_195 = tpu.memref_slice %arg5[%dma_start3A_194] : memref<384xi32, #tpu.memory_space<vmem>> -> memref<16xi32, #tpu.memory_space<vmem>>
    %dma_start3A_196 = arith.constant 0 : i32
    %dma_start3A_197 = arith.constant 0 : i32
    %dma_start3A_198 = tpu.memref_slice %arg3[%dma_start3A_196, %dma_start3A_197] : memref<100000x1024xf32, #tpu.memory_space<hbm>> -> memref<100000x1024xf32, #tpu.memory_space<hbm>>
    tpu.enqueue_indirect_dma source(%dma_start3A_198 : memref<100000x1024xf32, #tpu.memory_space<hbm>>) target(%dma_start3A_193 : memref<16x1024xf32, #tpu.memory_space<vmem>>) offsets(%dma_start3A_195 : memref<16xi32, #tpu.memory_space<vmem>>) semaphore(%arg8 : memref<!tpu.dma_semaphore, #tpu.memory_space<semaphore_mem>>)
    %dma_wait3A_199 = arith.constant 3 : i32
    %dma_wait3A_200 = arith.constant 0 : i32
    %dma_wait3A_201 = arith.constant 0 : i32
    %dma_wait3A_202 = tpu.memref_slice %arg6[%dma_wait3A_199, %dma_wait3A_200, %dma_wait3A_201] : memref<4x16x1024xf32, #tpu.memory_space<vmem>> -> memref<1x16x1024xf32, #tpu.memory_space<vmem>>
    %dma_wait3A_203 = tpu.memref_squeeze %dma_wait3A_202 : memref<1x16x1024xf32, #tpu.memory_space<vmem>> -> memref<16x1024xf32, #tpu.memory_space<vmem>>
    %dma_wait3A_204 = arith.constant 48 : i32
    %dma_wait3A_205 = tpu.memref_slice %arg5[%dma_wait3A_204] : memref<384xi32, #tpu.memory_space<vmem>> -> memref<16xi32, #tpu.memory_space<vmem>>
    %dma_wait3A_206 = arith.constant 0 : i32
    %dma_wait3A_207 = arith.constant 0 : i32
    %dma_wait3A_208 = tpu.memref_slice %arg3[%dma_wait3A_206, %dma_wait3A_207] : memref<100000x1024xf32, #tpu.memory_space<hbm>> -> memref<100000x1024xf32, #tpu.memory_space<hbm>>
    tpu.wait_indirect_dma semaphore(%arg10 : memref<!tpu.dma_semaphore, #tpu.memory_space<semaphore_mem>>) src(%dma_wait3A_208 : memref<100000x1024xf32, #tpu.memory_space<hbm>>) dst(%dma_wait3A_203 : memref<16x1024xf32, #tpu.memory_space<vmem>>)
    %add3A_209 = arith.constant 48 : i32
    %add3A_210 = arith.addi %add3A_35, %add3A_209 : i32
    %dma_start3A_211 = arith.constant 3 : i32
    %dma_start3A_212 = arith.constant 0 : i32
    %dma_start3A_213 = arith.constant 0 : i32
    %dma_start3A_214 = tpu.memref_slice %arg6[%dma_start3A_211, %dma_start3A_212, %dma_start3A_213] : memref<4x16x1024xf32, #tpu.memory_space<vmem>> -> memref<1x16x1024xf32, #tpu.memory_space<vmem>>
    %dma_start3A_215 = tpu.memref_squeeze %dma_start3A_214 : memref<1x16x1024xf32, #tpu.memory_space<vmem>> -> memref<16x1024xf32, #tpu.memory_space<vmem>>
    %dma_start3A_216 = arith.constant 0 : i32
    %dma_start3A_217 = tpu.memref_slice %arg4[%add3A_210, %dma_start3A_216] : memref<16384x1024xf32, #tpu.memory_space<hbm>> -> memref<16x1024xf32, #tpu.memory_space<hbm>>
    %dma_start3A_218 = arith.constant 0 : i32
    %dma_start3A_219 = tpu.memref_slice %arg4[%add3A_210, %dma_start3A_218] : memref<16384x1024xf32, #tpu.memory_space<hbm>> -> memref<16x1024xf32, #tpu.memory_space<hbm>>
    %dma_start3A_220 = arith.constant 0 : i32
    %dma_start3A_221 = arith.constant 0 : i32
    %dma_start3A_222 = tpu.memref_slice %arg6[%dma_start3A_211, %dma_start3A_220, %dma_start3A_221] : memref<4x16x1024xf32, #tpu.memory_space<vmem>> -> memref<1x16x1024xf32, #tpu.memory_space<vmem>>
    %dma_start3A_223 = tpu.memref_squeeze %dma_start3A_222 : memref<1x16x1024xf32, #tpu.memory_space<vmem>> -> memref<16x1024xf32, #tpu.memory_space<vmem>>
    tpu.enqueue_dma source(%dma_start3A_223 : memref<16x1024xf32, #tpu.memory_space<vmem>>) target(%dma_start3A_219 : memref<16x1024xf32, #tpu.memory_space<hbm>>) target_semaphore(%arg14 : memref<!tpu.dma_semaphore, #tpu.memory_space<semaphore_mem>>)
    %add3A_224 = arith.constant 32 : i32
    %add3A_225 = arith.addi %add3A_35, %add3A_224 : i32
    %dma_wait3A_226 = arith.constant 2 : i32
    %dma_wait3A_227 = arith.constant 0 : i32
    %dma_wait3A_228 = arith.constant 0 : i32
    %dma_wait3A_229 = tpu.memref_slice %arg6[%dma_wait3A_226, %dma_wait3A_227, %dma_wait3A_228] : memref<4x16x1024xf32, #tpu.memory_space<vmem>> -> memref<1x16x1024xf32, #tpu.memory_space<vmem>>
    %dma_wait3A_230 = tpu.memref_squeeze %dma_wait3A_229 : memref<1x16x1024xf32, #tpu.memory_space<vmem>> -> memref<16x1024xf32, #tpu.memory_space<vmem>>
    %dma_wait3A_231 = arith.constant 0 : i32
    %dma_wait3A_232 = tpu.memref_slice %arg4[%add3A_225, %dma_wait3A_231] : memref<16384x1024xf32, #tpu.memory_space<hbm>> -> memref<16x1024xf32, #tpu.memory_space<hbm>>
    %dma_wait3A_233 = arith.constant 0 : i32
    %dma_wait3A_234 = tpu.memref_slice %arg4[%add3A_225, %dma_wait3A_233] : memref<16384x1024xf32, #tpu.memory_space<hbm>> -> memref<16x1024xf32, #tpu.memory_space<hbm>>
    %dma_wait3A_235 = arith.constant 0 : i32
    %dma_wait3A_236 = arith.constant 0 : i32
    %dma_wait3A_237 = tpu.memref_slice %arg6[%dma_wait3A_226, %dma_wait3A_235, %dma_wait3A_236] : memref<4x16x1024xf32, #tpu.memory_space<vmem>> -> memref<1x16x1024xf32, #tpu.memory_space<vmem>>
    %dma_wait3A_238 = tpu.memref_squeeze %dma_wait3A_237 : memref<1x16x1024xf32, #tpu.memory_space<vmem>> -> memref<16x1024xf32, #tpu.memory_space<vmem>>
    tpu.wait_dma2 semaphore(%arg13 : memref<!tpu.dma_semaphore, #tpu.memory_space<semaphore_mem>>) src(%dma_wait3A_238 : memref<16x1024xf32, #tpu.memory_space<vmem>>) dst(%dma_wait3A_234 : memref<16x1024xf32, #tpu.memory_space<hbm>>)
    %dma_start3A_239 = arith.constant 2 : i32
    %dma_start3A_240 = arith.constant 0 : i32
    %dma_start3A_241 = arith.constant 0 : i32
    %dma_start3A_242 = tpu.memref_slice %arg6[%dma_start3A_239, %dma_start3A_240, %dma_start3A_241] : memref<4x16x1024xf32, #tpu.memory_space<vmem>> -> memref<1x16x1024xf32, #tpu.memory_space<vmem>>
    %dma_start3A_243 = tpu.memref_squeeze %dma_start3A_242 : memref<1x16x1024xf32, #tpu.memory_space<vmem>> -> memref<16x1024xf32, #tpu.memory_space<vmem>>
    %dma_start3A_244 = arith.constant 96 : i32
    %dma_start3A_245 = tpu.memref_slice %arg5[%dma_start3A_244] : memref<384xi32, #tpu.memory_space<vmem>> -> memref<16xi32, #tpu.memory_space<vmem>>
    %dma_start3A_246 = arith.constant 0 : i32
    %dma_start3A_247 = arith.constant 0 : i32
    %dma_start3A_248 = tpu.memref_slice %arg3[%dma_start3A_246, %dma_start3A_247] : memref<100000x1024xf32, #tpu.memory_space<hbm>> -> memref<100000x1024xf32, #tpu.memory_space<hbm>>
    tpu.enqueue_indirect_dma source(%dma_start3A_248 : memref<100000x1024xf32, #tpu.memory_space<hbm>>) target(%dma_start3A_243 : memref<16x1024xf32, #tpu.memory_space<vmem>>) offsets(%dma_start3A_245 : memref<16xi32, #tpu.memory_space<vmem>>) semaphore(%arg9 : memref<!tpu.dma_semaphore, #tpu.memory_space<semaphore_mem>>)
    %dma_wait3A_249 = arith.constant 0 : i32
    %dma_wait3A_250 = arith.constant 0 : i32
    %dma_wait3A_251 = arith.constant 0 : i32
    %dma_wait3A_252 = tpu.memref_slice %arg6[%dma_wait3A_249, %dma_wait3A_250, %dma_wait3A_251] : memref<4x16x1024xf32, #tpu.memory_space<vmem>> -> memref<1x16x1024xf32, #tpu.memory_space<vmem>>
    %dma_wait3A_253 = tpu.memref_squeeze %dma_wait3A_252 : memref<1x16x1024xf32, #tpu.memory_space<vmem>> -> memref<16x1024xf32, #tpu.memory_space<vmem>>
    %dma_wait3A_254 = arith.constant 64 : i32
    %dma_wait3A_255 = tpu.memref_slice %arg5[%dma_wait3A_254] : memref<384xi32, #tpu.memory_space<vmem>> -> memref<16xi32, #tpu.memory_space<vmem>>
    %dma_wait3A_256 = arith.constant 0 : i32
    %dma_wait3A_257 = arith.constant 0 : i32
    %dma_wait3A_258 = tpu.memref_slice %arg3[%dma_wait3A_256, %dma_wait3A_257] : memref<100000x1024xf32, #tpu.memory_space<hbm>> -> memref<100000x1024xf32, #tpu.memory_space<hbm>>
    tpu.wait_indirect_dma semaphore(%arg7 : memref<!tpu.dma_semaphore, #tpu.memory_space<semaphore_mem>>) src(%dma_wait3A_258 : memref<100000x1024xf32, #tpu.memory_space<hbm>>) dst(%dma_wait3A_253 : memref<16x1024xf32, #tpu.memory_space<vmem>>)
    %add3A_259 = arith.constant 64 : i32
    %add3A_260 = arith.addi %add3A_35, %add3A_259 : i32
    %dma_start3A_261 = arith.constant 0 : i32
    %dma_start3A_262 = arith.constant 0 : i32
    %dma_start3A_263 = arith.constant 0 : i32
    %dma_start3A_264 = tpu.memref_slice %arg6[%dma_start3A_261, %dma_start3A_262, %dma_start3A_263] : memref<4x16x1024xf32, #tpu.memory_space<vmem>> -> memref<1x16x1024xf32, #tpu.memory_space<vmem>>
    %dma_start3A_265 = tpu.memref_squeeze %dma_start3A_264 : memref<1x16x1024xf32, #tpu.memory_space<vmem>> -> memref<16x1024xf32, #tpu.memory_space<vmem>>
    %dma_start3A_266 = arith.constant 0 : i32
    %dma_start3A_267 = tpu.memref_slice %arg4[%add3A_260, %dma_start3A_266] : memref<16384x1024xf32, #tpu.memory_space<hbm>> -> memref<16x1024xf32, #tpu.memory_space<hbm>>
    %dma_start3A_268 = arith.constant 0 : i32
    %dma_start3A_269 = tpu.memref_slice %arg4[%add3A_260, %dma_start3A_268] : memref<16384x1024xf32, #tpu.memory_space<hbm>> -> memref<16x1024xf32, #tpu.memory_space<hbm>>
    %dma_start3A_270 = arith.constant 0 : i32
    %dma_start3A_271 = arith.constant 0 : i32
    %dma_start3A_272 = tpu.memref_slice %arg6[%dma_start3A_261, %dma_start3A_270, %dma_start3A_271] : memref<4x16x1024xf32, #tpu.memory_space<vmem>> -> memref<1x16x1024xf32, #tpu.memory_space<vmem>>
    %dma_start3A_273 = tpu.memref_squeeze %dma_start3A_272 : memref<1x16x1024xf32, #tpu.memory_space<vmem>> -> memref<16x1024xf32, #tpu.memory_space<vmem>>
    tpu.enqueue_dma source(%dma_start3A_273 : memref<16x1024xf32, #tpu.memory_space<vmem>>) target(%dma_start3A_269 : memref<16x1024xf32, #tpu.memory_space<hbm>>) target_semaphore(%arg11 : memref<!tpu.dma_semaphore, #tpu.memory_space<semaphore_mem>>)
    %add3A_274 = arith.constant 48 : i32
    %add3A_275 = arith.addi %add3A_35, %add3A_274 : i32
    %dma_wait3A_276 = arith.constant 3 : i32
    %dma_wait3A_277 = arith.constant 0 : i32
    %dma_wait3A_278 = arith.constant 0 : i32
    %dma_wait3A_279 = tpu.memref_slice %arg6[%dma_wait3A_276, %dma_wait3A_277, %dma_wait3A_278] : memref<4x16x1024xf32, #tpu.memory_space<vmem>> -> memref<1x16x1024xf32, #tpu.memory_space<vmem>>
    %dma_wait3A_280 = tpu.memref_squeeze %dma_wait3A_279 : memref<1x16x1024xf32, #tpu.memory_space<vmem>> -> memref<16x1024xf32, #tpu.memory_space<vmem>>
    %dma_wait3A_281 = arith.constant 0 : i32
    %dma_wait3A_282 = tpu.memref_slice %arg4[%add3A_275, %dma_wait3A_281] : memref<16384x1024xf32, #tpu.memory_space<hbm>> -> memref<16x1024xf32, #tpu.memory_space<hbm>>
    %dma_wait3A_283 = arith.constant 0 : i32
    %dma_wait3A_284 = tpu.memref_slice %arg4[%add3A_275, %dma_wait3A_283] : memref<16384x1024xf32, #tpu.memory_space<hbm>> -> memref<16x1024xf32, #tpu.memory_space<hbm>>
    %dma_wait3A_285 = arith.constant 0 : i32
    %dma_wait3A_286 = arith.constant 0 : i32
    %dma_wait3A_287 = tpu.memref_slice %arg6[%dma_wait3A_276, %dma_wait3A_285, %dma_wait3A_286] : memref<4x16x1024xf32, #tpu.memory_space<vmem>> -> memref<1x16x1024xf32, #tpu.memory_space<vmem>>
    %dma_wait3A_288 = tpu.memref_squeeze %dma_wait3A_287 : memref<1x16x1024xf32, #tpu.memory_space<vmem>> -> memref<16x1024xf32, #tpu.memory_space<vmem>>
    tpu.wait_dma2 semaphore(%arg14 : memref<!tpu.dma_semaphore, #tpu.memory_space<semaphore_mem>>) src(%dma_wait3A_288 : memref<16x1024xf32, #tpu.memory_space<vmem>>) dst(%dma_wait3A_284 : memref<16x1024xf32, #tpu.memory_space<hbm>>)
    %dma_start3A_289 = arith.constant 3 : i32
    %dma_start3A_290 = arith.constant 0 : i32
    %dma_start3A_291 = arith.constant 0 : i32
    %dma_start3A_292 = tpu.memref_slice %arg6[%dma_start3A_289, %dma_start3A_290, %dma_start3A_291] : memref<4x16x1024xf32, #tpu.memory_space<vmem>> -> memref<1x16x1024xf32, #tpu.memory_space<vmem>>
    %dma_start3A_293 = tpu.memref_squeeze %dma_start3A_292 : memref<1x16x1024xf32, #tpu.memory_space<vmem>> -> memref<16x1024xf32, #tpu.memory_space<vmem>>
    %dma_start3A_294 = arith.constant 112 : i32
    %dma_start3A_295 = tpu.memref_slice %arg5[%dma_start3A_294] : memref<384xi32, #tpu.memory_space<vmem>> -> memref<16xi32, #tpu.memory_space<vmem>>
    %dma_start3A_296 = arith.constant 0 : i32
    %dma_start3A_297 = arith.constant 0 : i32
    %dma_start3A_298 = tpu.memref_slice %arg3[%dma_start3A_296, %dma_start3A_297] : memref<100000x1024xf32, #tpu.memory_space<hbm>> -> memref<100000x1024xf32, #tpu.memory_space<hbm>>
    tpu.enqueue_indirect_dma source(%dma_start3A_298 : memref<100000x1024xf32, #tpu.memory_space<hbm>>) target(%dma_start3A_293 : memref<16x1024xf32, #tpu.memory_space<vmem>>) offsets(%dma_start3A_295 : memref<16xi32, #tpu.memory_space<vmem>>) semaphore(%arg10 : memref<!tpu.dma_semaphore, #tpu.memory_space<semaphore_mem>>)
    %dma_wait3A_299 = arith.constant 1 : i32
    %dma_wait3A_300 = arith.constant 0 : i32
    %dma_wait3A_301 = arith.constant 0 : i32
    %dma_wait3A_302 = tpu.memref_slice %arg6[%dma_wait3A_299, %dma_wait3A_300, %dma_wait3A_301] : memref<4x16x1024xf32, #tpu.memory_space<vmem>> -> memref<1x16x1024xf32, #tpu.memory_space<vmem>>
    %dma_wait3A_303 = tpu.memref_squeeze %dma_wait3A_302 : memref<1x16x1024xf32, #tpu.memory_space<vmem>> -> memref<16x1024xf32, #tpu.memory_space<vmem>>
    %dma_wait3A_304 = arith.constant 80 : i32
    %dma_wait3A_305 = tpu.memref_slice %arg5[%dma_wait3A_304] : memref<384xi32, #tpu.memory_space<vmem>> -> memref<16xi32, #tpu.memory_space<vmem>>
    %dma_wait3A_306 = arith.constant 0 : i32
    %dma_wait3A_307 = arith.constant 0 : i32
    %dma_wait3A_308 = tpu.memref_slice %arg3[%dma_wait3A_306, %dma_wait3A_307] : memref<100000x1024xf32, #tpu.memory_space<hbm>> -> memref<100000x1024xf32, #tpu.memory_space<hbm>>
    tpu.wait_indirect_dma semaphore(%arg8 : memref<!tpu.dma_semaphore, #tpu.memory_space<semaphore_mem>>) src(%dma_wait3A_308 : memref<100000x1024xf32, #tpu.memory_space<hbm>>) dst(%dma_wait3A_303 : memref<16x1024xf32, #tpu.memory_space<vmem>>)
    %add3A_309 = arith.constant 80 : i32
    %add3A_310 = arith.addi %add3A_35, %add3A_309 : i32
    %dma_start3A_311 = arith.constant 1 : i32
    %dma_start3A_312 = arith.constant 0 : i32
    %dma_start3A_313 = arith.constant 0 : i32
    %dma_start3A_314 = tpu.memref_slice %arg6[%dma_start3A_311, %dma_start3A_312, %dma_start3A_313] : memref<4x16x1024xf32, #tpu.memory_space<vmem>> -> memref<1x16x1024xf32, #tpu.memory_space<vmem>>
    %dma_start3A_315 = tpu.memref_squeeze %dma_start3A_314 : memref<1x16x1024xf32, #tpu.memory_space<vmem>> -> memref<16x1024xf32, #tpu.memory_space<vmem>>
    %dma_start3A_316 = arith.constant 0 : i32
    %dma_start3A_317 = tpu.memref_slice %arg4[%add3A_310, %dma_start3A_316] : memref<16384x1024xf32, #tpu.memory_space<hbm>> -> memref<16x1024xf32, #tpu.memory_space<hbm>>
    %dma_start3A_318 = arith.constant 0 : i32
    %dma_start3A_319 = tpu.memref_slice %arg4[%add3A_310, %dma_start3A_318] : memref<16384x1024xf32, #tpu.memory_space<hbm>> -> memref<16x1024xf32, #tpu.memory_space<hbm>>
    %dma_start3A_320 = arith.constant 0 : i32
    %dma_start3A_321 = arith.constant 0 : i32
    %dma_start3A_322 = tpu.memref_slice %arg6[%dma_start3A_311, %dma_start3A_320, %dma_start3A_321] : memref<4x16x1024xf32, #tpu.memory_space<vmem>> -> memref<1x16x1024xf32, #tpu.memory_space<vmem>>
    %dma_start3A_323 = tpu.memref_squeeze %dma_start3A_322 : memref<1x16x1024xf32, #tpu.memory_space<vmem>> -> memref<16x1024xf32, #tpu.memory_space<vmem>>
    tpu.enqueue_dma source(%dma_start3A_323 : memref<16x1024xf32, #tpu.memory_space<vmem>>) target(%dma_start3A_319 : memref<16x1024xf32, #tpu.memory_space<hbm>>) target_semaphore(%arg12 : memref<!tpu.dma_semaphore, #tpu.memory_space<semaphore_mem>>)
    %add3A_324 = arith.constant 64 : i32
    %add3A_325 = arith.addi %add3A_35, %add3A_324 : i32
    %dma_wait3A_326 = arith.constant 0 : i32
    %dma_wait3A_327 = arith.constant 0 : i32
    %dma_wait3A_328 = arith.constant 0 : i32
    %dma_wait3A_329 = tpu.memref_slice %arg6[%dma_wait3A_326, %dma_wait3A_327, %dma_wait3A_328] : memref<4x16x1024xf32, #tpu.memory_space<vmem>> -> memref<1x16x1024xf32, #tpu.memory_space<vmem>>
    %dma_wait3A_330 = tpu.memref_squeeze %dma_wait3A_329 : memref<1x16x1024xf32, #tpu.memory_space<vmem>> -> memref<16x1024xf32, #tpu.memory_space<vmem>>
    %dma_wait3A_331 = arith.constant 0 : i32
    %dma_wait3A_332 = tpu.memref_slice %arg4[%add3A_325, %dma_wait3A_331] : memref<16384x1024xf32, #tpu.memory_space<hbm>> -> memref<16x1024xf32, #tpu.memory_space<hbm>>
    %dma_wait3A_333 = arith.constant 0 : i32
    %dma_wait3A_334 = tpu.memref_slice %arg4[%add3A_325, %dma_wait3A_333] : memref<16384x1024xf32, #tpu.memory_space<hbm>> -> memref<16x1024xf32, #tpu.memory_space<hbm>>
    %dma_wait3A_335 = arith.constant 0 : i32
    %dma_wait3A_336 = arith.constant 0 : i32
    %dma_wait3A_337 = tpu.memref_slice %arg6[%dma_wait3A_326, %dma_wait3A_335, %dma_wait3A_336] : memref<4x16x1024xf32, #tpu.memory_space<vmem>> -> memref<1x16x1024xf32, #tpu.memory_space<vmem>>
    %dma_wait3A_338 = tpu.memref_squeeze %dma_wait3A_337 : memref<1x16x1024xf32, #tpu.memory_space<vmem>> -> memref<16x1024xf32, #tpu.memory_space<vmem>>
    tpu.wait_dma2 semaphore(%arg11 : memref<!tpu.dma_semaphore, #tpu.memory_space<semaphore_mem>>) src(%dma_wait3A_338 : memref<16x1024xf32, #tpu.memory_space<vmem>>) dst(%dma_wait3A_334 : memref<16x1024xf32, #tpu.memory_space<hbm>>)
    %dma_start3A_339 = arith.constant 0 : i32
    %dma_start3A_340 = arith.constant 0 : i32
    %dma_start3A_341 = arith.constant 0 : i32
    %dma_start3A_342 = tpu.memref_slice %arg6[%dma_start3A_339, %dma_start3A_340, %dma_start3A_341] : memref<4x16x1024xf32, #tpu.memory_space<vmem>> -> memref<1x16x1024xf32, #tpu.memory_space<vmem>>
    %dma_start3A_343 = tpu.memref_squeeze %dma_start3A_342 : memref<1x16x1024xf32, #tpu.memory_space<vmem>> -> memref<16x1024xf32, #tpu.memory_space<vmem>>
    %dma_start3A_344 = arith.constant 128 : i32
    %dma_start3A_345 = tpu.memref_slice %arg5[%dma_start3A_344] : memref<384xi32, #tpu.memory_space<vmem>> -> memref<16xi32, #tpu.memory_space<vmem>>
    %dma_start3A_346 = arith.constant 0 : i32
    %dma_start3A_347 = arith.constant 0 : i32
    %dma_start3A_348 = tpu.memref_slice %arg3[%dma_start3A_346, %dma_start3A_347] : memref<100000x1024xf32, #tpu.memory_space<hbm>> -> memref<100000x1024xf32, #tpu.memory_space<hbm>>
    tpu.enqueue_indirect_dma source(%dma_start3A_348 : memref<100000x1024xf32, #tpu.memory_space<hbm>>) target(%dma_start3A_343 : memref<16x1024xf32, #tpu.memory_space<vmem>>) offsets(%dma_start3A_345 : memref<16xi32, #tpu.memory_space<vmem>>) semaphore(%arg7 : memref<!tpu.dma_semaphore, #tpu.memory_space<semaphore_mem>>)
    %dma_wait3A_349 = arith.constant 2 : i32
    %dma_wait3A_350 = arith.constant 0 : i32
    %dma_wait3A_351 = arith.constant 0 : i32
    %dma_wait3A_352 = tpu.memref_slice %arg6[%dma_wait3A_349, %dma_wait3A_350, %dma_wait3A_351] : memref<4x16x1024xf32, #tpu.memory_space<vmem>> -> memref<1x16x1024xf32, #tpu.memory_space<vmem>>
    %dma_wait3A_353 = tpu.memref_squeeze %dma_wait3A_352 : memref<1x16x1024xf32, #tpu.memory_space<vmem>> -> memref<16x1024xf32, #tpu.memory_space<vmem>>
    %dma_wait3A_354 = arith.constant 96 : i32
    %dma_wait3A_355 = tpu.memref_slice %arg5[%dma_wait3A_354] : memref<384xi32, #tpu.memory_space<vmem>> -> memref<16xi32, #tpu.memory_space<vmem>>
    %dma_wait3A_356 = arith.constant 0 : i32
    %dma_wait3A_357 = arith.constant 0 : i32
    %dma_wait3A_358 = tpu.memref_slice %arg3[%dma_wait3A_356, %dma_wait3A_357] : memref<100000x1024xf32, #tpu.memory_space<hbm>> -> memref<100000x1024xf32, #tpu.memory_space<hbm>>
    tpu.wait_indirect_dma semaphore(%arg9 : memref<!tpu.dma_semaphore, #tpu.memory_space<semaphore_mem>>) src(%dma_wait3A_358 : memref<100000x1024xf32, #tpu.memory_space<hbm>>) dst(%dma_wait3A_353 : memref<16x1024xf32, #tpu.memory_space<vmem>>)
    %add3A_359 = arith.constant 96 : i32
    %add3A_360 = arith.addi %add3A_35, %add3A_359 : i32
    %dma_start3A_361 = arith.constant 2 : i32
    %dma_start3A_362 = arith.constant 0 : i32
    %dma_start3A_363 = arith.constant 0 : i32
    %dma_start3A_364 = tpu.memref_slice %arg6[%dma_start3A_361, %dma_start3A_362, %dma_start3A_363] : memref<4x16x1024xf32, #tpu.memory_space<vmem>> -> memref<1x16x1024xf32, #tpu.memory_space<vmem>>
    %dma_start3A_365 = tpu.memref_squeeze %dma_start3A_364 : memref<1x16x1024xf32, #tpu.memory_space<vmem>> -> memref<16x1024xf32, #tpu.memory_space<vmem>>
    %dma_start3A_366 = arith.constant 0 : i32
    %dma_start3A_367 = tpu.memref_slice %arg4[%add3A_360, %dma_start3A_366] : memref<16384x1024xf32, #tpu.memory_space<hbm>> -> memref<16x1024xf32, #tpu.memory_space<hbm>>
    %dma_start3A_368 = arith.constant 0 : i32
    %dma_start3A_369 = tpu.memref_slice %arg4[%add3A_360, %dma_start3A_368] : memref<16384x1024xf32, #tpu.memory_space<hbm>> -> memref<16x1024xf32, #tpu.memory_space<hbm>>
    %dma_start3A_370 = arith.constant 0 : i32
    %dma_start3A_371 = arith.constant 0 : i32
    %dma_start3A_372 = tpu.memref_slice %arg6[%dma_start3A_361, %dma_start3A_370, %dma_start3A_371] : memref<4x16x1024xf32, #tpu.memory_space<vmem>> -> memref<1x16x1024xf32, #tpu.memory_space<vmem>>
    %dma_start3A_373 = tpu.memref_squeeze %dma_start3A_372 : memref<1x16x1024xf32, #tpu.memory_space<vmem>> -> memref<16x1024xf32, #tpu.memory_space<vmem>>
    tpu.enqueue_dma source(%dma_start3A_373 : memref<16x1024xf32, #tpu.memory_space<vmem>>) target(%dma_start3A_369 : memref<16x1024xf32, #tpu.memory_space<hbm>>) target_semaphore(%arg13 : memref<!tpu.dma_semaphore, #tpu.memory_space<semaphore_mem>>)
    %add3A_374 = arith.constant 80 : i32
    %add3A_375 = arith.addi %add3A_35, %add3A_374 : i32
    %dma_wait3A_376 = arith.constant 1 : i32
    %dma_wait3A_377 = arith.constant 0 : i32
    %dma_wait3A_378 = arith.constant 0 : i32
    %dma_wait3A_379 = tpu.memref_slice %arg6[%dma_wait3A_376, %dma_wait3A_377, %dma_wait3A_378] : memref<4x16x1024xf32, #tpu.memory_space<vmem>> -> memref<1x16x1024xf32, #tpu.memory_space<vmem>>
    %dma_wait3A_380 = tpu.memref_squeeze %dma_wait3A_379 : memref<1x16x1024xf32, #tpu.memory_space<vmem>> -> memref<16x1024xf32, #tpu.memory_space<vmem>>
    %dma_wait3A_381 = arith.constant 0 : i32
    %dma_wait3A_382 = tpu.memref_slice %arg4[%add3A_375, %dma_wait3A_381] : memref<16384x1024xf32, #tpu.memory_space<hbm>> -> memref<16x1024xf32, #tpu.memory_space<hbm>>
    %dma_wait3A_383 = arith.constant 0 : i32
    %dma_wait3A_384 = tpu.memref_slice %arg4[%add3A_375, %dma_wait3A_383] : memref<16384x1024xf32, #tpu.memory_space<hbm>> -> memref<16x1024xf32, #tpu.memory_space<hbm>>
    %dma_wait3A_385 = arith.constant 0 : i32
    %dma_wait3A_386 = arith.constant 0 : i32
    %dma_wait3A_387 = tpu.memref_slice %arg6[%dma_wait3A_376, %dma_wait3A_385, %dma_wait3A_386] : memref<4x16x1024xf32, #tpu.memory_space<vmem>> -> memref<1x16x1024xf32, #tpu.memory_space<vmem>>
    %dma_wait3A_388 = tpu.memref_squeeze %dma_wait3A_387 : memref<1x16x1024xf32, #tpu.memory_space<vmem>> -> memref<16x1024xf32, #tpu.memory_space<vmem>>
    tpu.wait_dma2 semaphore(%arg12 : memref<!tpu.dma_semaphore, #tpu.memory_space<semaphore_mem>>) src(%dma_wait3A_388 : memref<16x1024xf32, #tpu.memory_space<vmem>>) dst(%dma_wait3A_384 : memref<16x1024xf32, #tpu.memory_space<hbm>>)
    %dma_start3A_389 = arith.constant 1 : i32
    %dma_start3A_390 = arith.constant 0 : i32
    %dma_start3A_391 = arith.constant 0 : i32
    %dma_start3A_392 = tpu.memref_slice %arg6[%dma_start3A_389, %dma_start3A_390, %dma_start3A_391] : memref<4x16x1024xf32, #tpu.memory_space<vmem>> -> memref<1x16x1024xf32, #tpu.memory_space<vmem>>
    %dma_start3A_393 = tpu.memref_squeeze %dma_start3A_392 : memref<1x16x1024xf32, #tpu.memory_space<vmem>> -> memref<16x1024xf32, #tpu.memory_space<vmem>>
    %dma_start3A_394 = arith.constant 144 : i32
    %dma_start3A_395 = tpu.memref_slice %arg5[%dma_start3A_394] : memref<384xi32, #tpu.memory_space<vmem>> -> memref<16xi32, #tpu.memory_space<vmem>>
    %dma_start3A_396 = arith.constant 0 : i32
    %dma_start3A_397 = arith.constant 0 : i32
    %dma_start3A_398 = tpu.memref_slice %arg3[%dma_start3A_396, %dma_start3A_397] : memref<100000x1024xf32, #tpu.memory_space<hbm>> -> memref<100000x1024xf32, #tpu.memory_space<hbm>>
    tpu.enqueue_indirect_dma source(%dma_start3A_398 : memref<100000x1024xf32, #tpu.memory_space<hbm>>) target(%dma_start3A_393 : memref<16x1024xf32, #tpu.memory_space<vmem>>) offsets(%dma_start3A_395 : memref<16xi32, #tpu.memory_space<vmem>>) semaphore(%arg8 : memref<!tpu.dma_semaphore, #tpu.memory_space<semaphore_mem>>)
    %dma_wait3A_399 = arith.constant 3 : i32
    %dma_wait3A_400 = arith.constant 0 : i32
    %dma_wait3A_401 = arith.constant 0 : i32
    %dma_wait3A_402 = tpu.memref_slice %arg6[%dma_wait3A_399, %dma_wait3A_400, %dma_wait3A_401] : memref<4x16x1024xf32, #tpu.memory_space<vmem>> -> memref<1x16x1024xf32, #tpu.memory_space<vmem>>
    %dma_wait3A_403 = tpu.memref_squeeze %dma_wait3A_402 : memref<1x16x1024xf32, #tpu.memory_space<vmem>> -> memref<16x1024xf32, #tpu.memory_space<vmem>>
    %dma_wait3A_404 = arith.constant 112 : i32
    %dma_wait3A_405 = tpu.memref_slice %arg5[%dma_wait3A_404] : memref<384xi32, #tpu.memory_space<vmem>> -> memref<16xi32, #tpu.memory_space<vmem>>
    %dma_wait3A_406 = arith.constant 0 : i32
    %dma_wait3A_407 = arith.constant 0 : i32
    %dma_wait3A_408 = tpu.memref_slice %arg3[%dma_wait3A_406, %dma_wait3A_407] : memref<100000x1024xf32, #tpu.memory_space<hbm>> -> memref<100000x1024xf32, #tpu.memory_space<hbm>>
    tpu.wait_indirect_dma semaphore(%arg10 : memref<!tpu.dma_semaphore, #tpu.memory_space<semaphore_mem>>) src(%dma_wait3A_408 : memref<100000x1024xf32, #tpu.memory_space<hbm>>) dst(%dma_wait3A_403 : memref<16x1024xf32, #tpu.memory_space<vmem>>)
    %add3A_409 = arith.constant 112 : i32
    %add3A_410 = arith.addi %add3A_35, %add3A_409 : i32
    %dma_start3A_411 = arith.constant 3 : i32
    %dma_start3A_412 = arith.constant 0 : i32
    %dma_start3A_413 = arith.constant 0 : i32
    %dma_start3A_414 = tpu.memref_slice %arg6[%dma_start3A_411, %dma_start3A_412, %dma_start3A_413] : memref<4x16x1024xf32, #tpu.memory_space<vmem>> -> memref<1x16x1024xf32, #tpu.memory_space<vmem>>
    %dma_start3A_415 = tpu.memref_squeeze %dma_start3A_414 : memref<1x16x1024xf32, #tpu.memory_space<vmem>> -> memref<16x1024xf32, #tpu.memory_space<vmem>>
    %dma_start3A_416 = arith.constant 0 : i32
    %dma_start3A_417 = tpu.memref_slice %arg4[%add3A_410, %dma_start3A_416] : memref<16384x1024xf32, #tpu.memory_space<hbm>> -> memref<16x1024xf32, #tpu.memory_space<hbm>>
    %dma_start3A_418 = arith.constant 0 : i32
    %dma_start3A_419 = tpu.memref_slice %arg4[%add3A_410, %dma_start3A_418] : memref<16384x1024xf32, #tpu.memory_space<hbm>> -> memref<16x1024xf32, #tpu.memory_space<hbm>>
    %dma_start3A_420 = arith.constant 0 : i32
    %dma_start3A_421 = arith.constant 0 : i32
    %dma_start3A_422 = tpu.memref_slice %arg6[%dma_start3A_411, %dma_start3A_420, %dma_start3A_421] : memref<4x16x1024xf32, #tpu.memory_space<vmem>> -> memref<1x16x1024xf32, #tpu.memory_space<vmem>>
    %dma_start3A_423 = tpu.memref_squeeze %dma_start3A_422 : memref<1x16x1024xf32, #tpu.memory_space<vmem>> -> memref<16x1024xf32, #tpu.memory_space<vmem>>
    tpu.enqueue_dma source(%dma_start3A_423 : memref<16x1024xf32, #tpu.memory_space<vmem>>) target(%dma_start3A_419 : memref<16x1024xf32, #tpu.memory_space<hbm>>) target_semaphore(%arg14 : memref<!tpu.dma_semaphore, #tpu.memory_space<semaphore_mem>>)
    %add3A_424 = arith.constant 96 : i32
    %add3A_425 = arith.addi %add3A_35, %add3A_424 : i32
    %dma_wait3A_426 = arith.constant 2 : i32
    %dma_wait3A_427 = arith.constant 0 : i32
    %dma_wait3A_428 = arith.constant 0 : i32
    %dma_wait3A_429 = tpu.memref_slice %arg6[%dma_wait3A_426, %dma_wait3A_427, %dma_wait3A_428] : memref<4x16x1024xf32, #tpu.memory_space<vmem>> -> memref<1x16x1024xf32, #tpu.memory_space<vmem>>
    %dma_wait3A_430 = tpu.memref_squeeze %dma_wait3A_429 : memref<1x16x1024xf32, #tpu.memory_space<vmem>> -> memref<16x1024xf32, #tpu.memory_space<vmem>>
    %dma_wait3A_431 = arith.constant 0 : i32
    %dma_wait3A_432 = tpu.memref_slice %arg4[%add3A_425, %dma_wait3A_431] : memref<16384x1024xf32, #tpu.memory_space<hbm>> -> memref<16x1024xf32, #tpu.memory_space<hbm>>
    %dma_wait3A_433 = arith.constant 0 : i32
    %dma_wait3A_434 = tpu.memref_slice %arg4[%add3A_425, %dma_wait3A_433] : memref<16384x1024xf32, #tpu.memory_space<hbm>> -> memref<16x1024xf32, #tpu.memory_space<hbm>>
    %dma_wait3A_435 = arith.constant 0 : i32
    %dma_wait3A_436 = arith.constant 0 : i32
    %dma_wait3A_437 = tpu.memref_slice %arg6[%dma_wait3A_426, %dma_wait3A_435, %dma_wait3A_436] : memref<4x16x1024xf32, #tpu.memory_space<vmem>> -> memref<1x16x1024xf32, #tpu.memory_space<vmem>>
    %dma_wait3A_438 = tpu.memref_squeeze %dma_wait3A_437 : memref<1x16x1024xf32, #tpu.memory_space<vmem>> -> memref<16x1024xf32, #tpu.memory_space<vmem>>
    tpu.wait_dma2 semaphore(%arg13 : memref<!tpu.dma_semaphore, #tpu.memory_space<semaphore_mem>>) src(%dma_wait3A_438 : memref<16x1024xf32, #tpu.memory_space<vmem>>) dst(%dma_wait3A_434 : memref<16x1024xf32, #tpu.memory_space<hbm>>)
    %dma_start3A_439 = arith.constant 2 : i32
    %dma_start3A_440 = arith.constant 0 : i32
    %dma_start3A_441 = arith.constant 0 : i32
    %dma_start3A_442 = tpu.memref_slice %arg6[%dma_start3A_439, %dma_start3A_440, %dma_start3A_441] : memref<4x16x1024xf32, #tpu.memory_space<vmem>> -> memref<1x16x1024xf32, #tpu.memory_space<vmem>>
    %dma_start3A_443 = tpu.memref_squeeze %dma_start3A_442 : memref<1x16x1024xf32, #tpu.memory_space<vmem>> -> memref<16x1024xf32, #tpu.memory_space<vmem>>
    %dma_start3A_444 = arith.constant 160 : i32
    %dma_start3A_445 = tpu.memref_slice %arg5[%dma_start3A_444] : memref<384xi32, #tpu.memory_space<vmem>> -> memref<16xi32, #tpu.memory_space<vmem>>
    %dma_start3A_446 = arith.constant 0 : i32
    %dma_start3A_447 = arith.constant 0 : i32
    %dma_start3A_448 = tpu.memref_slice %arg3[%dma_start3A_446, %dma_start3A_447] : memref<100000x1024xf32, #tpu.memory_space<hbm>> -> memref<100000x1024xf32, #tpu.memory_space<hbm>>
    tpu.enqueue_indirect_dma source(%dma_start3A_448 : memref<100000x1024xf32, #tpu.memory_space<hbm>>) target(%dma_start3A_443 : memref<16x1024xf32, #tpu.memory_space<vmem>>) offsets(%dma_start3A_445 : memref<16xi32, #tpu.memory_space<vmem>>) semaphore(%arg9 : memref<!tpu.dma_semaphore, #tpu.memory_space<semaphore_mem>>)
    %dma_wait3A_449 = arith.constant 0 : i32
    %dma_wait3A_450 = arith.constant 0 : i32
    %dma_wait3A_451 = arith.constant 0 : i32
    %dma_wait3A_452 = tpu.memref_slice %arg6[%dma_wait3A_449, %dma_wait3A_450, %dma_wait3A_451] : memref<4x16x1024xf32, #tpu.memory_space<vmem>> -> memref<1x16x1024xf32, #tpu.memory_space<vmem>>
    %dma_wait3A_453 = tpu.memref_squeeze %dma_wait3A_452 : memref<1x16x1024xf32, #tpu.memory_space<vmem>> -> memref<16x1024xf32, #tpu.memory_space<vmem>>
    %dma_wait3A_454 = arith.constant 128 : i32
    %dma_wait3A_455 = tpu.memref_slice %arg5[%dma_wait3A_454] : memref<384xi32, #tpu.memory_space<vmem>> -> memref<16xi32, #tpu.memory_space<vmem>>
    %dma_wait3A_456 = arith.constant 0 : i32
    %dma_wait3A_457 = arith.constant 0 : i32
    %dma_wait3A_458 = tpu.memref_slice %arg3[%dma_wait3A_456, %dma_wait3A_457] : memref<100000x1024xf32, #tpu.memory_space<hbm>> -> memref<100000x1024xf32, #tpu.memory_space<hbm>>
    tpu.wait_indirect_dma semaphore(%arg7 : memref<!tpu.dma_semaphore, #tpu.memory_space<semaphore_mem>>) src(%dma_wait3A_458 : memref<100000x1024xf32, #tpu.memory_space<hbm>>) dst(%dma_wait3A_453 : memref<16x1024xf32, #tpu.memory_space<vmem>>)
    %add3A_459 = arith.constant 128 : i32
    %add3A_460 = arith.addi %add3A_35, %add3A_459 : i32
    %dma_start3A_461 = arith.constant 0 : i32
    %dma_start3A_462 = arith.constant 0 : i32
    %dma_start3A_463 = arith.constant 0 : i32
    %dma_start3A_464 = tpu.memref_slice %arg6[%dma_start3A_461, %dma_start3A_462, %dma_start3A_463] : memref<4x16x1024xf32, #tpu.memory_space<vmem>> -> memref<1x16x1024xf32, #tpu.memory_space<vmem>>
    %dma_start3A_465 = tpu.memref_squeeze %dma_start3A_464 : memref<1x16x1024xf32, #tpu.memory_space<vmem>> -> memref<16x1024xf32, #tpu.memory_space<vmem>>
    %dma_start3A_466 = arith.constant 0 : i32
    %dma_start3A_467 = tpu.memref_slice %arg4[%add3A_460, %dma_start3A_466] : memref<16384x1024xf32, #tpu.memory_space<hbm>> -> memref<16x1024xf32, #tpu.memory_space<hbm>>
    %dma_start3A_468 = arith.constant 0 : i32
    %dma_start3A_469 = tpu.memref_slice %arg4[%add3A_460, %dma_start3A_468] : memref<16384x1024xf32, #tpu.memory_space<hbm>> -> memref<16x1024xf32, #tpu.memory_space<hbm>>
    %dma_start3A_470 = arith.constant 0 : i32
    %dma_start3A_471 = arith.constant 0 : i32
    %dma_start3A_472 = tpu.memref_slice %arg6[%dma_start3A_461, %dma_start3A_470, %dma_start3A_471] : memref<4x16x1024xf32, #tpu.memory_space<vmem>> -> memref<1x16x1024xf32, #tpu.memory_space<vmem>>
    %dma_start3A_473 = tpu.memref_squeeze %dma_start3A_472 : memref<1x16x1024xf32, #tpu.memory_space<vmem>> -> memref<16x1024xf32, #tpu.memory_space<vmem>>
    tpu.enqueue_dma source(%dma_start3A_473 : memref<16x1024xf32, #tpu.memory_space<vmem>>) target(%dma_start3A_469 : memref<16x1024xf32, #tpu.memory_space<hbm>>) target_semaphore(%arg11 : memref<!tpu.dma_semaphore, #tpu.memory_space<semaphore_mem>>)
    %add3A_474 = arith.constant 112 : i32
    %add3A_475 = arith.addi %add3A_35, %add3A_474 : i32
    %dma_wait3A_476 = arith.constant 3 : i32
    %dma_wait3A_477 = arith.constant 0 : i32
    %dma_wait3A_478 = arith.constant 0 : i32
    %dma_wait3A_479 = tpu.memref_slice %arg6[%dma_wait3A_476, %dma_wait3A_477, %dma_wait3A_478] : memref<4x16x1024xf32, #tpu.memory_space<vmem>> -> memref<1x16x1024xf32, #tpu.memory_space<vmem>>
    %dma_wait3A_480 = tpu.memref_squeeze %dma_wait3A_479 : memref<1x16x1024xf32, #tpu.memory_space<vmem>> -> memref<16x1024xf32, #tpu.memory_space<vmem>>
    %dma_wait3A_481 = arith.constant 0 : i32
    %dma_wait3A_482 = tpu.memref_slice %arg4[%add3A_475, %dma_wait3A_481] : memref<16384x1024xf32, #tpu.memory_space<hbm>> -> memref<16x1024xf32, #tpu.memory_space<hbm>>
    %dma_wait3A_483 = arith.constant 0 : i32
    %dma_wait3A_484 = tpu.memref_slice %arg4[%add3A_475, %dma_wait3A_483] : memref<16384x1024xf32, #tpu.memory_space<hbm>> -> memref<16x1024xf32, #tpu.memory_space<hbm>>
    %dma_wait3A_485 = arith.constant 0 : i32
    %dma_wait3A_486 = arith.constant 0 : i32
    %dma_wait3A_487 = tpu.memref_slice %arg6[%dma_wait3A_476, %dma_wait3A_485, %dma_wait3A_486] : memref<4x16x1024xf32, #tpu.memory_space<vmem>> -> memref<1x16x1024xf32, #tpu.memory_space<vmem>>
    %dma_wait3A_488 = tpu.memref_squeeze %dma_wait3A_487 : memref<1x16x1024xf32, #tpu.memory_space<vmem>> -> memref<16x1024xf32, #tpu.memory_space<vmem>>
    tpu.wait_dma2 semaphore(%arg14 : memref<!tpu.dma_semaphore, #tpu.memory_space<semaphore_mem>>) src(%dma_wait3A_488 : memref<16x1024xf32, #tpu.memory_space<vmem>>) dst(%dma_wait3A_484 : memref<16x1024xf32, #tpu.memory_space<hbm>>)
    %dma_start3A_489 = arith.constant 3 : i32
    %dma_start3A_490 = arith.constant 0 : i32
    %dma_start3A_491 = arith.constant 0 : i32
    %dma_start3A_492 = tpu.memref_slice %arg6[%dma_start3A_489, %dma_start3A_490, %dma_start3A_491] : memref<4x16x1024xf32, #tpu.memory_space<vmem>> -> memref<1x16x1024xf32, #tpu.memory_space<vmem>>
    %dma_start3A_493 = tpu.memref_squeeze %dma_start3A_492 : memref<1x16x1024xf32, #tpu.memory_space<vmem>> -> memref<16x1024xf32, #tpu.memory_space<vmem>>
    %dma_start3A_494 = arith.constant 176 : i32
    %dma_start3A_495 = tpu.memref_slice %arg5[%dma_start3A_494] : memref<384xi32, #tpu.memory_space<vmem>> -> memref<16xi32, #tpu.memory_space<vmem>>
    %dma_start3A_496 = arith.constant 0 : i32
    %dma_start3A_497 = arith.constant 0 : i32
    %dma_start3A_498 = tpu.memref_slice %arg3[%dma_start3A_496, %dma_start3A_497] : memref<100000x1024xf32, #tpu.memory_space<hbm>> -> memref<100000x1024xf32, #tpu.memory_space<hbm>>
    tpu.enqueue_indirect_dma source(%dma_start3A_498 : memref<100000x1024xf32, #tpu.memory_space<hbm>>) target(%dma_start3A_493 : memref<16x1024xf32, #tpu.memory_space<vmem>>) offsets(%dma_start3A_495 : memref<16xi32, #tpu.memory_space<vmem>>) semaphore(%arg10 : memref<!tpu.dma_semaphore, #tpu.memory_space<semaphore_mem>>)
    %dma_wait3A_499 = arith.constant 1 : i32
    %dma_wait3A_500 = arith.constant 0 : i32
    %dma_wait3A_501 = arith.constant 0 : i32
    %dma_wait3A_502 = tpu.memref_slice %arg6[%dma_wait3A_499, %dma_wait3A_500, %dma_wait3A_501] : memref<4x16x1024xf32, #tpu.memory_space<vmem>> -> memref<1x16x1024xf32, #tpu.memory_space<vmem>>
    %dma_wait3A_503 = tpu.memref_squeeze %dma_wait3A_502 : memref<1x16x1024xf32, #tpu.memory_space<vmem>> -> memref<16x1024xf32, #tpu.memory_space<vmem>>
    %dma_wait3A_504 = arith.constant 144 : i32
    %dma_wait3A_505 = tpu.memref_slice %arg5[%dma_wait3A_504] : memref<384xi32, #tpu.memory_space<vmem>> -> memref<16xi32, #tpu.memory_space<vmem>>
    %dma_wait3A_506 = arith.constant 0 : i32
    %dma_wait3A_507 = arith.constant 0 : i32
    %dma_wait3A_508 = tpu.memref_slice %arg3[%dma_wait3A_506, %dma_wait3A_507] : memref<100000x1024xf32, #tpu.memory_space<hbm>> -> memref<100000x1024xf32, #tpu.memory_space<hbm>>
    tpu.wait_indirect_dma semaphore(%arg8 : memref<!tpu.dma_semaphore, #tpu.memory_space<semaphore_mem>>) src(%dma_wait3A_508 : memref<100000x1024xf32, #tpu.memory_space<hbm>>) dst(%dma_wait3A_503 : memref<16x1024xf32, #tpu.memory_space<vmem>>)
    %add3A_509 = arith.constant 144 : i32
    %add3A_510 = arith.addi %add3A_35, %add3A_509 : i32
    %dma_start3A_511 = arith.constant 1 : i32
    %dma_start3A_512 = arith.constant 0 : i32
    %dma_start3A_513 = arith.constant 0 : i32
    %dma_start3A_514 = tpu.memref_slice %arg6[%dma_start3A_511, %dma_start3A_512, %dma_start3A_513] : memref<4x16x1024xf32, #tpu.memory_space<vmem>> -> memref<1x16x1024xf32, #tpu.memory_space<vmem>>
    %dma_start3A_515 = tpu.memref_squeeze %dma_start3A_514 : memref<1x16x1024xf32, #tpu.memory_space<vmem>> -> memref<16x1024xf32, #tpu.memory_space<vmem>>
    %dma_start3A_516 = arith.constant 0 : i32
    %dma_start3A_517 = tpu.memref_slice %arg4[%add3A_510, %dma_start3A_516] : memref<16384x1024xf32, #tpu.memory_space<hbm>> -> memref<16x1024xf32, #tpu.memory_space<hbm>>
    %dma_start3A_518 = arith.constant 0 : i32
    %dma_start3A_519 = tpu.memref_slice %arg4[%add3A_510, %dma_start3A_518] : memref<16384x1024xf32, #tpu.memory_space<hbm>> -> memref<16x1024xf32, #tpu.memory_space<hbm>>
    %dma_start3A_520 = arith.constant 0 : i32
    %dma_start3A_521 = arith.constant 0 : i32
    %dma_start3A_522 = tpu.memref_slice %arg6[%dma_start3A_511, %dma_start3A_520, %dma_start3A_521] : memref<4x16x1024xf32, #tpu.memory_space<vmem>> -> memref<1x16x1024xf32, #tpu.memory_space<vmem>>
    %dma_start3A_523 = tpu.memref_squeeze %dma_start3A_522 : memref<1x16x1024xf32, #tpu.memory_space<vmem>> -> memref<16x1024xf32, #tpu.memory_space<vmem>>
    tpu.enqueue_dma source(%dma_start3A_523 : memref<16x1024xf32, #tpu.memory_space<vmem>>) target(%dma_start3A_519 : memref<16x1024xf32, #tpu.memory_space<hbm>>) target_semaphore(%arg12 : memref<!tpu.dma_semaphore, #tpu.memory_space<semaphore_mem>>)
    %add3A_524 = arith.constant 128 : i32
    %add3A_525 = arith.addi %add3A_35, %add3A_524 : i32
    %dma_wait3A_526 = arith.constant 0 : i32
    %dma_wait3A_527 = arith.constant 0 : i32
    %dma_wait3A_528 = arith.constant 0 : i32
    %dma_wait3A_529 = tpu.memref_slice %arg6[%dma_wait3A_526, %dma_wait3A_527, %dma_wait3A_528] : memref<4x16x1024xf32, #tpu.memory_space<vmem>> -> memref<1x16x1024xf32, #tpu.memory_space<vmem>>
    %dma_wait3A_530 = tpu.memref_squeeze %dma_wait3A_529 : memref<1x16x1024xf32, #tpu.memory_space<vmem>> -> memref<16x1024xf32, #tpu.memory_space<vmem>>
    %dma_wait3A_531 = arith.constant 0 : i32
    %dma_wait3A_532 = tpu.memref_slice %arg4[%add3A_525, %dma_wait3A_531] : memref<16384x1024xf32, #tpu.memory_space<hbm>> -> memref<16x1024xf32, #tpu.memory_space<hbm>>
    %dma_wait3A_533 = arith.constant 0 : i32
    %dma_wait3A_534 = tpu.memref_slice %arg4[%add3A_525, %dma_wait3A_533] : memref<16384x1024xf32, #tpu.memory_space<hbm>> -> memref<16x1024xf32, #tpu.memory_space<hbm>>
    %dma_wait3A_535 = arith.constant 0 : i32
    %dma_wait3A_536 = arith.constant 0 : i32
    %dma_wait3A_537 = tpu.memref_slice %arg6[%dma_wait3A_526, %dma_wait3A_535, %dma_wait3A_536] : memref<4x16x1024xf32, #tpu.memory_space<vmem>> -> memref<1x16x1024xf32, #tpu.memory_space<vmem>>
    %dma_wait3A_538 = tpu.memref_squeeze %dma_wait3A_537 : memref<1x16x1024xf32, #tpu.memory_space<vmem>> -> memref<16x1024xf32, #tpu.memory_space<vmem>>
    tpu.wait_dma2 semaphore(%arg11 : memref<!tpu.dma_semaphore, #tpu.memory_space<semaphore_mem>>) src(%dma_wait3A_538 : memref<16x1024xf32, #tpu.memory_space<vmem>>) dst(%dma_wait3A_534 : memref<16x1024xf32, #tpu.memory_space<hbm>>)
    %dma_start3A_539 = arith.constant 0 : i32
    %dma_start3A_540 = arith.constant 0 : i32
    %dma_start3A_541 = arith.constant 0 : i32
    %dma_start3A_542 = tpu.memref_slice %arg6[%dma_start3A_539, %dma_start3A_540, %dma_start3A_541] : memref<4x16x1024xf32, #tpu.memory_space<vmem>> -> memref<1x16x1024xf32, #tpu.memory_space<vmem>>
    %dma_start3A_543 = tpu.memref_squeeze %dma_start3A_542 : memref<1x16x1024xf32, #tpu.memory_space<vmem>> -> memref<16x1024xf32, #tpu.memory_space<vmem>>
    %dma_start3A_544 = arith.constant 192 : i32
    %dma_start3A_545 = tpu.memref_slice %arg5[%dma_start3A_544] : memref<384xi32, #tpu.memory_space<vmem>> -> memref<16xi32, #tpu.memory_space<vmem>>
    %dma_start3A_546 = arith.constant 0 : i32
    %dma_start3A_547 = arith.constant 0 : i32
    %dma_start3A_548 = tpu.memref_slice %arg3[%dma_start3A_546, %dma_start3A_547] : memref<100000x1024xf32, #tpu.memory_space<hbm>> -> memref<100000x1024xf32, #tpu.memory_space<hbm>>
    tpu.enqueue_indirect_dma source(%dma_start3A_548 : memref<100000x1024xf32, #tpu.memory_space<hbm>>) target(%dma_start3A_543 : memref<16x1024xf32, #tpu.memory_space<vmem>>) offsets(%dma_start3A_545 : memref<16xi32, #tpu.memory_space<vmem>>) semaphore(%arg7 : memref<!tpu.dma_semaphore, #tpu.memory_space<semaphore_mem>>)
    %dma_wait3A_549 = arith.constant 2 : i32
    %dma_wait3A_550 = arith.constant 0 : i32
    %dma_wait3A_551 = arith.constant 0 : i32
    %dma_wait3A_552 = tpu.memref_slice %arg6[%dma_wait3A_549, %dma_wait3A_550, %dma_wait3A_551] : memref<4x16x1024xf32, #tpu.memory_space<vmem>> -> memref<1x16x1024xf32, #tpu.memory_space<vmem>>
    %dma_wait3A_553 = tpu.memref_squeeze %dma_wait3A_552 : memref<1x16x1024xf32, #tpu.memory_space<vmem>> -> memref<16x1024xf32, #tpu.memory_space<vmem>>
    %dma_wait3A_554 = arith.constant 160 : i32
    %dma_wait3A_555 = tpu.memref_slice %arg5[%dma_wait3A_554] : memref<384xi32, #tpu.memory_space<vmem>> -> memref<16xi32, #tpu.memory_space<vmem>>
    %dma_wait3A_556 = arith.constant 0 : i32
    %dma_wait3A_557 = arith.constant 0 : i32
    %dma_wait3A_558 = tpu.memref_slice %arg3[%dma_wait3A_556, %dma_wait3A_557] : memref<100000x1024xf32, #tpu.memory_space<hbm>> -> memref<100000x1024xf32, #tpu.memory_space<hbm>>
    tpu.wait_indirect_dma semaphore(%arg9 : memref<!tpu.dma_semaphore, #tpu.memory_space<semaphore_mem>>) src(%dma_wait3A_558 : memref<100000x1024xf32, #tpu.memory_space<hbm>>) dst(%dma_wait3A_553 : memref<16x1024xf32, #tpu.memory_space<vmem>>)
    %add3A_559 = arith.constant 160 : i32
    %add3A_560 = arith.addi %add3A_35, %add3A_559 : i32
    %dma_start3A_561 = arith.constant 2 : i32
    %dma_start3A_562 = arith.constant 0 : i32
    %dma_start3A_563 = arith.constant 0 : i32
    %dma_start3A_564 = tpu.memref_slice %arg6[%dma_start3A_561, %dma_start3A_562, %dma_start3A_563] : memref<4x16x1024xf32, #tpu.memory_space<vmem>> -> memref<1x16x1024xf32, #tpu.memory_space<vmem>>
    %dma_start3A_565 = tpu.memref_squeeze %dma_start3A_564 : memref<1x16x1024xf32, #tpu.memory_space<vmem>> -> memref<16x1024xf32, #tpu.memory_space<vmem>>
    %dma_start3A_566 = arith.constant 0 : i32
    %dma_start3A_567 = tpu.memref_slice %arg4[%add3A_560, %dma_start3A_566] : memref<16384x1024xf32, #tpu.memory_space<hbm>> -> memref<16x1024xf32, #tpu.memory_space<hbm>>
    %dma_start3A_568 = arith.constant 0 : i32
    %dma_start3A_569 = tpu.memref_slice %arg4[%add3A_560, %dma_start3A_568] : memref<16384x1024xf32, #tpu.memory_space<hbm>> -> memref<16x1024xf32, #tpu.memory_space<hbm>>
    %dma_start3A_570 = arith.constant 0 : i32
    %dma_start3A_571 = arith.constant 0 : i32
    %dma_start3A_572 = tpu.memref_slice %arg6[%dma_start3A_561, %dma_start3A_570, %dma_start3A_571] : memref<4x16x1024xf32, #tpu.memory_space<vmem>> -> memref<1x16x1024xf32, #tpu.memory_space<vmem>>
    %dma_start3A_573 = tpu.memref_squeeze %dma_start3A_572 : memref<1x16x1024xf32, #tpu.memory_space<vmem>> -> memref<16x1024xf32, #tpu.memory_space<vmem>>
    tpu.enqueue_dma source(%dma_start3A_573 : memref<16x1024xf32, #tpu.memory_space<vmem>>) target(%dma_start3A_569 : memref<16x1024xf32, #tpu.memory_space<hbm>>) target_semaphore(%arg13 : memref<!tpu.dma_semaphore, #tpu.memory_space<semaphore_mem>>)
    %add3A_574 = arith.constant 144 : i32
    %add3A_575 = arith.addi %add3A_35, %add3A_574 : i32
    %dma_wait3A_576 = arith.constant 1 : i32
    %dma_wait3A_577 = arith.constant 0 : i32
    %dma_wait3A_578 = arith.constant 0 : i32
    %dma_wait3A_579 = tpu.memref_slice %arg6[%dma_wait3A_576, %dma_wait3A_577, %dma_wait3A_578] : memref<4x16x1024xf32, #tpu.memory_space<vmem>> -> memref<1x16x1024xf32, #tpu.memory_space<vmem>>
    %dma_wait3A_580 = tpu.memref_squeeze %dma_wait3A_579 : memref<1x16x1024xf32, #tpu.memory_space<vmem>> -> memref<16x1024xf32, #tpu.memory_space<vmem>>
    %dma_wait3A_581 = arith.constant 0 : i32
    %dma_wait3A_582 = tpu.memref_slice %arg4[%add3A_575, %dma_wait3A_581] : memref<16384x1024xf32, #tpu.memory_space<hbm>> -> memref<16x1024xf32, #tpu.memory_space<hbm>>
    %dma_wait3A_583 = arith.constant 0 : i32
    %dma_wait3A_584 = tpu.memref_slice %arg4[%add3A_575, %dma_wait3A_583] : memref<16384x1024xf32, #tpu.memory_space<hbm>> -> memref<16x1024xf32, #tpu.memory_space<hbm>>
    %dma_wait3A_585 = arith.constant 0 : i32
    %dma_wait3A_586 = arith.constant 0 : i32
    %dma_wait3A_587 = tpu.memref_slice %arg6[%dma_wait3A_576, %dma_wait3A_585, %dma_wait3A_586] : memref<4x16x1024xf32, #tpu.memory_space<vmem>> -> memref<1x16x1024xf32, #tpu.memory_space<vmem>>
    %dma_wait3A_588 = tpu.memref_squeeze %dma_wait3A_587 : memref<1x16x1024xf32, #tpu.memory_space<vmem>> -> memref<16x1024xf32, #tpu.memory_space<vmem>>
    tpu.wait_dma2 semaphore(%arg12 : memref<!tpu.dma_semaphore, #tpu.memory_space<semaphore_mem>>) src(%dma_wait3A_588 : memref<16x1024xf32, #tpu.memory_space<vmem>>) dst(%dma_wait3A_584 : memref<16x1024xf32, #tpu.memory_space<hbm>>)
    %dma_start3A_589 = arith.constant 1 : i32
    %dma_start3A_590 = arith.constant 0 : i32
    %dma_start3A_591 = arith.constant 0 : i32
    %dma_start3A_592 = tpu.memref_slice %arg6[%dma_start3A_589, %dma_start3A_590, %dma_start3A_591] : memref<4x16x1024xf32, #tpu.memory_space<vmem>> -> memref<1x16x1024xf32, #tpu.memory_space<vmem>>
    %dma_start3A_593 = tpu.memref_squeeze %dma_start3A_592 : memref<1x16x1024xf32, #tpu.memory_space<vmem>> -> memref<16x1024xf32, #tpu.memory_space<vmem>>
    %dma_start3A_594 = arith.constant 208 : i32
    %dma_start3A_595 = tpu.memref_slice %arg5[%dma_start3A_594] : memref<384xi32, #tpu.memory_space<vmem>> -> memref<16xi32, #tpu.memory_space<vmem>>
    %dma_start3A_596 = arith.constant 0 : i32
    %dma_start3A_597 = arith.constant 0 : i32
    %dma_start3A_598 = tpu.memref_slice %arg3[%dma_start3A_596, %dma_start3A_597] : memref<100000x1024xf32, #tpu.memory_space<hbm>> -> memref<100000x1024xf32, #tpu.memory_space<hbm>>
    tpu.enqueue_indirect_dma source(%dma_start3A_598 : memref<100000x1024xf32, #tpu.memory_space<hbm>>) target(%dma_start3A_593 : memref<16x1024xf32, #tpu.memory_space<vmem>>) offsets(%dma_start3A_595 : memref<16xi32, #tpu.memory_space<vmem>>) semaphore(%arg8 : memref<!tpu.dma_semaphore, #tpu.memory_space<semaphore_mem>>)
    %dma_wait3A_599 = arith.constant 3 : i32
    %dma_wait3A_600 = arith.constant 0 : i32
    %dma_wait3A_601 = arith.constant 0 : i32
    %dma_wait3A_602 = tpu.memref_slice %arg6[%dma_wait3A_599, %dma_wait3A_600, %dma_wait3A_601] : memref<4x16x1024xf32, #tpu.memory_space<vmem>> -> memref<1x16x1024xf32, #tpu.memory_space<vmem>>
    %dma_wait3A_603 = tpu.memref_squeeze %dma_wait3A_602 : memref<1x16x1024xf32, #tpu.memory_space<vmem>> -> memref<16x1024xf32, #tpu.memory_space<vmem>>
    %dma_wait3A_604 = arith.constant 176 : i32
    %dma_wait3A_605 = tpu.memref_slice %arg5[%dma_wait3A_604] : memref<384xi32, #tpu.memory_space<vmem>> -> memref<16xi32, #tpu.memory_space<vmem>>
    %dma_wait3A_606 = arith.constant 0 : i32
    %dma_wait3A_607 = arith.constant 0 : i32
    %dma_wait3A_608 = tpu.memref_slice %arg3[%dma_wait3A_606, %dma_wait3A_607] : memref<100000x1024xf32, #tpu.memory_space<hbm>> -> memref<100000x1024xf32, #tpu.memory_space<hbm>>
    tpu.wait_indirect_dma semaphore(%arg10 : memref<!tpu.dma_semaphore, #tpu.memory_space<semaphore_mem>>) src(%dma_wait3A_608 : memref<100000x1024xf32, #tpu.memory_space<hbm>>) dst(%dma_wait3A_603 : memref<16x1024xf32, #tpu.memory_space<vmem>>)
    %add3A_609 = arith.constant 176 : i32
    %add3A_610 = arith.addi %add3A_35, %add3A_609 : i32
    %dma_start3A_611 = arith.constant 3 : i32
    %dma_start3A_612 = arith.constant 0 : i32
    %dma_start3A_613 = arith.constant 0 : i32
    %dma_start3A_614 = tpu.memref_slice %arg6[%dma_start3A_611, %dma_start3A_612, %dma_start3A_613] : memref<4x16x1024xf32, #tpu.memory_space<vmem>> -> memref<1x16x1024xf32, #tpu.memory_space<vmem>>
    %dma_start3A_615 = tpu.memref_squeeze %dma_start3A_614 : memref<1x16x1024xf32, #tpu.memory_space<vmem>> -> memref<16x1024xf32, #tpu.memory_space<vmem>>
    %dma_start3A_616 = arith.constant 0 : i32
    %dma_start3A_617 = tpu.memref_slice %arg4[%add3A_610, %dma_start3A_616] : memref<16384x1024xf32, #tpu.memory_space<hbm>> -> memref<16x1024xf32, #tpu.memory_space<hbm>>
    %dma_start3A_618 = arith.constant 0 : i32
    %dma_start3A_619 = tpu.memref_slice %arg4[%add3A_610, %dma_start3A_618] : memref<16384x1024xf32, #tpu.memory_space<hbm>> -> memref<16x1024xf32, #tpu.memory_space<hbm>>
    %dma_start3A_620 = arith.constant 0 : i32
    %dma_start3A_621 = arith.constant 0 : i32
    %dma_start3A_622 = tpu.memref_slice %arg6[%dma_start3A_611, %dma_start3A_620, %dma_start3A_621] : memref<4x16x1024xf32, #tpu.memory_space<vmem>> -> memref<1x16x1024xf32, #tpu.memory_space<vmem>>
    %dma_start3A_623 = tpu.memref_squeeze %dma_start3A_622 : memref<1x16x1024xf32, #tpu.memory_space<vmem>> -> memref<16x1024xf32, #tpu.memory_space<vmem>>
    tpu.enqueue_dma source(%dma_start3A_623 : memref<16x1024xf32, #tpu.memory_space<vmem>>) target(%dma_start3A_619 : memref<16x1024xf32, #tpu.memory_space<hbm>>) target_semaphore(%arg14 : memref<!tpu.dma_semaphore, #tpu.memory_space<semaphore_mem>>)
    %add3A_624 = arith.constant 160 : i32
    %add3A_625 = arith.addi %add3A_35, %add3A_624 : i32
    %dma_wait3A_626 = arith.constant 2 : i32
    %dma_wait3A_627 = arith.constant 0 : i32
    %dma_wait3A_628 = arith.constant 0 : i32
    %dma_wait3A_629 = tpu.memref_slice %arg6[%dma_wait3A_626, %dma_wait3A_627, %dma_wait3A_628] : memref<4x16x1024xf32, #tpu.memory_space<vmem>> -> memref<1x16x1024xf32, #tpu.memory_space<vmem>>
    %dma_wait3A_630 = tpu.memref_squeeze %dma_wait3A_629 : memref<1x16x1024xf32, #tpu.memory_space<vmem>> -> memref<16x1024xf32, #tpu.memory_space<vmem>>
    %dma_wait3A_631 = arith.constant 0 : i32
    %dma_wait3A_632 = tpu.memref_slice %arg4[%add3A_625, %dma_wait3A_631] : memref<16384x1024xf32, #tpu.memory_space<hbm>> -> memref<16x1024xf32, #tpu.memory_space<hbm>>
    %dma_wait3A_633 = arith.constant 0 : i32
    %dma_wait3A_634 = tpu.memref_slice %arg4[%add3A_625, %dma_wait3A_633] : memref<16384x1024xf32, #tpu.memory_space<hbm>> -> memref<16x1024xf32, #tpu.memory_space<hbm>>
    %dma_wait3A_635 = arith.constant 0 : i32
    %dma_wait3A_636 = arith.constant 0 : i32
    %dma_wait3A_637 = tpu.memref_slice %arg6[%dma_wait3A_626, %dma_wait3A_635, %dma_wait3A_636] : memref<4x16x1024xf32, #tpu.memory_space<vmem>> -> memref<1x16x1024xf32, #tpu.memory_space<vmem>>
    %dma_wait3A_638 = tpu.memref_squeeze %dma_wait3A_637 : memref<1x16x1024xf32, #tpu.memory_space<vmem>> -> memref<16x1024xf32, #tpu.memory_space<vmem>>
    tpu.wait_dma2 semaphore(%arg13 : memref<!tpu.dma_semaphore, #tpu.memory_space<semaphore_mem>>) src(%dma_wait3A_638 : memref<16x1024xf32, #tpu.memory_space<vmem>>) dst(%dma_wait3A_634 : memref<16x1024xf32, #tpu.memory_space<hbm>>)
    %dma_start3A_639 = arith.constant 2 : i32
    %dma_start3A_640 = arith.constant 0 : i32
    %dma_start3A_641 = arith.constant 0 : i32
    %dma_start3A_642 = tpu.memref_slice %arg6[%dma_start3A_639, %dma_start3A_640, %dma_start3A_641] : memref<4x16x1024xf32, #tpu.memory_space<vmem>> -> memref<1x16x1024xf32, #tpu.memory_space<vmem>>
    %dma_start3A_643 = tpu.memref_squeeze %dma_start3A_642 : memref<1x16x1024xf32, #tpu.memory_space<vmem>> -> memref<16x1024xf32, #tpu.memory_space<vmem>>
    %dma_start3A_644 = arith.constant 224 : i32
    %dma_start3A_645 = tpu.memref_slice %arg5[%dma_start3A_644] : memref<384xi32, #tpu.memory_space<vmem>> -> memref<16xi32, #tpu.memory_space<vmem>>
    %dma_start3A_646 = arith.constant 0 : i32
    %dma_start3A_647 = arith.constant 0 : i32
    %dma_start3A_648 = tpu.memref_slice %arg3[%dma_start3A_646, %dma_start3A_647] : memref<100000x1024xf32, #tpu.memory_space<hbm>> -> memref<100000x1024xf32, #tpu.memory_space<hbm>>
    tpu.enqueue_indirect_dma source(%dma_start3A_648 : memref<100000x1024xf32, #tpu.memory_space<hbm>>) target(%dma_start3A_643 : memref<16x1024xf32, #tpu.memory_space<vmem>>) offsets(%dma_start3A_645 : memref<16xi32, #tpu.memory_space<vmem>>) semaphore(%arg9 : memref<!tpu.dma_semaphore, #tpu.memory_space<semaphore_mem>>)
    %dma_wait3A_649 = arith.constant 0 : i32
    %dma_wait3A_650 = arith.constant 0 : i32
    %dma_wait3A_651 = arith.constant 0 : i32
    %dma_wait3A_652 = tpu.memref_slice %arg6[%dma_wait3A_649, %dma_wait3A_650, %dma_wait3A_651] : memref<4x16x1024xf32, #tpu.memory_space<vmem>> -> memref<1x16x1024xf32, #tpu.memory_space<vmem>>
    %dma_wait3A_653 = tpu.memref_squeeze %dma_wait3A_652 : memref<1x16x1024xf32, #tpu.memory_space<vmem>> -> memref<16x1024xf32, #tpu.memory_space<vmem>>
    %dma_wait3A_654 = arith.constant 192 : i32
    %dma_wait3A_655 = tpu.memref_slice %arg5[%dma_wait3A_654] : memref<384xi32, #tpu.memory_space<vmem>> -> memref<16xi32, #tpu.memory_space<vmem>>
    %dma_wait3A_656 = arith.constant 0 : i32
    %dma_wait3A_657 = arith.constant 0 : i32
    %dma_wait3A_658 = tpu.memref_slice %arg3[%dma_wait3A_656, %dma_wait3A_657] : memref<100000x1024xf32, #tpu.memory_space<hbm>> -> memref<100000x1024xf32, #tpu.memory_space<hbm>>
    tpu.wait_indirect_dma semaphore(%arg7 : memref<!tpu.dma_semaphore, #tpu.memory_space<semaphore_mem>>) src(%dma_wait3A_658 : memref<100000x1024xf32, #tpu.memory_space<hbm>>) dst(%dma_wait3A_653 : memref<16x1024xf32, #tpu.memory_space<vmem>>)
    %add3A_659 = arith.constant 192 : i32
    %add3A_660 = arith.addi %add3A_35, %add3A_659 : i32
    %dma_start3A_661 = arith.constant 0 : i32
    %dma_start3A_662 = arith.constant 0 : i32
    %dma_start3A_663 = arith.constant 0 : i32
    %dma_start3A_664 = tpu.memref_slice %arg6[%dma_start3A_661, %dma_start3A_662, %dma_start3A_663] : memref<4x16x1024xf32, #tpu.memory_space<vmem>> -> memref<1x16x1024xf32, #tpu.memory_space<vmem>>
    %dma_start3A_665 = tpu.memref_squeeze %dma_start3A_664 : memref<1x16x1024xf32, #tpu.memory_space<vmem>> -> memref<16x1024xf32, #tpu.memory_space<vmem>>
    %dma_start3A_666 = arith.constant 0 : i32
    %dma_start3A_667 = tpu.memref_slice %arg4[%add3A_660, %dma_start3A_666] : memref<16384x1024xf32, #tpu.memory_space<hbm>> -> memref<16x1024xf32, #tpu.memory_space<hbm>>
    %dma_start3A_668 = arith.constant 0 : i32
    %dma_start3A_669 = tpu.memref_slice %arg4[%add3A_660, %dma_start3A_668] : memref<16384x1024xf32, #tpu.memory_space<hbm>> -> memref<16x1024xf32, #tpu.memory_space<hbm>>
    %dma_start3A_670 = arith.constant 0 : i32
    %dma_start3A_671 = arith.constant 0 : i32
    %dma_start3A_672 = tpu.memref_slice %arg6[%dma_start3A_661, %dma_start3A_670, %dma_start3A_671] : memref<4x16x1024xf32, #tpu.memory_space<vmem>> -> memref<1x16x1024xf32, #tpu.memory_space<vmem>>
    %dma_start3A_673 = tpu.memref_squeeze %dma_start3A_672 : memref<1x16x1024xf32, #tpu.memory_space<vmem>> -> memref<16x1024xf32, #tpu.memory_space<vmem>>
    tpu.enqueue_dma source(%dma_start3A_673 : memref<16x1024xf32, #tpu.memory_space<vmem>>) target(%dma_start3A_669 : memref<16x1024xf32, #tpu.memory_space<hbm>>) target_semaphore(%arg11 : memref<!tpu.dma_semaphore, #tpu.memory_space<semaphore_mem>>)
    %add3A_674 = arith.constant 176 : i32
    %add3A_675 = arith.addi %add3A_35, %add3A_674 : i32
    %dma_wait3A_676 = arith.constant 3 : i32
    %dma_wait3A_677 = arith.constant 0 : i32
    %dma_wait3A_678 = arith.constant 0 : i32
    %dma_wait3A_679 = tpu.memref_slice %arg6[%dma_wait3A_676, %dma_wait3A_677, %dma_wait3A_678] : memref<4x16x1024xf32, #tpu.memory_space<vmem>> -> memref<1x16x1024xf32, #tpu.memory_space<vmem>>
    %dma_wait3A_680 = tpu.memref_squeeze %dma_wait3A_679 : memref<1x16x1024xf32, #tpu.memory_space<vmem>> -> memref<16x1024xf32, #tpu.memory_space<vmem>>
    %dma_wait3A_681 = arith.constant 0 : i32
    %dma_wait3A_682 = tpu.memref_slice %arg4[%add3A_675, %dma_wait3A_681] : memref<16384x1024xf32, #tpu.memory_space<hbm>> -> memref<16x1024xf32, #tpu.memory_space<hbm>>
    %dma_wait3A_683 = arith.constant 0 : i32
    %dma_wait3A_684 = tpu.memref_slice %arg4[%add3A_675, %dma_wait3A_683] : memref<16384x1024xf32, #tpu.memory_space<hbm>> -> memref<16x1024xf32, #tpu.memory_space<hbm>>
    %dma_wait3A_685 = arith.constant 0 : i32
    %dma_wait3A_686 = arith.constant 0 : i32
    %dma_wait3A_687 = tpu.memref_slice %arg6[%dma_wait3A_676, %dma_wait3A_685, %dma_wait3A_686] : memref<4x16x1024xf32, #tpu.memory_space<vmem>> -> memref<1x16x1024xf32, #tpu.memory_space<vmem>>
    %dma_wait3A_688 = tpu.memref_squeeze %dma_wait3A_687 : memref<1x16x1024xf32, #tpu.memory_space<vmem>> -> memref<16x1024xf32, #tpu.memory_space<vmem>>
    tpu.wait_dma2 semaphore(%arg14 : memref<!tpu.dma_semaphore, #tpu.memory_space<semaphore_mem>>) src(%dma_wait3A_688 : memref<16x1024xf32, #tpu.memory_space<vmem>>) dst(%dma_wait3A_684 : memref<16x1024xf32, #tpu.memory_space<hbm>>)
    %dma_start3A_689 = arith.constant 3 : i32
    %dma_start3A_690 = arith.constant 0 : i32
    %dma_start3A_691 = arith.constant 0 : i32
    %dma_start3A_692 = tpu.memref_slice %arg6[%dma_start3A_689, %dma_start3A_690, %dma_start3A_691] : memref<4x16x1024xf32, #tpu.memory_space<vmem>> -> memref<1x16x1024xf32, #tpu.memory_space<vmem>>
    %dma_start3A_693 = tpu.memref_squeeze %dma_start3A_692 : memref<1x16x1024xf32, #tpu.memory_space<vmem>> -> memref<16x1024xf32, #tpu.memory_space<vmem>>
    %dma_start3A_694 = arith.constant 240 : i32
    %dma_start3A_695 = tpu.memref_slice %arg5[%dma_start3A_694] : memref<384xi32, #tpu.memory_space<vmem>> -> memref<16xi32, #tpu.memory_space<vmem>>
    %dma_start3A_696 = arith.constant 0 : i32
    %dma_start3A_697 = arith.constant 0 : i32
    %dma_start3A_698 = tpu.memref_slice %arg3[%dma_start3A_696, %dma_start3A_697] : memref<100000x1024xf32, #tpu.memory_space<hbm>> -> memref<100000x1024xf32, #tpu.memory_space<hbm>>
    tpu.enqueue_indirect_dma source(%dma_start3A_698 : memref<100000x1024xf32, #tpu.memory_space<hbm>>) target(%dma_start3A_693 : memref<16x1024xf32, #tpu.memory_space<vmem>>) offsets(%dma_start3A_695 : memref<16xi32, #tpu.memory_space<vmem>>) semaphore(%arg10 : memref<!tpu.dma_semaphore, #tpu.memory_space<semaphore_mem>>)
    %dma_wait3A_699 = arith.constant 1 : i32
    %dma_wait3A_700 = arith.constant 0 : i32
    %dma_wait3A_701 = arith.constant 0 : i32
    %dma_wait3A_702 = tpu.memref_slice %arg6[%dma_wait3A_699, %dma_wait3A_700, %dma_wait3A_701] : memref<4x16x1024xf32, #tpu.memory_space<vmem>> -> memref<1x16x1024xf32, #tpu.memory_space<vmem>>
    %dma_wait3A_703 = tpu.memref_squeeze %dma_wait3A_702 : memref<1x16x1024xf32, #tpu.memory_space<vmem>> -> memref<16x1024xf32, #tpu.memory_space<vmem>>
    %dma_wait3A_704 = arith.constant 208 : i32
    %dma_wait3A_705 = tpu.memref_slice %arg5[%dma_wait3A_704] : memref<384xi32, #tpu.memory_space<vmem>> -> memref<16xi32, #tpu.memory_space<vmem>>
    %dma_wait3A_706 = arith.constant 0 : i32
    %dma_wait3A_707 = arith.constant 0 : i32
    %dma_wait3A_708 = tpu.memref_slice %arg3[%dma_wait3A_706, %dma_wait3A_707] : memref<100000x1024xf32, #tpu.memory_space<hbm>> -> memref<100000x1024xf32, #tpu.memory_space<hbm>>
    tpu.wait_indirect_dma semaphore(%arg8 : memref<!tpu.dma_semaphore, #tpu.memory_space<semaphore_mem>>) src(%dma_wait3A_708 : memref<100000x1024xf32, #tpu.memory_space<hbm>>) dst(%dma_wait3A_703 : memref<16x1024xf32, #tpu.memory_space<vmem>>)
    %add3A_709 = arith.constant 208 : i32
    %add3A_710 = arith.addi %add3A_35, %add3A_709 : i32
    %dma_start3A_711 = arith.constant 1 : i32
    %dma_start3A_712 = arith.constant 0 : i32
    %dma_start3A_713 = arith.constant 0 : i32
    %dma_start3A_714 = tpu.memref_slice %arg6[%dma_start3A_711, %dma_start3A_712, %dma_start3A_713] : memref<4x16x1024xf32, #tpu.memory_space<vmem>> -> memref<1x16x1024xf32, #tpu.memory_space<vmem>>
    %dma_start3A_715 = tpu.memref_squeeze %dma_start3A_714 : memref<1x16x1024xf32, #tpu.memory_space<vmem>> -> memref<16x1024xf32, #tpu.memory_space<vmem>>
    %dma_start3A_716 = arith.constant 0 : i32
    %dma_start3A_717 = tpu.memref_slice %arg4[%add3A_710, %dma_start3A_716] : memref<16384x1024xf32, #tpu.memory_space<hbm>> -> memref<16x1024xf32, #tpu.memory_space<hbm>>
    %dma_start3A_718 = arith.constant 0 : i32
    %dma_start3A_719 = tpu.memref_slice %arg4[%add3A_710, %dma_start3A_718] : memref<16384x1024xf32, #tpu.memory_space<hbm>> -> memref<16x1024xf32, #tpu.memory_space<hbm>>
    %dma_start3A_720 = arith.constant 0 : i32
    %dma_start3A_721 = arith.constant 0 : i32
    %dma_start3A_722 = tpu.memref_slice %arg6[%dma_start3A_711, %dma_start3A_720, %dma_start3A_721] : memref<4x16x1024xf32, #tpu.memory_space<vmem>> -> memref<1x16x1024xf32, #tpu.memory_space<vmem>>
    %dma_start3A_723 = tpu.memref_squeeze %dma_start3A_722 : memref<1x16x1024xf32, #tpu.memory_space<vmem>> -> memref<16x1024xf32, #tpu.memory_space<vmem>>
    tpu.enqueue_dma source(%dma_start3A_723 : memref<16x1024xf32, #tpu.memory_space<vmem>>) target(%dma_start3A_719 : memref<16x1024xf32, #tpu.memory_space<hbm>>) target_semaphore(%arg12 : memref<!tpu.dma_semaphore, #tpu.memory_space<semaphore_mem>>)
    %add3A_724 = arith.constant 192 : i32
    %add3A_725 = arith.addi %add3A_35, %add3A_724 : i32
    %dma_wait3A_726 = arith.constant 0 : i32
    %dma_wait3A_727 = arith.constant 0 : i32
    %dma_wait3A_728 = arith.constant 0 : i32
    %dma_wait3A_729 = tpu.memref_slice %arg6[%dma_wait3A_726, %dma_wait3A_727, %dma_wait3A_728] : memref<4x16x1024xf32, #tpu.memory_space<vmem>> -> memref<1x16x1024xf32, #tpu.memory_space<vmem>>
    %dma_wait3A_730 = tpu.memref_squeeze %dma_wait3A_729 : memref<1x16x1024xf32, #tpu.memory_space<vmem>> -> memref<16x1024xf32, #tpu.memory_space<vmem>>
    %dma_wait3A_731 = arith.constant 0 : i32
    %dma_wait3A_732 = tpu.memref_slice %arg4[%add3A_725, %dma_wait3A_731] : memref<16384x1024xf32, #tpu.memory_space<hbm>> -> memref<16x1024xf32, #tpu.memory_space<hbm>>
    %dma_wait3A_733 = arith.constant 0 : i32
    %dma_wait3A_734 = tpu.memref_slice %arg4[%add3A_725, %dma_wait3A_733] : memref<16384x1024xf32, #tpu.memory_space<hbm>> -> memref<16x1024xf32, #tpu.memory_space<hbm>>
    %dma_wait3A_735 = arith.constant 0 : i32
    %dma_wait3A_736 = arith.constant 0 : i32
    %dma_wait3A_737 = tpu.memref_slice %arg6[%dma_wait3A_726, %dma_wait3A_735, %dma_wait3A_736] : memref<4x16x1024xf32, #tpu.memory_space<vmem>> -> memref<1x16x1024xf32, #tpu.memory_space<vmem>>
    %dma_wait3A_738 = tpu.memref_squeeze %dma_wait3A_737 : memref<1x16x1024xf32, #tpu.memory_space<vmem>> -> memref<16x1024xf32, #tpu.memory_space<vmem>>
    tpu.wait_dma2 semaphore(%arg11 : memref<!tpu.dma_semaphore, #tpu.memory_space<semaphore_mem>>) src(%dma_wait3A_738 : memref<16x1024xf32, #tpu.memory_space<vmem>>) dst(%dma_wait3A_734 : memref<16x1024xf32, #tpu.memory_space<hbm>>)
    %dma_start3A_739 = arith.constant 0 : i32
    %dma_start3A_740 = arith.constant 0 : i32
    %dma_start3A_741 = arith.constant 0 : i32
    %dma_start3A_742 = tpu.memref_slice %arg6[%dma_start3A_739, %dma_start3A_740, %dma_start3A_741] : memref<4x16x1024xf32, #tpu.memory_space<vmem>> -> memref<1x16x1024xf32, #tpu.memory_space<vmem>>
    %dma_start3A_743 = tpu.memref_squeeze %dma_start3A_742 : memref<1x16x1024xf32, #tpu.memory_space<vmem>> -> memref<16x1024xf32, #tpu.memory_space<vmem>>
    %dma_start3A_744 = arith.constant 256 : i32
    %dma_start3A_745 = tpu.memref_slice %arg5[%dma_start3A_744] : memref<384xi32, #tpu.memory_space<vmem>> -> memref<16xi32, #tpu.memory_space<vmem>>
    %dma_start3A_746 = arith.constant 0 : i32
    %dma_start3A_747 = arith.constant 0 : i32
    %dma_start3A_748 = tpu.memref_slice %arg3[%dma_start3A_746, %dma_start3A_747] : memref<100000x1024xf32, #tpu.memory_space<hbm>> -> memref<100000x1024xf32, #tpu.memory_space<hbm>>
    tpu.enqueue_indirect_dma source(%dma_start3A_748 : memref<100000x1024xf32, #tpu.memory_space<hbm>>) target(%dma_start3A_743 : memref<16x1024xf32, #tpu.memory_space<vmem>>) offsets(%dma_start3A_745 : memref<16xi32, #tpu.memory_space<vmem>>) semaphore(%arg7 : memref<!tpu.dma_semaphore, #tpu.memory_space<semaphore_mem>>)
    %dma_wait3A_749 = arith.constant 2 : i32
    %dma_wait3A_750 = arith.constant 0 : i32
    %dma_wait3A_751 = arith.constant 0 : i32
    %dma_wait3A_752 = tpu.memref_slice %arg6[%dma_wait3A_749, %dma_wait3A_750, %dma_wait3A_751] : memref<4x16x1024xf32, #tpu.memory_space<vmem>> -> memref<1x16x1024xf32, #tpu.memory_space<vmem>>
    %dma_wait3A_753 = tpu.memref_squeeze %dma_wait3A_752 : memref<1x16x1024xf32, #tpu.memory_space<vmem>> -> memref<16x1024xf32, #tpu.memory_space<vmem>>
    %dma_wait3A_754 = arith.constant 224 : i32
    %dma_wait3A_755 = tpu.memref_slice %arg5[%dma_wait3A_754] : memref<384xi32, #tpu.memory_space<vmem>> -> memref<16xi32, #tpu.memory_space<vmem>>
    %dma_wait3A_756 = arith.constant 0 : i32
    %dma_wait3A_757 = arith.constant 0 : i32
    %dma_wait3A_758 = tpu.memref_slice %arg3[%dma_wait3A_756, %dma_wait3A_757] : memref<100000x1024xf32, #tpu.memory_space<hbm>> -> memref<100000x1024xf32, #tpu.memory_space<hbm>>
    tpu.wait_indirect_dma semaphore(%arg9 : memref<!tpu.dma_semaphore, #tpu.memory_space<semaphore_mem>>) src(%dma_wait3A_758 : memref<100000x1024xf32, #tpu.memory_space<hbm>>) dst(%dma_wait3A_753 : memref<16x1024xf32, #tpu.memory_space<vmem>>)
    %add3A_759 = arith.constant 224 : i32
    %add3A_760 = arith.addi %add3A_35, %add3A_759 : i32
    %dma_start3A_761 = arith.constant 2 : i32
    %dma_start3A_762 = arith.constant 0 : i32
    %dma_start3A_763 = arith.constant 0 : i32
    %dma_start3A_764 = tpu.memref_slice %arg6[%dma_start3A_761, %dma_start3A_762, %dma_start3A_763] : memref<4x16x1024xf32, #tpu.memory_space<vmem>> -> memref<1x16x1024xf32, #tpu.memory_space<vmem>>
    %dma_start3A_765 = tpu.memref_squeeze %dma_start3A_764 : memref<1x16x1024xf32, #tpu.memory_space<vmem>> -> memref<16x1024xf32, #tpu.memory_space<vmem>>
    %dma_start3A_766 = arith.constant 0 : i32
    %dma_start3A_767 = tpu.memref_slice %arg4[%add3A_760, %dma_start3A_766] : memref<16384x1024xf32, #tpu.memory_space<hbm>> -> memref<16x1024xf32, #tpu.memory_space<hbm>>
    %dma_start3A_768 = arith.constant 0 : i32
    %dma_start3A_769 = tpu.memref_slice %arg4[%add3A_760, %dma_start3A_768] : memref<16384x1024xf32, #tpu.memory_space<hbm>> -> memref<16x1024xf32, #tpu.memory_space<hbm>>
    %dma_start3A_770 = arith.constant 0 : i32
    %dma_start3A_771 = arith.constant 0 : i32
    %dma_start3A_772 = tpu.memref_slice %arg6[%dma_start3A_761, %dma_start3A_770, %dma_start3A_771] : memref<4x16x1024xf32, #tpu.memory_space<vmem>> -> memref<1x16x1024xf32, #tpu.memory_space<vmem>>
    %dma_start3A_773 = tpu.memref_squeeze %dma_start3A_772 : memref<1x16x1024xf32, #tpu.memory_space<vmem>> -> memref<16x1024xf32, #tpu.memory_space<vmem>>
    tpu.enqueue_dma source(%dma_start3A_773 : memref<16x1024xf32, #tpu.memory_space<vmem>>) target(%dma_start3A_769 : memref<16x1024xf32, #tpu.memory_space<hbm>>) target_semaphore(%arg13 : memref<!tpu.dma_semaphore, #tpu.memory_space<semaphore_mem>>)
    %add3A_774 = arith.constant 208 : i32
    %add3A_775 = arith.addi %add3A_35, %add3A_774 : i32
    %dma_wait3A_776 = arith.constant 1 : i32
    %dma_wait3A_777 = arith.constant 0 : i32
    %dma_wait3A_778 = arith.constant 0 : i32
    %dma_wait3A_779 = tpu.memref_slice %arg6[%dma_wait3A_776, %dma_wait3A_777, %dma_wait3A_778] : memref<4x16x1024xf32, #tpu.memory_space<vmem>> -> memref<1x16x1024xf32, #tpu.memory_space<vmem>>
    %dma_wait3A_780 = tpu.memref_squeeze %dma_wait3A_779 : memref<1x16x1024xf32, #tpu.memory_space<vmem>> -> memref<16x1024xf32, #tpu.memory_space<vmem>>
    %dma_wait3A_781 = arith.constant 0 : i32
    %dma_wait3A_782 = tpu.memref_slice %arg4[%add3A_775, %dma_wait3A_781] : memref<16384x1024xf32, #tpu.memory_space<hbm>> -> memref<16x1024xf32, #tpu.memory_space<hbm>>
    %dma_wait3A_783 = arith.constant 0 : i32
    %dma_wait3A_784 = tpu.memref_slice %arg4[%add3A_775, %dma_wait3A_783] : memref<16384x1024xf32, #tpu.memory_space<hbm>> -> memref<16x1024xf32, #tpu.memory_space<hbm>>
    %dma_wait3A_785 = arith.constant 0 : i32
    %dma_wait3A_786 = arith.constant 0 : i32
    %dma_wait3A_787 = tpu.memref_slice %arg6[%dma_wait3A_776, %dma_wait3A_785, %dma_wait3A_786] : memref<4x16x1024xf32, #tpu.memory_space<vmem>> -> memref<1x16x1024xf32, #tpu.memory_space<vmem>>
    %dma_wait3A_788 = tpu.memref_squeeze %dma_wait3A_787 : memref<1x16x1024xf32, #tpu.memory_space<vmem>> -> memref<16x1024xf32, #tpu.memory_space<vmem>>
    tpu.wait_dma2 semaphore(%arg12 : memref<!tpu.dma_semaphore, #tpu.memory_space<semaphore_mem>>) src(%dma_wait3A_788 : memref<16x1024xf32, #tpu.memory_space<vmem>>) dst(%dma_wait3A_784 : memref<16x1024xf32, #tpu.memory_space<hbm>>)
    %dma_start3A_789 = arith.constant 1 : i32
    %dma_start3A_790 = arith.constant 0 : i32
    %dma_start3A_791 = arith.constant 0 : i32
    %dma_start3A_792 = tpu.memref_slice %arg6[%dma_start3A_789, %dma_start3A_790, %dma_start3A_791] : memref<4x16x1024xf32, #tpu.memory_space<vmem>> -> memref<1x16x1024xf32, #tpu.memory_space<vmem>>
    %dma_start3A_793 = tpu.memref_squeeze %dma_start3A_792 : memref<1x16x1024xf32, #tpu.memory_space<vmem>> -> memref<16x1024xf32, #tpu.memory_space<vmem>>
    %dma_start3A_794 = arith.constant 272 : i32
    %dma_start3A_795 = tpu.memref_slice %arg5[%dma_start3A_794] : memref<384xi32, #tpu.memory_space<vmem>> -> memref<16xi32, #tpu.memory_space<vmem>>
    %dma_start3A_796 = arith.constant 0 : i32
    %dma_start3A_797 = arith.constant 0 : i32
    %dma_start3A_798 = tpu.memref_slice %arg3[%dma_start3A_796, %dma_start3A_797] : memref<100000x1024xf32, #tpu.memory_space<hbm>> -> memref<100000x1024xf32, #tpu.memory_space<hbm>>
    tpu.enqueue_indirect_dma source(%dma_start3A_798 : memref<100000x1024xf32, #tpu.memory_space<hbm>>) target(%dma_start3A_793 : memref<16x1024xf32, #tpu.memory_space<vmem>>) offsets(%dma_start3A_795 : memref<16xi32, #tpu.memory_space<vmem>>) semaphore(%arg8 : memref<!tpu.dma_semaphore, #tpu.memory_space<semaphore_mem>>)
    %dma_wait3A_799 = arith.constant 3 : i32
    %dma_wait3A_800 = arith.constant 0 : i32
    %dma_wait3A_801 = arith.constant 0 : i32
    %dma_wait3A_802 = tpu.memref_slice %arg6[%dma_wait3A_799, %dma_wait3A_800, %dma_wait3A_801] : memref<4x16x1024xf32, #tpu.memory_space<vmem>> -> memref<1x16x1024xf32, #tpu.memory_space<vmem>>
    %dma_wait3A_803 = tpu.memref_squeeze %dma_wait3A_802 : memref<1x16x1024xf32, #tpu.memory_space<vmem>> -> memref<16x1024xf32, #tpu.memory_space<vmem>>
    %dma_wait3A_804 = arith.constant 240 : i32
    %dma_wait3A_805 = tpu.memref_slice %arg5[%dma_wait3A_804] : memref<384xi32, #tpu.memory_space<vmem>> -> memref<16xi32, #tpu.memory_space<vmem>>
    %dma_wait3A_806 = arith.constant 0 : i32
    %dma_wait3A_807 = arith.constant 0 : i32
    %dma_wait3A_808 = tpu.memref_slice %arg3[%dma_wait3A_806, %dma_wait3A_807] : memref<100000x1024xf32, #tpu.memory_space<hbm>> -> memref<100000x1024xf32, #tpu.memory_space<hbm>>
    tpu.wait_indirect_dma semaphore(%arg10 : memref<!tpu.dma_semaphore, #tpu.memory_space<semaphore_mem>>) src(%dma_wait3A_808 : memref<100000x1024xf32, #tpu.memory_space<hbm>>) dst(%dma_wait3A_803 : memref<16x1024xf32, #tpu.memory_space<vmem>>)
    %add3A_809 = arith.constant 240 : i32
    %add3A_810 = arith.addi %add3A_35, %add3A_809 : i32
    %dma_start3A_811 = arith.constant 3 : i32
    %dma_start3A_812 = arith.constant 0 : i32
    %dma_start3A_813 = arith.constant 0 : i32
    %dma_start3A_814 = tpu.memref_slice %arg6[%dma_start3A_811, %dma_start3A_812, %dma_start3A_813] : memref<4x16x1024xf32, #tpu.memory_space<vmem>> -> memref<1x16x1024xf32, #tpu.memory_space<vmem>>
    %dma_start3A_815 = tpu.memref_squeeze %dma_start3A_814 : memref<1x16x1024xf32, #tpu.memory_space<vmem>> -> memref<16x1024xf32, #tpu.memory_space<vmem>>
    %dma_start3A_816 = arith.constant 0 : i32
    %dma_start3A_817 = tpu.memref_slice %arg4[%add3A_810, %dma_start3A_816] : memref<16384x1024xf32, #tpu.memory_space<hbm>> -> memref<16x1024xf32, #tpu.memory_space<hbm>>
    %dma_start3A_818 = arith.constant 0 : i32
    %dma_start3A_819 = tpu.memref_slice %arg4[%add3A_810, %dma_start3A_818] : memref<16384x1024xf32, #tpu.memory_space<hbm>> -> memref<16x1024xf32, #tpu.memory_space<hbm>>
    %dma_start3A_820 = arith.constant 0 : i32
    %dma_start3A_821 = arith.constant 0 : i32
    %dma_start3A_822 = tpu.memref_slice %arg6[%dma_start3A_811, %dma_start3A_820, %dma_start3A_821] : memref<4x16x1024xf32, #tpu.memory_space<vmem>> -> memref<1x16x1024xf32, #tpu.memory_space<vmem>>
    %dma_start3A_823 = tpu.memref_squeeze %dma_start3A_822 : memref<1x16x1024xf32, #tpu.memory_space<vmem>> -> memref<16x1024xf32, #tpu.memory_space<vmem>>
    tpu.enqueue_dma source(%dma_start3A_823 : memref<16x1024xf32, #tpu.memory_space<vmem>>) target(%dma_start3A_819 : memref<16x1024xf32, #tpu.memory_space<hbm>>) target_semaphore(%arg14 : memref<!tpu.dma_semaphore, #tpu.memory_space<semaphore_mem>>)
    %add3A_824 = arith.constant 224 : i32
    %add3A_825 = arith.addi %add3A_35, %add3A_824 : i32
    %dma_wait3A_826 = arith.constant 2 : i32
    %dma_wait3A_827 = arith.constant 0 : i32
    %dma_wait3A_828 = arith.constant 0 : i32
    %dma_wait3A_829 = tpu.memref_slice %arg6[%dma_wait3A_826, %dma_wait3A_827, %dma_wait3A_828] : memref<4x16x1024xf32, #tpu.memory_space<vmem>> -> memref<1x16x1024xf32, #tpu.memory_space<vmem>>
    %dma_wait3A_830 = tpu.memref_squeeze %dma_wait3A_829 : memref<1x16x1024xf32, #tpu.memory_space<vmem>> -> memref<16x1024xf32, #tpu.memory_space<vmem>>
    %dma_wait3A_831 = arith.constant 0 : i32
    %dma_wait3A_832 = tpu.memref_slice %arg4[%add3A_825, %dma_wait3A_831] : memref<16384x1024xf32, #tpu.memory_space<hbm>> -> memref<16x1024xf32, #tpu.memory_space<hbm>>
    %dma_wait3A_833 = arith.constant 0 : i32
    %dma_wait3A_834 = tpu.memref_slice %arg4[%add3A_825, %dma_wait3A_833] : memref<16384x1024xf32, #tpu.memory_space<hbm>> -> memref<16x1024xf32, #tpu.memory_space<hbm>>
    %dma_wait3A_835 = arith.constant 0 : i32
    %dma_wait3A_836 = arith.constant 0 : i32
    %dma_wait3A_837 = tpu.memref_slice %arg6[%dma_wait3A_826, %dma_wait3A_835, %dma_wait3A_836] : memref<4x16x1024xf32, #tpu.memory_space<vmem>> -> memref<1x16x1024xf32, #tpu.memory_space<vmem>>
    %dma_wait3A_838 = tpu.memref_squeeze %dma_wait3A_837 : memref<1x16x1024xf32, #tpu.memory_space<vmem>> -> memref<16x1024xf32, #tpu.memory_space<vmem>>
    tpu.wait_dma2 semaphore(%arg13 : memref<!tpu.dma_semaphore, #tpu.memory_space<semaphore_mem>>) src(%dma_wait3A_838 : memref<16x1024xf32, #tpu.memory_space<vmem>>) dst(%dma_wait3A_834 : memref<16x1024xf32, #tpu.memory_space<hbm>>)
    %dma_start3A_839 = arith.constant 2 : i32
    %dma_start3A_840 = arith.constant 0 : i32
    %dma_start3A_841 = arith.constant 0 : i32
    %dma_start3A_842 = tpu.memref_slice %arg6[%dma_start3A_839, %dma_start3A_840, %dma_start3A_841] : memref<4x16x1024xf32, #tpu.memory_space<vmem>> -> memref<1x16x1024xf32, #tpu.memory_space<vmem>>
    %dma_start3A_843 = tpu.memref_squeeze %dma_start3A_842 : memref<1x16x1024xf32, #tpu.memory_space<vmem>> -> memref<16x1024xf32, #tpu.memory_space<vmem>>
    %dma_start3A_844 = arith.constant 288 : i32
    %dma_start3A_845 = tpu.memref_slice %arg5[%dma_start3A_844] : memref<384xi32, #tpu.memory_space<vmem>> -> memref<16xi32, #tpu.memory_space<vmem>>
    %dma_start3A_846 = arith.constant 0 : i32
    %dma_start3A_847 = arith.constant 0 : i32
    %dma_start3A_848 = tpu.memref_slice %arg3[%dma_start3A_846, %dma_start3A_847] : memref<100000x1024xf32, #tpu.memory_space<hbm>> -> memref<100000x1024xf32, #tpu.memory_space<hbm>>
    tpu.enqueue_indirect_dma source(%dma_start3A_848 : memref<100000x1024xf32, #tpu.memory_space<hbm>>) target(%dma_start3A_843 : memref<16x1024xf32, #tpu.memory_space<vmem>>) offsets(%dma_start3A_845 : memref<16xi32, #tpu.memory_space<vmem>>) semaphore(%arg9 : memref<!tpu.dma_semaphore, #tpu.memory_space<semaphore_mem>>)
    %dma_wait3A_849 = arith.constant 0 : i32
    %dma_wait3A_850 = arith.constant 0 : i32
    %dma_wait3A_851 = arith.constant 0 : i32
    %dma_wait3A_852 = tpu.memref_slice %arg6[%dma_wait3A_849, %dma_wait3A_850, %dma_wait3A_851] : memref<4x16x1024xf32, #tpu.memory_space<vmem>> -> memref<1x16x1024xf32, #tpu.memory_space<vmem>>
    %dma_wait3A_853 = tpu.memref_squeeze %dma_wait3A_852 : memref<1x16x1024xf32, #tpu.memory_space<vmem>> -> memref<16x1024xf32, #tpu.memory_space<vmem>>
    %dma_wait3A_854 = arith.constant 256 : i32
    %dma_wait3A_855 = tpu.memref_slice %arg5[%dma_wait3A_854] : memref<384xi32, #tpu.memory_space<vmem>> -> memref<16xi32, #tpu.memory_space<vmem>>
    %dma_wait3A_856 = arith.constant 0 : i32
    %dma_wait3A_857 = arith.constant 0 : i32
    %dma_wait3A_858 = tpu.memref_slice %arg3[%dma_wait3A_856, %dma_wait3A_857] : memref<100000x1024xf32, #tpu.memory_space<hbm>> -> memref<100000x1024xf32, #tpu.memory_space<hbm>>
    tpu.wait_indirect_dma semaphore(%arg7 : memref<!tpu.dma_semaphore, #tpu.memory_space<semaphore_mem>>) src(%dma_wait3A_858 : memref<100000x1024xf32, #tpu.memory_space<hbm>>) dst(%dma_wait3A_853 : memref<16x1024xf32, #tpu.memory_space<vmem>>)
    %add3A_859 = arith.constant 256 : i32
    %add3A_860 = arith.addi %add3A_35, %add3A_859 : i32
    %dma_start3A_861 = arith.constant 0 : i32
    %dma_start3A_862 = arith.constant 0 : i32
    %dma_start3A_863 = arith.constant 0 : i32
    %dma_start3A_864 = tpu.memref_slice %arg6[%dma_start3A_861, %dma_start3A_862, %dma_start3A_863] : memref<4x16x1024xf32, #tpu.memory_space<vmem>> -> memref<1x16x1024xf32, #tpu.memory_space<vmem>>
    %dma_start3A_865 = tpu.memref_squeeze %dma_start3A_864 : memref<1x16x1024xf32, #tpu.memory_space<vmem>> -> memref<16x1024xf32, #tpu.memory_space<vmem>>
    %dma_start3A_866 = arith.constant 0 : i32
    %dma_start3A_867 = tpu.memref_slice %arg4[%add3A_860, %dma_start3A_866] : memref<16384x1024xf32, #tpu.memory_space<hbm>> -> memref<16x1024xf32, #tpu.memory_space<hbm>>
    %dma_start3A_868 = arith.constant 0 : i32
    %dma_start3A_869 = tpu.memref_slice %arg4[%add3A_860, %dma_start3A_868] : memref<16384x1024xf32, #tpu.memory_space<hbm>> -> memref<16x1024xf32, #tpu.memory_space<hbm>>
    %dma_start3A_870 = arith.constant 0 : i32
    %dma_start3A_871 = arith.constant 0 : i32
    %dma_start3A_872 = tpu.memref_slice %arg6[%dma_start3A_861, %dma_start3A_870, %dma_start3A_871] : memref<4x16x1024xf32, #tpu.memory_space<vmem>> -> memref<1x16x1024xf32, #tpu.memory_space<vmem>>
    %dma_start3A_873 = tpu.memref_squeeze %dma_start3A_872 : memref<1x16x1024xf32, #tpu.memory_space<vmem>> -> memref<16x1024xf32, #tpu.memory_space<vmem>>
    tpu.enqueue_dma source(%dma_start3A_873 : memref<16x1024xf32, #tpu.memory_space<vmem>>) target(%dma_start3A_869 : memref<16x1024xf32, #tpu.memory_space<hbm>>) target_semaphore(%arg11 : memref<!tpu.dma_semaphore, #tpu.memory_space<semaphore_mem>>)
    %add3A_874 = arith.constant 240 : i32
    %add3A_875 = arith.addi %add3A_35, %add3A_874 : i32
    %dma_wait3A_876 = arith.constant 3 : i32
    %dma_wait3A_877 = arith.constant 0 : i32
    %dma_wait3A_878 = arith.constant 0 : i32
    %dma_wait3A_879 = tpu.memref_slice %arg6[%dma_wait3A_876, %dma_wait3A_877, %dma_wait3A_878] : memref<4x16x1024xf32, #tpu.memory_space<vmem>> -> memref<1x16x1024xf32, #tpu.memory_space<vmem>>
    %dma_wait3A_880 = tpu.memref_squeeze %dma_wait3A_879 : memref<1x16x1024xf32, #tpu.memory_space<vmem>> -> memref<16x1024xf32, #tpu.memory_space<vmem>>
    %dma_wait3A_881 = arith.constant 0 : i32
    %dma_wait3A_882 = tpu.memref_slice %arg4[%add3A_875, %dma_wait3A_881] : memref<16384x1024xf32, #tpu.memory_space<hbm>> -> memref<16x1024xf32, #tpu.memory_space<hbm>>
    %dma_wait3A_883 = arith.constant 0 : i32
    %dma_wait3A_884 = tpu.memref_slice %arg4[%add3A_875, %dma_wait3A_883] : memref<16384x1024xf32, #tpu.memory_space<hbm>> -> memref<16x1024xf32, #tpu.memory_space<hbm>>
    %dma_wait3A_885 = arith.constant 0 : i32
    %dma_wait3A_886 = arith.constant 0 : i32
    %dma_wait3A_887 = tpu.memref_slice %arg6[%dma_wait3A_876, %dma_wait3A_885, %dma_wait3A_886] : memref<4x16x1024xf32, #tpu.memory_space<vmem>> -> memref<1x16x1024xf32, #tpu.memory_space<vmem>>
    %dma_wait3A_888 = tpu.memref_squeeze %dma_wait3A_887 : memref<1x16x1024xf32, #tpu.memory_space<vmem>> -> memref<16x1024xf32, #tpu.memory_space<vmem>>
    tpu.wait_dma2 semaphore(%arg14 : memref<!tpu.dma_semaphore, #tpu.memory_space<semaphore_mem>>) src(%dma_wait3A_888 : memref<16x1024xf32, #tpu.memory_space<vmem>>) dst(%dma_wait3A_884 : memref<16x1024xf32, #tpu.memory_space<hbm>>)
    %dma_start3A_889 = arith.constant 3 : i32
    %dma_start3A_890 = arith.constant 0 : i32
    %dma_start3A_891 = arith.constant 0 : i32
    %dma_start3A_892 = tpu.memref_slice %arg6[%dma_start3A_889, %dma_start3A_890, %dma_start3A_891] : memref<4x16x1024xf32, #tpu.memory_space<vmem>> -> memref<1x16x1024xf32, #tpu.memory_space<vmem>>
    %dma_start3A_893 = tpu.memref_squeeze %dma_start3A_892 : memref<1x16x1024xf32, #tpu.memory_space<vmem>> -> memref<16x1024xf32, #tpu.memory_space<vmem>>
    %dma_start3A_894 = arith.constant 304 : i32
    %dma_start3A_895 = tpu.memref_slice %arg5[%dma_start3A_894] : memref<384xi32, #tpu.memory_space<vmem>> -> memref<16xi32, #tpu.memory_space<vmem>>
    %dma_start3A_896 = arith.constant 0 : i32
    %dma_start3A_897 = arith.constant 0 : i32
    %dma_start3A_898 = tpu.memref_slice %arg3[%dma_start3A_896, %dma_start3A_897] : memref<100000x1024xf32, #tpu.memory_space<hbm>> -> memref<100000x1024xf32, #tpu.memory_space<hbm>>
    tpu.enqueue_indirect_dma source(%dma_start3A_898 : memref<100000x1024xf32, #tpu.memory_space<hbm>>) target(%dma_start3A_893 : memref<16x1024xf32, #tpu.memory_space<vmem>>) offsets(%dma_start3A_895 : memref<16xi32, #tpu.memory_space<vmem>>) semaphore(%arg10 : memref<!tpu.dma_semaphore, #tpu.memory_space<semaphore_mem>>)
    %dma_wait3A_899 = arith.constant 1 : i32
    %dma_wait3A_900 = arith.constant 0 : i32
    %dma_wait3A_901 = arith.constant 0 : i32
    %dma_wait3A_902 = tpu.memref_slice %arg6[%dma_wait3A_899, %dma_wait3A_900, %dma_wait3A_901] : memref<4x16x1024xf32, #tpu.memory_space<vmem>> -> memref<1x16x1024xf32, #tpu.memory_space<vmem>>
    %dma_wait3A_903 = tpu.memref_squeeze %dma_wait3A_902 : memref<1x16x1024xf32, #tpu.memory_space<vmem>> -> memref<16x1024xf32, #tpu.memory_space<vmem>>
    %dma_wait3A_904 = arith.constant 272 : i32
    %dma_wait3A_905 = tpu.memref_slice %arg5[%dma_wait3A_904] : memref<384xi32, #tpu.memory_space<vmem>> -> memref<16xi32, #tpu.memory_space<vmem>>
    %dma_wait3A_906 = arith.constant 0 : i32
    %dma_wait3A_907 = arith.constant 0 : i32
    %dma_wait3A_908 = tpu.memref_slice %arg3[%dma_wait3A_906, %dma_wait3A_907] : memref<100000x1024xf32, #tpu.memory_space<hbm>> -> memref<100000x1024xf32, #tpu.memory_space<hbm>>
    tpu.wait_indirect_dma semaphore(%arg8 : memref<!tpu.dma_semaphore, #tpu.memory_space<semaphore_mem>>) src(%dma_wait3A_908 : memref<100000x1024xf32, #tpu.memory_space<hbm>>) dst(%dma_wait3A_903 : memref<16x1024xf32, #tpu.memory_space<vmem>>)
    %add3A_909 = arith.constant 272 : i32
    %add3A_910 = arith.addi %add3A_35, %add3A_909 : i32
    %dma_start3A_911 = arith.constant 1 : i32
    %dma_start3A_912 = arith.constant 0 : i32
    %dma_start3A_913 = arith.constant 0 : i32
    %dma_start3A_914 = tpu.memref_slice %arg6[%dma_start3A_911, %dma_start3A_912, %dma_start3A_913] : memref<4x16x1024xf32, #tpu.memory_space<vmem>> -> memref<1x16x1024xf32, #tpu.memory_space<vmem>>
    %dma_start3A_915 = tpu.memref_squeeze %dma_start3A_914 : memref<1x16x1024xf32, #tpu.memory_space<vmem>> -> memref<16x1024xf32, #tpu.memory_space<vmem>>
    %dma_start3A_916 = arith.constant 0 : i32
    %dma_start3A_917 = tpu.memref_slice %arg4[%add3A_910, %dma_start3A_916] : memref<16384x1024xf32, #tpu.memory_space<hbm>> -> memref<16x1024xf32, #tpu.memory_space<hbm>>
    %dma_start3A_918 = arith.constant 0 : i32
    %dma_start3A_919 = tpu.memref_slice %arg4[%add3A_910, %dma_start3A_918] : memref<16384x1024xf32, #tpu.memory_space<hbm>> -> memref<16x1024xf32, #tpu.memory_space<hbm>>
    %dma_start3A_920 = arith.constant 0 : i32
    %dma_start3A_921 = arith.constant 0 : i32
    %dma_start3A_922 = tpu.memref_slice %arg6[%dma_start3A_911, %dma_start3A_920, %dma_start3A_921] : memref<4x16x1024xf32, #tpu.memory_space<vmem>> -> memref<1x16x1024xf32, #tpu.memory_space<vmem>>
    %dma_start3A_923 = tpu.memref_squeeze %dma_start3A_922 : memref<1x16x1024xf32, #tpu.memory_space<vmem>> -> memref<16x1024xf32, #tpu.memory_space<vmem>>
    tpu.enqueue_dma source(%dma_start3A_923 : memref<16x1024xf32, #tpu.memory_space<vmem>>) target(%dma_start3A_919 : memref<16x1024xf32, #tpu.memory_space<hbm>>) target_semaphore(%arg12 : memref<!tpu.dma_semaphore, #tpu.memory_space<semaphore_mem>>)
    %add3A_924 = arith.constant 256 : i32
    %add3A_925 = arith.addi %add3A_35, %add3A_924 : i32
    %dma_wait3A_926 = arith.constant 0 : i32
    %dma_wait3A_927 = arith.constant 0 : i32
    %dma_wait3A_928 = arith.constant 0 : i32
    %dma_wait3A_929 = tpu.memref_slice %arg6[%dma_wait3A_926, %dma_wait3A_927, %dma_wait3A_928] : memref<4x16x1024xf32, #tpu.memory_space<vmem>> -> memref<1x16x1024xf32, #tpu.memory_space<vmem>>
    %dma_wait3A_930 = tpu.memref_squeeze %dma_wait3A_929 : memref<1x16x1024xf32, #tpu.memory_space<vmem>> -> memref<16x1024xf32, #tpu.memory_space<vmem>>
    %dma_wait3A_931 = arith.constant 0 : i32
    %dma_wait3A_932 = tpu.memref_slice %arg4[%add3A_925, %dma_wait3A_931] : memref<16384x1024xf32, #tpu.memory_space<hbm>> -> memref<16x1024xf32, #tpu.memory_space<hbm>>
    %dma_wait3A_933 = arith.constant 0 : i32
    %dma_wait3A_934 = tpu.memref_slice %arg4[%add3A_925, %dma_wait3A_933] : memref<16384x1024xf32, #tpu.memory_space<hbm>> -> memref<16x1024xf32, #tpu.memory_space<hbm>>
    %dma_wait3A_935 = arith.constant 0 : i32
    %dma_wait3A_936 = arith.constant 0 : i32
    %dma_wait3A_937 = tpu.memref_slice %arg6[%dma_wait3A_926, %dma_wait3A_935, %dma_wait3A_936] : memref<4x16x1024xf32, #tpu.memory_space<vmem>> -> memref<1x16x1024xf32, #tpu.memory_space<vmem>>
    %dma_wait3A_938 = tpu.memref_squeeze %dma_wait3A_937 : memref<1x16x1024xf32, #tpu.memory_space<vmem>> -> memref<16x1024xf32, #tpu.memory_space<vmem>>
    tpu.wait_dma2 semaphore(%arg11 : memref<!tpu.dma_semaphore, #tpu.memory_space<semaphore_mem>>) src(%dma_wait3A_938 : memref<16x1024xf32, #tpu.memory_space<vmem>>) dst(%dma_wait3A_934 : memref<16x1024xf32, #tpu.memory_space<hbm>>)
    %dma_start3A_939 = arith.constant 0 : i32
    %dma_start3A_940 = arith.constant 0 : i32
    %dma_start3A_941 = arith.constant 0 : i32
    %dma_start3A_942 = tpu.memref_slice %arg6[%dma_start3A_939, %dma_start3A_940, %dma_start3A_941] : memref<4x16x1024xf32, #tpu.memory_space<vmem>> -> memref<1x16x1024xf32, #tpu.memory_space<vmem>>
    %dma_start3A_943 = tpu.memref_squeeze %dma_start3A_942 : memref<1x16x1024xf32, #tpu.memory_space<vmem>> -> memref<16x1024xf32, #tpu.memory_space<vmem>>
    %dma_start3A_944 = arith.constant 320 : i32
    %dma_start3A_945 = tpu.memref_slice %arg5[%dma_start3A_944] : memref<384xi32, #tpu.memory_space<vmem>> -> memref<16xi32, #tpu.memory_space<vmem>>
    %dma_start3A_946 = arith.constant 0 : i32
    %dma_start3A_947 = arith.constant 0 : i32
    %dma_start3A_948 = tpu.memref_slice %arg3[%dma_start3A_946, %dma_start3A_947] : memref<100000x1024xf32, #tpu.memory_space<hbm>> -> memref<100000x1024xf32, #tpu.memory_space<hbm>>
    tpu.enqueue_indirect_dma source(%dma_start3A_948 : memref<100000x1024xf32, #tpu.memory_space<hbm>>) target(%dma_start3A_943 : memref<16x1024xf32, #tpu.memory_space<vmem>>) offsets(%dma_start3A_945 : memref<16xi32, #tpu.memory_space<vmem>>) semaphore(%arg7 : memref<!tpu.dma_semaphore, #tpu.memory_space<semaphore_mem>>)
    %dma_wait3A_949 = arith.constant 2 : i32
    %dma_wait3A_950 = arith.constant 0 : i32
    %dma_wait3A_951 = arith.constant 0 : i32
    %dma_wait3A_952 = tpu.memref_slice %arg6[%dma_wait3A_949, %dma_wait3A_950, %dma_wait3A_951] : memref<4x16x1024xf32, #tpu.memory_space<vmem>> -> memref<1x16x1024xf32, #tpu.memory_space<vmem>>
    %dma_wait3A_953 = tpu.memref_squeeze %dma_wait3A_952 : memref<1x16x1024xf32, #tpu.memory_space<vmem>> -> memref<16x1024xf32, #tpu.memory_space<vmem>>
    %dma_wait3A_954 = arith.constant 288 : i32
    %dma_wait3A_955 = tpu.memref_slice %arg5[%dma_wait3A_954] : memref<384xi32, #tpu.memory_space<vmem>> -> memref<16xi32, #tpu.memory_space<vmem>>
    %dma_wait3A_956 = arith.constant 0 : i32
    %dma_wait3A_957 = arith.constant 0 : i32
    %dma_wait3A_958 = tpu.memref_slice %arg3[%dma_wait3A_956, %dma_wait3A_957] : memref<100000x1024xf32, #tpu.memory_space<hbm>> -> memref<100000x1024xf32, #tpu.memory_space<hbm>>
    tpu.wait_indirect_dma semaphore(%arg9 : memref<!tpu.dma_semaphore, #tpu.memory_space<semaphore_mem>>) src(%dma_wait3A_958 : memref<100000x1024xf32, #tpu.memory_space<hbm>>) dst(%dma_wait3A_953 : memref<16x1024xf32, #tpu.memory_space<vmem>>)
    %add3A_959 = arith.constant 288 : i32
    %add3A_960 = arith.addi %add3A_35, %add3A_959 : i32
    %dma_start3A_961 = arith.constant 2 : i32
    %dma_start3A_962 = arith.constant 0 : i32
    %dma_start3A_963 = arith.constant 0 : i32
    %dma_start3A_964 = tpu.memref_slice %arg6[%dma_start3A_961, %dma_start3A_962, %dma_start3A_963] : memref<4x16x1024xf32, #tpu.memory_space<vmem>> -> memref<1x16x1024xf32, #tpu.memory_space<vmem>>
    %dma_start3A_965 = tpu.memref_squeeze %dma_start3A_964 : memref<1x16x1024xf32, #tpu.memory_space<vmem>> -> memref<16x1024xf32, #tpu.memory_space<vmem>>
    %dma_start3A_966 = arith.constant 0 : i32
    %dma_start3A_967 = tpu.memref_slice %arg4[%add3A_960, %dma_start3A_966] : memref<16384x1024xf32, #tpu.memory_space<hbm>> -> memref<16x1024xf32, #tpu.memory_space<hbm>>
    %dma_start3A_968 = arith.constant 0 : i32
    %dma_start3A_969 = tpu.memref_slice %arg4[%add3A_960, %dma_start3A_968] : memref<16384x1024xf32, #tpu.memory_space<hbm>> -> memref<16x1024xf32, #tpu.memory_space<hbm>>
    %dma_start3A_970 = arith.constant 0 : i32
    %dma_start3A_971 = arith.constant 0 : i32
    %dma_start3A_972 = tpu.memref_slice %arg6[%dma_start3A_961, %dma_start3A_970, %dma_start3A_971] : memref<4x16x1024xf32, #tpu.memory_space<vmem>> -> memref<1x16x1024xf32, #tpu.memory_space<vmem>>
    %dma_start3A_973 = tpu.memref_squeeze %dma_start3A_972 : memref<1x16x1024xf32, #tpu.memory_space<vmem>> -> memref<16x1024xf32, #tpu.memory_space<vmem>>
    tpu.enqueue_dma source(%dma_start3A_973 : memref<16x1024xf32, #tpu.memory_space<vmem>>) target(%dma_start3A_969 : memref<16x1024xf32, #tpu.memory_space<hbm>>) target_semaphore(%arg13 : memref<!tpu.dma_semaphore, #tpu.memory_space<semaphore_mem>>)
    %add3A_974 = arith.constant 272 : i32
    %add3A_975 = arith.addi %add3A_35, %add3A_974 : i32
    %dma_wait3A_976 = arith.constant 1 : i32
    %dma_wait3A_977 = arith.constant 0 : i32
    %dma_wait3A_978 = arith.constant 0 : i32
    %dma_wait3A_979 = tpu.memref_slice %arg6[%dma_wait3A_976, %dma_wait3A_977, %dma_wait3A_978] : memref<4x16x1024xf32, #tpu.memory_space<vmem>> -> memref<1x16x1024xf32, #tpu.memory_space<vmem>>
    %dma_wait3A_980 = tpu.memref_squeeze %dma_wait3A_979 : memref<1x16x1024xf32, #tpu.memory_space<vmem>> -> memref<16x1024xf32, #tpu.memory_space<vmem>>
    %dma_wait3A_981 = arith.constant 0 : i32
    %dma_wait3A_982 = tpu.memref_slice %arg4[%add3A_975, %dma_wait3A_981] : memref<16384x1024xf32, #tpu.memory_space<hbm>> -> memref<16x1024xf32, #tpu.memory_space<hbm>>
    %dma_wait3A_983 = arith.constant 0 : i32
    %dma_wait3A_984 = tpu.memref_slice %arg4[%add3A_975, %dma_wait3A_983] : memref<16384x1024xf32, #tpu.memory_space<hbm>> -> memref<16x1024xf32, #tpu.memory_space<hbm>>
    %dma_wait3A_985 = arith.constant 0 : i32
    %dma_wait3A_986 = arith.constant 0 : i32
    %dma_wait3A_987 = tpu.memref_slice %arg6[%dma_wait3A_976, %dma_wait3A_985, %dma_wait3A_986] : memref<4x16x1024xf32, #tpu.memory_space<vmem>> -> memref<1x16x1024xf32, #tpu.memory_space<vmem>>
    %dma_wait3A_988 = tpu.memref_squeeze %dma_wait3A_987 : memref<1x16x1024xf32, #tpu.memory_space<vmem>> -> memref<16x1024xf32, #tpu.memory_space<vmem>>
    tpu.wait_dma2 semaphore(%arg12 : memref<!tpu.dma_semaphore, #tpu.memory_space<semaphore_mem>>) src(%dma_wait3A_988 : memref<16x1024xf32, #tpu.memory_space<vmem>>) dst(%dma_wait3A_984 : memref<16x1024xf32, #tpu.memory_space<hbm>>)
    %dma_start3A_989 = arith.constant 1 : i32
    %dma_start3A_990 = arith.constant 0 : i32
    %dma_start3A_991 = arith.constant 0 : i32
    %dma_start3A_992 = tpu.memref_slice %arg6[%dma_start3A_989, %dma_start3A_990, %dma_start3A_991] : memref<4x16x1024xf32, #tpu.memory_space<vmem>> -> memref<1x16x1024xf32, #tpu.memory_space<vmem>>
    %dma_start3A_993 = tpu.memref_squeeze %dma_start3A_992 : memref<1x16x1024xf32, #tpu.memory_space<vmem>> -> memref<16x1024xf32, #tpu.memory_space<vmem>>
    %dma_start3A_994 = arith.constant 336 : i32
    %dma_start3A_995 = tpu.memref_slice %arg5[%dma_start3A_994] : memref<384xi32, #tpu.memory_space<vmem>> -> memref<16xi32, #tpu.memory_space<vmem>>
    %dma_start3A_996 = arith.constant 0 : i32
    %dma_start3A_997 = arith.constant 0 : i32
    %dma_start3A_998 = tpu.memref_slice %arg3[%dma_start3A_996, %dma_start3A_997] : memref<100000x1024xf32, #tpu.memory_space<hbm>> -> memref<100000x1024xf32, #tpu.memory_space<hbm>>
    tpu.enqueue_indirect_dma source(%dma_start3A_998 : memref<100000x1024xf32, #tpu.memory_space<hbm>>) target(%dma_start3A_993 : memref<16x1024xf32, #tpu.memory_space<vmem>>) offsets(%dma_start3A_995 : memref<16xi32, #tpu.memory_space<vmem>>) semaphore(%arg8 : memref<!tpu.dma_semaphore, #tpu.memory_space<semaphore_mem>>)
    %dma_wait3A_999 = arith.constant 3 : i32
    %dma_wait3A_1000 = arith.constant 0 : i32
    %dma_wait3A_1001 = arith.constant 0 : i32
    %dma_wait3A_1002 = tpu.memref_slice %arg6[%dma_wait3A_999, %dma_wait3A_1000, %dma_wait3A_1001] : memref<4x16x1024xf32, #tpu.memory_space<vmem>> -> memref<1x16x1024xf32, #tpu.memory_space<vmem>>
    %dma_wait3A_1003 = tpu.memref_squeeze %dma_wait3A_1002 : memref<1x16x1024xf32, #tpu.memory_space<vmem>> -> memref<16x1024xf32, #tpu.memory_space<vmem>>
    %dma_wait3A_1004 = arith.constant 304 : i32
    %dma_wait3A_1005 = tpu.memref_slice %arg5[%dma_wait3A_1004] : memref<384xi32, #tpu.memory_space<vmem>> -> memref<16xi32, #tpu.memory_space<vmem>>
    %dma_wait3A_1006 = arith.constant 0 : i32
    %dma_wait3A_1007 = arith.constant 0 : i32
    %dma_wait3A_1008 = tpu.memref_slice %arg3[%dma_wait3A_1006, %dma_wait3A_1007] : memref<100000x1024xf32, #tpu.memory_space<hbm>> -> memref<100000x1024xf32, #tpu.memory_space<hbm>>
    tpu.wait_indirect_dma semaphore(%arg10 : memref<!tpu.dma_semaphore, #tpu.memory_space<semaphore_mem>>) src(%dma_wait3A_1008 : memref<100000x1024xf32, #tpu.memory_space<hbm>>) dst(%dma_wait3A_1003 : memref<16x1024xf32, #tpu.memory_space<vmem>>)
    %add3A_1009 = arith.constant 304 : i32
    %add3A_1010 = arith.addi %add3A_35, %add3A_1009 : i32
    %dma_start3A_1011 = arith.constant 3 : i32
    %dma_start3A_1012 = arith.constant 0 : i32
    %dma_start3A_1013 = arith.constant 0 : i32
    %dma_start3A_1014 = tpu.memref_slice %arg6[%dma_start3A_1011, %dma_start3A_1012, %dma_start3A_1013] : memref<4x16x1024xf32, #tpu.memory_space<vmem>> -> memref<1x16x1024xf32, #tpu.memory_space<vmem>>
    %dma_start3A_1015 = tpu.memref_squeeze %dma_start3A_1014 : memref<1x16x1024xf32, #tpu.memory_space<vmem>> -> memref<16x1024xf32, #tpu.memory_space<vmem>>
    %dma_start3A_1016 = arith.constant 0 : i32
    %dma_start3A_1017 = tpu.memref_slice %arg4[%add3A_1010, %dma_start3A_1016] : memref<16384x1024xf32, #tpu.memory_space<hbm>> -> memref<16x1024xf32, #tpu.memory_space<hbm>>
    %dma_start3A_1018 = arith.constant 0 : i32
    %dma_start3A_1019 = tpu.memref_slice %arg4[%add3A_1010, %dma_start3A_1018] : memref<16384x1024xf32, #tpu.memory_space<hbm>> -> memref<16x1024xf32, #tpu.memory_space<hbm>>
    %dma_start3A_1020 = arith.constant 0 : i32
    %dma_start3A_1021 = arith.constant 0 : i32
    %dma_start3A_1022 = tpu.memref_slice %arg6[%dma_start3A_1011, %dma_start3A_1020, %dma_start3A_1021] : memref<4x16x1024xf32, #tpu.memory_space<vmem>> -> memref<1x16x1024xf32, #tpu.memory_space<vmem>>
    %dma_start3A_1023 = tpu.memref_squeeze %dma_start3A_1022 : memref<1x16x1024xf32, #tpu.memory_space<vmem>> -> memref<16x1024xf32, #tpu.memory_space<vmem>>
    tpu.enqueue_dma source(%dma_start3A_1023 : memref<16x1024xf32, #tpu.memory_space<vmem>>) target(%dma_start3A_1019 : memref<16x1024xf32, #tpu.memory_space<hbm>>) target_semaphore(%arg14 : memref<!tpu.dma_semaphore, #tpu.memory_space<semaphore_mem>>)
    %add3A_1024 = arith.constant 288 : i32
    %add3A_1025 = arith.addi %add3A_35, %add3A_1024 : i32
    %dma_wait3A_1026 = arith.constant 2 : i32
    %dma_wait3A_1027 = arith.constant 0 : i32
    %dma_wait3A_1028 = arith.constant 0 : i32
    %dma_wait3A_1029 = tpu.memref_slice %arg6[%dma_wait3A_1026, %dma_wait3A_1027, %dma_wait3A_1028] : memref<4x16x1024xf32, #tpu.memory_space<vmem>> -> memref<1x16x1024xf32, #tpu.memory_space<vmem>>
    %dma_wait3A_1030 = tpu.memref_squeeze %dma_wait3A_1029 : memref<1x16x1024xf32, #tpu.memory_space<vmem>> -> memref<16x1024xf32, #tpu.memory_space<vmem>>
    %dma_wait3A_1031 = arith.constant 0 : i32
    %dma_wait3A_1032 = tpu.memref_slice %arg4[%add3A_1025, %dma_wait3A_1031] : memref<16384x1024xf32, #tpu.memory_space<hbm>> -> memref<16x1024xf32, #tpu.memory_space<hbm>>
    %dma_wait3A_1033 = arith.constant 0 : i32
    %dma_wait3A_1034 = tpu.memref_slice %arg4[%add3A_1025, %dma_wait3A_1033] : memref<16384x1024xf32, #tpu.memory_space<hbm>> -> memref<16x1024xf32, #tpu.memory_space<hbm>>
    %dma_wait3A_1035 = arith.constant 0 : i32
    %dma_wait3A_1036 = arith.constant 0 : i32
    %dma_wait3A_1037 = tpu.memref_slice %arg6[%dma_wait3A_1026, %dma_wait3A_1035, %dma_wait3A_1036] : memref<4x16x1024xf32, #tpu.memory_space<vmem>> -> memref<1x16x1024xf32, #tpu.memory_space<vmem>>
    %dma_wait3A_1038 = tpu.memref_squeeze %dma_wait3A_1037 : memref<1x16x1024xf32, #tpu.memory_space<vmem>> -> memref<16x1024xf32, #tpu.memory_space<vmem>>
    tpu.wait_dma2 semaphore(%arg13 : memref<!tpu.dma_semaphore, #tpu.memory_space<semaphore_mem>>) src(%dma_wait3A_1038 : memref<16x1024xf32, #tpu.memory_space<vmem>>) dst(%dma_wait3A_1034 : memref<16x1024xf32, #tpu.memory_space<hbm>>)
    %dma_start3A_1039 = arith.constant 2 : i32
    %dma_start3A_1040 = arith.constant 0 : i32
    %dma_start3A_1041 = arith.constant 0 : i32
    %dma_start3A_1042 = tpu.memref_slice %arg6[%dma_start3A_1039, %dma_start3A_1040, %dma_start3A_1041] : memref<4x16x1024xf32, #tpu.memory_space<vmem>> -> memref<1x16x1024xf32, #tpu.memory_space<vmem>>
    %dma_start3A_1043 = tpu.memref_squeeze %dma_start3A_1042 : memref<1x16x1024xf32, #tpu.memory_space<vmem>> -> memref<16x1024xf32, #tpu.memory_space<vmem>>
    %dma_start3A_1044 = arith.constant 352 : i32
    %dma_start3A_1045 = tpu.memref_slice %arg5[%dma_start3A_1044] : memref<384xi32, #tpu.memory_space<vmem>> -> memref<16xi32, #tpu.memory_space<vmem>>
    %dma_start3A_1046 = arith.constant 0 : i32
    %dma_start3A_1047 = arith.constant 0 : i32
    %dma_start3A_1048 = tpu.memref_slice %arg3[%dma_start3A_1046, %dma_start3A_1047] : memref<100000x1024xf32, #tpu.memory_space<hbm>> -> memref<100000x1024xf32, #tpu.memory_space<hbm>>
    tpu.enqueue_indirect_dma source(%dma_start3A_1048 : memref<100000x1024xf32, #tpu.memory_space<hbm>>) target(%dma_start3A_1043 : memref<16x1024xf32, #tpu.memory_space<vmem>>) offsets(%dma_start3A_1045 : memref<16xi32, #tpu.memory_space<vmem>>) semaphore(%arg9 : memref<!tpu.dma_semaphore, #tpu.memory_space<semaphore_mem>>)
    %dma_wait3A_1049 = arith.constant 0 : i32
    %dma_wait3A_1050 = arith.constant 0 : i32
    %dma_wait3A_1051 = arith.constant 0 : i32
    %dma_wait3A_1052 = tpu.memref_slice %arg6[%dma_wait3A_1049, %dma_wait3A_1050, %dma_wait3A_1051] : memref<4x16x1024xf32, #tpu.memory_space<vmem>> -> memref<1x16x1024xf32, #tpu.memory_space<vmem>>
    %dma_wait3A_1053 = tpu.memref_squeeze %dma_wait3A_1052 : memref<1x16x1024xf32, #tpu.memory_space<vmem>> -> memref<16x1024xf32, #tpu.memory_space<vmem>>
    %dma_wait3A_1054 = arith.constant 320 : i32
    %dma_wait3A_1055 = tpu.memref_slice %arg5[%dma_wait3A_1054] : memref<384xi32, #tpu.memory_space<vmem>> -> memref<16xi32, #tpu.memory_space<vmem>>
    %dma_wait3A_1056 = arith.constant 0 : i32
    %dma_wait3A_1057 = arith.constant 0 : i32
    %dma_wait3A_1058 = tpu.memref_slice %arg3[%dma_wait3A_1056, %dma_wait3A_1057] : memref<100000x1024xf32, #tpu.memory_space<hbm>> -> memref<100000x1024xf32, #tpu.memory_space<hbm>>
    tpu.wait_indirect_dma semaphore(%arg7 : memref<!tpu.dma_semaphore, #tpu.memory_space<semaphore_mem>>) src(%dma_wait3A_1058 : memref<100000x1024xf32, #tpu.memory_space<hbm>>) dst(%dma_wait3A_1053 : memref<16x1024xf32, #tpu.memory_space<vmem>>)
    %add3A_1059 = arith.constant 320 : i32
    %add3A_1060 = arith.addi %add3A_35, %add3A_1059 : i32
    %dma_start3A_1061 = arith.constant 0 : i32
    %dma_start3A_1062 = arith.constant 0 : i32
    %dma_start3A_1063 = arith.constant 0 : i32
    %dma_start3A_1064 = tpu.memref_slice %arg6[%dma_start3A_1061, %dma_start3A_1062, %dma_start3A_1063] : memref<4x16x1024xf32, #tpu.memory_space<vmem>> -> memref<1x16x1024xf32, #tpu.memory_space<vmem>>
    %dma_start3A_1065 = tpu.memref_squeeze %dma_start3A_1064 : memref<1x16x1024xf32, #tpu.memory_space<vmem>> -> memref<16x1024xf32, #tpu.memory_space<vmem>>
    %dma_start3A_1066 = arith.constant 0 : i32
    %dma_start3A_1067 = tpu.memref_slice %arg4[%add3A_1060, %dma_start3A_1066] : memref<16384x1024xf32, #tpu.memory_space<hbm>> -> memref<16x1024xf32, #tpu.memory_space<hbm>>
    %dma_start3A_1068 = arith.constant 0 : i32
    %dma_start3A_1069 = tpu.memref_slice %arg4[%add3A_1060, %dma_start3A_1068] : memref<16384x1024xf32, #tpu.memory_space<hbm>> -> memref<16x1024xf32, #tpu.memory_space<hbm>>
    %dma_start3A_1070 = arith.constant 0 : i32
    %dma_start3A_1071 = arith.constant 0 : i32
    %dma_start3A_1072 = tpu.memref_slice %arg6[%dma_start3A_1061, %dma_start3A_1070, %dma_start3A_1071] : memref<4x16x1024xf32, #tpu.memory_space<vmem>> -> memref<1x16x1024xf32, #tpu.memory_space<vmem>>
    %dma_start3A_1073 = tpu.memref_squeeze %dma_start3A_1072 : memref<1x16x1024xf32, #tpu.memory_space<vmem>> -> memref<16x1024xf32, #tpu.memory_space<vmem>>
    tpu.enqueue_dma source(%dma_start3A_1073 : memref<16x1024xf32, #tpu.memory_space<vmem>>) target(%dma_start3A_1069 : memref<16x1024xf32, #tpu.memory_space<hbm>>) target_semaphore(%arg11 : memref<!tpu.dma_semaphore, #tpu.memory_space<semaphore_mem>>)
    %add3A_1074 = arith.constant 304 : i32
    %add3A_1075 = arith.addi %add3A_35, %add3A_1074 : i32
    %dma_wait3A_1076 = arith.constant 3 : i32
    %dma_wait3A_1077 = arith.constant 0 : i32
    %dma_wait3A_1078 = arith.constant 0 : i32
    %dma_wait3A_1079 = tpu.memref_slice %arg6[%dma_wait3A_1076, %dma_wait3A_1077, %dma_wait3A_1078] : memref<4x16x1024xf32, #tpu.memory_space<vmem>> -> memref<1x16x1024xf32, #tpu.memory_space<vmem>>
    %dma_wait3A_1080 = tpu.memref_squeeze %dma_wait3A_1079 : memref<1x16x1024xf32, #tpu.memory_space<vmem>> -> memref<16x1024xf32, #tpu.memory_space<vmem>>
    %dma_wait3A_1081 = arith.constant 0 : i32
    %dma_wait3A_1082 = tpu.memref_slice %arg4[%add3A_1075, %dma_wait3A_1081] : memref<16384x1024xf32, #tpu.memory_space<hbm>> -> memref<16x1024xf32, #tpu.memory_space<hbm>>
    %dma_wait3A_1083 = arith.constant 0 : i32
    %dma_wait3A_1084 = tpu.memref_slice %arg4[%add3A_1075, %dma_wait3A_1083] : memref<16384x1024xf32, #tpu.memory_space<hbm>> -> memref<16x1024xf32, #tpu.memory_space<hbm>>
    %dma_wait3A_1085 = arith.constant 0 : i32
    %dma_wait3A_1086 = arith.constant 0 : i32
    %dma_wait3A_1087 = tpu.memref_slice %arg6[%dma_wait3A_1076, %dma_wait3A_1085, %dma_wait3A_1086] : memref<4x16x1024xf32, #tpu.memory_space<vmem>> -> memref<1x16x1024xf32, #tpu.memory_space<vmem>>
    %dma_wait3A_1088 = tpu.memref_squeeze %dma_wait3A_1087 : memref<1x16x1024xf32, #tpu.memory_space<vmem>> -> memref<16x1024xf32, #tpu.memory_space<vmem>>
    tpu.wait_dma2 semaphore(%arg14 : memref<!tpu.dma_semaphore, #tpu.memory_space<semaphore_mem>>) src(%dma_wait3A_1088 : memref<16x1024xf32, #tpu.memory_space<vmem>>) dst(%dma_wait3A_1084 : memref<16x1024xf32, #tpu.memory_space<hbm>>)
    %dma_start3A_1089 = arith.constant 3 : i32
    %dma_start3A_1090 = arith.constant 0 : i32
    %dma_start3A_1091 = arith.constant 0 : i32
    %dma_start3A_1092 = tpu.memref_slice %arg6[%dma_start3A_1089, %dma_start3A_1090, %dma_start3A_1091] : memref<4x16x1024xf32, #tpu.memory_space<vmem>> -> memref<1x16x1024xf32, #tpu.memory_space<vmem>>
    %dma_start3A_1093 = tpu.memref_squeeze %dma_start3A_1092 : memref<1x16x1024xf32, #tpu.memory_space<vmem>> -> memref<16x1024xf32, #tpu.memory_space<vmem>>
    %dma_start3A_1094 = arith.constant 368 : i32
    %dma_start3A_1095 = tpu.memref_slice %arg5[%dma_start3A_1094] : memref<384xi32, #tpu.memory_space<vmem>> -> memref<16xi32, #tpu.memory_space<vmem>>
    %dma_start3A_1096 = arith.constant 0 : i32
    %dma_start3A_1097 = arith.constant 0 : i32
    %dma_start3A_1098 = tpu.memref_slice %arg3[%dma_start3A_1096, %dma_start3A_1097] : memref<100000x1024xf32, #tpu.memory_space<hbm>> -> memref<100000x1024xf32, #tpu.memory_space<hbm>>
    tpu.enqueue_indirect_dma source(%dma_start3A_1098 : memref<100000x1024xf32, #tpu.memory_space<hbm>>) target(%dma_start3A_1093 : memref<16x1024xf32, #tpu.memory_space<vmem>>) offsets(%dma_start3A_1095 : memref<16xi32, #tpu.memory_space<vmem>>) semaphore(%arg10 : memref<!tpu.dma_semaphore, #tpu.memory_space<semaphore_mem>>)
    %dma_wait3A_1099 = arith.constant 1 : i32
    %dma_wait3A_1100 = arith.constant 0 : i32
    %dma_wait3A_1101 = arith.constant 0 : i32
    %dma_wait3A_1102 = tpu.memref_slice %arg6[%dma_wait3A_1099, %dma_wait3A_1100, %dma_wait3A_1101] : memref<4x16x1024xf32, #tpu.memory_space<vmem>> -> memref<1x16x1024xf32, #tpu.memory_space<vmem>>
    %dma_wait3A_1103 = tpu.memref_squeeze %dma_wait3A_1102 : memref<1x16x1024xf32, #tpu.memory_space<vmem>> -> memref<16x1024xf32, #tpu.memory_space<vmem>>
    %dma_wait3A_1104 = arith.constant 336 : i32
    %dma_wait3A_1105 = tpu.memref_slice %arg5[%dma_wait3A_1104] : memref<384xi32, #tpu.memory_space<vmem>> -> memref<16xi32, #tpu.memory_space<vmem>>
    %dma_wait3A_1106 = arith.constant 0 : i32
    %dma_wait3A_1107 = arith.constant 0 : i32
    %dma_wait3A_1108 = tpu.memref_slice %arg3[%dma_wait3A_1106, %dma_wait3A_1107] : memref<100000x1024xf32, #tpu.memory_space<hbm>> -> memref<100000x1024xf32, #tpu.memory_space<hbm>>
    tpu.wait_indirect_dma semaphore(%arg8 : memref<!tpu.dma_semaphore, #tpu.memory_space<semaphore_mem>>) src(%dma_wait3A_1108 : memref<100000x1024xf32, #tpu.memory_space<hbm>>) dst(%dma_wait3A_1103 : memref<16x1024xf32, #tpu.memory_space<vmem>>)
    %add3A_1109 = arith.constant 336 : i32
    %add3A_1110 = arith.addi %add3A_35, %add3A_1109 : i32
    %dma_start3A_1111 = arith.constant 1 : i32
    %dma_start3A_1112 = arith.constant 0 : i32
    %dma_start3A_1113 = arith.constant 0 : i32
    %dma_start3A_1114 = tpu.memref_slice %arg6[%dma_start3A_1111, %dma_start3A_1112, %dma_start3A_1113] : memref<4x16x1024xf32, #tpu.memory_space<vmem>> -> memref<1x16x1024xf32, #tpu.memory_space<vmem>>
    %dma_start3A_1115 = tpu.memref_squeeze %dma_start3A_1114 : memref<1x16x1024xf32, #tpu.memory_space<vmem>> -> memref<16x1024xf32, #tpu.memory_space<vmem>>
    %dma_start3A_1116 = arith.constant 0 : i32
    %dma_start3A_1117 = tpu.memref_slice %arg4[%add3A_1110, %dma_start3A_1116] : memref<16384x1024xf32, #tpu.memory_space<hbm>> -> memref<16x1024xf32, #tpu.memory_space<hbm>>
    %dma_start3A_1118 = arith.constant 0 : i32
    %dma_start3A_1119 = tpu.memref_slice %arg4[%add3A_1110, %dma_start3A_1118] : memref<16384x1024xf32, #tpu.memory_space<hbm>> -> memref<16x1024xf32, #tpu.memory_space<hbm>>
    %dma_start3A_1120 = arith.constant 0 : i32
    %dma_start3A_1121 = arith.constant 0 : i32
    %dma_start3A_1122 = tpu.memref_slice %arg6[%dma_start3A_1111, %dma_start3A_1120, %dma_start3A_1121] : memref<4x16x1024xf32, #tpu.memory_space<vmem>> -> memref<1x16x1024xf32, #tpu.memory_space<vmem>>
    %dma_start3A_1123 = tpu.memref_squeeze %dma_start3A_1122 : memref<1x16x1024xf32, #tpu.memory_space<vmem>> -> memref<16x1024xf32, #tpu.memory_space<vmem>>
    tpu.enqueue_dma source(%dma_start3A_1123 : memref<16x1024xf32, #tpu.memory_space<vmem>>) target(%dma_start3A_1119 : memref<16x1024xf32, #tpu.memory_space<hbm>>) target_semaphore(%arg12 : memref<!tpu.dma_semaphore, #tpu.memory_space<semaphore_mem>>)
    %dma_wait3A_1124 = arith.constant 2 : i32
    %dma_wait3A_1125 = arith.constant 0 : i32
    %dma_wait3A_1126 = arith.constant 0 : i32
    %dma_wait3A_1127 = tpu.memref_slice %arg6[%dma_wait3A_1124, %dma_wait3A_1125, %dma_wait3A_1126] : memref<4x16x1024xf32, #tpu.memory_space<vmem>> -> memref<1x16x1024xf32, #tpu.memory_space<vmem>>
    %dma_wait3A_1128 = tpu.memref_squeeze %dma_wait3A_1127 : memref<1x16x1024xf32, #tpu.memory_space<vmem>> -> memref<16x1024xf32, #tpu.memory_space<vmem>>
    %dma_wait3A_1129 = arith.constant 352 : i32
    %dma_wait3A_1130 = tpu.memref_slice %arg5[%dma_wait3A_1129] : memref<384xi32, #tpu.memory_space<vmem>> -> memref<16xi32, #tpu.memory_space<vmem>>
    %dma_wait3A_1131 = arith.constant 0 : i32
    %dma_wait3A_1132 = arith.constant 0 : i32
    %dma_wait3A_1133 = tpu.memref_slice %arg3[%dma_wait3A_1131, %dma_wait3A_1132] : memref<100000x1024xf32, #tpu.memory_space<hbm>> -> memref<100000x1024xf32, #tpu.memory_space<hbm>>
    tpu.wait_indirect_dma semaphore(%arg9 : memref<!tpu.dma_semaphore, #tpu.memory_space<semaphore_mem>>) src(%dma_wait3A_1133 : memref<100000x1024xf32, #tpu.memory_space<hbm>>) dst(%dma_wait3A_1128 : memref<16x1024xf32, #tpu.memory_space<vmem>>)
    %add3A_1134 = arith.constant 352 : i32
    %add3A_1135 = arith.addi %add3A_35, %add3A_1134 : i32
    %dma_start3A_1136 = arith.constant 2 : i32
    %dma_start3A_1137 = arith.constant 0 : i32
    %dma_start3A_1138 = arith.constant 0 : i32
    %dma_start3A_1139 = tpu.memref_slice %arg6[%dma_start3A_1136, %dma_start3A_1137, %dma_start3A_1138] : memref<4x16x1024xf32, #tpu.memory_space<vmem>> -> memref<1x16x1024xf32, #tpu.memory_space<vmem>>
    %dma_start3A_1140 = tpu.memref_squeeze %dma_start3A_1139 : memref<1x16x1024xf32, #tpu.memory_space<vmem>> -> memref<16x1024xf32, #tpu.memory_space<vmem>>
    %dma_start3A_1141 = arith.constant 0 : i32
    %dma_start3A_1142 = tpu.memref_slice %arg4[%add3A_1135, %dma_start3A_1141] : memref<16384x1024xf32, #tpu.memory_space<hbm>> -> memref<16x1024xf32, #tpu.memory_space<hbm>>
    %dma_start3A_1143 = arith.constant 0 : i32
    %dma_start3A_1144 = tpu.memref_slice %arg4[%add3A_1135, %dma_start3A_1143] : memref<16384x1024xf32, #tpu.memory_space<hbm>> -> memref<16x1024xf32, #tpu.memory_space<hbm>>
    %dma_start3A_1145 = arith.constant 0 : i32
    %dma_start3A_1146 = arith.constant 0 : i32
    %dma_start3A_1147 = tpu.memref_slice %arg6[%dma_start3A_1136, %dma_start3A_1145, %dma_start3A_1146] : memref<4x16x1024xf32, #tpu.memory_space<vmem>> -> memref<1x16x1024xf32, #tpu.memory_space<vmem>>
    %dma_start3A_1148 = tpu.memref_squeeze %dma_start3A_1147 : memref<1x16x1024xf32, #tpu.memory_space<vmem>> -> memref<16x1024xf32, #tpu.memory_space<vmem>>
    tpu.enqueue_dma source(%dma_start3A_1148 : memref<16x1024xf32, #tpu.memory_space<vmem>>) target(%dma_start3A_1144 : memref<16x1024xf32, #tpu.memory_space<hbm>>) target_semaphore(%arg13 : memref<!tpu.dma_semaphore, #tpu.memory_space<semaphore_mem>>)
    %dma_wait3A_1149 = arith.constant 3 : i32
    %dma_wait3A_1150 = arith.constant 0 : i32
    %dma_wait3A_1151 = arith.constant 0 : i32
    %dma_wait3A_1152 = tpu.memref_slice %arg6[%dma_wait3A_1149, %dma_wait3A_1150, %dma_wait3A_1151] : memref<4x16x1024xf32, #tpu.memory_space<vmem>> -> memref<1x16x1024xf32, #tpu.memory_space<vmem>>
    %dma_wait3A_1153 = tpu.memref_squeeze %dma_wait3A_1152 : memref<1x16x1024xf32, #tpu.memory_space<vmem>> -> memref<16x1024xf32, #tpu.memory_space<vmem>>
    %dma_wait3A_1154 = arith.constant 368 : i32
    %dma_wait3A_1155 = tpu.memref_slice %arg5[%dma_wait3A_1154] : memref<384xi32, #tpu.memory_space<vmem>> -> memref<16xi32, #tpu.memory_space<vmem>>
    %dma_wait3A_1156 = arith.constant 0 : i32
    %dma_wait3A_1157 = arith.constant 0 : i32
    %dma_wait3A_1158 = tpu.memref_slice %arg3[%dma_wait3A_1156, %dma_wait3A_1157] : memref<100000x1024xf32, #tpu.memory_space<hbm>> -> memref<100000x1024xf32, #tpu.memory_space<hbm>>
    tpu.wait_indirect_dma semaphore(%arg10 : memref<!tpu.dma_semaphore, #tpu.memory_space<semaphore_mem>>) src(%dma_wait3A_1158 : memref<100000x1024xf32, #tpu.memory_space<hbm>>) dst(%dma_wait3A_1153 : memref<16x1024xf32, #tpu.memory_space<vmem>>)
    %add3A_1159 = arith.constant 368 : i32
    %add3A_1160 = arith.addi %add3A_35, %add3A_1159 : i32
    %dma_start3A_1161 = arith.constant 3 : i32
    %dma_start3A_1162 = arith.constant 0 : i32
    %dma_start3A_1163 = arith.constant 0 : i32
    %dma_start3A_1164 = tpu.memref_slice %arg6[%dma_start3A_1161, %dma_start3A_1162, %dma_start3A_1163] : memref<4x16x1024xf32, #tpu.memory_space<vmem>> -> memref<1x16x1024xf32, #tpu.memory_space<vmem>>
    %dma_start3A_1165 = tpu.memref_squeeze %dma_start3A_1164 : memref<1x16x1024xf32, #tpu.memory_space<vmem>> -> memref<16x1024xf32, #tpu.memory_space<vmem>>
    %dma_start3A_1166 = arith.constant 0 : i32
    %dma_start3A_1167 = tpu.memref_slice %arg4[%add3A_1160, %dma_start3A_1166] : memref<16384x1024xf32, #tpu.memory_space<hbm>> -> memref<16x1024xf32, #tpu.memory_space<hbm>>
    %dma_start3A_1168 = arith.constant 0 : i32
    %dma_start3A_1169 = tpu.memref_slice %arg4[%add3A_1160, %dma_start3A_1168] : memref<16384x1024xf32, #tpu.memory_space<hbm>> -> memref<16x1024xf32, #tpu.memory_space<hbm>>
    %dma_start3A_1170 = arith.constant 0 : i32
    %dma_start3A_1171 = arith.constant 0 : i32
    %dma_start3A_1172 = tpu.memref_slice %arg6[%dma_start3A_1161, %dma_start3A_1170, %dma_start3A_1171] : memref<4x16x1024xf32, #tpu.memory_space<vmem>> -> memref<1x16x1024xf32, #tpu.memory_space<vmem>>
    %dma_start3A_1173 = tpu.memref_squeeze %dma_start3A_1172 : memref<1x16x1024xf32, #tpu.memory_space<vmem>> -> memref<16x1024xf32, #tpu.memory_space<vmem>>
    tpu.enqueue_dma source(%dma_start3A_1173 : memref<16x1024xf32, #tpu.memory_space<vmem>>) target(%dma_start3A_1169 : memref<16x1024xf32, #tpu.memory_space<hbm>>) target_semaphore(%arg14 : memref<!tpu.dma_semaphore, #tpu.memory_space<semaphore_mem>>)
    %add3A_1174 = arith.constant 320 : i32
    %add3A_1175 = arith.addi %add3A_35, %add3A_1174 : i32
    %dma_wait3A_1176 = arith.constant 0 : i32
    %dma_wait3A_1177 = arith.constant 0 : i32
    %dma_wait3A_1178 = arith.constant 0 : i32
    %dma_wait3A_1179 = tpu.memref_slice %arg6[%dma_wait3A_1176, %dma_wait3A_1177, %dma_wait3A_1178] : memref<4x16x1024xf32, #tpu.memory_space<vmem>> -> memref<1x16x1024xf32, #tpu.memory_space<vmem>>
    %dma_wait3A_1180 = tpu.memref_squeeze %dma_wait3A_1179 : memref<1x16x1024xf32, #tpu.memory_space<vmem>> -> memref<16x1024xf32, #tpu.memory_space<vmem>>
    %dma_wait3A_1181 = arith.constant 0 : i32
    %dma_wait3A_1182 = tpu.memref_slice %arg4[%add3A_1175, %dma_wait3A_1181] : memref<16384x1024xf32, #tpu.memory_space<hbm>> -> memref<16x1024xf32, #tpu.memory_space<hbm>>
    %dma_wait3A_1183 = arith.constant 0 : i32
    %dma_wait3A_1184 = tpu.memref_slice %arg4[%add3A_1175, %dma_wait3A_1183] : memref<16384x1024xf32, #tpu.memory_space<hbm>> -> memref<16x1024xf32, #tpu.memory_space<hbm>>
    %dma_wait3A_1185 = arith.constant 0 : i32
    %dma_wait3A_1186 = arith.constant 0 : i32
    %dma_wait3A_1187 = tpu.memref_slice %arg6[%dma_wait3A_1176, %dma_wait3A_1185, %dma_wait3A_1186] : memref<4x16x1024xf32, #tpu.memory_space<vmem>> -> memref<1x16x1024xf32, #tpu.memory_space<vmem>>
    %dma_wait3A_1188 = tpu.memref_squeeze %dma_wait3A_1187 : memref<1x16x1024xf32, #tpu.memory_space<vmem>> -> memref<16x1024xf32, #tpu.memory_space<vmem>>
    tpu.wait_dma2 semaphore(%arg11 : memref<!tpu.dma_semaphore, #tpu.memory_space<semaphore_mem>>) src(%dma_wait3A_1188 : memref<16x1024xf32, #tpu.memory_space<vmem>>) dst(%dma_wait3A_1184 : memref<16x1024xf32, #tpu.memory_space<hbm>>)
    %add3A_1189 = arith.constant 336 : i32
    %add3A_1190 = arith.addi %add3A_35, %add3A_1189 : i32
    %dma_wait3A_1191 = arith.constant 1 : i32
    %dma_wait3A_1192 = arith.constant 0 : i32
    %dma_wait3A_1193 = arith.constant 0 : i32
    %dma_wait3A_1194 = tpu.memref_slice %arg6[%dma_wait3A_1191, %dma_wait3A_1192, %dma_wait3A_1193] : memref<4x16x1024xf32, #tpu.memory_space<vmem>> -> memref<1x16x1024xf32, #tpu.memory_space<vmem>>
    %dma_wait3A_1195 = tpu.memref_squeeze %dma_wait3A_1194 : memref<1x16x1024xf32, #tpu.memory_space<vmem>> -> memref<16x1024xf32, #tpu.memory_space<vmem>>
    %dma_wait3A_1196 = arith.constant 0 : i32
    %dma_wait3A_1197 = tpu.memref_slice %arg4[%add3A_1190, %dma_wait3A_1196] : memref<16384x1024xf32, #tpu.memory_space<hbm>> -> memref<16x1024xf32, #tpu.memory_space<hbm>>
    %dma_wait3A_1198 = arith.constant 0 : i32
    %dma_wait3A_1199 = tpu.memref_slice %arg4[%add3A_1190, %dma_wait3A_1198] : memref<16384x1024xf32, #tpu.memory_space<hbm>> -> memref<16x1024xf32, #tpu.memory_space<hbm>>
    %dma_wait3A_1200 = arith.constant 0 : i32
    %dma_wait3A_1201 = arith.constant 0 : i32
    %dma_wait3A_1202 = tpu.memref_slice %arg6[%dma_wait3A_1191, %dma_wait3A_1200, %dma_wait3A_1201] : memref<4x16x1024xf32, #tpu.memory_space<vmem>> -> memref<1x16x1024xf32, #tpu.memory_space<vmem>>
    %dma_wait3A_1203 = tpu.memref_squeeze %dma_wait3A_1202 : memref<1x16x1024xf32, #tpu.memory_space<vmem>> -> memref<16x1024xf32, #tpu.memory_space<vmem>>
    tpu.wait_dma2 semaphore(%arg12 : memref<!tpu.dma_semaphore, #tpu.memory_space<semaphore_mem>>) src(%dma_wait3A_1203 : memref<16x1024xf32, #tpu.memory_space<vmem>>) dst(%dma_wait3A_1199 : memref<16x1024xf32, #tpu.memory_space<hbm>>)
    %add3A_1204 = arith.constant 352 : i32
    %add3A_1205 = arith.addi %add3A_35, %add3A_1204 : i32
    %dma_wait3A_1206 = arith.constant 2 : i32
    %dma_wait3A_1207 = arith.constant 0 : i32
    %dma_wait3A_1208 = arith.constant 0 : i32
    %dma_wait3A_1209 = tpu.memref_slice %arg6[%dma_wait3A_1206, %dma_wait3A_1207, %dma_wait3A_1208] : memref<4x16x1024xf32, #tpu.memory_space<vmem>> -> memref<1x16x1024xf32, #tpu.memory_space<vmem>>
    %dma_wait3A_1210 = tpu.memref_squeeze %dma_wait3A_1209 : memref<1x16x1024xf32, #tpu.memory_space<vmem>> -> memref<16x1024xf32, #tpu.memory_space<vmem>>
    %dma_wait3A_1211 = arith.constant 0 : i32
    %dma_wait3A_1212 = tpu.memref_slice %arg4[%add3A_1205, %dma_wait3A_1211] : memref<16384x1024xf32, #tpu.memory_space<hbm>> -> memref<16x1024xf32, #tpu.memory_space<hbm>>
    %dma_wait3A_1213 = arith.constant 0 : i32
    %dma_wait3A_1214 = tpu.memref_slice %arg4[%add3A_1205, %dma_wait3A_1213] : memref<16384x1024xf32, #tpu.memory_space<hbm>> -> memref<16x1024xf32, #tpu.memory_space<hbm>>
    %dma_wait3A_1215 = arith.constant 0 : i32
    %dma_wait3A_1216 = arith.constant 0 : i32
    %dma_wait3A_1217 = tpu.memref_slice %arg6[%dma_wait3A_1206, %dma_wait3A_1215, %dma_wait3A_1216] : memref<4x16x1024xf32, #tpu.memory_space<vmem>> -> memref<1x16x1024xf32, #tpu.memory_space<vmem>>
    %dma_wait3A_1218 = tpu.memref_squeeze %dma_wait3A_1217 : memref<1x16x1024xf32, #tpu.memory_space<vmem>> -> memref<16x1024xf32, #tpu.memory_space<vmem>>
    tpu.wait_dma2 semaphore(%arg13 : memref<!tpu.dma_semaphore, #tpu.memory_space<semaphore_mem>>) src(%dma_wait3A_1218 : memref<16x1024xf32, #tpu.memory_space<vmem>>) dst(%dma_wait3A_1214 : memref<16x1024xf32, #tpu.memory_space<hbm>>)
    %add3A_1219 = arith.constant 368 : i32
    %add3A_1220 = arith.addi %add3A_35, %add3A_1219 : i32
    %dma_wait3A_1221 = arith.constant 3 : i32
    %dma_wait3A_1222 = arith.constant 0 : i32
    %dma_wait3A_1223 = arith.constant 0 : i32
    %dma_wait3A_1224 = tpu.memref_slice %arg6[%dma_wait3A_1221, %dma_wait3A_1222, %dma_wait3A_1223] : memref<4x16x1024xf32, #tpu.memory_space<vmem>> -> memref<1x16x1024xf32, #tpu.memory_space<vmem>>
    %dma_wait3A_1225 = tpu.memref_squeeze %dma_wait3A_1224 : memref<1x16x1024xf32, #tpu.memory_space<vmem>> -> memref<16x1024xf32, #tpu.memory_space<vmem>>
    %dma_wait3A_1226 = arith.constant 0 : i32
    %dma_wait3A_1227 = tpu.memref_slice %arg4[%add3A_1220, %dma_wait3A_1226] : memref<16384x1024xf32, #tpu.memory_space<hbm>> -> memref<16x1024xf32, #tpu.memory_space<hbm>>
    %dma_wait3A_1228 = arith.constant 0 : i32
    %dma_wait3A_1229 = tpu.memref_slice %arg4[%add3A_1220, %dma_wait3A_1228] : memref<16384x1024xf32, #tpu.memory_space<hbm>> -> memref<16x1024xf32, #tpu.memory_space<hbm>>
    %dma_wait3A_1230 = arith.constant 0 : i32
    %dma_wait3A_1231 = arith.constant 0 : i32
    %dma_wait3A_1232 = tpu.memref_slice %arg6[%dma_wait3A_1221, %dma_wait3A_1230, %dma_wait3A_1231] : memref<4x16x1024xf32, #tpu.memory_space<vmem>> -> memref<1x16x1024xf32, #tpu.memory_space<vmem>>
    %dma_wait3A_1233 = tpu.memref_squeeze %dma_wait3A_1232 : memref<1x16x1024xf32, #tpu.memory_space<vmem>> -> memref<16x1024xf32, #tpu.memory_space<vmem>>
    tpu.wait_dma2 semaphore(%arg14 : memref<!tpu.dma_semaphore, #tpu.memory_space<semaphore_mem>>) src(%dma_wait3A_1233 : memref<16x1024xf32, #tpu.memory_space<vmem>>) dst(%dma_wait3A_1229 : memref<16x1024xf32, #tpu.memory_space<hbm>>)
    return
  }
  func.func @scs_fn(%arg0: i32, %arg1: memref<16384xi32, #tpu.memory_space<hbm>>, %arg2: memref<100000x1024xf32, #tpu.memory_space<hbm>>, %arg3: memref<16384x1024xf32, #tpu.memory_space<hbm>>, %arg4: memref<384xi32, #tpu.memory_space<vmem, sc_vector_subcore>>, %arg5: memref<4x16x1024xf32, #tpu.memory_space<vmem, sc_vector_subcore>>, %arg6: memref<!tpu.dma_semaphore, #tpu.memory_space<semaphore_mem, sc_vector_subcore>>, %arg7: memref<!tpu.dma_semaphore, #tpu.memory_space<semaphore_mem, sc_vector_subcore>>, %arg8: memref<!tpu.dma_semaphore, #tpu.memory_space<semaphore_mem, sc_vector_subcore>>, %arg9: memref<!tpu.dma_semaphore, #tpu.memory_space<semaphore_mem, sc_vector_subcore>>, %arg10: memref<!tpu.dma_semaphore, #tpu.memory_space<semaphore_mem, sc_vector_subcore>>, %arg11: memref<!tpu.dma_semaphore, #tpu.memory_space<semaphore_mem, sc_vector_subcore>>, %arg12: memref<!tpu.dma_semaphore, #tpu.memory_space<semaphore_mem, sc_vector_subcore>>, %arg13: memref<!tpu.dma_semaphore, #tpu.memory_space<semaphore_mem, sc_vector_subcore>>, %arg14: memref<256xi32, #tpu.memory_space<smem>>, %arg15: memref<2x256x1024xf32, #tpu.memory_space<vmem_shared>>, %arg16: memref<!tpu.dma_semaphore, #tpu.memory_space<semaphore_mem>>, %arg17: memref<!tpu.dma_semaphore, #tpu.memory_space<semaphore_mem>>) attributes {dimension_semantics = [#tpu.dimension_semantics<core_parallel>], iteration_bounds = array<i64: 2>, scalar_prefetch = 0 : i64, scratch_operands = 14 : i64, tpu.core_type = #tpu.core_type<sc_scalar_subcore>, window_params = [{transform_indices = #map2}, {transform_indices = #map3}, {transform_indices = #map3}]} {
    %mul3A = arith.constant 2 : i32
    %mul3A_0 = arith.muli %mul3A, %arg0 : i32
    %add3A = arith.constant 0 : i32
    %add3A_1 = arith.addi %mul3A_0, %add3A : i32
    %mul3A_2 = arith.constant 4096 : i32
    %mul3A_3 = arith.muli %add3A_1, %mul3A_2 : i32
    %add3A_4 = arith.constant 3072 : i32
    %add3A_5 = arith.addi %mul3A_3, %add3A_4 : i32
    "tpu.region"() ({
      %run_scoped3A = tpu.sem_alloc : memref<!tpu.dma_semaphore, #tpu.memory_space<semaphore_mem>>
      %dma_start3A_403 = tpu.memref_slice %arg1[%add3A_5] : memref<16384xi32, #tpu.memory_space<hbm>> -> memref<256xi32, #tpu.memory_space<hbm>>
      tpu.enqueue_dma source(%dma_start3A_403 : memref<256xi32, #tpu.memory_space<hbm>>) target(%arg14 : memref<256xi32, #tpu.memory_space<smem>>) target_semaphore(%run_scoped3A : memref<!tpu.dma_semaphore, #tpu.memory_space<semaphore_mem>>)
      %dma_wait3A_404 = tpu.memref_slice %arg1[%add3A_5] : memref<16384xi32, #tpu.memory_space<hbm>> -> memref<256xi32, #tpu.memory_space<hbm>>
      tpu.wait_dma2 semaphore(%run_scoped3A : memref<!tpu.dma_semaphore, #tpu.memory_space<semaphore_mem>>) src(%dma_wait3A_404 : memref<256xi32, #tpu.memory_space<hbm>>) dst(%arg14 : memref<256xi32, #tpu.memory_space<smem>>)
      tpu.yield
    }) : () -> ()
    %scan3A = arith.constant 0 : i32
    %scan3A_6 = arith.constant 256 : i32
    %scan3A_7 = arith.addi %scan3A, %scan3A_6 : i32
    %scan3A_8 = arith.constant 1 : i32
    scf.for %scan3A_403 = %scan3A to %scan3A_7 step %scan3A_8  : i32 {
      %mul3A_404 = arith.constant 1 : i32
      %mul3A_405 = arith.muli %scan3A_403, %mul3A_404 : i32
      %add3A_406 = arith.constant 0 : i32
      %add3A_407 = arith.addi %add3A_406, %mul3A_405 : i32
      %get3A = arith.index_cast %add3A_407 : i32 to index
      %get3A_408 = memref.load %arg14[%get3A] : memref<256xi32, #tpu.memory_space<smem>>
      %dma_start3A_409 = arith.constant 0 : i32
      %dma_start3A_410 = arith.constant 0 : i32
      %dma_start3A_411 = arith.constant 0 : i32
      %dma_start3A_412 = tpu.memref_slice %arg15[%dma_start3A_409, %dma_start3A_410, %dma_start3A_411] : memref<2x256x1024xf32, #tpu.memory_space<vmem_shared>> -> memref<1x256x1024xf32, #tpu.memory_space<vmem_shared>>
      %dma_start3A_413 = tpu.memref_squeeze %dma_start3A_412 : memref<1x256x1024xf32, #tpu.memory_space<vmem_shared>> -> memref<256x1024xf32, #tpu.memory_space<vmem_shared>>
      %dma_start3A_414 = arith.constant 0 : i32
      %dma_start3A_415 = tpu.memref_slice %dma_start3A_413[%add3A_407, %dma_start3A_414] : memref<256x1024xf32, #tpu.memory_space<vmem_shared>> -> memref<1x1024xf32, #tpu.memory_space<vmem_shared>>
      %dma_start3A_416 = arith.constant 0 : i32
      %dma_start3A_417 = tpu.memref_slice %arg2[%get3A_408, %dma_start3A_416] : memref<100000x1024xf32, #tpu.memory_space<hbm>> -> memref<1x1024xf32, #tpu.memory_space<hbm>>
      tpu.enqueue_dma source(%dma_start3A_417 : memref<1x1024xf32, #tpu.memory_space<hbm>>) target(%dma_start3A_415 : memref<1x1024xf32, #tpu.memory_space<vmem_shared>>) target_semaphore(%arg16 : memref<!tpu.dma_semaphore, #tpu.memory_space<semaphore_mem>>)
    }
    %scan3A_9 = arith.constant 256 : i32
    %dma_wait3A = arith.constant 0 : i32
    %dma_wait3A_10 = arith.constant 0 : i32
    %dma_wait3A_11 = arith.constant 0 : i32
    %dma_wait3A_12 = tpu.memref_slice %arg15[%dma_wait3A, %dma_wait3A_10, %dma_wait3A_11] : memref<2x256x1024xf32, #tpu.memory_space<vmem_shared>> -> memref<1x256x1024xf32, #tpu.memory_space<vmem_shared>>
    %dma_wait3A_13 = tpu.memref_squeeze %dma_wait3A_12 : memref<1x256x1024xf32, #tpu.memory_space<vmem_shared>> -> memref<256x1024xf32, #tpu.memory_space<vmem_shared>>
    %dma_wait3A_14 = arith.constant 0 : i32
    %dma_wait3A_15 = arith.constant 0 : i32
    %dma_wait3A_16 = tpu.memref_slice %arg2[%dma_wait3A_14, %dma_wait3A_15] : memref<100000x1024xf32, #tpu.memory_space<hbm>> -> memref<256x1024xf32, #tpu.memory_space<hbm>>
    tpu.wait_dma2 semaphore(%arg16 : memref<!tpu.dma_semaphore, #tpu.memory_space<semaphore_mem>>) src(%dma_wait3A_16 : memref<256x1024xf32, #tpu.memory_space<hbm>>) dst(%dma_wait3A_13 : memref<256x1024xf32, #tpu.memory_space<vmem_shared>>)
    %mul3A_17 = arith.constant 2 : i32
    %mul3A_18 = arith.muli %mul3A_17, %arg0 : i32
    %add3A_19 = arith.constant 0 : i32
    %add3A_20 = arith.addi %mul3A_18, %add3A_19 : i32
    %mul3A_21 = arith.constant 4096 : i32
    %mul3A_22 = arith.muli %add3A_20, %mul3A_21 : i32
    %add3A_23 = arith.constant 3072 : i32
    %add3A_24 = arith.addi %mul3A_22, %add3A_23 : i32
    %dma_start3A = arith.constant 0 : i32
    %dma_start3A_25 = arith.constant 0 : i32
    %dma_start3A_26 = tpu.memref_slice %arg3[%add3A_24, %dma_start3A_25] : memref<16384x1024xf32, #tpu.memory_space<hbm>> -> memref<256x1024xf32, #tpu.memory_space<hbm>>
    %dma_start3A_27 = arith.constant 0 : i32
    %dma_start3A_28 = arith.constant 0 : i32
    %dma_start3A_29 = tpu.memref_slice %arg15[%dma_start3A, %dma_start3A_27, %dma_start3A_28] : memref<2x256x1024xf32, #tpu.memory_space<vmem_shared>> -> memref<1x256x1024xf32, #tpu.memory_space<vmem_shared>>
    %dma_start3A_30 = tpu.memref_squeeze %dma_start3A_29 : memref<1x256x1024xf32, #tpu.memory_space<vmem_shared>> -> memref<256x1024xf32, #tpu.memory_space<vmem_shared>>
    tpu.enqueue_dma source(%dma_start3A_30 : memref<256x1024xf32, #tpu.memory_space<vmem_shared>>) target(%dma_start3A_26 : memref<256x1024xf32, #tpu.memory_space<hbm>>) target_semaphore(%arg17 : memref<!tpu.dma_semaphore, #tpu.memory_space<semaphore_mem>>)
    %mul3A_31 = arith.constant 2 : i32
    %mul3A_32 = arith.muli %mul3A_31, %arg0 : i32
    %add3A_33 = arith.constant 0 : i32
    %add3A_34 = arith.addi %mul3A_32, %add3A_33 : i32
    %mul3A_35 = arith.constant 4096 : i32
    %mul3A_36 = arith.muli %add3A_34, %mul3A_35 : i32
    %add3A_37 = arith.constant 3328 : i32
    %add3A_38 = arith.addi %mul3A_36, %add3A_37 : i32
    "tpu.region"() ({
      %run_scoped3A = tpu.sem_alloc : memref<!tpu.dma_semaphore, #tpu.memory_space<semaphore_mem>>
      %dma_start3A_403 = tpu.memref_slice %arg1[%add3A_38] : memref<16384xi32, #tpu.memory_space<hbm>> -> memref<256xi32, #tpu.memory_space<hbm>>
      tpu.enqueue_dma source(%dma_start3A_403 : memref<256xi32, #tpu.memory_space<hbm>>) target(%arg14 : memref<256xi32, #tpu.memory_space<smem>>) target_semaphore(%run_scoped3A : memref<!tpu.dma_semaphore, #tpu.memory_space<semaphore_mem>>)
      %dma_wait3A_404 = tpu.memref_slice %arg1[%add3A_38] : memref<16384xi32, #tpu.memory_space<hbm>> -> memref<256xi32, #tpu.memory_space<hbm>>
      tpu.wait_dma2 semaphore(%run_scoped3A : memref<!tpu.dma_semaphore, #tpu.memory_space<semaphore_mem>>) src(%dma_wait3A_404 : memref<256xi32, #tpu.memory_space<hbm>>) dst(%arg14 : memref<256xi32, #tpu.memory_space<smem>>)
      tpu.yield
    }) : () -> ()
    %scan3A_39 = arith.constant 0 : i32
    %scan3A_40 = arith.constant 256 : i32
    %scan3A_41 = arith.addi %scan3A_39, %scan3A_40 : i32
    %scan3A_42 = arith.constant 1 : i32
    scf.for %scan3A_403 = %scan3A_39 to %scan3A_41 step %scan3A_42  : i32 {
      %mul3A_404 = arith.constant 1 : i32
      %mul3A_405 = arith.muli %scan3A_403, %mul3A_404 : i32
      %add3A_406 = arith.constant 0 : i32
      %add3A_407 = arith.addi %add3A_406, %mul3A_405 : i32
      %get3A = arith.index_cast %add3A_407 : i32 to index
      %get3A_408 = memref.load %arg14[%get3A] : memref<256xi32, #tpu.memory_space<smem>>
      %dma_start3A_409 = arith.constant 1 : i32
      %dma_start3A_410 = arith.constant 0 : i32
      %dma_start3A_411 = arith.constant 0 : i32
      %dma_start3A_412 = tpu.memref_slice %arg15[%dma_start3A_409, %dma_start3A_410, %dma_start3A_411] : memref<2x256x1024xf32, #tpu.memory_space<vmem_shared>> -> memref<1x256x1024xf32, #tpu.memory_space<vmem_shared>>
      %dma_start3A_413 = tpu.memref_squeeze %dma_start3A_412 : memref<1x256x1024xf32, #tpu.memory_space<vmem_shared>> -> memref<256x1024xf32, #tpu.memory_space<vmem_shared>>
      %dma_start3A_414 = arith.constant 0 : i32
      %dma_start3A_415 = tpu.memref_slice %dma_start3A_413[%add3A_407, %dma_start3A_414] : memref<256x1024xf32, #tpu.memory_space<vmem_shared>> -> memref<1x1024xf32, #tpu.memory_space<vmem_shared>>
      %dma_start3A_416 = arith.constant 0 : i32
      %dma_start3A_417 = tpu.memref_slice %arg2[%get3A_408, %dma_start3A_416] : memref<100000x1024xf32, #tpu.memory_space<hbm>> -> memref<1x1024xf32, #tpu.memory_space<hbm>>
      tpu.enqueue_dma source(%dma_start3A_417 : memref<1x1024xf32, #tpu.memory_space<hbm>>) target(%dma_start3A_415 : memref<1x1024xf32, #tpu.memory_space<vmem_shared>>) target_semaphore(%arg16 : memref<!tpu.dma_semaphore, #tpu.memory_space<semaphore_mem>>)
    }
    %scan3A_43 = arith.constant 256 : i32
    %dma_wait3A_44 = arith.constant 1 : i32
    %dma_wait3A_45 = arith.constant 0 : i32
    %dma_wait3A_46 = arith.constant 0 : i32
    %dma_wait3A_47 = tpu.memref_slice %arg15[%dma_wait3A_44, %dma_wait3A_45, %dma_wait3A_46] : memref<2x256x1024xf32, #tpu.memory_space<vmem_shared>> -> memref<1x256x1024xf32, #tpu.memory_space<vmem_shared>>
    %dma_wait3A_48 = tpu.memref_squeeze %dma_wait3A_47 : memref<1x256x1024xf32, #tpu.memory_space<vmem_shared>> -> memref<256x1024xf32, #tpu.memory_space<vmem_shared>>
    %dma_wait3A_49 = arith.constant 0 : i32
    %dma_wait3A_50 = arith.constant 0 : i32
    %dma_wait3A_51 = tpu.memref_slice %arg2[%dma_wait3A_49, %dma_wait3A_50] : memref<100000x1024xf32, #tpu.memory_space<hbm>> -> memref<256x1024xf32, #tpu.memory_space<hbm>>
    tpu.wait_dma2 semaphore(%arg16 : memref<!tpu.dma_semaphore, #tpu.memory_space<semaphore_mem>>) src(%dma_wait3A_51 : memref<256x1024xf32, #tpu.memory_space<hbm>>) dst(%dma_wait3A_48 : memref<256x1024xf32, #tpu.memory_space<vmem_shared>>)
    %mul3A_52 = arith.constant 2 : i32
    %mul3A_53 = arith.muli %mul3A_52, %arg0 : i32
    %add3A_54 = arith.constant 0 : i32
    %add3A_55 = arith.addi %mul3A_53, %add3A_54 : i32
    %mul3A_56 = arith.constant 4096 : i32
    %mul3A_57 = arith.muli %add3A_55, %mul3A_56 : i32
    %add3A_58 = arith.constant 3328 : i32
    %add3A_59 = arith.addi %mul3A_57, %add3A_58 : i32
    %dma_start3A_60 = arith.constant 1 : i32
    %dma_start3A_61 = arith.constant 0 : i32
    %dma_start3A_62 = tpu.memref_slice %arg3[%add3A_59, %dma_start3A_61] : memref<16384x1024xf32, #tpu.memory_space<hbm>> -> memref<256x1024xf32, #tpu.memory_space<hbm>>
    %dma_start3A_63 = arith.constant 0 : i32
    %dma_start3A_64 = arith.constant 0 : i32
    %dma_start3A_65 = tpu.memref_slice %arg15[%dma_start3A_60, %dma_start3A_63, %dma_start3A_64] : memref<2x256x1024xf32, #tpu.memory_space<vmem_shared>> -> memref<1x256x1024xf32, #tpu.memory_space<vmem_shared>>
    %dma_start3A_66 = tpu.memref_squeeze %dma_start3A_65 : memref<1x256x1024xf32, #tpu.memory_space<vmem_shared>> -> memref<256x1024xf32, #tpu.memory_space<vmem_shared>>
    tpu.enqueue_dma source(%dma_start3A_66 : memref<256x1024xf32, #tpu.memory_space<vmem_shared>>) target(%dma_start3A_62 : memref<256x1024xf32, #tpu.memory_space<hbm>>) target_semaphore(%arg17 : memref<!tpu.dma_semaphore, #tpu.memory_space<semaphore_mem>>)
    %mul3A_67 = arith.constant 2 : i32
    %mul3A_68 = arith.muli %mul3A_67, %arg0 : i32
    %add3A_69 = arith.constant 0 : i32
    %add3A_70 = arith.addi %mul3A_68, %add3A_69 : i32
    %mul3A_71 = arith.constant 2 : i32
    %mul3A_72 = arith.muli %mul3A_71, %arg0 : i32
    %add3A_73 = arith.constant 0 : i32
    %add3A_74 = arith.addi %mul3A_72, %add3A_73 : i32
    %mul3A_75 = arith.constant 4096 : i32
    %mul3A_76 = arith.muli %add3A_74, %mul3A_75 : i32
    %add3A_77 = arith.constant 3072 : i32
    %add3A_78 = arith.addi %mul3A_76, %add3A_77 : i32
    %dma_wait3A_79 = arith.constant 0 : i32
    %dma_wait3A_80 = arith.constant 0 : i32
    %dma_wait3A_81 = tpu.memref_slice %arg3[%add3A_78, %dma_wait3A_80] : memref<16384x1024xf32, #tpu.memory_space<hbm>> -> memref<256x1024xf32, #tpu.memory_space<hbm>>
    %dma_wait3A_82 = arith.constant 0 : i32
    %dma_wait3A_83 = arith.constant 0 : i32
    %dma_wait3A_84 = tpu.memref_slice %arg15[%dma_wait3A_79, %dma_wait3A_82, %dma_wait3A_83] : memref<2x256x1024xf32, #tpu.memory_space<vmem_shared>> -> memref<1x256x1024xf32, #tpu.memory_space<vmem_shared>>
    %dma_wait3A_85 = tpu.memref_squeeze %dma_wait3A_84 : memref<1x256x1024xf32, #tpu.memory_space<vmem_shared>> -> memref<256x1024xf32, #tpu.memory_space<vmem_shared>>
    tpu.wait_dma2 semaphore(%arg17 : memref<!tpu.dma_semaphore, #tpu.memory_space<semaphore_mem>>) src(%dma_wait3A_85 : memref<256x1024xf32, #tpu.memory_space<vmem_shared>>) dst(%dma_wait3A_81 : memref<256x1024xf32, #tpu.memory_space<hbm>>)
    %mul3A_86 = arith.constant 4096 : i32
    %mul3A_87 = arith.muli %add3A_70, %mul3A_86 : i32
    %add3A_88 = arith.constant 3584 : i32
    %add3A_89 = arith.addi %mul3A_87, %add3A_88 : i32
    "tpu.region"() ({
      %run_scoped3A = tpu.sem_alloc : memref<!tpu.dma_semaphore, #tpu.memory_space<semaphore_mem>>
      %dma_start3A_403 = tpu.memref_slice %arg1[%add3A_89] : memref<16384xi32, #tpu.memory_space<hbm>> -> memref<256xi32, #tpu.memory_space<hbm>>
      tpu.enqueue_dma source(%dma_start3A_403 : memref<256xi32, #tpu.memory_space<hbm>>) target(%arg14 : memref<256xi32, #tpu.memory_space<smem>>) target_semaphore(%run_scoped3A : memref<!tpu.dma_semaphore, #tpu.memory_space<semaphore_mem>>)
      %dma_wait3A_404 = tpu.memref_slice %arg1[%add3A_89] : memref<16384xi32, #tpu.memory_space<hbm>> -> memref<256xi32, #tpu.memory_space<hbm>>
      tpu.wait_dma2 semaphore(%run_scoped3A : memref<!tpu.dma_semaphore, #tpu.memory_space<semaphore_mem>>) src(%dma_wait3A_404 : memref<256xi32, #tpu.memory_space<hbm>>) dst(%arg14 : memref<256xi32, #tpu.memory_space<smem>>)
      tpu.yield
    }) : () -> ()
    %scan3A_90 = arith.constant 0 : i32
    %scan3A_91 = arith.constant 256 : i32
    %scan3A_92 = arith.addi %scan3A_90, %scan3A_91 : i32
    %scan3A_93 = arith.constant 1 : i32
    scf.for %scan3A_403 = %scan3A_90 to %scan3A_92 step %scan3A_93  : i32 {
      %mul3A_404 = arith.constant 1 : i32
      %mul3A_405 = arith.muli %scan3A_403, %mul3A_404 : i32
      %add3A_406 = arith.constant 0 : i32
      %add3A_407 = arith.addi %add3A_406, %mul3A_405 : i32
      %get3A = arith.index_cast %add3A_407 : i32 to index
      %get3A_408 = memref.load %arg14[%get3A] : memref<256xi32, #tpu.memory_space<smem>>
      %dma_start3A_409 = arith.constant 0 : i32
      %dma_start3A_410 = arith.constant 0 : i32
      %dma_start3A_411 = arith.constant 0 : i32
      %dma_start3A_412 = tpu.memref_slice %arg15[%dma_start3A_409, %dma_start3A_410, %dma_start3A_411] : memref<2x256x1024xf32, #tpu.memory_space<vmem_shared>> -> memref<1x256x1024xf32, #tpu.memory_space<vmem_shared>>
      %dma_start3A_413 = tpu.memref_squeeze %dma_start3A_412 : memref<1x256x1024xf32, #tpu.memory_space<vmem_shared>> -> memref<256x1024xf32, #tpu.memory_space<vmem_shared>>
      %dma_start3A_414 = arith.constant 0 : i32
      %dma_start3A_415 = tpu.memref_slice %dma_start3A_413[%add3A_407, %dma_start3A_414] : memref<256x1024xf32, #tpu.memory_space<vmem_shared>> -> memref<1x1024xf32, #tpu.memory_space<vmem_shared>>
      %dma_start3A_416 = arith.constant 0 : i32
      %dma_start3A_417 = tpu.memref_slice %arg2[%get3A_408, %dma_start3A_416] : memref<100000x1024xf32, #tpu.memory_space<hbm>> -> memref<1x1024xf32, #tpu.memory_space<hbm>>
      tpu.enqueue_dma source(%dma_start3A_417 : memref<1x1024xf32, #tpu.memory_space<hbm>>) target(%dma_start3A_415 : memref<1x1024xf32, #tpu.memory_space<vmem_shared>>) target_semaphore(%arg16 : memref<!tpu.dma_semaphore, #tpu.memory_space<semaphore_mem>>)
    }
    %scan3A_94 = arith.constant 256 : i32
    %dma_wait3A_95 = arith.constant 0 : i32
    %dma_wait3A_96 = arith.constant 0 : i32
    %dma_wait3A_97 = arith.constant 0 : i32
    %dma_wait3A_98 = tpu.memref_slice %arg15[%dma_wait3A_95, %dma_wait3A_96, %dma_wait3A_97] : memref<2x256x1024xf32, #tpu.memory_space<vmem_shared>> -> memref<1x256x1024xf32, #tpu.memory_space<vmem_shared>>
    %dma_wait3A_99 = tpu.memref_squeeze %dma_wait3A_98 : memref<1x256x1024xf32, #tpu.memory_space<vmem_shared>> -> memref<256x1024xf32, #tpu.memory_space<vmem_shared>>
    %dma_wait3A_100 = arith.constant 0 : i32
    %dma_wait3A_101 = arith.constant 0 : i32
    %dma_wait3A_102 = tpu.memref_slice %arg2[%dma_wait3A_100, %dma_wait3A_101] : memref<100000x1024xf32, #tpu.memory_space<hbm>> -> memref<256x1024xf32, #tpu.memory_space<hbm>>
    tpu.wait_dma2 semaphore(%arg16 : memref<!tpu.dma_semaphore, #tpu.memory_space<semaphore_mem>>) src(%dma_wait3A_102 : memref<256x1024xf32, #tpu.memory_space<hbm>>) dst(%dma_wait3A_99 : memref<256x1024xf32, #tpu.memory_space<vmem_shared>>)
    %mul3A_103 = arith.constant 2 : i32
    %mul3A_104 = arith.muli %mul3A_103, %arg0 : i32
    %add3A_105 = arith.constant 0 : i32
    %add3A_106 = arith.addi %mul3A_104, %add3A_105 : i32
    %mul3A_107 = arith.constant 4096 : i32
    %mul3A_108 = arith.muli %add3A_106, %mul3A_107 : i32
    %add3A_109 = arith.constant 3584 : i32
    %add3A_110 = arith.addi %mul3A_108, %add3A_109 : i32
    %dma_start3A_111 = arith.constant 0 : i32
    %dma_start3A_112 = arith.constant 0 : i32
    %dma_start3A_113 = tpu.memref_slice %arg3[%add3A_110, %dma_start3A_112] : memref<16384x1024xf32, #tpu.memory_space<hbm>> -> memref<256x1024xf32, #tpu.memory_space<hbm>>
    %dma_start3A_114 = arith.constant 0 : i32
    %dma_start3A_115 = arith.constant 0 : i32
    %dma_start3A_116 = tpu.memref_slice %arg15[%dma_start3A_111, %dma_start3A_114, %dma_start3A_115] : memref<2x256x1024xf32, #tpu.memory_space<vmem_shared>> -> memref<1x256x1024xf32, #tpu.memory_space<vmem_shared>>
    %dma_start3A_117 = tpu.memref_squeeze %dma_start3A_116 : memref<1x256x1024xf32, #tpu.memory_space<vmem_shared>> -> memref<256x1024xf32, #tpu.memory_space<vmem_shared>>
    tpu.enqueue_dma source(%dma_start3A_117 : memref<256x1024xf32, #tpu.memory_space<vmem_shared>>) target(%dma_start3A_113 : memref<256x1024xf32, #tpu.memory_space<hbm>>) target_semaphore(%arg17 : memref<!tpu.dma_semaphore, #tpu.memory_space<semaphore_mem>>)
    %mul3A_118 = arith.constant 2 : i32
    %mul3A_119 = arith.muli %mul3A_118, %arg0 : i32
    %add3A_120 = arith.constant 0 : i32
    %add3A_121 = arith.addi %mul3A_119, %add3A_120 : i32
    %mul3A_122 = arith.constant 2 : i32
    %mul3A_123 = arith.muli %mul3A_122, %arg0 : i32
    %add3A_124 = arith.constant 0 : i32
    %add3A_125 = arith.addi %mul3A_123, %add3A_124 : i32
    %mul3A_126 = arith.constant 4096 : i32
    %mul3A_127 = arith.muli %add3A_125, %mul3A_126 : i32
    %add3A_128 = arith.constant 3328 : i32
    %add3A_129 = arith.addi %mul3A_127, %add3A_128 : i32
    %dma_wait3A_130 = arith.constant 1 : i32
    %dma_wait3A_131 = arith.constant 0 : i32
    %dma_wait3A_132 = tpu.memref_slice %arg3[%add3A_129, %dma_wait3A_131] : memref<16384x1024xf32, #tpu.memory_space<hbm>> -> memref<256x1024xf32, #tpu.memory_space<hbm>>
    %dma_wait3A_133 = arith.constant 0 : i32
    %dma_wait3A_134 = arith.constant 0 : i32
    %dma_wait3A_135 = tpu.memref_slice %arg15[%dma_wait3A_130, %dma_wait3A_133, %dma_wait3A_134] : memref<2x256x1024xf32, #tpu.memory_space<vmem_shared>> -> memref<1x256x1024xf32, #tpu.memory_space<vmem_shared>>
    %dma_wait3A_136 = tpu.memref_squeeze %dma_wait3A_135 : memref<1x256x1024xf32, #tpu.memory_space<vmem_shared>> -> memref<256x1024xf32, #tpu.memory_space<vmem_shared>>
    tpu.wait_dma2 semaphore(%arg17 : memref<!tpu.dma_semaphore, #tpu.memory_space<semaphore_mem>>) src(%dma_wait3A_136 : memref<256x1024xf32, #tpu.memory_space<vmem_shared>>) dst(%dma_wait3A_132 : memref<256x1024xf32, #tpu.memory_space<hbm>>)
    %mul3A_137 = arith.constant 4096 : i32
    %mul3A_138 = arith.muli %add3A_121, %mul3A_137 : i32
    %add3A_139 = arith.constant 3840 : i32
    %add3A_140 = arith.addi %mul3A_138, %add3A_139 : i32
    "tpu.region"() ({
      %run_scoped3A = tpu.sem_alloc : memref<!tpu.dma_semaphore, #tpu.memory_space<semaphore_mem>>
      %dma_start3A_403 = tpu.memref_slice %arg1[%add3A_140] : memref<16384xi32, #tpu.memory_space<hbm>> -> memref<256xi32, #tpu.memory_space<hbm>>
      tpu.enqueue_dma source(%dma_start3A_403 : memref<256xi32, #tpu.memory_space<hbm>>) target(%arg14 : memref<256xi32, #tpu.memory_space<smem>>) target_semaphore(%run_scoped3A : memref<!tpu.dma_semaphore, #tpu.memory_space<semaphore_mem>>)
      %dma_wait3A_404 = tpu.memref_slice %arg1[%add3A_140] : memref<16384xi32, #tpu.memory_space<hbm>> -> memref<256xi32, #tpu.memory_space<hbm>>
      tpu.wait_dma2 semaphore(%run_scoped3A : memref<!tpu.dma_semaphore, #tpu.memory_space<semaphore_mem>>) src(%dma_wait3A_404 : memref<256xi32, #tpu.memory_space<hbm>>) dst(%arg14 : memref<256xi32, #tpu.memory_space<smem>>)
      tpu.yield
    }) : () -> ()
    %scan3A_141 = arith.constant 0 : i32
    %scan3A_142 = arith.constant 256 : i32
    %scan3A_143 = arith.addi %scan3A_141, %scan3A_142 : i32
    %scan3A_144 = arith.constant 1 : i32
    scf.for %scan3A_403 = %scan3A_141 to %scan3A_143 step %scan3A_144  : i32 {
      %mul3A_404 = arith.constant 1 : i32
      %mul3A_405 = arith.muli %scan3A_403, %mul3A_404 : i32
      %add3A_406 = arith.constant 0 : i32
      %add3A_407 = arith.addi %add3A_406, %mul3A_405 : i32
      %get3A = arith.index_cast %add3A_407 : i32 to index
      %get3A_408 = memref.load %arg14[%get3A] : memref<256xi32, #tpu.memory_space<smem>>
      %dma_start3A_409 = arith.constant 1 : i32
      %dma_start3A_410 = arith.constant 0 : i32
      %dma_start3A_411 = arith.constant 0 : i32
      %dma_start3A_412 = tpu.memref_slice %arg15[%dma_start3A_409, %dma_start3A_410, %dma_start3A_411] : memref<2x256x1024xf32, #tpu.memory_space<vmem_shared>> -> memref<1x256x1024xf32, #tpu.memory_space<vmem_shared>>
      %dma_start3A_413 = tpu.memref_squeeze %dma_start3A_412 : memref<1x256x1024xf32, #tpu.memory_space<vmem_shared>> -> memref<256x1024xf32, #tpu.memory_space<vmem_shared>>
      %dma_start3A_414 = arith.constant 0 : i32
      %dma_start3A_415 = tpu.memref_slice %dma_start3A_413[%add3A_407, %dma_start3A_414] : memref<256x1024xf32, #tpu.memory_space<vmem_shared>> -> memref<1x1024xf32, #tpu.memory_space<vmem_shared>>
      %dma_start3A_416 = arith.constant 0 : i32
      %dma_start3A_417 = tpu.memref_slice %arg2[%get3A_408, %dma_start3A_416] : memref<100000x1024xf32, #tpu.memory_space<hbm>> -> memref<1x1024xf32, #tpu.memory_space<hbm>>
      tpu.enqueue_dma source(%dma_start3A_417 : memref<1x1024xf32, #tpu.memory_space<hbm>>) target(%dma_start3A_415 : memref<1x1024xf32, #tpu.memory_space<vmem_shared>>) target_semaphore(%arg16 : memref<!tpu.dma_semaphore, #tpu.memory_space<semaphore_mem>>)
    }
    %scan3A_145 = arith.constant 256 : i32
    %dma_wait3A_146 = arith.constant 1 : i32
    %dma_wait3A_147 = arith.constant 0 : i32
    %dma_wait3A_148 = arith.constant 0 : i32
    %dma_wait3A_149 = tpu.memref_slice %arg15[%dma_wait3A_146, %dma_wait3A_147, %dma_wait3A_148] : memref<2x256x1024xf32, #tpu.memory_space<vmem_shared>> -> memref<1x256x1024xf32, #tpu.memory_space<vmem_shared>>
    %dma_wait3A_150 = tpu.memref_squeeze %dma_wait3A_149 : memref<1x256x1024xf32, #tpu.memory_space<vmem_shared>> -> memref<256x1024xf32, #tpu.memory_space<vmem_shared>>
    %dma_wait3A_151 = arith.constant 0 : i32
    %dma_wait3A_152 = arith.constant 0 : i32
    %dma_wait3A_153 = tpu.memref_slice %arg2[%dma_wait3A_151, %dma_wait3A_152] : memref<100000x1024xf32, #tpu.memory_space<hbm>> -> memref<256x1024xf32, #tpu.memory_space<hbm>>
    tpu.wait_dma2 semaphore(%arg16 : memref<!tpu.dma_semaphore, #tpu.memory_space<semaphore_mem>>) src(%dma_wait3A_153 : memref<256x1024xf32, #tpu.memory_space<hbm>>) dst(%dma_wait3A_150 : memref<256x1024xf32, #tpu.memory_space<vmem_shared>>)
    %mul3A_154 = arith.constant 2 : i32
    %mul3A_155 = arith.muli %mul3A_154, %arg0 : i32
    %add3A_156 = arith.constant 0 : i32
    %add3A_157 = arith.addi %mul3A_155, %add3A_156 : i32
    %mul3A_158 = arith.constant 4096 : i32
    %mul3A_159 = arith.muli %add3A_157, %mul3A_158 : i32
    %add3A_160 = arith.constant 3840 : i32
    %add3A_161 = arith.addi %mul3A_159, %add3A_160 : i32
    %dma_start3A_162 = arith.constant 1 : i32
    %dma_start3A_163 = arith.constant 0 : i32
    %dma_start3A_164 = tpu.memref_slice %arg3[%add3A_161, %dma_start3A_163] : memref<16384x1024xf32, #tpu.memory_space<hbm>> -> memref<256x1024xf32, #tpu.memory_space<hbm>>
    %dma_start3A_165 = arith.constant 0 : i32
    %dma_start3A_166 = arith.constant 0 : i32
    %dma_start3A_167 = tpu.memref_slice %arg15[%dma_start3A_162, %dma_start3A_165, %dma_start3A_166] : memref<2x256x1024xf32, #tpu.memory_space<vmem_shared>> -> memref<1x256x1024xf32, #tpu.memory_space<vmem_shared>>
    %dma_start3A_168 = tpu.memref_squeeze %dma_start3A_167 : memref<1x256x1024xf32, #tpu.memory_space<vmem_shared>> -> memref<256x1024xf32, #tpu.memory_space<vmem_shared>>
    tpu.enqueue_dma source(%dma_start3A_168 : memref<256x1024xf32, #tpu.memory_space<vmem_shared>>) target(%dma_start3A_164 : memref<256x1024xf32, #tpu.memory_space<hbm>>) target_semaphore(%arg17 : memref<!tpu.dma_semaphore, #tpu.memory_space<semaphore_mem>>)
    %mul3A_169 = arith.constant 2 : i32
    %mul3A_170 = arith.muli %mul3A_169, %arg0 : i32
    %add3A_171 = arith.constant 1 : i32
    %add3A_172 = arith.addi %mul3A_170, %add3A_171 : i32
    %mul3A_173 = arith.constant 2 : i32
    %mul3A_174 = arith.muli %mul3A_173, %arg0 : i32
    %add3A_175 = arith.constant 0 : i32
    %add3A_176 = arith.addi %mul3A_174, %add3A_175 : i32
    %mul3A_177 = arith.constant 4096 : i32
    %mul3A_178 = arith.muli %add3A_176, %mul3A_177 : i32
    %add3A_179 = arith.constant 3584 : i32
    %add3A_180 = arith.addi %mul3A_178, %add3A_179 : i32
    %dma_wait3A_181 = arith.constant 0 : i32
    %dma_wait3A_182 = arith.constant 0 : i32
    %dma_wait3A_183 = tpu.memref_slice %arg3[%add3A_180, %dma_wait3A_182] : memref<16384x1024xf32, #tpu.memory_space<hbm>> -> memref<256x1024xf32, #tpu.memory_space<hbm>>
    %dma_wait3A_184 = arith.constant 0 : i32
    %dma_wait3A_185 = arith.constant 0 : i32
    %dma_wait3A_186 = tpu.memref_slice %arg15[%dma_wait3A_181, %dma_wait3A_184, %dma_wait3A_185] : memref<2x256x1024xf32, #tpu.memory_space<vmem_shared>> -> memref<1x256x1024xf32, #tpu.memory_space<vmem_shared>>
    %dma_wait3A_187 = tpu.memref_squeeze %dma_wait3A_186 : memref<1x256x1024xf32, #tpu.memory_space<vmem_shared>> -> memref<256x1024xf32, #tpu.memory_space<vmem_shared>>
    tpu.wait_dma2 semaphore(%arg17 : memref<!tpu.dma_semaphore, #tpu.memory_space<semaphore_mem>>) src(%dma_wait3A_187 : memref<256x1024xf32, #tpu.memory_space<vmem_shared>>) dst(%dma_wait3A_183 : memref<256x1024xf32, #tpu.memory_space<hbm>>)
    %mul3A_188 = arith.constant 4096 : i32
    %mul3A_189 = arith.muli %add3A_172, %mul3A_188 : i32
    %add3A_190 = arith.constant 3072 : i32
    %add3A_191 = arith.addi %mul3A_189, %add3A_190 : i32
    "tpu.region"() ({
      %run_scoped3A = tpu.sem_alloc : memref<!tpu.dma_semaphore, #tpu.memory_space<semaphore_mem>>
      %dma_start3A_403 = tpu.memref_slice %arg1[%add3A_191] : memref<16384xi32, #tpu.memory_space<hbm>> -> memref<256xi32, #tpu.memory_space<hbm>>
      tpu.enqueue_dma source(%dma_start3A_403 : memref<256xi32, #tpu.memory_space<hbm>>) target(%arg14 : memref<256xi32, #tpu.memory_space<smem>>) target_semaphore(%run_scoped3A : memref<!tpu.dma_semaphore, #tpu.memory_space<semaphore_mem>>)
      %dma_wait3A_404 = tpu.memref_slice %arg1[%add3A_191] : memref<16384xi32, #tpu.memory_space<hbm>> -> memref<256xi32, #tpu.memory_space<hbm>>
      tpu.wait_dma2 semaphore(%run_scoped3A : memref<!tpu.dma_semaphore, #tpu.memory_space<semaphore_mem>>) src(%dma_wait3A_404 : memref<256xi32, #tpu.memory_space<hbm>>) dst(%arg14 : memref<256xi32, #tpu.memory_space<smem>>)
      tpu.yield
    }) : () -> ()
    %scan3A_192 = arith.constant 0 : i32
    %scan3A_193 = arith.constant 256 : i32
    %scan3A_194 = arith.addi %scan3A_192, %scan3A_193 : i32
    %scan3A_195 = arith.constant 1 : i32
    scf.for %scan3A_403 = %scan3A_192 to %scan3A_194 step %scan3A_195  : i32 {
      %mul3A_404 = arith.constant 1 : i32
      %mul3A_405 = arith.muli %scan3A_403, %mul3A_404 : i32
      %add3A_406 = arith.constant 0 : i32
      %add3A_407 = arith.addi %add3A_406, %mul3A_405 : i32
      %get3A = arith.index_cast %add3A_407 : i32 to index
      %get3A_408 = memref.load %arg14[%get3A] : memref<256xi32, #tpu.memory_space<smem>>
      %dma_start3A_409 = arith.constant 0 : i32
      %dma_start3A_410 = arith.constant 0 : i32
      %dma_start3A_411 = arith.constant 0 : i32
      %dma_start3A_412 = tpu.memref_slice %arg15[%dma_start3A_409, %dma_start3A_410, %dma_start3A_411] : memref<2x256x1024xf32, #tpu.memory_space<vmem_shared>> -> memref<1x256x1024xf32, #tpu.memory_space<vmem_shared>>
      %dma_start3A_413 = tpu.memref_squeeze %dma_start3A_412 : memref<1x256x1024xf32, #tpu.memory_space<vmem_shared>> -> memref<256x1024xf32, #tpu.memory_space<vmem_shared>>
      %dma_start3A_414 = arith.constant 0 : i32
      %dma_start3A_415 = tpu.memref_slice %dma_start3A_413[%add3A_407, %dma_start3A_414] : memref<256x1024xf32, #tpu.memory_space<vmem_shared>> -> memref<1x1024xf32, #tpu.memory_space<vmem_shared>>
      %dma_start3A_416 = arith.constant 0 : i32
      %dma_start3A_417 = tpu.memref_slice %arg2[%get3A_408, %dma_start3A_416] : memref<100000x1024xf32, #tpu.memory_space<hbm>> -> memref<1x1024xf32, #tpu.memory_space<hbm>>
      tpu.enqueue_dma source(%dma_start3A_417 : memref<1x1024xf32, #tpu.memory_space<hbm>>) target(%dma_start3A_415 : memref<1x1024xf32, #tpu.memory_space<vmem_shared>>) target_semaphore(%arg16 : memref<!tpu.dma_semaphore, #tpu.memory_space<semaphore_mem>>)
    }
    %scan3A_196 = arith.constant 256 : i32
    %dma_wait3A_197 = arith.constant 0 : i32
    %dma_wait3A_198 = arith.constant 0 : i32
    %dma_wait3A_199 = arith.constant 0 : i32
    %dma_wait3A_200 = tpu.memref_slice %arg15[%dma_wait3A_197, %dma_wait3A_198, %dma_wait3A_199] : memref<2x256x1024xf32, #tpu.memory_space<vmem_shared>> -> memref<1x256x1024xf32, #tpu.memory_space<vmem_shared>>
    %dma_wait3A_201 = tpu.memref_squeeze %dma_wait3A_200 : memref<1x256x1024xf32, #tpu.memory_space<vmem_shared>> -> memref<256x1024xf32, #tpu.memory_space<vmem_shared>>
    %dma_wait3A_202 = arith.constant 0 : i32
    %dma_wait3A_203 = arith.constant 0 : i32
    %dma_wait3A_204 = tpu.memref_slice %arg2[%dma_wait3A_202, %dma_wait3A_203] : memref<100000x1024xf32, #tpu.memory_space<hbm>> -> memref<256x1024xf32, #tpu.memory_space<hbm>>
    tpu.wait_dma2 semaphore(%arg16 : memref<!tpu.dma_semaphore, #tpu.memory_space<semaphore_mem>>) src(%dma_wait3A_204 : memref<256x1024xf32, #tpu.memory_space<hbm>>) dst(%dma_wait3A_201 : memref<256x1024xf32, #tpu.memory_space<vmem_shared>>)
    %mul3A_205 = arith.constant 2 : i32
    %mul3A_206 = arith.muli %mul3A_205, %arg0 : i32
    %add3A_207 = arith.constant 1 : i32
    %add3A_208 = arith.addi %mul3A_206, %add3A_207 : i32
    %mul3A_209 = arith.constant 4096 : i32
    %mul3A_210 = arith.muli %add3A_208, %mul3A_209 : i32
    %add3A_211 = arith.constant 3072 : i32
    %add3A_212 = arith.addi %mul3A_210, %add3A_211 : i32
    %dma_start3A_213 = arith.constant 0 : i32
    %dma_start3A_214 = arith.constant 0 : i32
    %dma_start3A_215 = tpu.memref_slice %arg3[%add3A_212, %dma_start3A_214] : memref<16384x1024xf32, #tpu.memory_space<hbm>> -> memref<256x1024xf32, #tpu.memory_space<hbm>>
    %dma_start3A_216 = arith.constant 0 : i32
    %dma_start3A_217 = arith.constant 0 : i32
    %dma_start3A_218 = tpu.memref_slice %arg15[%dma_start3A_213, %dma_start3A_216, %dma_start3A_217] : memref<2x256x1024xf32, #tpu.memory_space<vmem_shared>> -> memref<1x256x1024xf32, #tpu.memory_space<vmem_shared>>
    %dma_start3A_219 = tpu.memref_squeeze %dma_start3A_218 : memref<1x256x1024xf32, #tpu.memory_space<vmem_shared>> -> memref<256x1024xf32, #tpu.memory_space<vmem_shared>>
    tpu.enqueue_dma source(%dma_start3A_219 : memref<256x1024xf32, #tpu.memory_space<vmem_shared>>) target(%dma_start3A_215 : memref<256x1024xf32, #tpu.memory_space<hbm>>) target_semaphore(%arg17 : memref<!tpu.dma_semaphore, #tpu.memory_space<semaphore_mem>>)
    %mul3A_220 = arith.constant 2 : i32
    %mul3A_221 = arith.muli %mul3A_220, %arg0 : i32
    %add3A_222 = arith.constant 1 : i32
    %add3A_223 = arith.addi %mul3A_221, %add3A_222 : i32
    %mul3A_224 = arith.constant 2 : i32
    %mul3A_225 = arith.muli %mul3A_224, %arg0 : i32
    %add3A_226 = arith.constant 0 : i32
    %add3A_227 = arith.addi %mul3A_225, %add3A_226 : i32
    %mul3A_228 = arith.constant 4096 : i32
    %mul3A_229 = arith.muli %add3A_227, %mul3A_228 : i32
    %add3A_230 = arith.constant 3840 : i32
    %add3A_231 = arith.addi %mul3A_229, %add3A_230 : i32
    %dma_wait3A_232 = arith.constant 1 : i32
    %dma_wait3A_233 = arith.constant 0 : i32
    %dma_wait3A_234 = tpu.memref_slice %arg3[%add3A_231, %dma_wait3A_233] : memref<16384x1024xf32, #tpu.memory_space<hbm>> -> memref<256x1024xf32, #tpu.memory_space<hbm>>
    %dma_wait3A_235 = arith.constant 0 : i32
    %dma_wait3A_236 = arith.constant 0 : i32
    %dma_wait3A_237 = tpu.memref_slice %arg15[%dma_wait3A_232, %dma_wait3A_235, %dma_wait3A_236] : memref<2x256x1024xf32, #tpu.memory_space<vmem_shared>> -> memref<1x256x1024xf32, #tpu.memory_space<vmem_shared>>
    %dma_wait3A_238 = tpu.memref_squeeze %dma_wait3A_237 : memref<1x256x1024xf32, #tpu.memory_space<vmem_shared>> -> memref<256x1024xf32, #tpu.memory_space<vmem_shared>>
    tpu.wait_dma2 semaphore(%arg17 : memref<!tpu.dma_semaphore, #tpu.memory_space<semaphore_mem>>) src(%dma_wait3A_238 : memref<256x1024xf32, #tpu.memory_space<vmem_shared>>) dst(%dma_wait3A_234 : memref<256x1024xf32, #tpu.memory_space<hbm>>)
    %mul3A_239 = arith.constant 4096 : i32
    %mul3A_240 = arith.muli %add3A_223, %mul3A_239 : i32
    %add3A_241 = arith.constant 3328 : i32
    %add3A_242 = arith.addi %mul3A_240, %add3A_241 : i32
    "tpu.region"() ({
      %run_scoped3A = tpu.sem_alloc : memref<!tpu.dma_semaphore, #tpu.memory_space<semaphore_mem>>
      %dma_start3A_403 = tpu.memref_slice %arg1[%add3A_242] : memref<16384xi32, #tpu.memory_space<hbm>> -> memref<256xi32, #tpu.memory_space<hbm>>
      tpu.enqueue_dma source(%dma_start3A_403 : memref<256xi32, #tpu.memory_space<hbm>>) target(%arg14 : memref<256xi32, #tpu.memory_space<smem>>) target_semaphore(%run_scoped3A : memref<!tpu.dma_semaphore, #tpu.memory_space<semaphore_mem>>)
      %dma_wait3A_404 = tpu.memref_slice %arg1[%add3A_242] : memref<16384xi32, #tpu.memory_space<hbm>> -> memref<256xi32, #tpu.memory_space<hbm>>
      tpu.wait_dma2 semaphore(%run_scoped3A : memref<!tpu.dma_semaphore, #tpu.memory_space<semaphore_mem>>) src(%dma_wait3A_404 : memref<256xi32, #tpu.memory_space<hbm>>) dst(%arg14 : memref<256xi32, #tpu.memory_space<smem>>)
      tpu.yield
    }) : () -> ()
    %scan3A_243 = arith.constant 0 : i32
    %scan3A_244 = arith.constant 256 : i32
    %scan3A_245 = arith.addi %scan3A_243, %scan3A_244 : i32
    %scan3A_246 = arith.constant 1 : i32
    scf.for %scan3A_403 = %scan3A_243 to %scan3A_245 step %scan3A_246  : i32 {
      %mul3A_404 = arith.constant 1 : i32
      %mul3A_405 = arith.muli %scan3A_403, %mul3A_404 : i32
      %add3A_406 = arith.constant 0 : i32
      %add3A_407 = arith.addi %add3A_406, %mul3A_405 : i32
      %get3A = arith.index_cast %add3A_407 : i32 to index
      %get3A_408 = memref.load %arg14[%get3A] : memref<256xi32, #tpu.memory_space<smem>>
      %dma_start3A_409 = arith.constant 1 : i32
      %dma_start3A_410 = arith.constant 0 : i32
      %dma_start3A_411 = arith.constant 0 : i32
      %dma_start3A_412 = tpu.memref_slice %arg15[%dma_start3A_409, %dma_start3A_410, %dma_start3A_411] : memref<2x256x1024xf32, #tpu.memory_space<vmem_shared>> -> memref<1x256x1024xf32, #tpu.memory_space<vmem_shared>>
      %dma_start3A_413 = tpu.memref_squeeze %dma_start3A_412 : memref<1x256x1024xf32, #tpu.memory_space<vmem_shared>> -> memref<256x1024xf32, #tpu.memory_space<vmem_shared>>
      %dma_start3A_414 = arith.constant 0 : i32
      %dma_start3A_415 = tpu.memref_slice %dma_start3A_413[%add3A_407, %dma_start3A_414] : memref<256x1024xf32, #tpu.memory_space<vmem_shared>> -> memref<1x1024xf32, #tpu.memory_space<vmem_shared>>
      %dma_start3A_416 = arith.constant 0 : i32
      %dma_start3A_417 = tpu.memref_slice %arg2[%get3A_408, %dma_start3A_416] : memref<100000x1024xf32, #tpu.memory_space<hbm>> -> memref<1x1024xf32, #tpu.memory_space<hbm>>
      tpu.enqueue_dma source(%dma_start3A_417 : memref<1x1024xf32, #tpu.memory_space<hbm>>) target(%dma_start3A_415 : memref<1x1024xf32, #tpu.memory_space<vmem_shared>>) target_semaphore(%arg16 : memref<!tpu.dma_semaphore, #tpu.memory_space<semaphore_mem>>)
    }
    %scan3A_247 = arith.constant 256 : i32
    %dma_wait3A_248 = arith.constant 1 : i32
    %dma_wait3A_249 = arith.constant 0 : i32
    %dma_wait3A_250 = arith.constant 0 : i32
    %dma_wait3A_251 = tpu.memref_slice %arg15[%dma_wait3A_248, %dma_wait3A_249, %dma_wait3A_250] : memref<2x256x1024xf32, #tpu.memory_space<vmem_shared>> -> memref<1x256x1024xf32, #tpu.memory_space<vmem_shared>>
    %dma_wait3A_252 = tpu.memref_squeeze %dma_wait3A_251 : memref<1x256x1024xf32, #tpu.memory_space<vmem_shared>> -> memref<256x1024xf32, #tpu.memory_space<vmem_shared>>
    %dma_wait3A_253 = arith.constant 0 : i32
    %dma_wait3A_254 = arith.constant 0 : i32
    %dma_wait3A_255 = tpu.memref_slice %arg2[%dma_wait3A_253, %dma_wait3A_254] : memref<100000x1024xf32, #tpu.memory_space<hbm>> -> memref<256x1024xf32, #tpu.memory_space<hbm>>
    tpu.wait_dma2 semaphore(%arg16 : memref<!tpu.dma_semaphore, #tpu.memory_space<semaphore_mem>>) src(%dma_wait3A_255 : memref<256x1024xf32, #tpu.memory_space<hbm>>) dst(%dma_wait3A_252 : memref<256x1024xf32, #tpu.memory_space<vmem_shared>>)
    %mul3A_256 = arith.constant 2 : i32
    %mul3A_257 = arith.muli %mul3A_256, %arg0 : i32
    %add3A_258 = arith.constant 1 : i32
    %add3A_259 = arith.addi %mul3A_257, %add3A_258 : i32
    %mul3A_260 = arith.constant 4096 : i32
    %mul3A_261 = arith.muli %add3A_259, %mul3A_260 : i32
    %add3A_262 = arith.constant 3328 : i32
    %add3A_263 = arith.addi %mul3A_261, %add3A_262 : i32
    %dma_start3A_264 = arith.constant 1 : i32
    %dma_start3A_265 = arith.constant 0 : i32
    %dma_start3A_266 = tpu.memref_slice %arg3[%add3A_263, %dma_start3A_265] : memref<16384x1024xf32, #tpu.memory_space<hbm>> -> memref<256x1024xf32, #tpu.memory_space<hbm>>
    %dma_start3A_267 = arith.constant 0 : i32
    %dma_start3A_268 = arith.constant 0 : i32
    %dma_start3A_269 = tpu.memref_slice %arg15[%dma_start3A_264, %dma_start3A_267, %dma_start3A_268] : memref<2x256x1024xf32, #tpu.memory_space<vmem_shared>> -> memref<1x256x1024xf32, #tpu.memory_space<vmem_shared>>
    %dma_start3A_270 = tpu.memref_squeeze %dma_start3A_269 : memref<1x256x1024xf32, #tpu.memory_space<vmem_shared>> -> memref<256x1024xf32, #tpu.memory_space<vmem_shared>>
    tpu.enqueue_dma source(%dma_start3A_270 : memref<256x1024xf32, #tpu.memory_space<vmem_shared>>) target(%dma_start3A_266 : memref<256x1024xf32, #tpu.memory_space<hbm>>) target_semaphore(%arg17 : memref<!tpu.dma_semaphore, #tpu.memory_space<semaphore_mem>>)
    %mul3A_271 = arith.constant 2 : i32
    %mul3A_272 = arith.muli %mul3A_271, %arg0 : i32
    %add3A_273 = arith.constant 1 : i32
    %add3A_274 = arith.addi %mul3A_272, %add3A_273 : i32
    %mul3A_275 = arith.constant 2 : i32
    %mul3A_276 = arith.muli %mul3A_275, %arg0 : i32
    %add3A_277 = arith.constant 1 : i32
    %add3A_278 = arith.addi %mul3A_276, %add3A_277 : i32
    %mul3A_279 = arith.constant 4096 : i32
    %mul3A_280 = arith.muli %add3A_278, %mul3A_279 : i32
    %add3A_281 = arith.constant 3072 : i32
    %add3A_282 = arith.addi %mul3A_280, %add3A_281 : i32
    %dma_wait3A_283 = arith.constant 0 : i32
    %dma_wait3A_284 = arith.constant 0 : i32
    %dma_wait3A_285 = tpu.memref_slice %arg3[%add3A_282, %dma_wait3A_284] : memref<16384x1024xf32, #tpu.memory_space<hbm>> -> memref<256x1024xf32, #tpu.memory_space<hbm>>
    %dma_wait3A_286 = arith.constant 0 : i32
    %dma_wait3A_287 = arith.constant 0 : i32
    %dma_wait3A_288 = tpu.memref_slice %arg15[%dma_wait3A_283, %dma_wait3A_286, %dma_wait3A_287] : memref<2x256x1024xf32, #tpu.memory_space<vmem_shared>> -> memref<1x256x1024xf32, #tpu.memory_space<vmem_shared>>
    %dma_wait3A_289 = tpu.memref_squeeze %dma_wait3A_288 : memref<1x256x1024xf32, #tpu.memory_space<vmem_shared>> -> memref<256x1024xf32, #tpu.memory_space<vmem_shared>>
    tpu.wait_dma2 semaphore(%arg17 : memref<!tpu.dma_semaphore, #tpu.memory_space<semaphore_mem>>) src(%dma_wait3A_289 : memref<256x1024xf32, #tpu.memory_space<vmem_shared>>) dst(%dma_wait3A_285 : memref<256x1024xf32, #tpu.memory_space<hbm>>)
    %mul3A_290 = arith.constant 4096 : i32
    %mul3A_291 = arith.muli %add3A_274, %mul3A_290 : i32
    %add3A_292 = arith.constant 3584 : i32
    %add3A_293 = arith.addi %mul3A_291, %add3A_292 : i32
    "tpu.region"() ({
      %run_scoped3A = tpu.sem_alloc : memref<!tpu.dma_semaphore, #tpu.memory_space<semaphore_mem>>
      %dma_start3A_403 = tpu.memref_slice %arg1[%add3A_293] : memref<16384xi32, #tpu.memory_space<hbm>> -> memref<256xi32, #tpu.memory_space<hbm>>
      tpu.enqueue_dma source(%dma_start3A_403 : memref<256xi32, #tpu.memory_space<hbm>>) target(%arg14 : memref<256xi32, #tpu.memory_space<smem>>) target_semaphore(%run_scoped3A : memref<!tpu.dma_semaphore, #tpu.memory_space<semaphore_mem>>)
      %dma_wait3A_404 = tpu.memref_slice %arg1[%add3A_293] : memref<16384xi32, #tpu.memory_space<hbm>> -> memref<256xi32, #tpu.memory_space<hbm>>
      tpu.wait_dma2 semaphore(%run_scoped3A : memref<!tpu.dma_semaphore, #tpu.memory_space<semaphore_mem>>) src(%dma_wait3A_404 : memref<256xi32, #tpu.memory_space<hbm>>) dst(%arg14 : memref<256xi32, #tpu.memory_space<smem>>)
      tpu.yield
    }) : () -> ()
    %scan3A_294 = arith.constant 0 : i32
    %scan3A_295 = arith.constant 256 : i32
    %scan3A_296 = arith.addi %scan3A_294, %scan3A_295 : i32
    %scan3A_297 = arith.constant 1 : i32
    scf.for %scan3A_403 = %scan3A_294 to %scan3A_296 step %scan3A_297  : i32 {
      %mul3A_404 = arith.constant 1 : i32
      %mul3A_405 = arith.muli %scan3A_403, %mul3A_404 : i32
      %add3A_406 = arith.constant 0 : i32
      %add3A_407 = arith.addi %add3A_406, %mul3A_405 : i32
      %get3A = arith.index_cast %add3A_407 : i32 to index
      %get3A_408 = memref.load %arg14[%get3A] : memref<256xi32, #tpu.memory_space<smem>>
      %dma_start3A_409 = arith.constant 0 : i32
      %dma_start3A_410 = arith.constant 0 : i32
      %dma_start3A_411 = arith.constant 0 : i32
      %dma_start3A_412 = tpu.memref_slice %arg15[%dma_start3A_409, %dma_start3A_410, %dma_start3A_411] : memref<2x256x1024xf32, #tpu.memory_space<vmem_shared>> -> memref<1x256x1024xf32, #tpu.memory_space<vmem_shared>>
      %dma_start3A_413 = tpu.memref_squeeze %dma_start3A_412 : memref<1x256x1024xf32, #tpu.memory_space<vmem_shared>> -> memref<256x1024xf32, #tpu.memory_space<vmem_shared>>
      %dma_start3A_414 = arith.constant 0 : i32
      %dma_start3A_415 = tpu.memref_slice %dma_start3A_413[%add3A_407, %dma_start3A_414] : memref<256x1024xf32, #tpu.memory_space<vmem_shared>> -> memref<1x1024xf32, #tpu.memory_space<vmem_shared>>
      %dma_start3A_416 = arith.constant 0 : i32
      %dma_start3A_417 = tpu.memref_slice %arg2[%get3A_408, %dma_start3A_416] : memref<100000x1024xf32, #tpu.memory_space<hbm>> -> memref<1x1024xf32, #tpu.memory_space<hbm>>
      tpu.enqueue_dma source(%dma_start3A_417 : memref<1x1024xf32, #tpu.memory_space<hbm>>) target(%dma_start3A_415 : memref<1x1024xf32, #tpu.memory_space<vmem_shared>>) target_semaphore(%arg16 : memref<!tpu.dma_semaphore, #tpu.memory_space<semaphore_mem>>)
    }
    %scan3A_298 = arith.constant 256 : i32
    %dma_wait3A_299 = arith.constant 0 : i32
    %dma_wait3A_300 = arith.constant 0 : i32
    %dma_wait3A_301 = arith.constant 0 : i32
    %dma_wait3A_302 = tpu.memref_slice %arg15[%dma_wait3A_299, %dma_wait3A_300, %dma_wait3A_301] : memref<2x256x1024xf32, #tpu.memory_space<vmem_shared>> -> memref<1x256x1024xf32, #tpu.memory_space<vmem_shared>>
    %dma_wait3A_303 = tpu.memref_squeeze %dma_wait3A_302 : memref<1x256x1024xf32, #tpu.memory_space<vmem_shared>> -> memref<256x1024xf32, #tpu.memory_space<vmem_shared>>
    %dma_wait3A_304 = arith.constant 0 : i32
    %dma_wait3A_305 = arith.constant 0 : i32
    %dma_wait3A_306 = tpu.memref_slice %arg2[%dma_wait3A_304, %dma_wait3A_305] : memref<100000x1024xf32, #tpu.memory_space<hbm>> -> memref<256x1024xf32, #tpu.memory_space<hbm>>
    tpu.wait_dma2 semaphore(%arg16 : memref<!tpu.dma_semaphore, #tpu.memory_space<semaphore_mem>>) src(%dma_wait3A_306 : memref<256x1024xf32, #tpu.memory_space<hbm>>) dst(%dma_wait3A_303 : memref<256x1024xf32, #tpu.memory_space<vmem_shared>>)
    %mul3A_307 = arith.constant 2 : i32
    %mul3A_308 = arith.muli %mul3A_307, %arg0 : i32
    %add3A_309 = arith.constant 1 : i32
    %add3A_310 = arith.addi %mul3A_308, %add3A_309 : i32
    %mul3A_311 = arith.constant 4096 : i32
    %mul3A_312 = arith.muli %add3A_310, %mul3A_311 : i32
    %add3A_313 = arith.constant 3584 : i32
    %add3A_314 = arith.addi %mul3A_312, %add3A_313 : i32
    %dma_start3A_315 = arith.constant 0 : i32
    %dma_start3A_316 = arith.constant 0 : i32
    %dma_start3A_317 = tpu.memref_slice %arg3[%add3A_314, %dma_start3A_316] : memref<16384x1024xf32, #tpu.memory_space<hbm>> -> memref<256x1024xf32, #tpu.memory_space<hbm>>
    %dma_start3A_318 = arith.constant 0 : i32
    %dma_start3A_319 = arith.constant 0 : i32
    %dma_start3A_320 = tpu.memref_slice %arg15[%dma_start3A_315, %dma_start3A_318, %dma_start3A_319] : memref<2x256x1024xf32, #tpu.memory_space<vmem_shared>> -> memref<1x256x1024xf32, #tpu.memory_space<vmem_shared>>
    %dma_start3A_321 = tpu.memref_squeeze %dma_start3A_320 : memref<1x256x1024xf32, #tpu.memory_space<vmem_shared>> -> memref<256x1024xf32, #tpu.memory_space<vmem_shared>>
    tpu.enqueue_dma source(%dma_start3A_321 : memref<256x1024xf32, #tpu.memory_space<vmem_shared>>) target(%dma_start3A_317 : memref<256x1024xf32, #tpu.memory_space<hbm>>) target_semaphore(%arg17 : memref<!tpu.dma_semaphore, #tpu.memory_space<semaphore_mem>>)
    %mul3A_322 = arith.constant 2 : i32
    %mul3A_323 = arith.muli %mul3A_322, %arg0 : i32
    %add3A_324 = arith.constant 1 : i32
    %add3A_325 = arith.addi %mul3A_323, %add3A_324 : i32
    %mul3A_326 = arith.constant 2 : i32
    %mul3A_327 = arith.muli %mul3A_326, %arg0 : i32
    %add3A_328 = arith.constant 1 : i32
    %add3A_329 = arith.addi %mul3A_327, %add3A_328 : i32
    %mul3A_330 = arith.constant 4096 : i32
    %mul3A_331 = arith.muli %add3A_329, %mul3A_330 : i32
    %add3A_332 = arith.constant 3328 : i32
    %add3A_333 = arith.addi %mul3A_331, %add3A_332 : i32
    %dma_wait3A_334 = arith.constant 1 : i32
    %dma_wait3A_335 = arith.constant 0 : i32
    %dma_wait3A_336 = tpu.memref_slice %arg3[%add3A_333, %dma_wait3A_335] : memref<16384x1024xf32, #tpu.memory_space<hbm>> -> memref<256x1024xf32, #tpu.memory_space<hbm>>
    %dma_wait3A_337 = arith.constant 0 : i32
    %dma_wait3A_338 = arith.constant 0 : i32
    %dma_wait3A_339 = tpu.memref_slice %arg15[%dma_wait3A_334, %dma_wait3A_337, %dma_wait3A_338] : memref<2x256x1024xf32, #tpu.memory_space<vmem_shared>> -> memref<1x256x1024xf32, #tpu.memory_space<vmem_shared>>
    %dma_wait3A_340 = tpu.memref_squeeze %dma_wait3A_339 : memref<1x256x1024xf32, #tpu.memory_space<vmem_shared>> -> memref<256x1024xf32, #tpu.memory_space<vmem_shared>>
    tpu.wait_dma2 semaphore(%arg17 : memref<!tpu.dma_semaphore, #tpu.memory_space<semaphore_mem>>) src(%dma_wait3A_340 : memref<256x1024xf32, #tpu.memory_space<vmem_shared>>) dst(%dma_wait3A_336 : memref<256x1024xf32, #tpu.memory_space<hbm>>)
    %mul3A_341 = arith.constant 4096 : i32
    %mul3A_342 = arith.muli %add3A_325, %mul3A_341 : i32
    %add3A_343 = arith.constant 3840 : i32
    %add3A_344 = arith.addi %mul3A_342, %add3A_343 : i32
    "tpu.region"() ({
      %run_scoped3A = tpu.sem_alloc : memref<!tpu.dma_semaphore, #tpu.memory_space<semaphore_mem>>
      %dma_start3A_403 = tpu.memref_slice %arg1[%add3A_344] : memref<16384xi32, #tpu.memory_space<hbm>> -> memref<256xi32, #tpu.memory_space<hbm>>
      tpu.enqueue_dma source(%dma_start3A_403 : memref<256xi32, #tpu.memory_space<hbm>>) target(%arg14 : memref<256xi32, #tpu.memory_space<smem>>) target_semaphore(%run_scoped3A : memref<!tpu.dma_semaphore, #tpu.memory_space<semaphore_mem>>)
      %dma_wait3A_404 = tpu.memref_slice %arg1[%add3A_344] : memref<16384xi32, #tpu.memory_space<hbm>> -> memref<256xi32, #tpu.memory_space<hbm>>
      tpu.wait_dma2 semaphore(%run_scoped3A : memref<!tpu.dma_semaphore, #tpu.memory_space<semaphore_mem>>) src(%dma_wait3A_404 : memref<256xi32, #tpu.memory_space<hbm>>) dst(%arg14 : memref<256xi32, #tpu.memory_space<smem>>)
      tpu.yield
    }) : () -> ()
    %scan3A_345 = arith.constant 0 : i32
    %scan3A_346 = arith.constant 256 : i32
    %scan3A_347 = arith.addi %scan3A_345, %scan3A_346 : i32
    %scan3A_348 = arith.constant 1 : i32
    scf.for %scan3A_403 = %scan3A_345 to %scan3A_347 step %scan3A_348  : i32 {
      %mul3A_404 = arith.constant 1 : i32
      %mul3A_405 = arith.muli %scan3A_403, %mul3A_404 : i32
      %add3A_406 = arith.constant 0 : i32
      %add3A_407 = arith.addi %add3A_406, %mul3A_405 : i32
      %get3A = arith.index_cast %add3A_407 : i32 to index
      %get3A_408 = memref.load %arg14[%get3A] : memref<256xi32, #tpu.memory_space<smem>>
      %dma_start3A_409 = arith.constant 1 : i32
      %dma_start3A_410 = arith.constant 0 : i32
      %dma_start3A_411 = arith.constant 0 : i32
      %dma_start3A_412 = tpu.memref_slice %arg15[%dma_start3A_409, %dma_start3A_410, %dma_start3A_411] : memref<2x256x1024xf32, #tpu.memory_space<vmem_shared>> -> memref<1x256x1024xf32, #tpu.memory_space<vmem_shared>>
      %dma_start3A_413 = tpu.memref_squeeze %dma_start3A_412 : memref<1x256x1024xf32, #tpu.memory_space<vmem_shared>> -> memref<256x1024xf32, #tpu.memory_space<vmem_shared>>
      %dma_start3A_414 = arith.constant 0 : i32
      %dma_start3A_415 = tpu.memref_slice %dma_start3A_413[%add3A_407, %dma_start3A_414] : memref<256x1024xf32, #tpu.memory_space<vmem_shared>> -> memref<1x1024xf32, #tpu.memory_space<vmem_shared>>
      %dma_start3A_416 = arith.constant 0 : i32
      %dma_start3A_417 = tpu.memref_slice %arg2[%get3A_408, %dma_start3A_416] : memref<100000x1024xf32, #tpu.memory_space<hbm>> -> memref<1x1024xf32, #tpu.memory_space<hbm>>
      tpu.enqueue_dma source(%dma_start3A_417 : memref<1x1024xf32, #tpu.memory_space<hbm>>) target(%dma_start3A_415 : memref<1x1024xf32, #tpu.memory_space<vmem_shared>>) target_semaphore(%arg16 : memref<!tpu.dma_semaphore, #tpu.memory_space<semaphore_mem>>)
    }
    %scan3A_349 = arith.constant 256 : i32
    %dma_wait3A_350 = arith.constant 1 : i32
    %dma_wait3A_351 = arith.constant 0 : i32
    %dma_wait3A_352 = arith.constant 0 : i32
    %dma_wait3A_353 = tpu.memref_slice %arg15[%dma_wait3A_350, %dma_wait3A_351, %dma_wait3A_352] : memref<2x256x1024xf32, #tpu.memory_space<vmem_shared>> -> memref<1x256x1024xf32, #tpu.memory_space<vmem_shared>>
    %dma_wait3A_354 = tpu.memref_squeeze %dma_wait3A_353 : memref<1x256x1024xf32, #tpu.memory_space<vmem_shared>> -> memref<256x1024xf32, #tpu.memory_space<vmem_shared>>
    %dma_wait3A_355 = arith.constant 0 : i32
    %dma_wait3A_356 = arith.constant 0 : i32
    %dma_wait3A_357 = tpu.memref_slice %arg2[%dma_wait3A_355, %dma_wait3A_356] : memref<100000x1024xf32, #tpu.memory_space<hbm>> -> memref<256x1024xf32, #tpu.memory_space<hbm>>
    tpu.wait_dma2 semaphore(%arg16 : memref<!tpu.dma_semaphore, #tpu.memory_space<semaphore_mem>>) src(%dma_wait3A_357 : memref<256x1024xf32, #tpu.memory_space<hbm>>) dst(%dma_wait3A_354 : memref<256x1024xf32, #tpu.memory_space<vmem_shared>>)
    %mul3A_358 = arith.constant 2 : i32
    %mul3A_359 = arith.muli %mul3A_358, %arg0 : i32
    %add3A_360 = arith.constant 1 : i32
    %add3A_361 = arith.addi %mul3A_359, %add3A_360 : i32
    %mul3A_362 = arith.constant 4096 : i32
    %mul3A_363 = arith.muli %add3A_361, %mul3A_362 : i32
    %add3A_364 = arith.constant 3840 : i32
    %add3A_365 = arith.addi %mul3A_363, %add3A_364 : i32
    %dma_start3A_366 = arith.constant 1 : i32
    %dma_start3A_367 = arith.constant 0 : i32
    %dma_start3A_368 = tpu.memref_slice %arg3[%add3A_365, %dma_start3A_367] : memref<16384x1024xf32, #tpu.memory_space<hbm>> -> memref<256x1024xf32, #tpu.memory_space<hbm>>
    %dma_start3A_369 = arith.constant 0 : i32
    %dma_start3A_370 = arith.constant 0 : i32
    %dma_start3A_371 = tpu.memref_slice %arg15[%dma_start3A_366, %dma_start3A_369, %dma_start3A_370] : memref<2x256x1024xf32, #tpu.memory_space<vmem_shared>> -> memref<1x256x1024xf32, #tpu.memory_space<vmem_shared>>
    %dma_start3A_372 = tpu.memref_squeeze %dma_start3A_371 : memref<1x256x1024xf32, #tpu.memory_space<vmem_shared>> -> memref<256x1024xf32, #tpu.memory_space<vmem_shared>>
    tpu.enqueue_dma source(%dma_start3A_372 : memref<256x1024xf32, #tpu.memory_space<vmem_shared>>) target(%dma_start3A_368 : memref<256x1024xf32, #tpu.memory_space<hbm>>) target_semaphore(%arg17 : memref<!tpu.dma_semaphore, #tpu.memory_space<semaphore_mem>>)
    %mul3A_373 = arith.constant 2 : i32
    %mul3A_374 = arith.muli %mul3A_373, %arg0 : i32
    %add3A_375 = arith.constant 1 : i32
    %add3A_376 = arith.addi %mul3A_374, %add3A_375 : i32
    %mul3A_377 = arith.constant 4096 : i32
    %mul3A_378 = arith.muli %add3A_376, %mul3A_377 : i32
    %add3A_379 = arith.constant 3584 : i32
    %add3A_380 = arith.addi %mul3A_378, %add3A_379 : i32
    %dma_wait3A_381 = arith.constant 0 : i32
    %dma_wait3A_382 = arith.constant 0 : i32
    %dma_wait3A_383 = tpu.memref_slice %arg3[%add3A_380, %dma_wait3A_382] : memref<16384x1024xf32, #tpu.memory_space<hbm>> -> memref<256x1024xf32, #tpu.memory_space<hbm>>
    %dma_wait3A_384 = arith.constant 0 : i32
    %dma_wait3A_385 = arith.constant 0 : i32
    %dma_wait3A_386 = tpu.memref_slice %arg15[%dma_wait3A_381, %dma_wait3A_384, %dma_wait3A_385] : memref<2x256x1024xf32, #tpu.memory_space<vmem_shared>> -> memref<1x256x1024xf32, #tpu.memory_space<vmem_shared>>
    %dma_wait3A_387 = tpu.memref_squeeze %dma_wait3A_386 : memref<1x256x1024xf32, #tpu.memory_space<vmem_shared>> -> memref<256x1024xf32, #tpu.memory_space<vmem_shared>>
    tpu.wait_dma2 semaphore(%arg17 : memref<!tpu.dma_semaphore, #tpu.memory_space<semaphore_mem>>) src(%dma_wait3A_387 : memref<256x1024xf32, #tpu.memory_space<vmem_shared>>) dst(%dma_wait3A_383 : memref<256x1024xf32, #tpu.memory_space<hbm>>)
    %mul3A_388 = arith.constant 2 : i32
    %mul3A_389 = arith.muli %mul3A_388, %arg0 : i32
    %add3A_390 = arith.constant 1 : i32
    %add3A_391 = arith.addi %mul3A_389, %add3A_390 : i32
    %mul3A_392 = arith.constant 4096 : i32
    %mul3A_393 = arith.muli %add3A_391, %mul3A_392 : i32
    %add3A_394 = arith.constant 3840 : i32
    %add3A_395 = arith.addi %mul3A_393, %add3A_394 : i32
    %dma_wait3A_396 = arith.constant 1 : i32
    %dma_wait3A_397 = arith.constant 0 : i32
    %dma_wait3A_398 = tpu.memref_slice %arg3[%add3A_395, %dma_wait3A_397] : memref<16384x1024xf32, #tpu.memory_space<hbm>> -> memref<256x1024xf32, #tpu.memory_space<hbm>>
    %dma_wait3A_399 = arith.constant 0 : i32
    %dma_wait3A_400 = arith.constant 0 : i32
    %dma_wait3A_401 = tpu.memref_slice %arg15[%dma_wait3A_396, %dma_wait3A_399, %dma_wait3A_400] : memref<2x256x1024xf32, #tpu.memory_space<vmem_shared>> -> memref<1x256x1024xf32, #tpu.memory_space<vmem_shared>>
    %dma_wait3A_402 = tpu.memref_squeeze %dma_wait3A_401 : memref<1x256x1024xf32, #tpu.memory_space<vmem_shared>> -> memref<256x1024xf32, #tpu.memory_space<vmem_shared>>
    tpu.wait_dma2 semaphore(%arg17 : memref<!tpu.dma_semaphore, #tpu.memory_space<semaphore_mem>>) src(%dma_wait3A_402 : memref<256x1024xf32, #tpu.memory_space<vmem_shared>>) dst(%dma_wait3A_398 : memref<256x1024xf32, #tpu.memory_space<hbm>>)
    return
  }
}

</mosaic_0001>

<sc_bundles>
// kernel: kernel.3.cloned.1.call-start
scs
__scs_entry_jumppad:
0x0: {  	(pc) =	sbr.rel $0x88, $3  }
0x1: {  	(tag) =	ssettag $0x0;
	lr =	simm.s32 $0x1  }
0x2: {  	[smem:$0x3F9F] =	sst lr;
	_ =	strace $0xD0000000  }
0x3: {  	_ = 	snop  }
0x4: {  	_ = 	snop  }
0x5: {  	_ = 	snop  }
0x6: {  	_ = 	snop  }
0x7: {  	_ = 	snop  }
__scs_overlays_trampoline_lowered:
0x8: {  	[smem:$0x3FAE] =	sst s0  }
0x9: {  	[smem:$0x3FAF] =	sst s1  }
0xa: {  	[smem:$0x3FB0] =	sst s2  }
0xb: {  	[smem:$0x3FB1] =	sst s3  }
0xc: {  	[smem:$0x3FB2] =	sst s4  }
0xd: {  	[smem:$0x3FB3] =	sst s5  }
0xe: {  	[smem:$0x3FB4] =	sst s6  }
0xf: {  	[smem:$0x3FB5] =	sst s7  }
0x10: {  	[smem:$0x3FB6] =	sst s8  }
0x11: {  	[smem:$0x3FB7] =	sst s9;
	s0 =	simm.s32 @!p0 $0x0  }
0x12: {  	s1 =	sld [smem:$0x3F9D];
	s0 =	simm.s32 @p0 $0x1  }
0x13: {  	[smem:$0x3FB8] =	sst s0;
	s0 =	simm.s32 @!p1 $0x0  }
0x14: {  	s2 =	sld [smem:$0x3F9C];
	s0 =	simm.s32 @p1 $0x1  }
0x15: {  	[smem:$0x3FB9] =	sst s0;
	s0 =	simm.s32 @!p2 $0x0  }
0x16: {  	s3 =	sld [smem:$0x3FDB];
	s0 =	simm.s32 @p2 $0x1  }
0x17: {  	s4 =	simm.s32 $0x1BF5;
	[smem:$0x3FBB] =	sst s0  }
0x18: {  	s0 =	sld [smem:$0x3F9E];
	_ =	swait.ge [sflag:s4], $0x0  }
0x19: {  	s7 =	sld [smem:$0x3F9F]  }
0x1a: {  	s8 =	sadd.s32 $0xFFFFE003, lr  }
0x1b: {  	s9 =	sadd.s32 $0xFFFFFEF7, lr;
	s5 =	simm.s32 $0xFFFFFFFF;
	p2 =	slt.u32 s8, $0xFFFFF086  }
0x1c: {  	p1 =	slt.u32 s9, $0xF7A;
	s5 =	simm.s32 @!p2 $0x0  }
0x1d: {  	s5 =	simm.s32 @p1 $0x1;
	p0 =	seq.s32 s7, s2  }
0x1e: {  	s7 =	smul.u32 @!p0 $0xF7A, s2;
	p2 =	seq.s32 @!p0 s5, $0x0  }
0x1f: {  	s9 =	smul.u32 $0xF7A, s1;
	s8 =	simm.s32 @!p0 $0x1BF5;
	p2 =	por !p2, p0  }
0x20: {  	[sflag:s8] =	ssyncset.s32 @!p0 $0xFFFFF086;
	s6 =	sadd.s32 @!p0 s3, s7;
	s7 =	simm.s32 @!p0 $0x108  }
0x21: {  	s3 =	sadd.s32 s3, s9;
	s6 =	sadd.s32 @!p0 $0x88, s6;
	s7 =	simm.s32 @p2 $0x1082  }
0x22: {  	[simem:s7], [sflag:s8] =	dma.local @!p0 [hbm:s6], $0xF7A  }
0x23: {  	s9 =	sor.u32 $0xD0000000, s2;
	s6 =	simm.s32 $0x108;
	_ =	swait.ge @!p0 [sflag:s8], $0x0  }
0x24: {  	s3 =	sadd.s32 $0x88, s3;
	s6 =	simm.s32 @!p1 $0x1082;
	[sflag:s4] =	ssyncset.s32 $0xFFFFF086  }
0x25: {  	[simem:s6], [sflag:s4] =	dma.local [hbm:s3], $0xF7A  }
0x26: {  	[smem:$0x3F9F] =	sst s1;
	(tag) =	ssettag s2;
	_ =	strace s9  }
0x27: {  	s1 =	sld [smem:$0x3FAF]  }
0x28: {  	s2 =	sld [smem:$0x3FB0]  }
0x29: {  	s4 =	sld [smem:$0x3FB2]  }
0x2a: {  	p0 =	seq.s32 s5, $0x0;
	s5 =	sld [smem:$0x3FB3]  }
0x2b: {  	s6 =	sld [smem:$0x3FB4]  }
0x2c: {  	s7 =	sld [smem:$0x3FB5]  }
0x2d: {  	s3 =	simm.s32 $0x108;
	s8 =	sld [smem:$0x3FB6]  }
0x2e: {  	s3 =	simm.s32 @!p0 $0x1082;
	s9 =	sld [smem:$0x3FB7]  }
0x2f: {  	lr =	sadd.s32 s0, s3;
	s0 =	sld [smem:$0x3FAE]  }
0x30: {  	s3 =	sld [smem:$0x3FB1]  }
0x31: {  	[smem:$0x3FBA] =	sst s10  }
0x32: {  	s10 =	sld [smem:$0x3FB8];
	_ =	sdelay $0x3  }
0x33: {  	p0 =	seq.s32 s10, $0x1;
	s10 =	sld [smem:$0x3FBA];
	_ =	sdelay $0x3  }
0x34: {  	[smem:$0x3FBA] =	sst s10  }
0x35: {  	s10 =	sld [smem:$0x3FB9];
	_ =	sdelay $0x3  }
0x36: {  	p1 =	seq.s32 s10, $0x1;
	s10 =	sld [smem:$0x3FBA];
	_ =	sdelay $0x3  }
0x37: {  	[smem:$0x3FBA] =	sst s10  }
0x38: {  	s10 =	sld [smem:$0x3FBB]  }
0x39: {  	_ = 	snop;
	(pc) =	sbr.ind lr, $3  }
0x3a: {  	_ = 	snop  }
0x3b: {  	_ = 	snop  }
0x3c: {  	p2 =	seq.s32 s10, $0x1;
	s10 =	sld [smem:$0x3FBA]  }
0x3d: {  	_ =	shalt  }
0x3e: {  	_ =	shalt  }
0x3f: {  	_ =	shalt  }
0x40: {  	_ =	shalt  }
0x41: {  	_ =	shalt  }
0x42: {  	_ =	shalt  }
0x43: {  	_ =	shalt  }
0x44: {  	_ =	shalt  }
0x45: {  	_ =	shalt  }
0x46: {  	_ =	shalt  }
0x47: {  	_ =	shalt  }
0x48: {  	_ =	shalt  }
0x49: {  	_ =	shalt  }
0x4a: {  	_ =	shalt  }
0x4b: {  	_ =	shalt  }
0x4c: {  	_ =	shalt  }
0x4d: {  	_ =	shalt  }
0x4e: {  	_ =	shalt  }
0x4f: {  	_ =	shalt  }
0x50: {  	_ =	shalt  }
0x51: {  	_ =	shalt  }
0x52: {  	_ =	shalt  }
0x53: {  	_ =	shalt  }
0x54: {  	_ =	shalt  }
0x55: {  	_ =	shalt  }
0x56: {  	_ =	shalt  }
0x57: {  	_ =	shalt  }
0x58: {  	_ =	shalt  }
0x59: {  	_ =	shalt  }
0x5a: {  	_ =	shalt  }
0x5b: {  	_ =	shalt  }
0x5c: {  	_ =	shalt  }
0x5d: {  	_ =	shalt  }
0x5e: {  	_ =	shalt  }
0x5f: {  	_ =	shalt  }
0x60: {  	_ =	shalt  }
0x61: {  	_ =	shalt  }
0x62: {  	_ =	shalt  }
0x63: {  	_ =	shalt  }
0x64: {  	_ =	shalt  }
0x65: {  	_ =	shalt  }
0x66: {  	_ =	shalt  }
0x67: {  	_ =	shalt  }
0x68: {  	_ =	shalt  }
0x69: {  	_ =	shalt  }
0x6a: {  	_ =	shalt  }
0x6b: {  	_ =	shalt  }
0x6c: {  	_ =	shalt  }
0x6d: {  	_ =	shalt  }
0x6e: {  	_ =	shalt  }
0x6f: {  	_ =	shalt  }
0x70: {  	_ =	shalt  }
0x71: {  	_ =	shalt  }
0x72: {  	_ =	shalt  }
0x73: {  	_ =	shalt  }
0x74: {  	_ =	shalt  }
0x75: {  	_ =	shalt  }
0x76: {  	_ =	shalt  }
0x77: {  	_ =	shalt  }
0x78: {  	_ =	shalt  }
0x79: {  	_ =	shalt  }
0x7a: {  	_ =	shalt  }
0x7b: {  	_ =	shalt  }
0x7c: {  	_ =	shalt  }
0x7d: {  	_ =	shalt  }
0x7e: {  	_ =	shalt  }
0x7f: {  	_ =	shalt  }
0x80: {  	_ =	shalt  }
0x81: {  	_ =	shalt  }
0x82: {  	_ =	shalt  }
0x83: {  	_ =	shalt  }
0x84: {  	_ =	shalt  }
0x85: {  	_ =	shalt  }
0x86: {  	_ =	shalt  }
0x87: {  	_ =	shalt  }
.Lfunc_end0:
.L_simem_size_0:
called_computation_lowered:
.L_overlay_start_0:
0x88: {  	s2 =	sld [smem:$0x3FD9]  }
0x89: {  	s3 =	sld [smem:$0x3FFE];
	_ =	sdelay $0x1  }
0x8a: {  	s1 =	srdreg.scid  }
0x8b: {  	s0 =	sand.u32 $0x1, s1  }
0x8c: {  	s20 =	sshll.u32 s0, $0xA;
	s2 =	sadd.s32 s3, s2  }
0x8d: {  	s2 =	sadd.s32 s2, s20  }
0x8e: {  	s8 =	simm.s32 $0x0;
	[smem:$0x3FC6] =	sst s2  }
0x8f: {  	[smem:$0xF] =	sst s8  }
0x90: {  	s3 =	sld [smem:$0x3FC8]  }
0x91: {  	s2 =	sld [smem:$0x3FD0];
	(tm) =	ssettm $0x1  }
0x92: {  	s4 =	sld [smem:$0x3FFB];
	_ =	sdelay $0x3  }
0x93: {  	_ =	strace s4  }
0x94: {  	s4 =	sld [smem:$0x3FFC];
	_ =	sdelay $0x3  }
0x95: {  	_ =	strace s4  }
0x96: {  	s4 =	sld [smem:$0x3FFD];
	_ =	sdelay $0x3  }
0x97: {  	_ =	strace s4  }
0x98: {  	_ =	strace $0x8FFFFFFF  }
0x99: {  	s21 =	sld [smem:$0x3FDB];
	_ =	sdelay $0x2  }
0x9a: {  	s5 =	simm.s32 $_scs_section_size;
	s6 =	simm.s32 $_tile_overlayer_lowered  }
0x9b: {  	s22 =	simm.s32 $_size__tile_overlayer_lowered;
	s6 =	sshll.u32 s6, $0x1;
	s4 =	sadd.s32 s5, s21  }
0x9c: {  	s7 =	simm.s32 $0x1BFF;
	s5 =	sshll.u32 s22, $0x1;
	s6 =	sadd.s32 s6, s4  }
0x9d: {  	[timem:s8], [sflag:s7] =	dma.local [hbm:s6], s5  }
0x9e: {  	_ =	swait.ge [sflag:s7], s5  }
0x9f: {  	s5 =	ssub.s32 $0x0, s5;
	[sflag:s7] =	ssyncset.done $0x0  }
0xa0: {  	[sflag:s7] =	ssyncadd.s32 s5;
	_ =	sdelay $0x1  }
0xa1: {  	s23 =	simm.s32 $0x1B8B  }
0xa2: {  	_ =	swait.ge [sflag:s23], $0x1  }
0xa3: {  	[sflag:s23] =	ssyncset.done $0x0  }
0xa4: {  	s25 =	simm.s32 $0x1B8E;
	s24 =	sld [smem:$0x3FFE];
	[sflag:s23] =	ssyncadd.s32 $0xFFFFFFFF  }
0xa5: {  	s26 =	simm.s32 $execute0_lowered;
	[smem:$0x3FD2] =	sst s25  }
0xa6: {  	s6 =	sshll.u32 s26, $0x1;
	_ =	strace $0x80000046;
	[dreg:$0x1] =	wrdreg $0xFFFFFFFF  }
0xa7: {  	s28 =	simm.s32 $_size_execute0_lowered;
	s4 =	sadd.s32 s4, s6;
	[dreg:$0x0] =	wrdreg $0x0  }
0xa8: {  	s6 =	sshll.u32 s28, $0x1;
	[dreg:$0x2] =	wrdreg s4  }
0xa9: {  	[dreg:$0x3] =	wrdreg s6  }
0xaa: {  	[dreg:$0x4] =	wrdreg $0xC0  }
0xab: {  	_ =	task [dreg:s8], $0x5FFFF  }
0xac: {  	[dreg:$0x1] =	wrdreg $0xFFFFFFFF  }
0xad: {  	[dreg:$0x0] =	wrdreg $0x60  }
0xae: {  	[dreg:$0x2] =	wrdreg s24  }
0xaf: {  	s6 =	sshll.u32 s0, $0xD;
	[dreg:$0x3] =	wrdreg s3  }
0xb0: {  	s10 =	simm.s32 $0x10;
	s9 =	sor.u32 $0xC00, s6;
	[dreg:$0x4] =	wrdreg s2  }
0xb1: {  	s5 =	sadd.s32 $0x400, s24;
	s29 =	sshrl.u32 s9, $0x3;
	[dreg:$0x5] =	wrdreg $0x9  }
0xb2: {  	s7 =	simm.s32 $0xC;
	s4 =	sadd.s32 s29, s5;
	_ =	task.clear_ibuf [dreg:s8], $0x6FFFF  }
0xb3: {  	[smem:s10], [sflag:s7] =	dma.local [hbm:s4], $0x20  }
0xb4: {  	_ =	swait.ge [sflag:s7], $0x20  }
0xb5: {  	[sflag:s7] =	ssyncset.done $0x0  }
0xb6: {  	[sflag:s7] =	ssyncadd.s32 $0xFFFFFFE0  }
0xb7: {  	s30 =	sld [smem:$0x10];
	_ =	sdelay $0x2  }
0xb8: {  	s11 =	sand.u32 $0x3E000, s8  }
0xb9: {  	s13 =	sand.u32 $0x380, s8;
	s31 =	sshll.u32 s30, $0xA;
	s4 =	sshll.u32 s30, $0x7  }
0xba: {  	s11 =	sor.u32 s13, s11;
	s10 =	sand.u32 $0xFFFFE000, s31;
	s12 =	sand.u32 $0x380, s4  }
0xbb: {  	s14 =	simm.s32 $0x400;
	s13 =	sor.u32 $0x101800, s11;
	s12 =	sor.u32 s12, s10  }
0xbc: {  	s11 =	simm.s32 $0x80;
	s13 =	sshrl.u32 s13, $0x3;
	s12 =	sshrl.u32 s12, $0x3  }
0xbd: {  	s4 =	simm.s32 $0xA;
	s10 =	simm.s32 $0x1;
	s12 =	sadd.s32 s3, s12  }
0xbe: {  	[spmem:s13@s11], [sflag:s4] =	dma.strided [hbm:s12@s11], $0x80, s10, $0x10   }
0xbf: {  	s12 =	simm.s32 $0x11;
	s13 =	simm.s32 $0x800;
	s15 =	sld [smem:$0x11]  }
.LBB1_1:
0xc0: {  	p0 =	sne.s32 s13, $0x3FC00;
	_ =	sdelay $0x1  }
0xc1: {  	s8 =	sadd.s32 $0x80, s8  }
0xc2: {  	s14 =	sand.u32 $0x3E000, s14;
	s16 =	sshll.u32 s15, $0xA;
	s15 =	sshll.u32 s15, $0x7  }
0xc3: {  	s17 =	sand.u32 $0x380, s8;
	s16 =	sand.u32 $0xFFFFE000, s16;
	s15 =	sand.u32 $0x380, s15  }
0xc4: {  	s15 =	sor.u32 s15, s16;
	s16 =	sor.u32 s17, s14;
	s14 =	smov.u32 s13  }
.Ltmp0:
0xc5: {  	s15 =	sshrl.u32 s15, $0x3;
	s16 =	sor.u32 $0x101800, s16;
	(pc) =	sbr.rel @p0 .LBB1_1-.Ltmp0, $3  }
0xc6: {  	s12 =	sadd.s32 $0x1, s12;
	s15 =	sadd.s32 s3, s15;
	s16 =	sshrl.u32 s16, $0x3  }
0xc7: {  	[spmem:s16@s11], [sflag:s4] =	dma.strided [hbm:s15@s11], $0x80, s10, $0x10   }
0xc8: {  	s13 =	sadd.s32 $0x400, s13;
	s15 =	sld [smem:s12+$0x0]  }
0xc9: {  	_ =	sdelay $0x1  }
0xca: {  	s8 =	sadd.s32 $0x80, s8  }
0xcb: {  	s14 =	sand.u32 $0x3E000, s14;
	s12 =	sshll.u32 s15, $0xA;
	s13 =	sshll.u32 s15, $0x7  }
0xcc: {  	s8 =	sand.u32 $0x380, s8;
	s12 =	sand.u32 $0xFFFFE000, s12;
	s13 =	sand.u32 $0x380, s13  }
0xcd: {  	s8 =	sor.u32 s8, s14;
	s12 =	sor.u32 s13, s12  }
0xce: {  	s8 =	sor.u32 $0x101800, s8;
	s12 =	sshrl.u32 s12, $0x3  }
0xcf: {  	s21 =	simm.s32 $0xA;
	s8 =	sshrl.u32 s8, $0x3;
	s12 =	sadd.s32 s3, s12  }
0xd0: {  	[spmem:s8@s11], [sflag:s4] =	dma.strided [hbm:s12@s11], $0x80, s10, $0x10   }
0xd1: {  	_ =	swait.ge [sflag:s21], $0x8000  }
0xd2: {  	s22 =	sshll.u32 s9, $0x7;
	s23 =	simm.s32 $0x20300;
	[sflag:s21] =	ssyncset.done $0x0  }
0xd3: {  	s9 =	sadd.s32 s22, s2;
	s8 =	simm.s32 $0xB;
	[sflag:s21] =	ssyncadd.s32 $0xFFFF8000  }
0xd4: {  	[hbm:s9], [sflag:s8] =	dma.local [spmem:s23], $0x8000  }
0xd5: {  	s9 =	sor.u32 $0xD00, s6  }
0xd6: {  	s24 =	sshrl.u32 s9, $0x3  }
0xd7: {  	s25 =	simm.s32 $0x10;
	s26 =	simm.s32 $0xC;
	s10 =	sadd.s32 s24, s5  }
0xd8: {  	[smem:s25], [sflag:s7] =	dma.local [hbm:s10], $0x20  }
0xd9: {  	_ =	swait.ge [sflag:s26], $0x20  }
0xda: {  	[sflag:s26] =	ssyncset.done $0x0  }
0xdb: {  	[sflag:s26] =	ssyncadd.s32 $0xFFFFFFE0  }
0xdc: {  	s10 =	sld [smem:$0x10];
	_ =	sdelay $0x1  }
0xdd: {  	s12 =	simm.s32 $0x0  }
0xde: {  	s29 =	sand.u32 $0x3E000, s12  }
0xdf: {  	s30 =	sand.u32 $0x380, s12;
	s28 =	sshll.u32 s10, $0xA;
	s10 =	sshll.u32 s10, $0x7  }
0xe0: {  	s13 =	sor.u32 s30, s29;
	s11 =	sand.u32 $0xFFFFE000, s28;
	s10 =	sand.u32 $0x380, s10  }
0xe1: {  	s13 =	sor.u32 $0x141800, s13;
	s11 =	sor.u32 s10, s11  }
0xe2: {  	s15 =	simm.s32 $0x400;
	s13 =	sshrl.u32 s13, $0x3;
	s31 =	sshrl.u32 s11, $0x3  }
0xe3: {  	s10 =	simm.s32 $0x1;
	s11 =	simm.s32 $0x80;
	s14 =	sadd.s32 s3, s31  }
0xe4: {  	[spmem:s13@s11], [sflag:s4] =	dma.strided [hbm:s14@s11], $0x80, s10, $0x10   }
0xe5: {  	s13 =	simm.s32 $0x11;
	s14 =	simm.s32 $0x800;
	s16 =	sld [smem:$0x11]  }
.LBB1_3:
0xe6: {  	p0 =	sne.s32 s14, $0x3FC00;
	_ =	sdelay $0x1  }
0xe7: {  	s12 =	sadd.s32 $0x80, s12  }
0xe8: {  	s15 =	sand.u32 $0x3E000, s15;
	s17 =	sshll.u32 s16, $0xA;
	s16 =	sshll.u32 s16, $0x7  }
0xe9: {  	s18 =	sand.u32 $0x380, s12;
	s17 =	sand.u32 $0xFFFFE000, s17;
	s16 =	sand.u32 $0x380, s16  }
0xea: {  	s16 =	sor.u32 s16, s17;
	s17 =	sor.u32 s18, s15;
	s15 =	smov.u32 s14  }
.Ltmp1:
0xeb: {  	s16 =	sshrl.u32 s16, $0x3;
	s17 =	sor.u32 $0x141800, s17;
	(pc) =	sbr.rel @p0 .LBB1_3-.Ltmp1, $3  }
0xec: {  	s13 =	sadd.s32 $0x1, s13;
	s16 =	sadd.s32 s3, s16;
	s17 =	sshrl.u32 s17, $0x3  }
0xed: {  	[spmem:s17@s11], [sflag:s4] =	dma.strided [hbm:s16@s11], $0x80, s10, $0x10   }
0xee: {  	s14 =	sadd.s32 $0x400, s14;
	s16 =	sld [smem:s13+$0x0]  }
0xef: {  	_ =	sdelay $0x1  }
0xf0: {  	s12 =	sadd.s32 $0x80, s12  }
0xf1: {  	s15 =	sand.u32 $0x3E000, s15;
	s13 =	sshll.u32 s16, $0xA;
	s14 =	sshll.u32 s16, $0x7  }
0xf2: {  	s12 =	sand.u32 $0x380, s12;
	s13 =	sand.u32 $0xFFFFE000, s13;
	s14 =	sand.u32 $0x380, s14  }
0xf3: {  	s12 =	sor.u32 s12, s15;
	s13 =	sor.u32 s14, s13  }
0xf4: {  	s12 =	sor.u32 $0x141800, s12;
	s13 =	sshrl.u32 s13, $0x3  }
0xf5: {  	s20 =	simm.s32 $0xA;
	s12 =	sshrl.u32 s12, $0x3;
	s13 =	sadd.s32 s3, s13  }
0xf6: {  	[spmem:s12@s11], [sflag:s4] =	dma.strided [hbm:s13@s11], $0x80, s10, $0x10   }
0xf7: {  	_ =	swait.ge [sflag:s20], $0x8000  }
0xf8: {  	[sflag:s20] =	ssyncset.done $0x0  }
0xf9: {  	s9 =	sshll.u32 s9, $0x7;
	[sflag:s20] =	ssyncadd.s32 $0xFFFF8000  }
0xfa: {  	s21 =	simm.s32 $0x28300;
	s22 =	simm.s32 $0xB;
	s9 =	sadd.s32 s9, s2  }
0xfb: {  	[hbm:s9], [sflag:s8] =	dma.local [spmem:s21], $0x8000  }
0xfc: {  	_ =	swait.ge [sflag:s22], $0x8000  }
0xfd: {  	s9 =	sor.u32 $0xE00, s6;
	[sflag:s22] =	ssyncset.done $0x0  }
0xfe: {  	s23 =	sshrl.u32 s9, $0x3;
	[sflag:s22] =	ssyncadd.s32 $0xFFFF8000  }
0xff: {  	s25 =	simm.s32 $0x10;
	s26 =	simm.s32 $0xC;
	s24 =	sadd.s32 s23, s5  }
0x100: {  	[smem:s25], [sflag:s7] =	dma.local [hbm:s24], $0x20  }
0x101: {  	_ =	swait.ge [sflag:s26], $0x20  }
0x102: {  	[sflag:s26] =	ssyncset.done $0x0  }
0x103: {  	[sflag:s26] =	ssyncadd.s32 $0xFFFFFFE0  }
0x104: {  	s10 =	sld [smem:$0x10];
	_ =	sdelay $0x1  }
0x105: {  	s12 =	simm.s32 $0x0  }
0x106: {  	s29 =	sand.u32 $0x3E000, s12  }
0x107: {  	s30 =	sand.u32 $0x380, s12;
	s28 =	sshll.u32 s10, $0xA;
	s10 =	sshll.u32 s10, $0x7  }
0x108: {  	s13 =	sor.u32 s30, s29;
	s11 =	sand.u32 $0xFFFFE000, s28;
	s10 =	sand.u32 $0x380, s10  }
0x109: {  	s13 =	sor.u32 $0x101800, s13;
	s11 =	sor.u32 s10, s11  }
0x10a: {  	s15 =	simm.s32 $0x400;
	s13 =	sshrl.u32 s13, $0x3;
	s31 =	sshrl.u32 s11, $0x3  }
0x10b: {  	s10 =	simm.s32 $0x1;
	s11 =	simm.s32 $0x80;
	s14 =	sadd.s32 s3, s31  }
0x10c: {  	[spmem:s13@s11], [sflag:s4] =	dma.strided [hbm:s14@s11], $0x80, s10, $0x10   }
0x10d: {  	s13 =	simm.s32 $0x11;
	s14 =	simm.s32 $0x800;
	s16 =	sld [smem:$0x11]  }
.LBB1_5:
0x10e: {  	p0 =	sne.s32 s14, $0x3FC00;
	_ =	sdelay $0x1  }
0x10f: {  	s12 =	sadd.s32 $0x80, s12  }
0x110: {  	s15 =	sand.u32 $0x3E000, s15;
	s17 =	sshll.u32 s16, $0xA;
	s16 =	sshll.u32 s16, $0x7  }
0x111: {  	s18 =	sand.u32 $0x380, s12;
	s17 =	sand.u32 $0xFFFFE000, s17;
	s16 =	sand.u32 $0x380, s16  }
0x112: {  	s16 =	sor.u32 s16, s17;
	s17 =	sor.u32 s18, s15;
	s15 =	smov.u32 s14  }
.Ltmp2:
0x113: {  	s16 =	sshrl.u32 s16, $0x3;
	s17 =	sor.u32 $0x101800, s17;
	(pc) =	sbr.rel @p0 .LBB1_5-.Ltmp2, $3  }
0x114: {  	s13 =	sadd.s32 $0x1, s13;
	s16 =	sadd.s32 s3, s16;
	s17 =	sshrl.u32 s17, $0x3  }
0x115: {  	[spmem:s17@s11], [sflag:s4] =	dma.strided [hbm:s16@s11], $0x80, s10, $0x10   }
0x116: {  	s14 =	sadd.s32 $0x400, s14;
	s16 =	sld [smem:s13+$0x0]  }
0x117: {  	_ =	sdelay $0x1  }
0x118: {  	s12 =	sadd.s32 $0x80, s12  }
0x119: {  	s15 =	sand.u32 $0x3E000, s15;
	s13 =	sshll.u32 s16, $0xA;
	s14 =	sshll.u32 s16, $0x7  }
0x11a: {  	s12 =	sand.u32 $0x380, s12;
	s13 =	sand.u32 $0xFFFFE000, s13;
	s14 =	sand.u32 $0x380, s14  }
0x11b: {  	s12 =	sor.u32 s12, s15;
	s13 =	sor.u32 s14, s13  }
0x11c: {  	s12 =	sor.u32 $0x101800, s12;
	s13 =	sshrl.u32 s13, $0x3  }
0x11d: {  	s20 =	simm.s32 $0xA;
	s12 =	sshrl.u32 s12, $0x3;
	s13 =	sadd.s32 s3, s13  }
0x11e: {  	[spmem:s12@s11], [sflag:s4] =	dma.strided [hbm:s13@s11], $0x80, s10, $0x10   }
0x11f: {  	_ =	swait.ge [sflag:s20], $0x8000  }
0x120: {  	[sflag:s20] =	ssyncset.done $0x0  }
0x121: {  	s9 =	sshll.u32 s9, $0x7;
	[sflag:s20] =	ssyncadd.s32 $0xFFFF8000  }
0x122: {  	s21 =	simm.s32 $0x20300;
	s22 =	simm.s32 $0xB;
	s9 =	sadd.s32 s9, s2  }
0x123: {  	[hbm:s9], [sflag:s8] =	dma.local [spmem:s21], $0x8000  }
0x124: {  	_ =	swait.ge [sflag:s22], $0x8000  }
0x125: {  	s9 =	sor.u32 $0xF00, s6;
	[sflag:s22] =	ssyncset.done $0x0  }
0x126: {  	s23 =	sshrl.u32 s9, $0x3;
	[sflag:s22] =	ssyncadd.s32 $0xFFFF8000  }
0x127: {  	s25 =	simm.s32 $0x10;
	s26 =	simm.s32 $0xC;
	s24 =	sadd.s32 s23, s5  }
0x128: {  	[smem:s25], [sflag:s7] =	dma.local [hbm:s24], $0x20  }
0x129: {  	_ =	swait.ge [sflag:s26], $0x20  }
0x12a: {  	[sflag:s26] =	ssyncset.done $0x0  }
0x12b: {  	[sflag:s26] =	ssyncadd.s32 $0xFFFFFFE0  }
0x12c: {  	s10 =	sld [smem:$0x10];
	_ =	sdelay $0x1  }
0x12d: {  	s12 =	simm.s32 $0x0  }
0x12e: {  	s29 =	sand.u32 $0x3E000, s12  }
0x12f: {  	s30 =	sand.u32 $0x380, s12;
	s28 =	sshll.u32 s10, $0xA;
	s10 =	sshll.u32 s10, $0x7  }
0x130: {  	s13 =	sor.u32 s30, s29;
	s11 =	sand.u32 $0xFFFFE000, s28;
	s10 =	sand.u32 $0x380, s10  }
0x131: {  	s13 =	sor.u32 $0x141800, s13;
	s11 =	sor.u32 s10, s11  }
0x132: {  	s15 =	simm.s32 $0x400;
	s13 =	sshrl.u32 s13, $0x3;
	s31 =	sshrl.u32 s11, $0x3  }
0x133: {  	s10 =	simm.s32 $0x1;
	s11 =	simm.s32 $0x80;
	s14 =	sadd.s32 s3, s31  }
0x134: {  	[spmem:s13@s11], [sflag:s4] =	dma.strided [hbm:s14@s11], $0x80, s10, $0x10   }
0x135: {  	s13 =	simm.s32 $0x11;
	s14 =	simm.s32 $0x800;
	s16 =	sld [smem:$0x11]  }
.LBB1_7:
0x136: {  	p0 =	sne.s32 s14, $0x3FC00;
	_ =	sdelay $0x1  }
0x137: {  	s12 =	sadd.s32 $0x80, s12  }
0x138: {  	s15 =	sand.u32 $0x3E000, s15;
	s17 =	sshll.u32 s16, $0xA;
	s16 =	sshll.u32 s16, $0x7  }
0x139: {  	s18 =	sand.u32 $0x380, s12;
	s17 =	sand.u32 $0xFFFFE000, s17;
	s16 =	sand.u32 $0x380, s16  }
0x13a: {  	s16 =	sor.u32 s16, s17;
	s17 =	sor.u32 s18, s15;
	s15 =	smov.u32 s14  }
.Ltmp3:
0x13b: {  	s16 =	sshrl.u32 s16, $0x3;
	s17 =	sor.u32 $0x141800, s17;
	(pc) =	sbr.rel @p0 .LBB1_7-.Ltmp3, $3  }
0x13c: {  	s13 =	sadd.s32 $0x1, s13;
	s16 =	sadd.s32 s3, s16;
	s17 =	sshrl.u32 s17, $0x3  }
0x13d: {  	[spmem:s17@s11], [sflag:s4] =	dma.strided [hbm:s16@s11], $0x80, s10, $0x10   }
0x13e: {  	s14 =	sadd.s32 $0x400, s14;
	s16 =	sld [smem:s13+$0x0]  }
0x13f: {  	_ =	sdelay $0x1  }
0x140: {  	s12 =	sadd.s32 $0x80, s12  }
0x141: {  	s15 =	sand.u32 $0x3E000, s15;
	s13 =	sshll.u32 s16, $0xA;
	s14 =	sshll.u32 s16, $0x7  }
0x142: {  	s12 =	sand.u32 $0x380, s12;
	s13 =	sand.u32 $0xFFFFE000, s13;
	s14 =	sand.u32 $0x380, s14  }
0x143: {  	s12 =	sor.u32 s12, s15;
	s13 =	sor.u32 s14, s13  }
0x144: {  	s12 =	sor.u32 $0x141800, s12;
	s13 =	sshrl.u32 s13, $0x3  }
0x145: {  	s20 =	simm.s32 $0xA;
	s12 =	sshrl.u32 s12, $0x3;
	s13 =	sadd.s32 s3, s13  }
0x146: {  	[spmem:s12@s11], [sflag:s4] =	dma.strided [hbm:s13@s11], $0x80, s10, $0x10   }
0x147: {  	_ =	swait.ge [sflag:s20], $0x8000  }
0x148: {  	[sflag:s20] =	ssyncset.done $0x0  }
0x149: {  	s9 =	sshll.u32 s9, $0x7;
	[sflag:s20] =	ssyncadd.s32 $0xFFFF8000  }
0x14a: {  	s21 =	simm.s32 $0x28300;
	s22 =	simm.s32 $0xB;
	s9 =	sadd.s32 s9, s2  }
0x14b: {  	[hbm:s9], [sflag:s8] =	dma.local [spmem:s21], $0x8000  }
0x14c: {  	_ =	swait.ge [sflag:s22], $0x8000  }
0x14d: {  	s9 =	sor.u32 $0x1C00, s6;
	[sflag:s22] =	ssyncset.done $0x0  }
0x14e: {  	s23 =	sshrl.u32 s9, $0x3;
	[sflag:s22] =	ssyncadd.s32 $0xFFFF8000  }
0x14f: {  	s25 =	simm.s32 $0x10;
	s26 =	simm.s32 $0xC;
	s24 =	sadd.s32 s23, s5  }
0x150: {  	[smem:s25], [sflag:s7] =	dma.local [hbm:s24], $0x20  }
0x151: {  	_ =	swait.ge [sflag:s26], $0x20  }
0x152: {  	[sflag:s26] =	ssyncset.done $0x0  }
0x153: {  	[sflag:s26] =	ssyncadd.s32 $0xFFFFFFE0  }
0x154: {  	s10 =	sld [smem:$0x10];
	_ =	sdelay $0x1  }
0x155: {  	s12 =	simm.s32 $0x0  }
0x156: {  	s29 =	sand.u32 $0x3E000, s12  }
0x157: {  	s30 =	sand.u32 $0x380, s12;
	s28 =	sshll.u32 s10, $0xA;
	s10 =	sshll.u32 s10, $0x7  }
0x158: {  	s13 =	sor.u32 s30, s29;
	s11 =	sand.u32 $0xFFFFE000, s28;
	s10 =	sand.u32 $0x380, s10  }
0x159: {  	s13 =	sor.u32 $0x101800, s13;
	s11 =	sor.u32 s10, s11  }
0x15a: {  	s15 =	simm.s32 $0x400;
	s13 =	sshrl.u32 s13, $0x3;
	s31 =	sshrl.u32 s11, $0x3  }
0x15b: {  	s10 =	simm.s32 $0x1;
	s11 =	simm.s32 $0x80;
	s14 =	sadd.s32 s3, s31  }
0x15c: {  	[spmem:s13@s11], [sflag:s4] =	dma.strided [hbm:s14@s11], $0x80, s10, $0x10   }
0x15d: {  	s13 =	simm.s32 $0x11;
	s14 =	simm.s32 $0x800;
	s16 =	sld [smem:$0x11]  }
.LBB1_9:
0x15e: {  	p0 =	sne.s32 s14, $0x3FC00;
	_ =	sdelay $0x1  }
0x15f: {  	s12 =	sadd.s32 $0x80, s12  }
0x160: {  	s15 =	sand.u32 $0x3E000, s15;
	s17 =	sshll.u32 s16, $0xA;
	s16 =	sshll.u32 s16, $0x7  }
0x161: {  	s18 =	sand.u32 $0x380, s12;
	s17 =	sand.u32 $0xFFFFE000, s17;
	s16 =	sand.u32 $0x380, s16  }
0x162: {  	s16 =	sor.u32 s16, s17;
	s17 =	sor.u32 s18, s15;
	s15 =	smov.u32 s14  }
.Ltmp4:
0x163: {  	s16 =	sshrl.u32 s16, $0x3;
	s17 =	sor.u32 $0x101800, s17;
	(pc) =	sbr.rel @p0 .LBB1_9-.Ltmp4, $3  }
0x164: {  	s13 =	sadd.s32 $0x1, s13;
	s16 =	sadd.s32 s3, s16;
	s17 =	sshrl.u32 s17, $0x3  }
0x165: {  	[spmem:s17@s11], [sflag:s4] =	dma.strided [hbm:s16@s11], $0x80, s10, $0x10   }
0x166: {  	s14 =	sadd.s32 $0x400, s14;
	s16 =	sld [smem:s13+$0x0]  }
0x167: {  	_ =	sdelay $0x1  }
0x168: {  	s12 =	sadd.s32 $0x80, s12  }
0x169: {  	s15 =	sand.u32 $0x3E000, s15;
	s13 =	sshll.u32 s16, $0xA;
	s14 =	sshll.u32 s16, $0x7  }
0x16a: {  	s12 =	sand.u32 $0x380, s12;
	s13 =	sand.u32 $0xFFFFE000, s13;
	s14 =	sand.u32 $0x380, s14  }
0x16b: {  	s12 =	sor.u32 s12, s15;
	s13 =	sor.u32 s14, s13  }
0x16c: {  	s12 =	sor.u32 $0x101800, s12;
	s13 =	sshrl.u32 s13, $0x3  }
0x16d: {  	s20 =	simm.s32 $0xA;
	s12 =	sshrl.u32 s12, $0x3;
	s13 =	sadd.s32 s3, s13  }
0x16e: {  	[spmem:s12@s11], [sflag:s4] =	dma.strided [hbm:s13@s11], $0x80, s10, $0x10   }
0x16f: {  	_ =	swait.ge [sflag:s20], $0x8000  }
0x170: {  	[sflag:s20] =	ssyncset.done $0x0  }
0x171: {  	s9 =	sshll.u32 s9, $0x7;
	[sflag:s20] =	ssyncadd.s32 $0xFFFF8000  }
0x172: {  	s21 =	simm.s32 $0x20300;
	s22 =	simm.s32 $0xB;
	s9 =	sadd.s32 s9, s2  }
0x173: {  	[hbm:s9], [sflag:s8] =	dma.local [spmem:s21], $0x8000  }
0x174: {  	_ =	swait.ge [sflag:s22], $0x8000  }
0x175: {  	s9 =	sor.u32 $0x1D00, s6;
	[sflag:s22] =	ssyncset.done $0x0  }
0x176: {  	s23 =	sshrl.u32 s9, $0x3;
	[sflag:s22] =	ssyncadd.s32 $0xFFFF8000  }
0x177: {  	s25 =	simm.s32 $0x10;
	s26 =	simm.s32 $0xC;
	s24 =	sadd.s32 s23, s5  }
0x178: {  	[smem:s25], [sflag:s7] =	dma.local [hbm:s24], $0x20  }
0x179: {  	_ =	swait.ge [sflag:s26], $0x20  }
0x17a: {  	[sflag:s26] =	ssyncset.done $0x0  }
0x17b: {  	[sflag:s26] =	ssyncadd.s32 $0xFFFFFFE0  }
0x17c: {  	s10 =	sld [smem:$0x10];
	_ =	sdelay $0x1  }
0x17d: {  	s12 =	simm.s32 $0x0  }
0x17e: {  	s29 =	sand.u32 $0x3E000, s12  }
0x17f: {  	s30 =	sand.u32 $0x380, s12;
	s28 =	sshll.u32 s10, $0xA;
	s10 =	sshll.u32 s10, $0x7  }
0x180: {  	s13 =	sor.u32 s30, s29;
	s11 =	sand.u32 $0xFFFFE000, s28;
	s10 =	sand.u32 $0x380, s10  }
0x181: {  	s13 =	sor.u32 $0x141800, s13;
	s11 =	sor.u32 s10, s11  }
0x182: {  	s15 =	simm.s32 $0x400;
	s13 =	sshrl.u32 s13, $0x3;
	s31 =	sshrl.u32 s11, $0x3  }
0x183: {  	s10 =	simm.s32 $0x1;
	s11 =	simm.s32 $0x80;
	s14 =	sadd.s32 s3, s31  }
0x184: {  	[spmem:s13@s11], [sflag:s4] =	dma.strided [hbm:s14@s11], $0x80, s10, $0x10   }
0x185: {  	s13 =	simm.s32 $0x11;
	s14 =	simm.s32 $0x800;
	s16 =	sld [smem:$0x11]  }
.LBB1_11:
0x186: {  	p0 =	sne.s32 s14, $0x3FC00;
	_ =	sdelay $0x1  }
0x187: {  	s12 =	sadd.s32 $0x80, s12  }
0x188: {  	s15 =	sand.u32 $0x3E000, s15;
	s17 =	sshll.u32 s16, $0xA;
	s16 =	sshll.u32 s16, $0x7  }
0x189: {  	s18 =	sand.u32 $0x380, s12;
	s17 =	sand.u32 $0xFFFFE000, s17;
	s16 =	sand.u32 $0x380, s16  }
0x18a: {  	s16 =	sor.u32 s16, s17;
	s17 =	sor.u32 s18, s15;
	s15 =	smov.u32 s14  }
.Ltmp5:
0x18b: {  	s16 =	sshrl.u32 s16, $0x3;
	s17 =	sor.u32 $0x141800, s17;
	(pc) =	sbr.rel @p0 .LBB1_11-.Ltmp5, $3  }
0x18c: {  	s13 =	sadd.s32 $0x1, s13;
	s16 =	sadd.s32 s3, s16;
	s17 =	sshrl.u32 s17, $0x3  }
0x18d: {  	[spmem:s17@s11], [sflag:s4] =	dma.strided [hbm:s16@s11], $0x80, s10, $0x10   }
0x18e: {  	s14 =	sadd.s32 $0x400, s14;
	s16 =	sld [smem:s13+$0x0]  }
0x18f: {  	_ =	sdelay $0x1  }
0x190: {  	s12 =	sadd.s32 $0x80, s12  }
0x191: {  	s15 =	sand.u32 $0x3E000, s15;
	s13 =	sshll.u32 s16, $0xA;
	s14 =	sshll.u32 s16, $0x7  }
0x192: {  	s12 =	sand.u32 $0x380, s12;
	s13 =	sand.u32 $0xFFFFE000, s13;
	s14 =	sand.u32 $0x380, s14  }
0x193: {  	s12 =	sor.u32 s12, s15;
	s13 =	sor.u32 s14, s13  }
0x194: {  	s12 =	sor.u32 $0x141800, s12;
	s13 =	sshrl.u32 s13, $0x3  }
0x195: {  	s20 =	simm.s32 $0xA;
	s12 =	sshrl.u32 s12, $0x3;
	s13 =	sadd.s32 s3, s13  }
0x196: {  	[spmem:s12@s11], [sflag:s4] =	dma.strided [hbm:s13@s11], $0x80, s10, $0x10   }
0x197: {  	_ =	swait.ge [sflag:s20], $0x8000  }
0x198: {  	[sflag:s20] =	ssyncset.done $0x0  }
0x199: {  	s9 =	sshll.u32 s9, $0x7;
	[sflag:s20] =	ssyncadd.s32 $0xFFFF8000  }
0x19a: {  	s21 =	simm.s32 $0x28300;
	s22 =	simm.s32 $0xB;
	s9 =	sadd.s32 s9, s2  }
0x19b: {  	[hbm:s9], [sflag:s8] =	dma.local [spmem:s21], $0x8000  }
0x19c: {  	_ =	swait.ge [sflag:s22], $0x8000  }
0x19d: {  	s9 =	sor.u32 $0x1E00, s6;
	[sflag:s22] =	ssyncset.done $0x0  }
0x19e: {  	s23 =	sshrl.u32 s9, $0x3;
	[sflag:s22] =	ssyncadd.s32 $0xFFFF8000  }
0x19f: {  	s25 =	simm.s32 $0x10;
	s26 =	simm.s32 $0xC;
	s24 =	sadd.s32 s23, s5  }
0x1a0: {  	[smem:s25], [sflag:s7] =	dma.local [hbm:s24], $0x20  }
0x1a1: {  	_ =	swait.ge [sflag:s26], $0x20  }
0x1a2: {  	[sflag:s26] =	ssyncset.done $0x0  }
0x1a3: {  	[sflag:s26] =	ssyncadd.s32 $0xFFFFFFE0  }
0x1a4: {  	s10 =	sld [smem:$0x10];
	_ =	sdelay $0x1  }
0x1a5: {  	s12 =	simm.s32 $0x0  }
0x1a6: {  	s29 =	sand.u32 $0x3E000, s12  }
0x1a7: {  	s30 =	sand.u32 $0x380, s12;
	s28 =	sshll.u32 s10, $0xA;
	s10 =	sshll.u32 s10, $0x7  }
0x1a8: {  	s13 =	sor.u32 s30, s29;
	s11 =	sand.u32 $0xFFFFE000, s28;
	s10 =	sand.u32 $0x380, s10  }
0x1a9: {  	s13 =	sor.u32 $0x101800, s13;
	s11 =	sor.u32 s10, s11  }
0x1aa: {  	s15 =	simm.s32 $0x400;
	s13 =	sshrl.u32 s13, $0x3;
	s31 =	sshrl.u32 s11, $0x3  }
0x1ab: {  	s10 =	simm.s32 $0x1;
	s11 =	simm.s32 $0x80;
	s14 =	sadd.s32 s3, s31  }
0x1ac: {  	[spmem:s13@s11], [sflag:s4] =	dma.strided [hbm:s14@s11], $0x80, s10, $0x10   }
0x1ad: {  	s13 =	simm.s32 $0x11;
	s14 =	simm.s32 $0x800;
	s16 =	sld [smem:$0x11]  }
.LBB1_13:
0x1ae: {  	p0 =	sne.s32 s14, $0x3FC00;
	_ =	sdelay $0x1  }
0x1af: {  	s12 =	sadd.s32 $0x80, s12  }
0x1b0: {  	s15 =	sand.u32 $0x3E000, s15;
	s17 =	sshll.u32 s16, $0xA;
	s16 =	sshll.u32 s16, $0x7  }
0x1b1: {  	s18 =	sand.u32 $0x380, s12;
	s17 =	sand.u32 $0xFFFFE000, s17;
	s16 =	sand.u32 $0x380, s16  }
0x1b2: {  	s16 =	sor.u32 s16, s17;
	s17 =	sor.u32 s18, s15;
	s15 =	smov.u32 s14  }
.Ltmp6:
0x1b3: {  	s16 =	sshrl.u32 s16, $0x3;
	s17 =	sor.u32 $0x101800, s17;
	(pc) =	sbr.rel @p0 .LBB1_13-.Ltmp6, $3  }
0x1b4: {  	s13 =	sadd.s32 $0x1, s13;
	s16 =	sadd.s32 s3, s16;
	s17 =	sshrl.u32 s17, $0x3  }
0x1b5: {  	[spmem:s17@s11], [sflag:s4] =	dma.strided [hbm:s16@s11], $0x80, s10, $0x10   }
0x1b6: {  	s14 =	sadd.s32 $0x400, s14;
	s16 =	sld [smem:s13+$0x0]  }
0x1b7: {  	_ =	sdelay $0x1  }
0x1b8: {  	s12 =	sadd.s32 $0x80, s12  }
0x1b9: {  	s15 =	sand.u32 $0x3E000, s15;
	s13 =	sshll.u32 s16, $0xA;
	s14 =	sshll.u32 s16, $0x7  }
0x1ba: {  	s12 =	sand.u32 $0x380, s12;
	s13 =	sand.u32 $0xFFFFE000, s13;
	s14 =	sand.u32 $0x380, s14  }
0x1bb: {  	s12 =	sor.u32 s12, s15;
	s13 =	sor.u32 s14, s13  }
0x1bc: {  	s12 =	sor.u32 $0x101800, s12;
	s13 =	sshrl.u32 s13, $0x3  }
0x1bd: {  	s21 =	simm.s32 $0xA;
	s12 =	sshrl.u32 s12, $0x3;
	s13 =	sadd.s32 s3, s13  }
0x1be: {  	[spmem:s12@s11], [sflag:s4] =	dma.strided [hbm:s13@s11], $0x80, s10, $0x10   }
0x1bf: {  	_ =	swait.ge [sflag:s21], $0x8000  }
0x1c0: {  	[sflag:s21] =	ssyncset.done $0x0  }
0x1c1: {  	s9 =	sshll.u32 s9, $0x7;
	[sflag:s21] =	ssyncadd.s32 $0xFFFF8000  }
0x1c2: {  	s22 =	simm.s32 $0x20300;
	s23 =	simm.s32 $0xB;
	s9 =	sadd.s32 s9, s2  }
0x1c3: {  	[hbm:s9], [sflag:s8] =	dma.local [spmem:s22], $0x8000  }
0x1c4: {  	_ =	swait.ge [sflag:s23], $0x8000  }
0x1c5: {  	s6 =	sor.u32 $0x1F00, s6;
	[sflag:s23] =	ssyncset.done $0x0  }
0x1c6: {  	s24 =	sshrl.u32 s6, $0x3;
	[sflag:s23] =	ssyncadd.s32 $0xFFFF8000  }
0x1c7: {  	s25 =	simm.s32 $0x10;
	s26 =	simm.s32 $0xC;
	s5 =	sadd.s32 s24, s5  }
0x1c8: {  	[smem:s25], [sflag:s7] =	dma.local [hbm:s5], $0x20  }
0x1c9: {  	_ =	swait.ge [sflag:s26], $0x20  }
0x1ca: {  	[sflag:s26] =	ssyncset.done $0x0  }
0x1cb: {  	[sflag:s26] =	ssyncadd.s32 $0xFFFFFFE0  }
0x1cc: {  	s5 =	sld [smem:$0x10];
	_ =	sdelay $0x1  }
0x1cd: {  	s9 =	simm.s32 $0x0  }
0x1ce: {  	s29 =	sand.u32 $0x3E000, s9  }
0x1cf: {  	s30 =	sand.u32 $0x380, s9;
	s28 =	sshll.u32 s5, $0xA;
	s5 =	sshll.u32 s5, $0x7  }
0x1d0: {  	s10 =	sor.u32 s30, s29;
	s7 =	sand.u32 $0xFFFFE000, s28;
	s5 =	sand.u32 $0x380, s5  }
0x1d1: {  	s10 =	sor.u32 $0x141800, s10;
	s7 =	sor.u32 s5, s7  }
0x1d2: {  	s12 =	simm.s32 $0x400;
	s10 =	sshrl.u32 s10, $0x3;
	s31 =	sshrl.u32 s7, $0x3  }
0x1d3: {  	s5 =	simm.s32 $0x1;
	s7 =	simm.s32 $0x80;
	s11 =	sadd.s32 s3, s31  }
0x1d4: {  	[spmem:s10@s7], [sflag:s4] =	dma.strided [hbm:s11@s7], $0x80, s5, $0x10   }
0x1d5: {  	s10 =	simm.s32 $0x11;
	s11 =	simm.s32 $0x800;
	s13 =	sld [smem:$0x11]  }
.LBB1_15:
0x1d6: {  	p0 =	sne.s32 s11, $0x3FC00;
	_ =	sdelay $0x1  }
0x1d7: {  	s9 =	sadd.s32 $0x80, s9  }
0x1d8: {  	s12 =	sand.u32 $0x3E000, s12;
	s14 =	sshll.u32 s13, $0xA;
	s13 =	sshll.u32 s13, $0x7  }
0x1d9: {  	s15 =	sand.u32 $0x380, s9;
	s14 =	sand.u32 $0xFFFFE000, s14;
	s13 =	sand.u32 $0x380, s13  }
0x1da: {  	s13 =	sor.u32 s13, s14;
	s14 =	sor.u32 s15, s12;
	s12 =	smov.u32 s11  }
.Ltmp7:
0x1db: {  	s13 =	sshrl.u32 s13, $0x3;
	s14 =	sor.u32 $0x141800, s14;
	(pc) =	sbr.rel @p0 .LBB1_15-.Ltmp7, $3  }
0x1dc: {  	s10 =	sadd.s32 $0x1, s10;
	s13 =	sadd.s32 s3, s13;
	s14 =	sshrl.u32 s14, $0x3  }
0x1dd: {  	[spmem:s14@s7], [sflag:s4] =	dma.strided [hbm:s13@s7], $0x80, s5, $0x10   }
0x1de: {  	s11 =	sadd.s32 $0x400, s11;
	s13 =	sld [smem:s10+$0x0]  }
0x1df: {  	_ =	sdelay $0x1  }
0x1e0: {  	s9 =	sadd.s32 $0x80, s9  }
0x1e1: {  	s12 =	sand.u32 $0x3E000, s12;
	s10 =	sshll.u32 s13, $0xA;
	s11 =	sshll.u32 s13, $0x7  }
0x1e2: {  	s9 =	sand.u32 $0x380, s9;
	s10 =	sand.u32 $0xFFFFE000, s10;
	s11 =	sand.u32 $0x380, s11  }
0x1e3: {  	s9 =	sor.u32 s9, s12;
	s10 =	sor.u32 s11, s10  }
0x1e4: {  	s9 =	sor.u32 $0x141800, s9;
	s10 =	sshrl.u32 s10, $0x3  }
0x1e5: {  	s22 =	simm.s32 $0xA;
	s9 =	sshrl.u32 s9, $0x3;
	s3 =	sadd.s32 s3, s10  }
0x1e6: {  	[spmem:s9@s7], [sflag:s4] =	dma.strided [hbm:s3@s7], $0x80, s5, $0x10   }
0x1e7: {  	_ =	swait.ge [sflag:s22], $0x8000  }
0x1e8: {  	[sflag:s22] =	ssyncset.done $0x0  }
0x1e9: {  	s23 =	sshll.u32 s6, $0x7;
	[sflag:s22] =	ssyncadd.s32 $0xFFFF8000  }
0x1ea: {  	s24 =	simm.s32 $0x28300;
	s25 =	simm.s32 $0xB;
	s2 =	sadd.s32 s23, s2  }
0x1eb: {  	[hbm:s2], [sflag:s8] =	dma.local [spmem:s24], $0x8000  }
0x1ec: {  	_ =	swait.ge [sflag:s25], $0x8000  }
0x1ed: {  	[sflag:s25] =	ssyncset.done $0x0  }
0x1ee: {  	[sflag:s25] =	ssyncadd.s32 $0xFFFF8000;
	_ =	sdelay $0x2  }
0x1ef: {  	_ =	swait.ge [sflag:s25], $0x8000  }
0x1f0: {  	[sflag:s25] =	ssyncset.done $0x0  }
0x1f1: {  	[sflag:s25] =	ssyncadd.s32 $0xFFFF8000  }
0x1f2: {  	_ =	strace $0x90000046  }
0x1f3: {  	s26 =	simm.s32 $0x9;
	_ =	strace $0x80000048  }
0x1f4: {  	_ =	swait.ge [sflag:s26], $0x1  }
0x1f5: {  	[sflag:s26] =	ssyncadd.s32 $0xFFFFFFFF  }
0x1f6: {  	_ =	strace $0x90000048  }
0x1f7: {  	_ =	sfence  }
0x1f8: {  	s28 =	sld [smem:$0x0];
	_ =	sdelay $0x2  }
0x1f9: {  	s29 =	sshll.u32 s1, $0xD;
	s30 =	sshrl.u32 s1, $0x2  }
0x1fa: {  	s3 =	sand.u32 $0x4000, s29;
	s1 =	sadd.s32 s30, s28  }
0x1fb: {  	s0 =	sor.u32 s3, s0;
	s1 =	sshll.u32 s1, $0x11  }
0x1fc: {  	s0 =	sor.u32 s1, s0  }
0x1fd: {  	s0 =	sadd.s32 $0x8F2B, s0  }
0x1fe: {  	[sflag:s0] =	ssyncadd.remote.s32 $0x1  }
0x1ff: {  	_ =	sfence.sel $0xFFFF  }
0x200: {  	[dreg:$0x0] =	wrdreg $0xFFFFFFFF;
	(pc) =	sbr.abs _section_cstart, $3  }
0x201: {  	s31 =	simm.s32 $0x0;
	[dreg:$0x1] =	wrdreg $0xFFFFFFFF  }
0x202: {  	_ =	task.clear_ibuf [dreg:s31], $0x2FFFF;
	_ =	strace $0x9FFFFFFF  }
0x203: {  	(tm) =	ssettm $0x7FFFFFFF  }
tec
execute0_lowered:
.L_overlay_start_1:
0x0: {  	(tag) =	ssettag $0x1  }
0x1: {  	s2 =	stileid.u32  }
0x2: {  	s0 =	srdreg.scid;
	s1 =	sshll.u32 s2, $0x1  }
0x3: {  	s0 =	sand.u32 $0x1, s0;
	s2 =	sshrl.u32 s2, $0x1;
	s1 =	sand.u32 $0x2, s1  }
0x4: {  	s4 =	rddreg [dreg:$0x0];
	s3 =	smul.u32 $0x180, s2;
	s1 =	sor.u32 s0, s1  }
0x5: {  	s5 =	rddreg [dreg:$0x2];
	s1 =	sshll.u32 s1, $0xC  }
0x6: {  	s2 =	rddreg [dreg:$0x1];
	s1 =	sor.u32 s3, s1  }
0x7: {  	s3 =	simm.s32 $0x0;
	s6 =	sshrl.u32 s1, $0x3;
	s1 =	sshll.u32 s1, $0x7  }
0x8: {  	[smem:$0x7FF] =	sst s3;
	s4 =	sadd.s32 s6, s4;
	s31 =	sadd.s32 s5, s1  }
0x9: {  	_ =	strace $0x80000047;
	s4 =	sadd.s32 $0x400, s4;
	[dreg:$0x1c] =	wrdreg s31  }
0xa: {  	s1 =	sadd.s32 $0x800, s31;
	[dreg:$0x4] =	wrdreg s4  }
0xb: {  	s7 =	sadd.s32 $0x1000, s31;
	[dreg:$0x5] =	wrdreg s1  }
0xc: {  	s8 =	sadd.s32 $0x1800, s31;
	[dreg:$0x6] =	wrdreg s7  }
0xd: {  	s9 =	sadd.s32 $0x2000, s31;
	[dreg:$0x7] =	wrdreg s8  }
0xe: {  	s10 =	sadd.s32 $0x2800, s31;
	[dreg:$0x8] =	wrdreg s9  }
0xf: {  	s11 =	sadd.s32 $0x3000, s31;
	[dreg:$0x9] =	wrdreg s10  }
0x10: {  	s12 =	sadd.s32 $0x3800, s31;
	[dreg:$0xa] =	wrdreg s11  }
0x11: {  	s13 =	sadd.s32 $0x4000, s31;
	[dreg:$0xb] =	wrdreg s12  }
0x12: {  	s14 =	sadd.s32 $0x4800, s31;
	[dreg:$0xc] =	wrdreg s13  }
0x13: {  	s15 =	sadd.s32 $0x5000, s31;
	[dreg:$0xd] =	wrdreg s14  }
0x14: {  	s16 =	sadd.s32 $0x5800, s31;
	[dreg:$0xe] =	wrdreg s15  }
0x15: {  	s17 =	sadd.s32 $0x6000, s31;
	[dreg:$0xf] =	wrdreg s16  }
0x16: {  	s18 =	sadd.s32 $0x6800, s31;
	[dreg:$0x10] =	wrdreg s17  }
0x17: {  	s19 =	sadd.s32 $0x7000, s31;
	[dreg:$0x11] =	wrdreg s18  }
0x18: {  	s20 =	sadd.s32 $0x7800, s31;
	[dreg:$0x12] =	wrdreg s19  }
0x19: {  	s28 =	simm.s32 $0x8;
	s21 =	sadd.s32 $0x8000, s31;
	[dreg:$0x13] =	wrdreg s20  }
0x1a: {  	s0 =	ssub.s32 $0x2, s0;
	s22 =	sadd.s32 $0x8800, s31;
	[dreg:$0x14] =	wrdreg s21  }
0x1b: {  	s26 =	sshrl.u32 s0, $0x1;
	s23 =	sadd.s32 $0x9000, s31;
	[dreg:$0x15] =	wrdreg s22  }
0x1c: {  	s0 =	ssub.s32 s0, s26;
	s24 =	sadd.s32 $0x9800, s31;
	[dreg:$0x16] =	wrdreg s23  }
0x1d: {  	s26 =	simm.s32 $0x8180;
	s25 =	sadd.s32 $0xA000, s31;
	[dreg:$0x17] =	wrdreg s24  }
0x1e: {  	s5 =	sadd.s32 $0x100, s2;
	s29 =	sadd.s32 $0xA800, s31;
	[dreg:$0x18] =	wrdreg s25  }
0x1f: {  	s6 =	sadd.s32 $0x200, s2;
	s30 =	sadd.s32 $0xB000, s31;
	[dreg:$0x19] =	wrdreg s29  }
0x20: {  	s31 =	sadd.s32 $0xB800, s31;
	[dreg:$0x1a] =	wrdreg s30;
	s7 =	sadd.s32 $0x300, s2  }
0x21: {  	[dreg:$0x1b] =	wrdreg s31;
	s8 =	smax.u32 s0, $0x1;
	s13 =	simm.s32 $0x180  }
0x22: {  	v2 =	vlaneseq.u32;
	s18 =	simm.s32 $0x4180;
	s4 =	simm.s32 $0x1;
	s11 =	simm.s32 $0xC180  }
0x23: {  	vm0 =	vmmov $0xffff;
	v1 =	vshrl.u32 v2, $0x3;
	s20 =	simm.s32 $0x2;
	s21 =	simm.s32 $0x5;
	s22 =	simm.s32 $0x3  }
0x24: {  	v0 =	vand.u32 $0x7, v2;
	v2 =	vor.u32 $0x8, v2;
	v1 =	vmul.u32 $0x8, v1;
	s23 =	simm.s32 $0x6;
	s24 =	simm.s32 $0x4;
	s25 =	simm.s32 $0x7  }
.LBB2_1:
0x25: {  	s29 =	rddreg [dreg:$0x4];
	s19 =	simm.s32 $0x9  }
0x26: {  	[tilespmem:s3], [sflag:$0x9] =	stream.linear.gather [hbm4b:s29+s3], $0x180, $0x38;
	[tilespmem:$0x18180] =	vst v63  }
0x27: {  	_ =	swait.ge [sflag:s19], $0x180  }
0x28: {  	[sflag:s19] =	ssyncset.done $0x0  }
0x29: {  	[sflag:s19] =	ssyncadd.s32 $0xFFFFFE80  }
0x2a: {  	v3 =	vld [tilespmem:$0x0];
	_ =	sdelay $0x4  }
0x2b: {  	v4 =	vshll.u32 v3, $0x3  }
0x2c: {  	v3 =	vand.u32 $0x7, v3;
	v4 =	vand.u32 $0xFFFFFFC0, v4  }
0x2d: {  	v3 =	vor.u32 v3, v4  }
0x2e: {  	v4 =	vperm.xlane v3, v0;
	_ =	sdelay $0x1  }
0x2f: {  	v4 =	vadd.s32 v1, v4;
	_ =	sdelay $0x4  }
0x30: {  	[tilespmem:s13], [sflag:$0x1] =	stream.indirect_vreg.gather [hbm4b:s2+s3], $0x80, v4, vm0, $0xb8;
	[tilespmem:$0x18180] =	vst v63  }
0x31: {  	s0 =	simm.s32 $0x980;
	v3 =	vperm.xlane v3, v2  }
0x32: {  	[tilespmem:s0], [sflag:$0x1] =	stream.indirect_vreg.gather [hbm4b:s5+s3], $0x80, v4, vm0, $0xb8;
	[tilespmem:$0x18180] =	vst v63  }
0x33: {  	s30 =	simm.s32 $0x1180;
	v3 =	vadd.s32 v1, v3  }
0x34: {  	[tilespmem:s30], [sflag:$0x1] =	stream.indirect_vreg.gather [hbm4b:s6+s3], $0x80, v4, vm0, $0xb8;
	[tilespmem:$0x18180] =	vst v63  }
0x35: {  	s31 =	simm.s32 $0x1980  }
0x36: {  	[tilespmem:s31], [sflag:$0x1] =	stream.indirect_vreg.gather [hbm4b:s7+s3], $0x80, v4, vm0, $0xb8;
	[tilespmem:$0x18180] =	vst v63  }
0x37: {  	s1 =	simm.s32 $0x2180  }
0x38: {  	[tilespmem:s1], [sflag:$0x1] =	stream.indirect_vreg.gather [hbm4b:s2+s3], $0x80, v3, vm0, $0xb8;
	[tilespmem:$0x18180] =	vst v63  }
0x39: {  	s9 =	simm.s32 $0x2980  }
0x3a: {  	[tilespmem:s9], [sflag:$0x1] =	stream.indirect_vreg.gather [hbm4b:s5+s3], $0x80, v3, vm0, $0xb8;
	[tilespmem:$0x18180] =	vst v63  }
0x3b: {  	s10 =	simm.s32 $0x3180  }
0x3c: {  	[tilespmem:s10], [sflag:$0x1] =	stream.indirect_vreg.gather [hbm4b:s6+s3], $0x80, v3, vm0, $0xb8;
	[tilespmem:$0x18180] =	vst v63  }
0x3d: {  	s12 =	simm.s32 $0x3980  }
0x3e: {  	[tilespmem:s12], [sflag:$0x1] =	stream.indirect_vreg.gather [hbm4b:s7+s3], $0x80, v3, vm0, $0xb8;
	[tilespmem:$0x18180] =	vst v63  }
0x3f: {  	v3 =	vld [tilespmem:$0x10];
	_ =	sdelay $0x4  }
0x40: {  	v41 =	vshll.u32 v3, $0x3  }
0x41: {  	v3 =	vand.u32 $0x7, v3;
	v4 =	vand.u32 $0xFFFFFFC0, v41  }
0x42: {  	v3 =	vor.u32 v3, v4  }
0x43: {  	v4 =	vperm.xlane v3, v0;
	_ =	sdelay $0x1  }
0x44: {  	v4 =	vadd.s32 v1, v4;
	_ =	sdelay $0x4  }
0x45: {  	[tilespmem:s18], [sflag:$0x2] =	stream.indirect_vreg.gather [hbm4b:s2+s3], $0x80, v4, vm0, $0xb8;
	[tilespmem:$0x18180] =	vst v63  }
0x46: {  	s14 =	simm.s32 $0x4980;
	v3 =	vperm.xlane v3, v2  }
0x47: {  	[tilespmem:s14], [sflag:$0x2] =	stream.indirect_vreg.gather [hbm4b:s5+s3], $0x80, v4, vm0, $0xb8;
	[tilespmem:$0x18180] =	vst v63  }
0x48: {  	s19 =	simm.s32 $0x5180;
	v3 =	vadd.s32 v1, v3  }
0x49: {  	[tilespmem:s19], [sflag:$0x2] =	stream.indirect_vreg.gather [hbm4b:s6+s3], $0x80, v4, vm0, $0xb8;
	[tilespmem:$0x18180] =	vst v63  }
0x4a: {  	s29 =	simm.s32 $0x5980  }
0x4b: {  	[tilespmem:s29], [sflag:$0x2] =	stream.indirect_vreg.gather [hbm4b:s7+s3], $0x80, v4, vm0, $0xb8;
	[tilespmem:$0x18180] =	vst v63  }
0x4c: {  	s30 =	simm.s32 $0x6180  }
0x4d: {  	[tilespmem:s30], [sflag:$0x2] =	stream.indirect_vreg.gather [hbm4b:s2+s3], $0x80, v3, vm0, $0xb8;
	[tilespmem:$0x18180] =	vst v63  }
0x4e: {  	s29 =	simm.s32 $0x6980  }
0x4f: {  	[tilespmem:s29], [sflag:$0x2] =	stream.indirect_vreg.gather [hbm4b:s5+s3], $0x80, v3, vm0, $0xb8;
	[tilespmem:$0x18180] =	vst v63  }
0x50: {  	s29 =	simm.s32 $0x7180  }
0x51: {  	[tilespmem:s29], [sflag:$0x2] =	stream.indirect_vreg.gather [hbm4b:s6+s3], $0x80, v3, vm0, $0xb8;
	[tilespmem:$0x18180] =	vst v63  }
0x52: {  	s29 =	simm.s32 $0x7980  }
0x53: {  	[tilespmem:s29], [sflag:$0x2] =	stream.indirect_vreg.gather [hbm4b:s7+s3], $0x80, v3, vm0, $0xb8;
	[tilespmem:$0x18180] =	vst v63  }
0x54: {  	v3 =	vld [tilespmem:$0x20];
	_ =	sdelay $0x4  }
0x55: {  	v42 =	vshll.u32 v3, $0x3  }
0x56: {  	v3 =	vand.u32 $0x7, v3;
	v4 =	vand.u32 $0xFFFFFFC0, v42  }
0x57: {  	v3 =	vor.u32 v3, v4  }
0x58: {  	v4 =	vperm.xlane v3, v0;
	_ =	sdelay $0x1  }
0x59: {  	v4 =	vadd.s32 v1, v4;
	_ =	sdelay $0x4  }
0x5a: {  	[tilespmem:s26], [sflag:$0x3] =	stream.indirect_vreg.gather [hbm4b:s2+s3], $0x80, v4, vm0, $0xb8;
	[tilespmem:$0x18180] =	vst v63  }
0x5b: {  	s29 =	simm.s32 $0x8980;
	v3 =	vperm.xlane v3, v2  }
0x5c: {  	[tilespmem:s29], [sflag:$0x3] =	stream.indirect_vreg.gather [hbm4b:s5+s3], $0x80, v4, vm0, $0xb8;
	[tilespmem:$0x18180] =	vst v63  }
0x5d: {  	v3 =	vadd.s32 v1, v3;
	s29 =	simm.s32 $0x9180  }
0x5e: {  	[tilespmem:s29], [sflag:$0x3] =	stream.indirect_vreg.gather [hbm4b:s6+s3], $0x80, v4, vm0, $0xb8;
	[tilespmem:$0x18180] =	vst v63  }
0x5f: {  	s29 =	simm.s32 $0x9980  }
0x60: {  	[tilespmem:s29], [sflag:$0x3] =	stream.indirect_vreg.gather [hbm4b:s7+s3], $0x80, v4, vm0, $0xb8;
	[tilespmem:$0x18180] =	vst v63  }
0x61: {  	s29 =	simm.s32 $0xA180  }
0x62: {  	[tilespmem:s29], [sflag:$0x3] =	stream.indirect_vreg.gather [hbm4b:s2+s3], $0x80, v3, vm0, $0xb8;
	[tilespmem:$0x18180] =	vst v63  }
0x63: {  	s29 =	simm.s32 $0xA980  }
0x64: {  	[tilespmem:s29], [sflag:$0x3] =	stream.indirect_vreg.gather [hbm4b:s5+s3], $0x80, v3, vm0, $0xb8;
	[tilespmem:$0x18180] =	vst v63  }
0x65: {  	s29 =	simm.s32 $0xB180  }
0x66: {  	[tilespmem:s29], [sflag:$0x3] =	stream.indirect_vreg.gather [hbm4b:s6+s3], $0x80, v3, vm0, $0xb8;
	[tilespmem:$0x18180] =	vst v63  }
0x67: {  	s29 =	simm.s32 $0xB980  }
0x68: {  	[tilespmem:s29], [sflag:$0x3] =	stream.indirect_vreg.gather [hbm4b:s7+s3], $0x80, v3, vm0, $0xb8;
	[tilespmem:$0x18180] =	vst v63  }
0x69: {  	_ =	swait.ge [sflag:s4], $0x4000  }
0x6a: {  	[sflag:s4] =	ssyncset.done $0x0  }
0x6b: {  	s0 =	rddreg [dreg:$0x1c];
	[sflag:s4] =	ssyncadd.s32 $0xFFFFC000  }
0x6c: {  	[hbm4b:s0+s3] =	stream.linear.scatter [tilespmem:s13], [sflag:$0x5], $0x4000, $0x38;
	[tilespmem:$0x18180] =	vst v63  }
0x6d: {  	v3 =	vld [tilespmem:$0x30];
	_ =	sdelay $0x4  }
0x6e: {  	v43 =	vshll.u32 v3, $0x3  }
0x6f: {  	v3 =	vand.u32 $0x7, v3;
	v4 =	vand.u32 $0xFFFFFFC0, v43  }
0x70: {  	v3 =	vor.u32 v3, v4  }
0x71: {  	v4 =	vperm.xlane v3, v0;
	_ =	sdelay $0x1  }
0x72: {  	v4 =	vadd.s32 v1, v4;
	_ =	sdelay $0x4  }
0x73: {  	[tilespmem:s11], [sflag:$0x4] =	stream.indirect_vreg.gather [hbm4b:s2+s3], $0x80, v4, vm0, $0xb8;
	[tilespmem:$0x18180] =	vst v63  }
0x74: {  	s0 =	simm.s32 $0xC980;
	v3 =	vperm.xlane v3, v2  }
0x75: {  	[tilespmem:s0], [sflag:$0x4] =	stream.indirect_vreg.gather [hbm4b:s5+s3], $0x80, v4, vm0, $0xb8;
	[tilespmem:$0x18180] =	vst v63  }
0x76: {  	v3 =	vadd.s32 v1, v3;
	s0 =	simm.s32 $0xD180  }
0x77: {  	[tilespmem:s0], [sflag:$0x4] =	stream.indirect_vreg.gather [hbm4b:s6+s3], $0x80, v4, vm0, $0xb8;
	[tilespmem:$0x18180] =	vst v63  }
0x78: {  	s0 =	simm.s32 $0xD980  }
0x79: {  	[tilespmem:s0], [sflag:$0x4] =	stream.indirect_vreg.gather [hbm4b:s7+s3], $0x80, v4, vm0, $0xb8;
	[tilespmem:$0x18180] =	vst v63  }
0x7a: {  	s0 =	simm.s32 $0xE180  }
0x7b: {  	[tilespmem:s0], [sflag:$0x4] =	stream.indirect_vreg.gather [hbm4b:s2+s3], $0x80, v3, vm0, $0xb8;
	[tilespmem:$0x18180] =	vst v63  }
0x7c: {  	s0 =	simm.s32 $0xE980  }
0x7d: {  	[tilespmem:s0], [sflag:$0x4] =	stream.indirect_vreg.gather [hbm4b:s5+s3], $0x80, v3, vm0, $0xb8;
	[tilespmem:$0x18180] =	vst v63  }
0x7e: {  	s0 =	simm.s32 $0xF180  }
0x7f: {  	[tilespmem:s0], [sflag:$0x4] =	stream.indirect_vreg.gather [hbm4b:s6+s3], $0x80, v3, vm0, $0xb8;
	[tilespmem:$0x18180] =	vst v63  }
0x80: {  	s0 =	simm.s32 $0xF980  }
0x81: {  	[tilespmem:s0], [sflag:$0x4] =	stream.indirect_vreg.gather [hbm4b:s7+s3], $0x80, v3, vm0, $0xb8;
	[tilespmem:$0x18180] =	vst v63  }
0x82: {  	_ =	swait.ge [sflag:s20], $0x4000  }
0x83: {  	[sflag:s20] =	ssyncset.done $0x0  }
0x84: {  	s0 =	rddreg [dreg:$0x5];
	[sflag:s20] =	ssyncadd.s32 $0xFFFFC000  }
0x85: {  	[hbm4b:s0+s3] =	stream.linear.scatter [tilespmem:s18], [sflag:$0x6], $0x4000, $0x38;
	[tilespmem:$0x18180] =	vst v63  }
0x86: {  	_ =	swait.ge [sflag:s21], $0x4000  }
0x87: {  	[sflag:s21] =	ssyncset.done $0x0  }
0x88: {  	[sflag:s21] =	ssyncadd.s32 $0xFFFFC000  }
0x89: {  	v3 =	vld [tilespmem:$0x40];
	_ =	sdelay $0x4  }
0x8a: {  	v44 =	vshll.u32 v3, $0x3  }
0x8b: {  	v3 =	vand.u32 $0x7, v3;
	v4 =	vand.u32 $0xFFFFFFC0, v44  }
0x8c: {  	v3 =	vor.u32 v3, v4  }
0x8d: {  	v4 =	vperm.xlane v3, v0;
	_ =	sdelay $0x1  }
0x8e: {  	v4 =	vadd.s32 v1, v4;
	_ =	sdelay $0x4  }
0x8f: {  	[tilespmem:s13], [sflag:$0x1] =	stream.indirect_vreg.gather [hbm4b:s2+s3], $0x80, v4, vm0, $0xb8;
	[tilespmem:$0x18180] =	vst v63  }
0x90: {  	s17 =	simm.s32 $0x980;
	v3 =	vperm.xlane v3, v2  }
0x91: {  	[tilespmem:s17], [sflag:$0x1] =	stream.indirect_vreg.gather [hbm4b:s5+s3], $0x80, v4, vm0, $0xb8;
	[tilespmem:$0x18180] =	vst v63  }
0x92: {  	s15 =	simm.s32 $0x1180;
	v3 =	vadd.s32 v1, v3  }
0x93: {  	[tilespmem:s15], [sflag:$0x1] =	stream.indirect_vreg.gather [hbm4b:s6+s3], $0x80, v4, vm0, $0xb8;
	[tilespmem:$0x18180] =	vst v63  }
0x94: {  	s31 =	simm.s32 $0x1980  }
0x95: {  	[tilespmem:s31], [sflag:$0x1] =	stream.indirect_vreg.gather [hbm4b:s7+s3], $0x80, v4, vm0, $0xb8;
	[tilespmem:$0x18180] =	vst v63  }
0x96: {  	s1 =	simm.s32 $0x2180  }
0x97: {  	[tilespmem:s1], [sflag:$0x1] =	stream.indirect_vreg.gather [hbm4b:s2+s3], $0x80, v3, vm0, $0xb8;
	[tilespmem:$0x18180] =	vst v63  }
0x98: {  	s9 =	simm.s32 $0x2980  }
0x99: {  	[tilespmem:s9], [sflag:$0x1] =	stream.indirect_vreg.gather [hbm4b:s5+s3], $0x80, v3, vm0, $0xb8;
	[tilespmem:$0x18180] =	vst v63  }
0x9a: {  	s16 =	simm.s32 $0x3180  }
0x9b: {  	[tilespmem:s16], [sflag:$0x1] =	stream.indirect_vreg.gather [hbm4b:s6+s3], $0x80, v3, vm0, $0xb8;
	[tilespmem:$0x18180] =	vst v63  }
0x9c: {  	s12 =	simm.s32 $0x3980  }
0x9d: {  	[tilespmem:s12], [sflag:$0x1] =	stream.indirect_vreg.gather [hbm4b:s7+s3], $0x80, v3, vm0, $0xb8;
	[tilespmem:$0x18180] =	vst v63  }
0x9e: {  	_ =	swait.ge [sflag:s22], $0x4000  }
0x9f: {  	[sflag:s22] =	ssyncset.done $0x0  }
0xa0: {  	s9 =	rddreg [dreg:$0x6];
	[sflag:s22] =	ssyncadd.s32 $0xFFFFC000  }
0xa1: {  	[hbm4b:s9+s3] =	stream.linear.scatter [tilespmem:s26], [sflag:$0x7], $0x4000, $0x38;
	[tilespmem:$0x18180] =	vst v63  }
0xa2: {  	_ =	swait.ge [sflag:s23], $0x4000  }
0xa3: {  	[sflag:s23] =	ssyncset.done $0x0  }
0xa4: {  	[sflag:s23] =	ssyncadd.s32 $0xFFFFC000  }
0xa5: {  	v3 =	vld [tilespmem:$0x50];
	_ =	sdelay $0x4  }
0xa6: {  	v45 =	vshll.u32 v3, $0x3  }
0xa7: {  	v3 =	vand.u32 $0x7, v3;
	v4 =	vand.u32 $0xFFFFFFC0, v45  }
0xa8: {  	v3 =	vor.u32 v3, v4  }
0xa9: {  	v4 =	vperm.xlane v3, v0;
	_ =	sdelay $0x1  }
0xaa: {  	v4 =	vadd.s32 v1, v4;
	_ =	sdelay $0x4  }
0xab: {  	[tilespmem:s18], [sflag:$0x2] =	stream.indirect_vreg.gather [hbm4b:s2+s3], $0x80, v4, vm0, $0xb8;
	[tilespmem:$0x18180] =	vst v63  }
0xac: {  	s14 =	simm.s32 $0x4980;
	v3 =	vperm.xlane v3, v2  }
0xad: {  	[tilespmem:s14], [sflag:$0x2] =	stream.indirect_vreg.gather [hbm4b:s5+s3], $0x80, v4, vm0, $0xb8;
	[tilespmem:$0x18180] =	vst v63  }
0xae: {  	s10 =	simm.s32 $0x5180;
	v3 =	vadd.s32 v1, v3  }
0xaf: {  	[tilespmem:s10], [sflag:$0x2] =	stream.indirect_vreg.gather [hbm4b:s6+s3], $0x80, v4, vm0, $0xb8;
	[tilespmem:$0x18180] =	vst v63  }
0xb0: {  	s19 =	simm.s32 $0x5980  }
0xb1: {  	[tilespmem:s19], [sflag:$0x2] =	stream.indirect_vreg.gather [hbm4b:s7+s3], $0x80, v4, vm0, $0xb8;
	[tilespmem:$0x18180] =	vst v63  }
0xb2: {  	s30 =	simm.s32 $0x6180  }
0xb3: {  	[tilespmem:s30], [sflag:$0x2] =	stream.indirect_vreg.gather [hbm4b:s2+s3], $0x80, v3, vm0, $0xb8;
	[tilespmem:$0x18180] =	vst v63  }
0xb4: {  	s31 =	simm.s32 $0x6980  }
0xb5: {  	[tilespmem:s31], [sflag:$0x2] =	stream.indirect_vreg.gather [hbm4b:s5+s3], $0x80, v3, vm0, $0xb8;
	[tilespmem:$0x18180] =	vst v63  }
0xb6: {  	s14 =	simm.s32 $0x7180  }
0xb7: {  	[tilespmem:s14], [sflag:$0x2] =	stream.indirect_vreg.gather [hbm4b:s6+s3], $0x80, v3, vm0, $0xb8;
	[tilespmem:$0x18180] =	vst v63  }
0xb8: {  	s15 =	simm.s32 $0x7980  }
0xb9: {  	[tilespmem:s15], [sflag:$0x2] =	stream.indirect_vreg.gather [hbm4b:s7+s3], $0x80, v3, vm0, $0xb8;
	[tilespmem:$0x18180] =	vst v63  }
0xba: {  	_ =	swait.ge [sflag:s24], $0x4000  }
0xbb: {  	[sflag:s24] =	ssyncset.done $0x0  }
0xbc: {  	s10 =	rddreg [dreg:$0x7];
	[sflag:s24] =	ssyncadd.s32 $0xFFFFC000  }
0xbd: {  	[hbm4b:s10+s3] =	stream.linear.scatter [tilespmem:s11], [sflag:$0x8], $0x4000, $0x38;
	[tilespmem:$0x18180] =	vst v63  }
0xbe: {  	_ =	swait.ge [sflag:s25], $0x4000  }
0xbf: {  	[sflag:s25] =	ssyncset.done $0x0  }
0xc0: {  	[sflag:s25] =	ssyncadd.s32 $0xFFFFC000  }
0xc1: {  	v3 =	vld [tilespmem:$0x60];
	_ =	sdelay $0x4  }
0xc2: {  	v46 =	vshll.u32 v3, $0x3  }
0xc3: {  	v3 =	vand.u32 $0x7, v3;
	v4 =	vand.u32 $0xFFFFFFC0, v46  }
0xc4: {  	v3 =	vor.u32 v3, v4  }
0xc5: {  	v4 =	vperm.xlane v3, v0;
	_ =	sdelay $0x1  }
0xc6: {  	v4 =	vadd.s32 v1, v4;
	_ =	sdelay $0x4  }
0xc7: {  	[tilespmem:s26], [sflag:$0x3] =	stream.indirect_vreg.gather [hbm4b:s2+s3], $0x80, v4, vm0, $0xb8;
	[tilespmem:$0x18180] =	vst v63  }
0xc8: {  	s12 =	simm.s32 $0x8980;
	v3 =	vperm.xlane v3, v2  }
0xc9: {  	[tilespmem:s12], [sflag:$0x3] =	stream.indirect_vreg.gather [hbm4b:s5+s3], $0x80, v4, vm0, $0xb8;
	[tilespmem:$0x18180] =	vst v63  }
0xca: {  	s0 =	simm.s32 $0x9180;
	v3 =	vadd.s32 v1, v3  }
0xcb: {  	[tilespmem:s0], [sflag:$0x3] =	stream.indirect_vreg.gather [hbm4b:s6+s3], $0x80, v4, vm0, $0xb8;
	[tilespmem:$0x18180] =	vst v63  }
0xcc: {  	s1 =	simm.s32 $0x9980  }
0xcd: {  	[tilespmem:s1], [sflag:$0x3] =	stream.indirect_vreg.gather [hbm4b:s7+s3], $0x80, v4, vm0, $0xb8;
	[tilespmem:$0x18180] =	vst v63  }
0xce: {  	s10 =	simm.s32 $0xA180  }
0xcf: {  	[tilespmem:s10], [sflag:$0x3] =	stream.indirect_vreg.gather [hbm4b:s2+s3], $0x80, v3, vm0, $0xb8;
	[tilespmem:$0x18180] =	vst v63  }
0xd0: {  	s19 =	simm.s32 $0xA980  }
0xd1: {  	[tilespmem:s19], [sflag:$0x3] =	stream.indirect_vreg.gather [hbm4b:s5+s3], $0x80, v3, vm0, $0xb8;
	[tilespmem:$0x18180] =	vst v63  }
0xd2: {  	s30 =	simm.s32 $0xB180  }
0xd3: {  	[tilespmem:s30], [sflag:$0x3] =	stream.indirect_vreg.gather [hbm4b:s6+s3], $0x80, v3, vm0, $0xb8;
	[tilespmem:$0x18180] =	vst v63  }
0xd4: {  	s16 =	simm.s32 $0xB980  }
0xd5: {  	[tilespmem:s16], [sflag:$0x3] =	stream.indirect_vreg.gather [hbm4b:s7+s3], $0x80, v3, vm0, $0xb8;
	[tilespmem:$0x18180] =	vst v63  }
0xd6: {  	_ =	swait.ge [sflag:s4], $0x4000  }
0xd7: {  	[sflag:s4] =	ssyncset.done $0x0  }
0xd8: {  	s17 =	rddreg [dreg:$0x8];
	[sflag:s4] =	ssyncadd.s32 $0xFFFFC000  }
0xd9: {  	[hbm4b:s17+s3] =	stream.linear.scatter [tilespmem:s13], [sflag:$0x5], $0x4000, $0x38;
	[tilespmem:$0x18180] =	vst v63  }
0xda: {  	_ =	swait.ge [sflag:s28], $0x4000  }
0xdb: {  	[sflag:s28] =	ssyncset.done $0x0  }
0xdc: {  	[sflag:s28] =	ssyncadd.s32 $0xFFFFC000  }
0xdd: {  	v3 =	vld [tilespmem:$0x70];
	_ =	sdelay $0x4  }
0xde: {  	v47 =	vshll.u32 v3, $0x3  }
0xdf: {  	v3 =	vand.u32 $0x7, v3;
	v4 =	vand.u32 $0xFFFFFFC0, v47  }
0xe0: {  	v3 =	vor.u32 v3, v4  }
0xe1: {  	v4 =	vperm.xlane v3, v0;
	_ =	sdelay $0x1  }
0xe2: {  	v4 =	vadd.s32 v1, v4;
	_ =	sdelay $0x4  }
0xe3: {  	[tilespmem:s11], [sflag:$0x4] =	stream.indirect_vreg.gather [hbm4b:s2+s3], $0x80, v4, vm0, $0xb8;
	[tilespmem:$0x18180] =	vst v63  }
0xe4: {  	s29 =	simm.s32 $0xC980;
	v3 =	vperm.xlane v3, v2  }
0xe5: {  	[tilespmem:s29], [sflag:$0x4] =	stream.indirect_vreg.gather [hbm4b:s5+s3], $0x80, v4, vm0, $0xb8;
	[tilespmem:$0x18180] =	vst v63  }
0xe6: {  	s12 =	simm.s32 $0xD180;
	v3 =	vadd.s32 v1, v3  }
0xe7: {  	[tilespmem:s12], [sflag:$0x4] =	stream.indirect_vreg.gather [hbm4b:s6+s3], $0x80, v4, vm0, $0xb8;
	[tilespmem:$0x18180] =	vst v63  }
0xe8: {  	s16 =	simm.s32 $0xD980  }
0xe9: {  	[tilespmem:s16], [sflag:$0x4] =	stream.indirect_vreg.gather [hbm4b:s7+s3], $0x80, v4, vm0, $0xb8;
	[tilespmem:$0x18180] =	vst v63  }
0xea: {  	s17 =	simm.s32 $0xE180  }
0xeb: {  	[tilespmem:s17], [sflag:$0x4] =	stream.indirect_vreg.gather [hbm4b:s2+s3], $0x80, v3, vm0, $0xb8;
	[tilespmem:$0x18180] =	vst v63  }
0xec: {  	s29 =	simm.s32 $0xE980  }
0xed: {  	[tilespmem:s29], [sflag:$0x4] =	stream.indirect_vreg.gather [hbm4b:s5+s3], $0x80, v3, vm0, $0xb8;
	[tilespmem:$0x18180] =	vst v63  }
0xee: {  	s29 =	simm.s32 $0xF180  }
0xef: {  	[tilespmem:s29], [sflag:$0x4] =	stream.indirect_vreg.gather [hbm4b:s6+s3], $0x80, v3, vm0, $0xb8;
	[tilespmem:$0x18180] =	vst v63  }
0xf0: {  	s29 =	simm.s32 $0xF980  }
0xf1: {  	[tilespmem:s29], [sflag:$0x4] =	stream.indirect_vreg.gather [hbm4b:s7+s3], $0x80, v3, vm0, $0xb8;
	[tilespmem:$0x18180] =	vst v63  }
0xf2: {  	_ =	swait.ge [sflag:s20], $0x4000  }
0xf3: {  	[sflag:s20] =	ssyncset.done $0x0  }
0xf4: {  	s29 =	rddreg [dreg:$0x9];
	[sflag:s20] =	ssyncadd.s32 $0xFFFFC000  }
0xf5: {  	[hbm4b:s29+s3] =	stream.linear.scatter [tilespmem:s18], [sflag:$0x6], $0x4000, $0x38;
	[tilespmem:$0x18180] =	vst v63  }
0xf6: {  	_ =	swait.ge [sflag:s21], $0x4000  }
0xf7: {  	[sflag:s21] =	ssyncset.done $0x0  }
0xf8: {  	[sflag:s21] =	ssyncadd.s32 $0xFFFFC000  }
0xf9: {  	v3 =	vld [tilespmem:$0x80];
	_ =	sdelay $0x4  }
0xfa: {  	v48 =	vshll.u32 v3, $0x3  }
0xfb: {  	v3 =	vand.u32 $0x7, v3;
	v4 =	vand.u32 $0xFFFFFFC0, v48  }
0xfc: {  	v3 =	vor.u32 v3, v4  }
0xfd: {  	v4 =	vperm.xlane v3, v0;
	_ =	sdelay $0x1  }
0xfe: {  	v4 =	vadd.s32 v1, v4;
	_ =	sdelay $0x4  }
0xff: {  	[tilespmem:s13], [sflag:$0x1] =	stream.indirect_vreg.gather [hbm4b:s2+s3], $0x80, v4, vm0, $0xb8;
	[tilespmem:$0x18180] =	vst v63  }
0x100: {  	s29 =	simm.s32 $0x980;
	v3 =	vperm.xlane v3, v2  }
0x101: {  	[tilespmem:s29], [sflag:$0x1] =	stream.indirect_vreg.gather [hbm4b:s5+s3], $0x80, v4, vm0, $0xb8;
	[tilespmem:$0x18180] =	vst v63  }
0x102: {  	v3 =	vadd.s32 v1, v3;
	s29 =	simm.s32 $0x1180  }
0x103: {  	[tilespmem:s29], [sflag:$0x1] =	stream.indirect_vreg.gather [hbm4b:s6+s3], $0x80, v4, vm0, $0xb8;
	[tilespmem:$0x18180] =	vst v63  }
0x104: {  	s29 =	simm.s32 $0x1980  }
0x105: {  	[tilespmem:s29], [sflag:$0x1] =	stream.indirect_vreg.gather [hbm4b:s7+s3], $0x80, v4, vm0, $0xb8;
	[tilespmem:$0x18180] =	vst v63  }
0x106: {  	s29 =	simm.s32 $0x2180  }
0x107: {  	[tilespmem:s29], [sflag:$0x1] =	stream.indirect_vreg.gather [hbm4b:s2+s3], $0x80, v3, vm0, $0xb8;
	[tilespmem:$0x18180] =	vst v63  }
0x108: {  	s29 =	simm.s32 $0x2980  }
0x109: {  	[tilespmem:s29], [sflag:$0x1] =	stream.indirect_vreg.gather [hbm4b:s5+s3], $0x80, v3, vm0, $0xb8;
	[tilespmem:$0x18180] =	vst v63  }
0x10a: {  	s29 =	simm.s32 $0x3180  }
0x10b: {  	[tilespmem:s29], [sflag:$0x1] =	stream.indirect_vreg.gather [hbm4b:s6+s3], $0x80, v3, vm0, $0xb8;
	[tilespmem:$0x18180] =	vst v63  }
0x10c: {  	s29 =	simm.s32 $0x3980  }
0x10d: {  	[tilespmem:s29], [sflag:$0x1] =	stream.indirect_vreg.gather [hbm4b:s7+s3], $0x80, v3, vm0, $0xb8;
	[tilespmem:$0x18180] =	vst v63  }
0x10e: {  	_ =	swait.ge [sflag:s22], $0x4000  }
0x10f: {  	[sflag:s22] =	ssyncset.done $0x0  }
0x110: {  	s29 =	rddreg [dreg:$0xa];
	[sflag:s22] =	ssyncadd.s32 $0xFFFFC000  }
0x111: {  	[hbm4b:s29+s3] =	stream.linear.scatter [tilespmem:s26], [sflag:$0x7], $0x4000, $0x38;
	[tilespmem:$0x18180] =	vst v63  }
0x112: {  	_ =	swait.ge [sflag:s23], $0x4000  }
0x113: {  	[sflag:s23] =	ssyncset.done $0x0  }
0x114: {  	[sflag:s23] =	ssyncadd.s32 $0xFFFFC000  }
0x115: {  	v3 =	vld [tilespmem:$0x90];
	_ =	sdelay $0x4  }
0x116: {  	v49 =	vshll.u32 v3, $0x3  }
0x117: {  	v3 =	vand.u32 $0x7, v3;
	v4 =	vand.u32 $0xFFFFFFC0, v49  }
0x118: {  	v3 =	vor.u32 v3, v4  }
0x119: {  	v4 =	vperm.xlane v3, v0;
	_ =	sdelay $0x1  }
0x11a: {  	v4 =	vadd.s32 v1, v4;
	_ =	sdelay $0x4  }
0x11b: {  	[tilespmem:s18], [sflag:$0x2] =	stream.indirect_vreg.gather [hbm4b:s2+s3], $0x80, v4, vm0, $0xb8;
	[tilespmem:$0x18180] =	vst v63  }
0x11c: {  	s29 =	simm.s32 $0x4980;
	v3 =	vperm.xlane v3, v2  }
0x11d: {  	[tilespmem:s29], [sflag:$0x2] =	stream.indirect_vreg.gather [hbm4b:s5+s3], $0x80, v4, vm0, $0xb8;
	[tilespmem:$0x18180] =	vst v63  }
0x11e: {  	v3 =	vadd.s32 v1, v3;
	s29 =	simm.s32 $0x5180  }
0x11f: {  	[tilespmem:s29], [sflag:$0x2] =	stream.indirect_vreg.gather [hbm4b:s6+s3], $0x80, v4, vm0, $0xb8;
	[tilespmem:$0x18180] =	vst v63  }
0x120: {  	s29 =	simm.s32 $0x5980  }
0x121: {  	[tilespmem:s29], [sflag:$0x2] =	stream.indirect_vreg.gather [hbm4b:s7+s3], $0x80, v4, vm0, $0xb8;
	[tilespmem:$0x18180] =	vst v63  }
0x122: {  	s29 =	simm.s32 $0x6180  }
0x123: {  	[tilespmem:s29], [sflag:$0x2] =	stream.indirect_vreg.gather [hbm4b:s2+s3], $0x80, v3, vm0, $0xb8;
	[tilespmem:$0x18180] =	vst v63  }
0x124: {  	_ = 	snop  }
0x125: {  	[tilespmem:s31], [sflag:$0x2] =	stream.indirect_vreg.gather [hbm4b:s5+s3], $0x80, v3, vm0, $0xb8;
	[tilespmem:$0x18180] =	vst v63  }
0x126: {  	_ = 	snop  }
0x127: {  	[tilespmem:s14], [sflag:$0x2] =	stream.indirect_vreg.gather [hbm4b:s6+s3], $0x80, v3, vm0, $0xb8;
	[tilespmem:$0x18180] =	vst v63  }
0x128: {  	_ = 	snop  }
0x129: {  	[tilespmem:s15], [sflag:$0x2] =	stream.indirect_vreg.gather [hbm4b:s7+s3], $0x80, v3, vm0, $0xb8;
	[tilespmem:$0x18180] =	vst v63  }
0x12a: {  	_ =	swait.ge [sflag:s24], $0x4000  }
0x12b: {  	[sflag:s24] =	ssyncset.done $0x0  }
0x12c: {  	s29 =	rddreg [dreg:$0xb];
	[sflag:s24] =	ssyncadd.s32 $0xFFFFC000  }
0x12d: {  	[hbm4b:s29+s3] =	stream.linear.scatter [tilespmem:s11], [sflag:$0x8], $0x4000, $0x38;
	[tilespmem:$0x18180] =	vst v63  }
0x12e: {  	_ =	swait.ge [sflag:s25], $0x4000  }
0x12f: {  	[sflag:s25] =	ssyncset.done $0x0  }
0x130: {  	[sflag:s25] =	ssyncadd.s32 $0xFFFFC000  }
0x131: {  	v3 =	vld [tilespmem:$0xA0];
	_ =	sdelay $0x4  }
0x132: {  	v50 =	vshll.u32 v3, $0x3  }
0x133: {  	v3 =	vand.u32 $0x7, v3;
	v4 =	vand.u32 $0xFFFFFFC0, v50  }
0x134: {  	v3 =	vor.u32 v3, v4  }
0x135: {  	v4 =	vperm.xlane v3, v0;
	_ =	sdelay $0x1  }
0x136: {  	v4 =	vadd.s32 v1, v4;
	_ =	sdelay $0x4  }
0x137: {  	[tilespmem:s26], [sflag:$0x3] =	stream.indirect_vreg.gather [hbm4b:s2+s3], $0x80, v4, vm0, $0xb8;
	[tilespmem:$0x18180] =	vst v63  }
0x138: {  	s29 =	simm.s32 $0x8980;
	v3 =	vperm.xlane v3, v2  }
0x139: {  	[tilespmem:s29], [sflag:$0x3] =	stream.indirect_vreg.gather [hbm4b:s5+s3], $0x80, v4, vm0, $0xb8;
	[tilespmem:$0x18180] =	vst v63  }
0x13a: {  	v3 =	vadd.s32 v1, v3  }
0x13b: {  	[tilespmem:s0], [sflag:$0x3] =	stream.indirect_vreg.gather [hbm4b:s6+s3], $0x80, v4, vm0, $0xb8;
	[tilespmem:$0x18180] =	vst v63  }
0x13c: {  	_ = 	snop  }
0x13d: {  	[tilespmem:s1], [sflag:$0x3] =	stream.indirect_vreg.gather [hbm4b:s7+s3], $0x80, v4, vm0, $0xb8;
	[tilespmem:$0x18180] =	vst v63  }
0x13e: {  	_ = 	snop  }
0x13f: {  	[tilespmem:s10], [sflag:$0x3] =	stream.indirect_vreg.gather [hbm4b:s2+s3], $0x80, v3, vm0, $0xb8;
	[tilespmem:$0x18180] =	vst v63  }
0x140: {  	_ = 	snop  }
0x141: {  	[tilespmem:s19], [sflag:$0x3] =	stream.indirect_vreg.gather [hbm4b:s5+s3], $0x80, v3, vm0, $0xb8;
	[tilespmem:$0x18180] =	vst v63  }
0x142: {  	_ = 	snop  }
0x143: {  	[tilespmem:s30], [sflag:$0x3] =	stream.indirect_vreg.gather [hbm4b:s6+s3], $0x80, v3, vm0, $0xb8;
	[tilespmem:$0x18180] =	vst v63  }
0x144: {  	s30 =	simm.s32 $0xB980  }
0x145: {  	[tilespmem:s30], [sflag:$0x3] =	stream.indirect_vreg.gather [hbm4b:s7+s3], $0x80, v3, vm0, $0xb8;
	[tilespmem:$0x18180] =	vst v63  }
0x146: {  	_ =	swait.ge [sflag:s4], $0x4000  }
0x147: {  	[sflag:s4] =	ssyncset.done $0x0  }
0x148: {  	s30 =	rddreg [dreg:$0xc];
	[sflag:s4] =	ssyncadd.s32 $0xFFFFC000  }
0x149: {  	[hbm4b:s30+s3] =	stream.linear.scatter [tilespmem:s13], [sflag:$0x5], $0x4000, $0x38;
	[tilespmem:$0x18180] =	vst v63  }
0x14a: {  	_ =	swait.ge [sflag:s28], $0x4000  }
0x14b: {  	[sflag:s28] =	ssyncset.done $0x0  }
0x14c: {  	[sflag:s28] =	ssyncadd.s32 $0xFFFFC000  }
0x14d: {  	v3 =	vld [tilespmem:$0xB0];
	_ =	sdelay $0x4  }
0x14e: {  	v51 =	vshll.u32 v3, $0x3  }
0x14f: {  	v3 =	vand.u32 $0x7, v3;
	v4 =	vand.u32 $0xFFFFFFC0, v51  }
0x150: {  	v3 =	vor.u32 v3, v4  }
0x151: {  	v4 =	vperm.xlane v3, v0;
	_ =	sdelay $0x1  }
0x152: {  	v4 =	vadd.s32 v1, v4;
	_ =	sdelay $0x4  }
0x153: {  	[tilespmem:s11], [sflag:$0x4] =	stream.indirect_vreg.gather [hbm4b:s2+s3], $0x80, v4, vm0, $0xb8;
	[tilespmem:$0x18180] =	vst v63  }
0x154: {  	s30 =	simm.s32 $0xC980;
	v3 =	vperm.xlane v3, v2  }
0x155: {  	[tilespmem:s30], [sflag:$0x4] =	stream.indirect_vreg.gather [hbm4b:s5+s3], $0x80, v4, vm0, $0xb8;
	[tilespmem:$0x18180] =	vst v63  }
0x156: {  	s9 =	simm.s32 $0xD180;
	v3 =	vadd.s32 v1, v3  }
0x157: {  	[tilespmem:s9], [sflag:$0x4] =	stream.indirect_vreg.gather [hbm4b:s6+s3], $0x80, v4, vm0, $0xb8;
	[tilespmem:$0x18180] =	vst v63  }
0x158: {  	s12 =	simm.s32 $0xD980  }
0x159: {  	[tilespmem:s12], [sflag:$0x4] =	stream.indirect_vreg.gather [hbm4b:s7+s3], $0x80, v4, vm0, $0xb8;
	[tilespmem:$0x18180] =	vst v63  }
0x15a: {  	s16 =	simm.s32 $0xE180  }
0x15b: {  	[tilespmem:s16], [sflag:$0x4] =	stream.indirect_vreg.gather [hbm4b:s2+s3], $0x80, v3, vm0, $0xb8;
	[tilespmem:$0x18180] =	vst v63  }
0x15c: {  	s17 =	simm.s32 $0xE980  }
0x15d: {  	[tilespmem:s17], [sflag:$0x4] =	stream.indirect_vreg.gather [hbm4b:s5+s3], $0x80, v3, vm0, $0xb8;
	[tilespmem:$0x18180] =	vst v63  }
0x15e: {  	s29 =	simm.s32 $0xF180  }
0x15f: {  	[tilespmem:s29], [sflag:$0x4] =	stream.indirect_vreg.gather [hbm4b:s6+s3], $0x80, v3, vm0, $0xb8;
	[tilespmem:$0x18180] =	vst v63  }
0x160: {  	s29 =	simm.s32 $0xF980  }
0x161: {  	[tilespmem:s29], [sflag:$0x4] =	stream.indirect_vreg.gather [hbm4b:s7+s3], $0x80, v3, vm0, $0xb8;
	[tilespmem:$0x18180] =	vst v63  }
0x162: {  	_ =	swait.ge [sflag:s20], $0x4000  }
0x163: {  	[sflag:s20] =	ssyncset.done $0x0  }
0x164: {  	s29 =	rddreg [dreg:$0xd];
	[sflag:s20] =	ssyncadd.s32 $0xFFFFC000  }
0x165: {  	[hbm4b:s29+s3] =	stream.linear.scatter [tilespmem:s18], [sflag:$0x6], $0x4000, $0x38;
	[tilespmem:$0x18180] =	vst v63  }
0x166: {  	_ =	swait.ge [sflag:s21], $0x4000  }
0x167: {  	[sflag:s21] =	ssyncset.done $0x0  }
0x168: {  	[sflag:s21] =	ssyncadd.s32 $0xFFFFC000  }
0x169: {  	v3 =	vld [tilespmem:$0xC0];
	_ =	sdelay $0x4  }
0x16a: {  	v52 =	vshll.u32 v3, $0x3  }
0x16b: {  	v3 =	vand.u32 $0x7, v3;
	v4 =	vand.u32 $0xFFFFFFC0, v52  }
0x16c: {  	v3 =	vor.u32 v3, v4  }
0x16d: {  	v4 =	vperm.xlane v3, v0;
	_ =	sdelay $0x1  }
0x16e: {  	v4 =	vadd.s32 v1, v4;
	_ =	sdelay $0x4  }
0x16f: {  	[tilespmem:s13], [sflag:$0x1] =	stream.indirect_vreg.gather [hbm4b:s2+s3], $0x80, v4, vm0, $0xb8;
	[tilespmem:$0x18180] =	vst v63  }
0x170: {  	s29 =	simm.s32 $0x980;
	v3 =	vperm.xlane v3, v2  }
0x171: {  	[tilespmem:s29], [sflag:$0x1] =	stream.indirect_vreg.gather [hbm4b:s5+s3], $0x80, v4, vm0, $0xb8;
	[tilespmem:$0x18180] =	vst v63  }
0x172: {  	v3 =	vadd.s32 v1, v3;
	s29 =	simm.s32 $0x1180  }
0x173: {  	[tilespmem:s29], [sflag:$0x1] =	stream.indirect_vreg.gather [hbm4b:s6+s3], $0x80, v4, vm0, $0xb8;
	[tilespmem:$0x18180] =	vst v63  }
0x174: {  	s29 =	simm.s32 $0x1980  }
0x175: {  	[tilespmem:s29], [sflag:$0x1] =	stream.indirect_vreg.gather [hbm4b:s7+s3], $0x80, v4, vm0, $0xb8;
	[tilespmem:$0x18180] =	vst v63  }
0x176: {  	s29 =	simm.s32 $0x2180  }
0x177: {  	[tilespmem:s29], [sflag:$0x1] =	stream.indirect_vreg.gather [hbm4b:s2+s3], $0x80, v3, vm0, $0xb8;
	[tilespmem:$0x18180] =	vst v63  }
0x178: {  	s29 =	simm.s32 $0x2980  }
0x179: {  	[tilespmem:s29], [sflag:$0x1] =	stream.indirect_vreg.gather [hbm4b:s5+s3], $0x80, v3, vm0, $0xb8;
	[tilespmem:$0x18180] =	vst v63  }
0x17a: {  	s29 =	simm.s32 $0x3180  }
0x17b: {  	[tilespmem:s29], [sflag:$0x1] =	stream.indirect_vreg.gather [hbm4b:s6+s3], $0x80, v3, vm0, $0xb8;
	[tilespmem:$0x18180] =	vst v63  }
0x17c: {  	s29 =	simm.s32 $0x3980  }
0x17d: {  	[tilespmem:s29], [sflag:$0x1] =	stream.indirect_vreg.gather [hbm4b:s7+s3], $0x80, v3, vm0, $0xb8;
	[tilespmem:$0x18180] =	vst v63  }
0x17e: {  	_ =	swait.ge [sflag:s22], $0x4000  }
0x17f: {  	[sflag:s22] =	ssyncset.done $0x0  }
0x180: {  	s29 =	rddreg [dreg:$0xe];
	[sflag:s22] =	ssyncadd.s32 $0xFFFFC000  }
0x181: {  	[hbm4b:s29+s3] =	stream.linear.scatter [tilespmem:s26], [sflag:$0x7], $0x4000, $0x38;
	[tilespmem:$0x18180] =	vst v63  }
0x182: {  	_ =	swait.ge [sflag:s23], $0x4000  }
0x183: {  	[sflag:s23] =	ssyncset.done $0x0  }
0x184: {  	[sflag:s23] =	ssyncadd.s32 $0xFFFFC000  }
0x185: {  	v3 =	vld [tilespmem:$0xD0];
	_ =	sdelay $0x4  }
0x186: {  	v53 =	vshll.u32 v3, $0x3  }
0x187: {  	v3 =	vand.u32 $0x7, v3;
	v4 =	vand.u32 $0xFFFFFFC0, v53  }
0x188: {  	v3 =	vor.u32 v3, v4  }
0x189: {  	v4 =	vperm.xlane v3, v0;
	_ =	sdelay $0x1  }
0x18a: {  	v4 =	vadd.s32 v1, v4;
	_ =	sdelay $0x4  }
0x18b: {  	[tilespmem:s18], [sflag:$0x2] =	stream.indirect_vreg.gather [hbm4b:s2+s3], $0x80, v4, vm0, $0xb8;
	[tilespmem:$0x18180] =	vst v63  }
0x18c: {  	s29 =	simm.s32 $0x4980;
	v3 =	vperm.xlane v3, v2  }
0x18d: {  	[tilespmem:s29], [sflag:$0x2] =	stream.indirect_vreg.gather [hbm4b:s5+s3], $0x80, v4, vm0, $0xb8;
	[tilespmem:$0x18180] =	vst v63  }
0x18e: {  	v3 =	vadd.s32 v1, v3;
	s29 =	simm.s32 $0x5180  }
0x18f: {  	[tilespmem:s29], [sflag:$0x2] =	stream.indirect_vreg.gather [hbm4b:s6+s3], $0x80, v4, vm0, $0xb8;
	[tilespmem:$0x18180] =	vst v63  }
0x190: {  	s29 =	simm.s32 $0x5980  }
0x191: {  	[tilespmem:s29], [sflag:$0x2] =	stream.indirect_vreg.gather [hbm4b:s7+s3], $0x80, v4, vm0, $0xb8;
	[tilespmem:$0x18180] =	vst v63  }
0x192: {  	s29 =	simm.s32 $0x6180  }
0x193: {  	[tilespmem:s29], [sflag:$0x2] =	stream.indirect_vreg.gather [hbm4b:s2+s3], $0x80, v3, vm0, $0xb8;
	[tilespmem:$0x18180] =	vst v63  }
0x194: {  	s31 =	simm.s32 $0x6980  }
0x195: {  	[tilespmem:s31], [sflag:$0x2] =	stream.indirect_vreg.gather [hbm4b:s5+s3], $0x80, v3, vm0, $0xb8;
	[tilespmem:$0x18180] =	vst v63  }
0x196: {  	s14 =	simm.s32 $0x7180  }
0x197: {  	[tilespmem:s14], [sflag:$0x2] =	stream.indirect_vreg.gather [hbm4b:s6+s3], $0x80, v3, vm0, $0xb8;
	[tilespmem:$0x18180] =	vst v63  }
0x198: {  	s15 =	simm.s32 $0x7980  }
0x199: {  	[tilespmem:s15], [sflag:$0x2] =	stream.indirect_vreg.gather [hbm4b:s7+s3], $0x80, v3, vm0, $0xb8;
	[tilespmem:$0x18180] =	vst v63  }
0x19a: {  	_ =	swait.ge [sflag:s24], $0x4000  }
0x19b: {  	[sflag:s24] =	ssyncset.done $0x0  }
0x19c: {  	s14 =	rddreg [dreg:$0xf];
	[sflag:s24] =	ssyncadd.s32 $0xFFFFC000  }
0x19d: {  	[hbm4b:s14+s3] =	stream.linear.scatter [tilespmem:s11], [sflag:$0x8], $0x4000, $0x38;
	[tilespmem:$0x18180] =	vst v63  }
0x19e: {  	_ =	swait.ge [sflag:s25], $0x4000  }
0x19f: {  	[sflag:s25] =	ssyncset.done $0x0  }
0x1a0: {  	[sflag:s25] =	ssyncadd.s32 $0xFFFFC000  }
0x1a1: {  	v3 =	vld [tilespmem:$0xE0];
	_ =	sdelay $0x4  }
0x1a2: {  	v54 =	vshll.u32 v3, $0x3  }
0x1a3: {  	v3 =	vand.u32 $0x7, v3;
	v4 =	vand.u32 $0xFFFFFFC0, v54  }
0x1a4: {  	v3 =	vor.u32 v3, v4  }
0x1a5: {  	v4 =	vperm.xlane v3, v0;
	_ =	sdelay $0x1  }
0x1a6: {  	v4 =	vadd.s32 v1, v4;
	_ =	sdelay $0x4  }
0x1a7: {  	[tilespmem:s26], [sflag:$0x3] =	stream.indirect_vreg.gather [hbm4b:s2+s3], $0x80, v4, vm0, $0xb8;
	[tilespmem:$0x18180] =	vst v63  }
0x1a8: {  	s29 =	simm.s32 $0x8980;
	v3 =	vperm.xlane v3, v2  }
0x1a9: {  	[tilespmem:s29], [sflag:$0x3] =	stream.indirect_vreg.gather [hbm4b:s5+s3], $0x80, v4, vm0, $0xb8;
	[tilespmem:$0x18180] =	vst v63  }
0x1aa: {  	v3 =	vadd.s32 v1, v3;
	s29 =	simm.s32 $0x9180  }
0x1ab: {  	[tilespmem:s29], [sflag:$0x3] =	stream.indirect_vreg.gather [hbm4b:s6+s3], $0x80, v4, vm0, $0xb8;
	[tilespmem:$0x18180] =	vst v63  }
0x1ac: {  	s0 =	simm.s32 $0x9980  }
0x1ad: {  	[tilespmem:s0], [sflag:$0x3] =	stream.indirect_vreg.gather [hbm4b:s7+s3], $0x80, v4, vm0, $0xb8;
	[tilespmem:$0x18180] =	vst v63  }
0x1ae: {  	s1 =	simm.s32 $0xA180  }
0x1af: {  	[tilespmem:s1], [sflag:$0x3] =	stream.indirect_vreg.gather [hbm4b:s2+s3], $0x80, v3, vm0, $0xb8;
	[tilespmem:$0x18180] =	vst v63  }
0x1b0: {  	s10 =	simm.s32 $0xA980  }
0x1b1: {  	[tilespmem:s10], [sflag:$0x3] =	stream.indirect_vreg.gather [hbm4b:s5+s3], $0x80, v3, vm0, $0xb8;
	[tilespmem:$0x18180] =	vst v63  }
0x1b2: {  	s19 =	simm.s32 $0xB180  }
0x1b3: {  	[tilespmem:s19], [sflag:$0x3] =	stream.indirect_vreg.gather [hbm4b:s6+s3], $0x80, v3, vm0, $0xb8;
	[tilespmem:$0x18180] =	vst v63  }
0x1b4: {  	s29 =	simm.s32 $0xB980  }
0x1b5: {  	[tilespmem:s29], [sflag:$0x3] =	stream.indirect_vreg.gather [hbm4b:s7+s3], $0x80, v3, vm0, $0xb8;
	[tilespmem:$0x18180] =	vst v63  }
0x1b6: {  	_ =	swait.ge [sflag:s4], $0x4000  }
0x1b7: {  	[sflag:s4] =	ssyncset.done $0x0  }
0x1b8: {  	s0 =	rddreg [dreg:$0x10];
	[sflag:s4] =	ssyncadd.s32 $0xFFFFC000  }
0x1b9: {  	[hbm4b:s0+s3] =	stream.linear.scatter [tilespmem:s13], [sflag:$0x5], $0x4000, $0x38;
	[tilespmem:$0x18180] =	vst v63  }
0x1ba: {  	_ =	swait.ge [sflag:s28], $0x4000  }
0x1bb: {  	[sflag:s28] =	ssyncset.done $0x0  }
0x1bc: {  	[sflag:s28] =	ssyncadd.s32 $0xFFFFC000  }
0x1bd: {  	v3 =	vld [tilespmem:$0xF0];
	_ =	sdelay $0x4  }
0x1be: {  	v55 =	vshll.u32 v3, $0x3  }
0x1bf: {  	v3 =	vand.u32 $0x7, v3;
	v4 =	vand.u32 $0xFFFFFFC0, v55  }
0x1c0: {  	v3 =	vor.u32 v3, v4  }
0x1c1: {  	v4 =	vperm.xlane v3, v0;
	_ =	sdelay $0x1  }
0x1c2: {  	v4 =	vadd.s32 v1, v4;
	_ =	sdelay $0x4  }
0x1c3: {  	[tilespmem:s11], [sflag:$0x4] =	stream.indirect_vreg.gather [hbm4b:s2+s3], $0x80, v4, vm0, $0xb8;
	[tilespmem:$0x18180] =	vst v63  }
0x1c4: {  	s19 =	simm.s32 $0xC980;
	v3 =	vperm.xlane v3, v2  }
0x1c5: {  	[tilespmem:s19], [sflag:$0x4] =	stream.indirect_vreg.gather [hbm4b:s5+s3], $0x80, v4, vm0, $0xb8;
	[tilespmem:$0x18180] =	vst v63  }
0x1c6: {  	s30 =	simm.s32 $0xD180;
	v3 =	vadd.s32 v1, v3  }
0x1c7: {  	[tilespmem:s30], [sflag:$0x4] =	stream.indirect_vreg.gather [hbm4b:s6+s3], $0x80, v4, vm0, $0xb8;
	[tilespmem:$0x18180] =	vst v63  }
0x1c8: {  	s9 =	simm.s32 $0xD980  }
0x1c9: {  	[tilespmem:s9], [sflag:$0x4] =	stream.indirect_vreg.gather [hbm4b:s7+s3], $0x80, v4, vm0, $0xb8;
	[tilespmem:$0x18180] =	vst v63  }
0x1ca: {  	s12 =	simm.s32 $0xE180  }
0x1cb: {  	[tilespmem:s12], [sflag:$0x4] =	stream.indirect_vreg.gather [hbm4b:s2+s3], $0x80, v3, vm0, $0xb8;
	[tilespmem:$0x18180] =	vst v63  }
0x1cc: {  	s16 =	simm.s32 $0xE980  }
0x1cd: {  	[tilespmem:s16], [sflag:$0x4] =	stream.indirect_vreg.gather [hbm4b:s5+s3], $0x80, v3, vm0, $0xb8;
	[tilespmem:$0x18180] =	vst v63  }
0x1ce: {  	s17 =	simm.s32 $0xF180  }
0x1cf: {  	[tilespmem:s17], [sflag:$0x4] =	stream.indirect_vreg.gather [hbm4b:s6+s3], $0x80, v3, vm0, $0xb8;
	[tilespmem:$0x18180] =	vst v63  }
0x1d0: {  	s29 =	simm.s32 $0xF980  }
0x1d1: {  	[tilespmem:s29], [sflag:$0x4] =	stream.indirect_vreg.gather [hbm4b:s7+s3], $0x80, v3, vm0, $0xb8;
	[tilespmem:$0x18180] =	vst v63  }
0x1d2: {  	_ =	swait.ge [sflag:s20], $0x4000  }
0x1d3: {  	[sflag:s20] =	ssyncset.done $0x0  }
0x1d4: {  	s9 =	rddreg [dreg:$0x11];
	[sflag:s20] =	ssyncadd.s32 $0xFFFFC000  }
0x1d5: {  	[hbm4b:s9+s3] =	stream.linear.scatter [tilespmem:s18], [sflag:$0x6], $0x4000, $0x38;
	[tilespmem:$0x18180] =	vst v63  }
0x1d6: {  	_ =	swait.ge [sflag:s21], $0x4000  }
0x1d7: {  	[sflag:s21] =	ssyncset.done $0x0  }
0x1d8: {  	[sflag:s21] =	ssyncadd.s32 $0xFFFFC000  }
0x1d9: {  	v3 =	vld [tilespmem:$0x100];
	_ =	sdelay $0x4  }
0x1da: {  	v56 =	vshll.u32 v3, $0x3  }
0x1db: {  	v3 =	vand.u32 $0x7, v3;
	v4 =	vand.u32 $0xFFFFFFC0, v56  }
0x1dc: {  	v3 =	vor.u32 v3, v4  }
0x1dd: {  	v4 =	vperm.xlane v3, v0;
	_ =	sdelay $0x1  }
0x1de: {  	v4 =	vadd.s32 v1, v4;
	_ =	sdelay $0x4  }
0x1df: {  	[tilespmem:s13], [sflag:$0x1] =	stream.indirect_vreg.gather [hbm4b:s2+s3], $0x80, v4, vm0, $0xb8;
	[tilespmem:$0x18180] =	vst v63  }
0x1e0: {  	s12 =	simm.s32 $0x980;
	v3 =	vperm.xlane v3, v2  }
0x1e1: {  	[tilespmem:s12], [sflag:$0x1] =	stream.indirect_vreg.gather [hbm4b:s5+s3], $0x80, v4, vm0, $0xb8;
	[tilespmem:$0x18180] =	vst v63  }
0x1e2: {  	s17 =	simm.s32 $0x1180;
	v3 =	vadd.s32 v1, v3  }
0x1e3: {  	[tilespmem:s17], [sflag:$0x1] =	stream.indirect_vreg.gather [hbm4b:s6+s3], $0x80, v4, vm0, $0xb8;
	[tilespmem:$0x18180] =	vst v63  }
0x1e4: {  	s29 =	simm.s32 $0x1980  }
0x1e5: {  	[tilespmem:s29], [sflag:$0x1] =	stream.indirect_vreg.gather [hbm4b:s7+s3], $0x80, v4, vm0, $0xb8;
	[tilespmem:$0x18180] =	vst v63  }
0x1e6: {  	s9 =	simm.s32 $0x2180  }
0x1e7: {  	[tilespmem:s9], [sflag:$0x1] =	stream.indirect_vreg.gather [hbm4b:s2+s3], $0x80, v3, vm0, $0xb8;
	[tilespmem:$0x18180] =	vst v63  }
0x1e8: {  	s12 =	simm.s32 $0x2980  }
0x1e9: {  	[tilespmem:s12], [sflag:$0x1] =	stream.indirect_vreg.gather [hbm4b:s5+s3], $0x80, v3, vm0, $0xb8;
	[tilespmem:$0x18180] =	vst v63  }
0x1ea: {  	s17 =	simm.s32 $0x3180  }
0x1eb: {  	[tilespmem:s17], [sflag:$0x1] =	stream.indirect_vreg.gather [hbm4b:s6+s3], $0x80, v3, vm0, $0xb8;
	[tilespmem:$0x18180] =	vst v63  }
0x1ec: {  	s29 =	simm.s32 $0x3980  }
0x1ed: {  	[tilespmem:s29], [sflag:$0x1] =	stream.indirect_vreg.gather [hbm4b:s7+s3], $0x80, v3, vm0, $0xb8;
	[tilespmem:$0x18180] =	vst v63  }
0x1ee: {  	_ =	swait.ge [sflag:s22], $0x4000  }
0x1ef: {  	[sflag:s22] =	ssyncset.done $0x0  }
0x1f0: {  	s9 =	rddreg [dreg:$0x12];
	[sflag:s22] =	ssyncadd.s32 $0xFFFFC000  }
0x1f1: {  	[hbm4b:s9+s3] =	stream.linear.scatter [tilespmem:s26], [sflag:$0x7], $0x4000, $0x38;
	[tilespmem:$0x18180] =	vst v63  }
0x1f2: {  	_ =	swait.ge [sflag:s23], $0x4000  }
0x1f3: {  	[sflag:s23] =	ssyncset.done $0x0  }
0x1f4: {  	[sflag:s23] =	ssyncadd.s32 $0xFFFFC000  }
0x1f5: {  	v3 =	vld [tilespmem:$0x110];
	_ =	sdelay $0x4  }
0x1f6: {  	v57 =	vshll.u32 v3, $0x3  }
0x1f7: {  	v3 =	vand.u32 $0x7, v3;
	v4 =	vand.u32 $0xFFFFFFC0, v57  }
0x1f8: {  	v3 =	vor.u32 v3, v4  }
0x1f9: {  	v4 =	vperm.xlane v3, v0;
	_ =	sdelay $0x1  }
0x1fa: {  	v4 =	vadd.s32 v1, v4;
	_ =	sdelay $0x4  }
0x1fb: {  	[tilespmem:s18], [sflag:$0x2] =	stream.indirect_vreg.gather [hbm4b:s2+s3], $0x80, v4, vm0, $0xb8;
	[tilespmem:$0x18180] =	vst v63  }
0x1fc: {  	s12 =	simm.s32 $0x4980;
	v3 =	vperm.xlane v3, v2  }
0x1fd: {  	[tilespmem:s12], [sflag:$0x2] =	stream.indirect_vreg.gather [hbm4b:s5+s3], $0x80, v4, vm0, $0xb8;
	[tilespmem:$0x18180] =	vst v63  }
0x1fe: {  	s17 =	simm.s32 $0x5180;
	v3 =	vadd.s32 v1, v3  }
0x1ff: {  	[tilespmem:s17], [sflag:$0x2] =	stream.indirect_vreg.gather [hbm4b:s6+s3], $0x80, v4, vm0, $0xb8;
	[tilespmem:$0x18180] =	vst v63  }
0x200: {  	s29 =	simm.s32 $0x5980  }
0x201: {  	[tilespmem:s29], [sflag:$0x2] =	stream.indirect_vreg.gather [hbm4b:s7+s3], $0x80, v4, vm0, $0xb8;
	[tilespmem:$0x18180] =	vst v63  }
0x202: {  	s9 =	simm.s32 $0x6180  }
0x203: {  	[tilespmem:s9], [sflag:$0x2] =	stream.indirect_vreg.gather [hbm4b:s2+s3], $0x80, v3, vm0, $0xb8;
	[tilespmem:$0x18180] =	vst v63  }
0x204: {  	s31 =	simm.s32 $0x6980  }
0x205: {  	[tilespmem:s31], [sflag:$0x2] =	stream.indirect_vreg.gather [hbm4b:s5+s3], $0x80, v3, vm0, $0xb8;
	[tilespmem:$0x18180] =	vst v63  }
0x206: {  	s12 =	simm.s32 $0x7180  }
0x207: {  	[tilespmem:s12], [sflag:$0x2] =	stream.indirect_vreg.gather [hbm4b:s6+s3], $0x80, v3, vm0, $0xb8;
	[tilespmem:$0x18180] =	vst v63  }
0x208: {  	s15 =	simm.s32 $0x7980  }
0x209: {  	[tilespmem:s15], [sflag:$0x2] =	stream.indirect_vreg.gather [hbm4b:s7+s3], $0x80, v3, vm0, $0xb8;
	[tilespmem:$0x18180] =	vst v63  }
0x20a: {  	_ =	swait.ge [sflag:s24], $0x4000  }
0x20b: {  	[sflag:s24] =	ssyncset.done $0x0  }
0x20c: {  	s17 =	rddreg [dreg:$0x13];
	[sflag:s24] =	ssyncadd.s32 $0xFFFFC000  }
0x20d: {  	[hbm4b:s17+s3] =	stream.linear.scatter [tilespmem:s11], [sflag:$0x8], $0x4000, $0x38;
	[tilespmem:$0x18180] =	vst v63  }
0x20e: {  	_ =	swait.ge [sflag:s25], $0x4000  }
0x20f: {  	[sflag:s25] =	ssyncset.done $0x0  }
0x210: {  	[sflag:s25] =	ssyncadd.s32 $0xFFFFC000  }
0x211: {  	v3 =	vld [tilespmem:$0x120];
	_ =	sdelay $0x4  }
0x212: {  	v58 =	vshll.u32 v3, $0x3  }
0x213: {  	v3 =	vand.u32 $0x7, v3;
	v4 =	vand.u32 $0xFFFFFFC0, v58  }
0x214: {  	v3 =	vor.u32 v3, v4  }
0x215: {  	v4 =	vperm.xlane v3, v0;
	_ =	sdelay $0x1  }
0x216: {  	v4 =	vadd.s32 v1, v4;
	_ =	sdelay $0x4  }
0x217: {  	[tilespmem:s26], [sflag:$0x3] =	stream.indirect_vreg.gather [hbm4b:s2+s3], $0x80, v4, vm0, $0xb8;
	[tilespmem:$0x18180] =	vst v63  }
0x218: {  	s29 =	simm.s32 $0x8980;
	v3 =	vperm.xlane v3, v2  }
0x219: {  	[tilespmem:s29], [sflag:$0x3] =	stream.indirect_vreg.gather [hbm4b:s5+s3], $0x80, v4, vm0, $0xb8;
	[tilespmem:$0x18180] =	vst v63  }
0x21a: {  	s31 =	simm.s32 $0x9180;
	v3 =	vadd.s32 v1, v3  }
0x21b: {  	[tilespmem:s31], [sflag:$0x3] =	stream.indirect_vreg.gather [hbm4b:s6+s3], $0x80, v4, vm0, $0xb8;
	[tilespmem:$0x18180] =	vst v63  }
0x21c: {  	s14 =	simm.s32 $0x9980  }
0x21d: {  	[tilespmem:s14], [sflag:$0x3] =	stream.indirect_vreg.gather [hbm4b:s7+s3], $0x80, v4, vm0, $0xb8;
	[tilespmem:$0x18180] =	vst v63  }
0x21e: {  	s1 =	simm.s32 $0xA180  }
0x21f: {  	[tilespmem:s1], [sflag:$0x3] =	stream.indirect_vreg.gather [hbm4b:s2+s3], $0x80, v3, vm0, $0xb8;
	[tilespmem:$0x18180] =	vst v63  }
0x220: {  	s10 =	simm.s32 $0xA980  }
0x221: {  	[tilespmem:s10], [sflag:$0x3] =	stream.indirect_vreg.gather [hbm4b:s5+s3], $0x80, v3, vm0, $0xb8;
	[tilespmem:$0x18180] =	vst v63  }
0x222: {  	s17 =	simm.s32 $0xB180  }
0x223: {  	[tilespmem:s17], [sflag:$0x3] =	stream.indirect_vreg.gather [hbm4b:s6+s3], $0x80, v3, vm0, $0xb8;
	[tilespmem:$0x18180] =	vst v63  }
0x224: {  	s29 =	simm.s32 $0xB980  }
0x225: {  	[tilespmem:s29], [sflag:$0x3] =	stream.indirect_vreg.gather [hbm4b:s7+s3], $0x80, v3, vm0, $0xb8;
	[tilespmem:$0x18180] =	vst v63  }
0x226: {  	_ =	swait.ge [sflag:s4], $0x4000  }
0x227: {  	[sflag:s4] =	ssyncset.done $0x0  }
0x228: {  	s17 =	rddreg [dreg:$0x14];
	[sflag:s4] =	ssyncadd.s32 $0xFFFFC000  }
0x229: {  	[hbm4b:s17+s3] =	stream.linear.scatter [tilespmem:s13], [sflag:$0x5], $0x4000, $0x38;
	[tilespmem:$0x18180] =	vst v63  }
0x22a: {  	_ =	swait.ge [sflag:s28], $0x4000  }
0x22b: {  	[sflag:s28] =	ssyncset.done $0x0  }
0x22c: {  	[sflag:s28] =	ssyncadd.s32 $0xFFFFC000  }
0x22d: {  	v3 =	vld [tilespmem:$0x130];
	_ =	sdelay $0x4  }
0x22e: {  	v59 =	vshll.u32 v3, $0x3  }
0x22f: {  	v3 =	vand.u32 $0x7, v3;
	v4 =	vand.u32 $0xFFFFFFC0, v59  }
0x230: {  	v3 =	vor.u32 v3, v4  }
0x231: {  	v4 =	vperm.xlane v3, v0;
	_ =	sdelay $0x1  }
0x232: {  	v4 =	vadd.s32 v1, v4;
	_ =	sdelay $0x4  }
0x233: {  	[tilespmem:s11], [sflag:$0x4] =	stream.indirect_vreg.gather [hbm4b:s2+s3], $0x80, v4, vm0, $0xb8;
	[tilespmem:$0x18180] =	vst v63  }
0x234: {  	s29 =	simm.s32 $0xC980;
	v3 =	vperm.xlane v3, v2  }
0x235: {  	[tilespmem:s29], [sflag:$0x4] =	stream.indirect_vreg.gather [hbm4b:s5+s3], $0x80, v4, vm0, $0xb8;
	[tilespmem:$0x18180] =	vst v63  }
0x236: {  	s17 =	simm.s32 $0xD180;
	v3 =	vadd.s32 v1, v3  }
0x237: {  	[tilespmem:s17], [sflag:$0x4] =	stream.indirect_vreg.gather [hbm4b:s6+s3], $0x80, v4, vm0, $0xb8;
	[tilespmem:$0x18180] =	vst v63  }
0x238: {  	s19 =	simm.s32 $0xD980  }
0x239: {  	[tilespmem:s19], [sflag:$0x4] =	stream.indirect_vreg.gather [hbm4b:s7+s3], $0x80, v4, vm0, $0xb8;
	[tilespmem:$0x18180] =	vst v63  }
0x23a: {  	s30 =	simm.s32 $0xE180  }
0x23b: {  	[tilespmem:s30], [sflag:$0x4] =	stream.indirect_vreg.gather [hbm4b:s2+s3], $0x80, v3, vm0, $0xb8;
	[tilespmem:$0x18180] =	vst v63  }
0x23c: {  	s16 =	simm.s32 $0xE980  }
0x23d: {  	[tilespmem:s16], [sflag:$0x4] =	stream.indirect_vreg.gather [hbm4b:s5+s3], $0x80, v3, vm0, $0xb8;
	[tilespmem:$0x18180] =	vst v63  }
0x23e: {  	s29 =	simm.s32 $0xF180  }
0x23f: {  	[tilespmem:s29], [sflag:$0x4] =	stream.indirect_vreg.gather [hbm4b:s6+s3], $0x80, v3, vm0, $0xb8;
	[tilespmem:$0x18180] =	vst v63  }
0x240: {  	s29 =	simm.s32 $0xF980  }
0x241: {  	[tilespmem:s29], [sflag:$0x4] =	stream.indirect_vreg.gather [hbm4b:s7+s3], $0x80, v3, vm0, $0xb8;
	[tilespmem:$0x18180] =	vst v63  }
0x242: {  	_ =	swait.ge [sflag:s20], $0x4000  }
0x243: {  	[sflag:s20] =	ssyncset.done $0x0  }
0x244: {  	s29 =	rddreg [dreg:$0x15];
	[sflag:s20] =	ssyncadd.s32 $0xFFFFC000  }
0x245: {  	[hbm4b:s29+s3] =	stream.linear.scatter [tilespmem:s18], [sflag:$0x6], $0x4000, $0x38;
	[tilespmem:$0x18180] =	vst v63  }
0x246: {  	_ =	swait.ge [sflag:s21], $0x4000  }
0x247: {  	[sflag:s21] =	ssyncset.done $0x0  }
0x248: {  	[sflag:s21] =	ssyncadd.s32 $0xFFFFC000  }
0x249: {  	v3 =	vld [tilespmem:$0x140];
	_ =	sdelay $0x4  }
0x24a: {  	v60 =	vshll.u32 v3, $0x3  }
0x24b: {  	v3 =	vand.u32 $0x7, v3;
	v4 =	vand.u32 $0xFFFFFFC0, v60  }
0x24c: {  	v3 =	vor.u32 v3, v4  }
0x24d: {  	v4 =	vperm.xlane v3, v0;
	_ =	sdelay $0x1  }
0x24e: {  	v4 =	vadd.s32 v1, v4;
	_ =	sdelay $0x4  }
0x24f: {  	[tilespmem:s13], [sflag:$0x1] =	stream.indirect_vreg.gather [hbm4b:s2+s3], $0x80, v4, vm0, $0xb8;
	[tilespmem:$0x18180] =	vst v63  }
0x250: {  	s29 =	simm.s32 $0x980;
	v3 =	vperm.xlane v3, v2  }
0x251: {  	[tilespmem:s29], [sflag:$0x1] =	stream.indirect_vreg.gather [hbm4b:s5+s3], $0x80, v4, vm0, $0xb8;
	[tilespmem:$0x18180] =	vst v63  }
0x252: {  	v3 =	vadd.s32 v1, v3;
	s29 =	simm.s32 $0x1180  }
0x253: {  	[tilespmem:s29], [sflag:$0x1] =	stream.indirect_vreg.gather [hbm4b:s6+s3], $0x80, v4, vm0, $0xb8;
	[tilespmem:$0x18180] =	vst v63  }
0x254: {  	s29 =	simm.s32 $0x1980  }
0x255: {  	[tilespmem:s29], [sflag:$0x1] =	stream.indirect_vreg.gather [hbm4b:s7+s3], $0x80, v4, vm0, $0xb8;
	[tilespmem:$0x18180] =	vst v63  }
0x256: {  	s29 =	simm.s32 $0x2180  }
0x257: {  	[tilespmem:s29], [sflag:$0x1] =	stream.indirect_vreg.gather [hbm4b:s2+s3], $0x80, v3, vm0, $0xb8;
	[tilespmem:$0x18180] =	vst v63  }
0x258: {  	s29 =	simm.s32 $0x2980  }
0x259: {  	[tilespmem:s29], [sflag:$0x1] =	stream.indirect_vreg.gather [hbm4b:s5+s3], $0x80, v3, vm0, $0xb8;
	[tilespmem:$0x18180] =	vst v63  }
0x25a: {  	s29 =	simm.s32 $0x3180  }
0x25b: {  	[tilespmem:s29], [sflag:$0x1] =	stream.indirect_vreg.gather [hbm4b:s6+s3], $0x80, v3, vm0, $0xb8;
	[tilespmem:$0x18180] =	vst v63  }
0x25c: {  	s29 =	simm.s32 $0x3980  }
0x25d: {  	[tilespmem:s29], [sflag:$0x1] =	stream.indirect_vreg.gather [hbm4b:s7+s3], $0x80, v3, vm0, $0xb8;
	[tilespmem:$0x18180] =	vst v63  }
0x25e: {  	_ =	swait.ge [sflag:s22], $0x4000  }
0x25f: {  	[sflag:s22] =	ssyncset.done $0x0  }
0x260: {  	s29 =	rddreg [dreg:$0x16];
	[sflag:s22] =	ssyncadd.s32 $0xFFFFC000  }
0x261: {  	[hbm4b:s29+s3] =	stream.linear.scatter [tilespmem:s26], [sflag:$0x7], $0x4000, $0x38;
	[tilespmem:$0x18180] =	vst v63  }
0x262: {  	_ =	swait.ge [sflag:s23], $0x4000  }
0x263: {  	[sflag:s23] =	ssyncset.done $0x0  }
0x264: {  	[sflag:s23] =	ssyncadd.s32 $0xFFFFC000  }
0x265: {  	v3 =	vld [tilespmem:$0x150];
	_ =	sdelay $0x4  }
0x266: {  	v61 =	vshll.u32 v3, $0x3  }
0x267: {  	v3 =	vand.u32 $0x7, v3;
	v4 =	vand.u32 $0xFFFFFFC0, v61  }
0x268: {  	v3 =	vor.u32 v3, v4  }
0x269: {  	v4 =	vperm.xlane v3, v0;
	_ =	sdelay $0x1  }
0x26a: {  	v4 =	vadd.s32 v1, v4;
	_ =	sdelay $0x4  }
0x26b: {  	[tilespmem:s18], [sflag:$0x2] =	stream.indirect_vreg.gather [hbm4b:s2+s3], $0x80, v4, vm0, $0xb8;
	[tilespmem:$0x18180] =	vst v63  }
0x26c: {  	s29 =	simm.s32 $0x4980;
	v3 =	vperm.xlane v3, v2  }
0x26d: {  	[tilespmem:s29], [sflag:$0x2] =	stream.indirect_vreg.gather [hbm4b:s5+s3], $0x80, v4, vm0, $0xb8;
	[tilespmem:$0x18180] =	vst v63  }
0x26e: {  	v3 =	vadd.s32 v1, v3;
	s29 =	simm.s32 $0x5180  }
0x26f: {  	[tilespmem:s29], [sflag:$0x2] =	stream.indirect_vreg.gather [hbm4b:s6+s3], $0x80, v4, vm0, $0xb8;
	[tilespmem:$0x18180] =	vst v63  }
0x270: {  	s29 =	simm.s32 $0x5980  }
0x271: {  	[tilespmem:s29], [sflag:$0x2] =	stream.indirect_vreg.gather [hbm4b:s7+s3], $0x80, v4, vm0, $0xb8;
	[tilespmem:$0x18180] =	vst v63  }
0x272: {  	s29 =	simm.s32 $0x6180  }
0x273: {  	[tilespmem:s29], [sflag:$0x2] =	stream.indirect_vreg.gather [hbm4b:s2+s3], $0x80, v3, vm0, $0xb8;
	[tilespmem:$0x18180] =	vst v63  }
0x274: {  	s0 =	simm.s32 $0x6980  }
0x275: {  	[tilespmem:s0], [sflag:$0x2] =	stream.indirect_vreg.gather [hbm4b:s5+s3], $0x80, v3, vm0, $0xb8;
	[tilespmem:$0x18180] =	vst v63  }
0x276: {  	s9 =	simm.s32 $0x7180  }
0x277: {  	[tilespmem:s9], [sflag:$0x2] =	stream.indirect_vreg.gather [hbm4b:s6+s3], $0x80, v3, vm0, $0xb8;
	[tilespmem:$0x18180] =	vst v63  }
0x278: {  	s12 =	simm.s32 $0x7980  }
0x279: {  	[tilespmem:s12], [sflag:$0x2] =	stream.indirect_vreg.gather [hbm4b:s7+s3], $0x80, v3, vm0, $0xb8;
	[tilespmem:$0x18180] =	vst v63  }
0x27a: {  	_ =	swait.ge [sflag:s24], $0x4000  }
0x27b: {  	[sflag:s24] =	ssyncset.done $0x0  }
0x27c: {  	s12 =	rddreg [dreg:$0x17];
	[sflag:s24] =	ssyncadd.s32 $0xFFFFC000  }
0x27d: {  	[hbm4b:s12+s3] =	stream.linear.scatter [tilespmem:s11], [sflag:$0x8], $0x4000, $0x38;
	[tilespmem:$0x18180] =	vst v63  }
0x27e: {  	_ =	swait.ge [sflag:s25], $0x4000  }
0x27f: {  	[sflag:s25] =	ssyncset.done $0x0  }
0x280: {  	[sflag:s25] =	ssyncadd.s32 $0xFFFFC000  }
0x281: {  	v3 =	vld [tilespmem:$0x160];
	_ =	sdelay $0x4  }
0x282: {  	v62 =	vshll.u32 v3, $0x3  }
0x283: {  	v3 =	vand.u32 $0x7, v3;
	v4 =	vand.u32 $0xFFFFFFC0, v62  }
0x284: {  	v3 =	vor.u32 v3, v4  }
0x285: {  	v4 =	vperm.xlane v3, v0;
	_ =	sdelay $0x1  }
0x286: {  	v4 =	vadd.s32 v1, v4;
	_ =	sdelay $0x4  }
0x287: {  	[tilespmem:s26], [sflag:$0x3] =	stream.indirect_vreg.gather [hbm4b:s2+s3], $0x80, v4, vm0, $0xb8;
	[tilespmem:$0x18180] =	vst v63  }
0x288: {  	s29 =	simm.s32 $0x8980;
	v3 =	vperm.xlane v3, v2  }
0x289: {  	[tilespmem:s29], [sflag:$0x3] =	stream.indirect_vreg.gather [hbm4b:s5+s3], $0x80, v4, vm0, $0xb8;
	[tilespmem:$0x18180] =	vst v63  }
0x28a: {  	s15 =	simm.s32 $0x9180;
	v3 =	vadd.s32 v1, v3  }
0x28b: {  	[tilespmem:s15], [sflag:$0x3] =	stream.indirect_vreg.gather [hbm4b:s6+s3], $0x80, v4, vm0, $0xb8;
	[tilespmem:$0x18180] =	vst v63  }
0x28c: {  	s31 =	simm.s32 $0x9980  }
0x28d: {  	[tilespmem:s31], [sflag:$0x3] =	stream.indirect_vreg.gather [hbm4b:s7+s3], $0x80, v4, vm0, $0xb8;
	[tilespmem:$0x18180] =	vst v63  }
0x28e: {  	s14 =	simm.s32 $0xA180  }
0x28f: {  	[tilespmem:s14], [sflag:$0x3] =	stream.indirect_vreg.gather [hbm4b:s2+s3], $0x80, v3, vm0, $0xb8;
	[tilespmem:$0x18180] =	vst v63  }
0x290: {  	s1 =	simm.s32 $0xA980  }
0x291: {  	[tilespmem:s1], [sflag:$0x3] =	stream.indirect_vreg.gather [hbm4b:s5+s3], $0x80, v3, vm0, $0xb8;
	[tilespmem:$0x18180] =	vst v63  }
0x292: {  	s9 =	simm.s32 $0xB180  }
0x293: {  	[tilespmem:s9], [sflag:$0x3] =	stream.indirect_vreg.gather [hbm4b:s6+s3], $0x80, v3, vm0, $0xb8;
	[tilespmem:$0x18180] =	vst v63  }
0x294: {  	s12 =	simm.s32 $0xB980  }
0x295: {  	[tilespmem:s12], [sflag:$0x3] =	stream.indirect_vreg.gather [hbm4b:s7+s3], $0x80, v3, vm0, $0xb8;
	[tilespmem:$0x18180] =	vst v63  }
0x296: {  	_ =	swait.ge [sflag:s4], $0x4000  }
0x297: {  	[sflag:s4] =	ssyncset.done $0x0  }
0x298: {  	s14 =	rddreg [dreg:$0x18];
	[sflag:s4] =	ssyncadd.s32 $0xFFFFC000  }
0x299: {  	[hbm4b:s14+s3] =	stream.linear.scatter [tilespmem:s13], [sflag:$0x5], $0x4000, $0x38;
	[tilespmem:$0x18180] =	vst v63  }
0x29a: {  	_ =	swait.ge [sflag:s28], $0x4000  }
0x29b: {  	[sflag:s28] =	ssyncset.done $0x0  }
0x29c: {  	[sflag:s28] =	ssyncadd.s32 $0xFFFFC000  }
0x29d: {  	v3 =	vld [tilespmem:$0x170];
	_ =	sdelay $0x4  }
0x29e: {  	v63 =	vshll.u32 v3, $0x3  }
0x29f: {  	v3 =	vand.u32 $0x7, v3;
	v4 =	vand.u32 $0xFFFFFFC0, v63  }
0x2a0: {  	v3 =	vor.u32 v3, v4  }
0x2a1: {  	v4 =	vperm.xlane v3, v0;
	_ =	sdelay $0x1  }
0x2a2: {  	v4 =	vadd.s32 v1, v4;
	_ =	sdelay $0x4  }
0x2a3: {  	[tilespmem:s11], [sflag:$0x4] =	stream.indirect_vreg.gather [hbm4b:s2+s3], $0x80, v4, vm0, $0xb8;
	[tilespmem:$0x18180] =	vst v63  }
0x2a4: {  	s15 =	simm.s32 $0xC980;
	v3 =	vperm.xlane v3, v2  }
0x2a5: {  	[tilespmem:s15], [sflag:$0x4] =	stream.indirect_vreg.gather [hbm4b:s5+s3], $0x80, v4, vm0, $0xb8;
	[tilespmem:$0x18180] =	vst v63  }
0x2a6: {  	s17 =	simm.s32 $0xD180;
	v3 =	vadd.s32 v1, v3  }
0x2a7: {  	[tilespmem:s17], [sflag:$0x4] =	stream.indirect_vreg.gather [hbm4b:s6+s3], $0x80, v4, vm0, $0xb8;
	[tilespmem:$0x18180] =	vst v63  }
0x2a8: {  	s10 =	simm.s32 $0xD980  }
0x2a9: {  	[tilespmem:s10], [sflag:$0x4] =	stream.indirect_vreg.gather [hbm4b:s7+s3], $0x80, v4, vm0, $0xb8;
	[tilespmem:$0x18180] =	vst v63  }
0x2aa: {  	s19 =	simm.s32 $0xE180  }
0x2ab: {  	[tilespmem:s19], [sflag:$0x4] =	stream.indirect_vreg.gather [hbm4b:s2+s3], $0x80, v3, vm0, $0xb8;
	[tilespmem:$0x18180] =	vst v63  }
0x2ac: {  	s30 =	simm.s32 $0xE980  }
0x2ad: {  	[tilespmem:s30], [sflag:$0x4] =	stream.indirect_vreg.gather [hbm4b:s5+s3], $0x80, v3, vm0, $0xb8;
	[tilespmem:$0x18180] =	vst v63  }
0x2ae: {  	s16 =	simm.s32 $0xF180  }
0x2af: {  	[tilespmem:s16], [sflag:$0x4] =	stream.indirect_vreg.gather [hbm4b:s6+s3], $0x80, v3, vm0, $0xb8;
	[tilespmem:$0x18180] =	vst v63  }
0x2b0: {  	s17 =	simm.s32 $0xF980  }
0x2b1: {  	[tilespmem:s17], [sflag:$0x4] =	stream.indirect_vreg.gather [hbm4b:s7+s3], $0x80, v3, vm0, $0xb8;
	[tilespmem:$0x18180] =	vst v63  }
0x2b2: {  	_ =	swait.ge [sflag:s20], $0x4000  }
0x2b3: {  	[sflag:s20] =	ssyncset.done $0x0  }
0x2b4: {  	s19 =	rddreg [dreg:$0x19];
	[sflag:s20] =	ssyncadd.s32 $0xFFFFC000  }
0x2b5: {  	[hbm4b:s19+s3] =	stream.linear.scatter [tilespmem:s18], [sflag:$0x6], $0x4000, $0x38;
	[tilespmem:$0x18180] =	vst v63  }
0x2b6: {  	_ =	swait.ge [sflag:s22], $0x4000  }
0x2b7: {  	[sflag:s22] =	ssyncset.done $0x0  }
0x2b8: {  	s30 =	rddreg [dreg:$0x1a];
	[sflag:s22] =	ssyncadd.s32 $0xFFFFC000  }
0x2b9: {  	[hbm4b:s30+s3] =	stream.linear.scatter [tilespmem:s26], [sflag:$0x7], $0x4000, $0x38;
	[tilespmem:$0x18180] =	vst v63  }
0x2ba: {  	_ =	swait.ge [sflag:s24], $0x4000  }
0x2bb: {  	[sflag:s24] =	ssyncset.done $0x0  }
0x2bc: {  	s31 =	rddreg [dreg:$0x1b];
	[sflag:s24] =	ssyncadd.s32 $0xFFFFC000  }
0x2bd: {  	[hbm4b:s31+s3] =	stream.linear.scatter [tilespmem:s11], [sflag:$0x8], $0x4000, $0x38;
	[tilespmem:$0x18180] =	vst v63  }
0x2be: {  	_ =	swait.ge [sflag:s21], $0x4000  }
0x2bf: {  	[sflag:s21] =	ssyncset.done $0x0  }
0x2c0: {  	[sflag:s21] =	ssyncadd.s32 $0xFFFFC000  }
0x2c1: {  	_ =	swait.ge [sflag:s23], $0x4000  }
0x2c2: {  	[sflag:s23] =	ssyncset.done $0x0  }
0x2c3: {  	[sflag:s23] =	ssyncadd.s32 $0xFFFFC000  }
0x2c4: {  	p0 =	sne.s32 s8, $0x1;
	_ =	swait.ge [sflag:s25], $0x4000  }
.Ltmp8:
0x2c5: {  	[sflag:s25] =	ssyncset.done $0x0;
	(pc) =	sbr.rel @p0 .LBB2_1-.Ltmp8, $4  }
0x2c6: {  	[sflag:s25] =	ssyncadd.s32 $0xFFFFC000  }
0x2c7: {  	_ =	swait.ge [sflag:s28], $0x4000  }
0x2c8: {  	[sflag:s28] =	ssyncset.done $0x0  }
0x2c9: {  	s8 =	sadd.s32 $0xFFFFFFFF, s8;
	[sflag:s28] =	ssyncadd.s32 $0xFFFFC000  }
0x2ca: {  	_ =	sfence.sel $0x180000  }
0x2cb: {  	[bflag:$0x0] =	sbarrier.arrive $0xFFFF  }
0x2cc: {  	_ =	strace $0x90000047  }
0x2cd: {  	s0 =	stileid.u32;
	[bflag:$0x2] =	sbarrier.arrive $0xFFFF  }
0x2ce: {  	p0 =	sne.s32 s0, $0x0;
	s0 =	rddreg [dreg:$0x3]  }
0x2cf: {  	s0 =	sadd.s32 @!p0 $0x100000, s0  }
0x2d0: {  	[sflag:s0] =	ssyncadd.tile.s32 @!p0 $0x1;
	_ =	shalt  }
.Lfunc_end2:
_tile_overlayer_lowered:
.L_overlay_start_2:
0x2d1: {  	(tag) =	ssettag $0x2  }
0x2d2: {  	s0 =	rddreg [dreg:$0x0];
	s2 =	stileid.u32  }
0x2d3: {  	s1 =	rddreg [dreg:$0x1];
	p0 =	sne.s32 s2, $0x0  }
0x2d4: {  	s3 =	rddreg [dreg:$0x2];
	[bflag:$0x3] =	sbarrier.arrive $0xFFFF;
	s2 =	simm.s32 @!p0 $0x1C09  }
0x2d5: {  	[timem:s3], [sflag:s2] =	dma.local @!p0 [hbm:s0], s1  }
0x2d6: {  	s0 =	simm.s32 @!p0 $0x9  }
0x2d7: {  	_ =	swait.ge @!p0 [sflag:s0], s1  }
0x2d8: {  	s1 =	ssub.s32 @!p0 $0x0, s1;
	[sflag:s0] =	ssyncset.done @!p0 $0x0  }
0x2d9: {  	[sflag:s0] =	ssyncadd.s32 @!p0 s1  }
0x2da: {  	[bflag:$0x3] =	sbarrier.arrive $0xFFFF  }
0x2db: {  	_ =	shalt  }

</sc_bundles>
